<compile_context>
chip_gen: v7x
topology: tpu7x:2x2x1
jax: 0.10.2.dev20260603
libtpu: 0.0.44.dev20260713+nightly
codegen_flags: <defaults>
</compile_context>

<pallas_src>
import jax
import jax.numpy as jnp
from jax import lax
from jax.experimental import pallas as pl
from jax.experimental.pallas import tpu as pltpu
from jax.experimental.pallas import tpu_sc as plsc

E = 50000
R = 500
D = 128
B = 32
T = 800000

NC, NS = 2, 16
NW = NC * NS
SUB = 128
RPAD = 512
TP = 802816
TW = TP // NW
NG = TW // SUB
GSTAGE = 7
NSTAGE = NG // GSTAGE
ESLOT = 3
CHUNK = ESLOT * SUB
EPC = E // NS

ORD = [v for i in range(16) for v in (i, i + 16)]
INV = [ORD.index(i) for i in range(32)]

EP = 50176
BLK = 2000
NBLK = E // BLK
BLK2 = EP // 8
NBLK2 = 8



def _follow_body(eT, rdT, subj2, rel2, obj2, out,
                 acc, rd_sh, idx_s, idx_r, idx_o, rows_e, rows_r, rows_p,
                 sem_e, sem_r, sem_i, sem_w):
    c = lax.axis_index("c")
    s = lax.axis_index("s")
    w = s * NC + c
    base = s * EPC

    @pl.when(s == 0)
    def _():
        pltpu.sync_copy(rdT, rd_sh)

    PCH = 2 * SUB
    def zrow(i, carry):
        rows_p[i, pl.ds(0, 16)] = jnp.zeros((16,), jnp.float32)
        rows_p[i, pl.ds(16, 16)] = jnp.zeros((16,), jnp.float32)
        return carry
    lax.fori_loop(0, PCH, zrow, 0)
    for k in range(EPC // PCH):
        pltpu.sync_copy(rows_p.at[pl.ds(0, PCH)],
                        acc.at[pl.ds(base + k * PCH, PCH)])
    rem = EPC % PCH
    if rem:
        pltpu.sync_copy(rows_p.at[pl.ds(0, rem)],
                        acc.at[pl.ds(base + (EPC // PCH) * PCH, rem)])
    plsc.subcore_barrier()

    def stage_body(st, carry):
        bufbase = lax.rem(st, 2) * GSTAGE

        @pl.when(st == 0)
        def _():
            r0 = w * NG
            pltpu.async_copy(subj2.at[pl.ds(r0, GSTAGE)],
                             idx_s.at[pl.ds(0, GSTAGE)], sem_i)
            pltpu.async_copy(rel2.at[pl.ds(r0, GSTAGE)],
                             idx_r.at[pl.ds(0, GSTAGE)], sem_i)
            pltpu.async_copy(obj2.at[pl.ds(r0, GSTAGE)],
                             idx_o.at[pl.ds(0, GSTAGE)], sem_i)
        for _ in range(3):
            pltpu.make_async_copy(subj2.at[pl.ds(0, GSTAGE)],
                                  idx_s.at[pl.ds(0, GSTAGE)], sem_i).wait()

        @pl.when(st + 1 < NSTAGE)
        def _():
            r1 = w * NG + (st + 1) * GSTAGE
            nbase = (GSTAGE - bufbase)
            pltpu.async_copy(subj2.at[pl.ds(r1, GSTAGE)],
                             idx_s.at[pl.ds(nbase, GSTAGE)], sem_i)
            pltpu.async_copy(rel2.at[pl.ds(r1, GSTAGE)],
                             idx_r.at[pl.ds(nbase, GSTAGE)], sem_i)
            pltpu.async_copy(obj2.at[pl.ds(r1, GSTAGE)],
                             idx_o.at[pl.ds(nbase, GSTAGE)], sem_i)

        ge, gr, sc = {}, {}, {}
        ge[0] = pltpu.async_copy(eT.at[idx_s.at[bufbase]],
                                 rows_e.at[pl.ds(0, SUB)], sem_e)
        ge[1] = pltpu.async_copy(eT.at[idx_s.at[bufbase + 1]],
                                 rows_e.at[pl.ds(SUB, SUB)], sem_e)
        gr[0] = pltpu.async_copy(rd_sh.at[idx_r.at[bufbase]],
                                 rows_r.at[pl.ds(0, SUB)], sem_r)
        for p in range(GSTAGE):
            eoff = (p % ESLOT) * SUB
            roff = (p % 2) * SUB
            if p + 2 < GSTAGE:
                if p >= 1:
                    sc[p - 1].wait()
                ge[p + 2] = pltpu.async_copy(
                    eT.at[idx_s.at[bufbase + p + 2]],
                    rows_e.at[pl.ds(((p + 2) % ESLOT) * SUB, SUB)], sem_e)
            if p + 1 < GSTAGE:
                gr[p + 1] = pltpu.async_copy(
                    rd_sh.at[idx_r.at[bufbase + p + 1]],
                    rows_r.at[pl.ds(((p + 1) % 2) * SUB, SUB)], sem_r)
            poff = (p % 2) * SUB
            ge[p].wait()
            gr[p].wait()

            @plsc.parallel_loop(0, SUB, 1, unroll=4)
            def _(r):
                a, b = plsc.unpack(rows_e[eoff + r, :],
                                   format=plsc.PackFormat.INTERLEAVED)
                rows_p[poff + r, pl.ds(0, 16)] = (
                    a * rows_r[roff + r, pl.ds(0, 16)])
                rows_p[poff + r, pl.ds(16, 16)] = (
                    b * rows_r[roff + r, pl.ds(16, 16)])

            sc[p] = pltpu.async_copy(rows_p.at[pl.ds(poff, SUB)],
                                     acc.at[idx_o.at[bufbase + p]],
                                     sem_w, add=True)
        for q in range(max(0, GSTAGE - 3), GSTAGE):
            sc[q].wait()
        return carry
    lax.fori_loop(0, NSTAGE, stage_body, 0)

    plsc.subcore_barrier()
    pltpu.sync_copy(acc.at[pl.ds(base, EPC)],
                    out.at[pl.ds(c * E + base, EPC)])



def _follow0_body(eT, rdT, subj2, rel2, obj2, hm2, out,
                  acc, rd_sh, idx_s, idx_r, idx_o, mbuf,
                  rows_e, rows_r, rows_p, sem_e, sem_r, sem_i, sem_w):
    c = lax.axis_index("c")
    s = lax.axis_index("s")
    w = s * NC + c
    base = s * EPC

    @pl.when(s == 0)
    def _():
        pltpu.sync_copy(rdT, rd_sh)

    PCH = 2 * SUB
    def zrow(i, carry):
        rows_p[i, pl.ds(0, 16)] = jnp.zeros((16,), jnp.float32)
        rows_p[i, pl.ds(16, 16)] = jnp.zeros((16,), jnp.float32)
        return carry
    lax.fori_loop(0, PCH, zrow, 0)
    for k in range(EPC // PCH):
        pltpu.sync_copy(rows_p.at[pl.ds(0, PCH)],
                        acc.at[pl.ds(base + k * PCH, PCH)])
    rem = EPC % PCH
    if rem:
        pltpu.sync_copy(rows_p.at[pl.ds(0, rem)],
                        acc.at[pl.ds(base + (EPC // PCH) * PCH, rem)])
    plsc.subcore_barrier()

    def stage_body(st, carry):
        bufbase = lax.rem(st, 2) * GSTAGE

        @pl.when(st == 0)
        def _():
            r0 = w * NG
            pltpu.async_copy(subj2.at[pl.ds(r0, GSTAGE)],
                             idx_s.at[pl.ds(0, GSTAGE)], sem_i)
            pltpu.async_copy(rel2.at[pl.ds(r0, GSTAGE)],
                             idx_r.at[pl.ds(0, GSTAGE)], sem_i)
            pltpu.async_copy(obj2.at[pl.ds(r0, GSTAGE)],
                             idx_o.at[pl.ds(0, GSTAGE)], sem_i)
            pltpu.async_copy(hm2.at[pl.ds(r0, GSTAGE)],
                             mbuf.at[pl.ds(0, GSTAGE)], sem_i)
        for _ in range(4):
            pltpu.make_async_copy(subj2.at[pl.ds(0, GSTAGE)],
                                  idx_s.at[pl.ds(0, GSTAGE)], sem_i).wait()

        @pl.when(st + 1 < NSTAGE)
        def _():
            r1 = w * NG + (st + 1) * GSTAGE
            nbase = (GSTAGE - bufbase)
            pltpu.async_copy(subj2.at[pl.ds(r1, GSTAGE)],
                             idx_s.at[pl.ds(nbase, GSTAGE)], sem_i)
            pltpu.async_copy(rel2.at[pl.ds(r1, GSTAGE)],
                             idx_r.at[pl.ds(nbase, GSTAGE)], sem_i)
            pltpu.async_copy(obj2.at[pl.ds(r1, GSTAGE)],
                             idx_o.at[pl.ds(nbase, GSTAGE)], sem_i)
            pltpu.async_copy(hm2.at[pl.ds(r1, GSTAGE)],
                             mbuf.at[pl.ds(nbase, GSTAGE)], sem_i)

        for p in range(GSTAGE):
            row = bufbase + p
            m = mbuf[row, pl.ds(0, 16)]
            for k in range(1, 8):
                m = m + mbuf[row, pl.ds(16 * k, 16)]
            tot = jnp.sum(m, axis=0)

            @pl.when(tot > 0.0)
            def _():
                cpe = pltpu.async_copy(eT.at[idx_s.at[row]],
                                       rows_e.at[pl.ds(0, SUB)], sem_e)
                cpr = pltpu.async_copy(rd_sh.at[idx_r.at[row]],
                                       rows_r.at[pl.ds(0, SUB)], sem_r)
                cpe.wait()
                cpr.wait()

                @plsc.parallel_loop(0, SUB, 1, unroll=4)
                def _(r):
                    a, b = plsc.unpack(rows_e[r, :],
                                       format=plsc.PackFormat.INTERLEAVED)
                    rows_p[r, pl.ds(0, 16)] = a * rows_r[r, pl.ds(0, 16)]
                    rows_p[r, pl.ds(16, 16)] = b * rows_r[r, pl.ds(16, 16)]

                pltpu.sync_copy(rows_p.at[pl.ds(0, SUB)],
                                acc.at[idx_o.at[row]], add=True)
        return carry
    lax.fori_loop(0, NSTAGE, stage_body, 0)

    plsc.subcore_barrier()
    pltpu.sync_copy(acc.at[pl.ds(base, EPC)],
                    out.at[pl.ds(c * E + base, EPC)])


def _follow0_sc(eT, rdT, subj2, rel2, obj2, hm2):
    f = pl.kernel(
        _follow0_body,
        out_type=jax.ShapeDtypeStruct((NC * E, B), jnp.float32),
        mesh=plsc.VectorSubcoreMesh(core_axis_name="c", subcore_axis_name="s"),
        scratch_types=[
            pltpu.VMEM_SHARED((E, B), jnp.float32),
            pltpu.VMEM_SHARED((RPAD, B), jnp.float32),
            pltpu.VMEM((2 * GSTAGE, SUB), jnp.int32),
            pltpu.VMEM((2 * GSTAGE, SUB), jnp.int32),
            pltpu.VMEM((2 * GSTAGE, SUB), jnp.int32),
            pltpu.VMEM((2 * GSTAGE, SUB), jnp.float32),
            pltpu.VMEM((CHUNK, B), jnp.bfloat16),
            pltpu.VMEM((2 * SUB, B), jnp.float32),
            pltpu.VMEM((2 * SUB, B), jnp.float32),
            pltpu.SemaphoreType.DMA,
            pltpu.SemaphoreType.DMA,
            pltpu.SemaphoreType.DMA,
            pltpu.SemaphoreType.DMA,
        ],
        compiler_params=pltpu.CompilerParams(use_tc_tiling_on_sc=False,
                                             needs_layout_passes=False),
    )
    return f(eT, rdT, subj2, rel2, obj2, hm2)


def _follow_sc(eT, rdT, subj2, rel2, obj2):
    f = pl.kernel(
        _follow_body,
        out_type=jax.ShapeDtypeStruct((NC * E, B), jnp.float32),
        mesh=plsc.VectorSubcoreMesh(core_axis_name="c", subcore_axis_name="s"),
        scratch_types=[
            pltpu.VMEM_SHARED((E, B), jnp.float32),
            pltpu.VMEM_SHARED((RPAD, B), jnp.float32),
            pltpu.VMEM((2 * GSTAGE, SUB), jnp.int32),
            pltpu.VMEM((2 * GSTAGE, SUB), jnp.int32),
            pltpu.VMEM((2 * GSTAGE, SUB), jnp.int32),
            pltpu.VMEM((CHUNK, B), jnp.bfloat16),
            pltpu.VMEM((2 * SUB, B), jnp.float32),
            pltpu.VMEM((2 * SUB, B), jnp.float32),
            pltpu.SemaphoreType.DMA,
            pltpu.SemaphoreType.DMA,
            pltpu.SemaphoreType.DMA,
            pltpu.SemaphoreType.DMA,
        ],
        compiler_params=pltpu.CompilerParams(use_tc_tiling_on_sc=False,
                                             needs_layout_passes=False),
    )
    return f(eT, rdT, subj2, rel2, obj2)



def _prep_body(qs, W0, b0, W1, b1, re_, rdT0_o, rdT1_o, gt_o, hs_o):
    relv = re_[...]
    rows = lax.broadcasted_iota(jnp.int32, (R, B), 0)
    qcol = qs[...][:, 0]
    qm = rows == qcol[None, :]
    q_emb = lax.dot_general(jnp.where(qm, 1.0, 0.0), relv,
                            (((0,), (0,)), ((), ())),
                            preferred_element_type=jnp.float32)

    def rel_dist_T(W, b):
        cq = jnp.tanh(jnp.dot(q_emb, W[...],
                              preferred_element_type=jnp.float32) + b[...])
        lgT = lax.dot_general(relv, cq, (((1,), (1,)), ((), ())),
                              preferred_element_type=jnp.float32)
        mx = jnp.max(lgT, axis=0, keepdims=True)
        ex = jnp.exp(lgT - mx)
        return ex / jnp.sum(ex, axis=0, keepdims=True)

    rdT0 = rel_dist_T(W0, b0)
    rdT1 = rel_dist_T(W1, b1)
    zpad = jnp.zeros((RPAD - R, B), jnp.float32)
    rdT0_o[...] = jnp.concatenate([rdT0, zpad], axis=0)
    rdT1_o[...] = jnp.concatenate([rdT1, zpad], axis=0)

    gt_o[...] = jnp.sum(jnp.where(qm, rdT0, 0.0), axis=0).reshape(1, B)

    def argmax0(rdT):
        amax = jnp.max(rdT, axis=0, keepdims=True)
        return jnp.min(jnp.where(rdT == amax, rows, R), axis=0)

    r0 = argmax0(rdT0)
    r1 = argmax0(rdT1)
    cond2 = (jnp.abs(r0 - r1) == 1) & (jnp.minimum(r0, r1) % 2 == 0)
    nself = (r0 == 0).astype(jnp.int32) + (r1 == 0).astype(jnp.int32)
    cond3 = nself == 1
    hs = (1.0 - cond2.astype(jnp.float32)) * (1.0 - cond3.astype(jnp.float32))
    hs_o[...] = hs.reshape(1, B)


def _prep(questions, W0, b0, W1, b1, rel_emb):
    return pl.pallas_call(
        _prep_body,
        out_shape=[
            jax.ShapeDtypeStruct((RPAD, B), jnp.float32),
            jax.ShapeDtypeStruct((RPAD, B), jnp.float32),
            jax.ShapeDtypeStruct((1, B), jnp.float32),
            jax.ShapeDtypeStruct((1, B), jnp.float32),
        ],
    )(questions, W0, b0, W1, b1, rel_emb)



def _heads_body(esT, h_o):
    i = pl.program_id(0)

    @pl.when(i == 0)
    def _():
        h_o[...] = jnp.zeros((1, B), jnp.float32)

    rows = (jnp.float32(i * BLK) +
            lax.broadcasted_iota(jnp.int32, (BLK, B), 0).astype(jnp.float32))
    h_o[...] += jnp.sum(rows * esT[...], axis=0, keepdims=True)


def _heads(esT):
    return pl.pallas_call(
        _heads_body,
        grid=(NBLK,),
        in_specs=[pl.BlockSpec((BLK, B), lambda i: (i, 0))],
        out_specs=pl.BlockSpec((1, B), lambda i: (0, 0)),
        out_shape=jax.ShapeDtypeStruct((1, B), jnp.float32),
    )(esT)


HBLK = (TP // SUB) // 8


def _hitmask_body(h, subj, out):
    sb = subj[...]
    m = jnp.zeros((HBLK, SUB), jnp.int32)
    for b in range(B):
        hb = h[0, b].astype(jnp.int32)
        m = m | (sb == hb).astype(jnp.int32)
    out[...] = m.astype(jnp.float32)


def _hitmask(h, subj2):
    return pl.pallas_call(
        _hitmask_body,
        grid=(8,),
        in_specs=[
            pl.BlockSpec((1, B), lambda i: (0, 0)),
            pl.BlockSpec((HBLK, SUB), lambda i: (i, 0)),
        ],
        out_specs=pl.BlockSpec((HBLK, SUB), lambda i: (i, 0)),
        out_shape=jax.ShapeDtypeStruct((TP // SUB, SUB), jnp.float32),
    )(h, subj2)


def _combine0_body(gt, p0, p1, ansT, out):
    x = p0[0] + p1[0] - ansT[...] * gt[...]
    out[...] = jnp.where(x > 1.0, 1.0, x).astype(jnp.bfloat16)


def _combine0(gt, P3, ansT):
    return pl.pallas_call(
        _combine0_body,
        grid=(NBLK,),
        in_specs=[
            pl.BlockSpec((1, B), lambda i: (0, 0)),
            pl.BlockSpec((1, BLK, B), lambda i: (0, i, 0)),
            pl.BlockSpec((1, BLK, B), lambda i: (1, i, 0)),
            pl.BlockSpec((BLK, B), lambda i: (i, 0)),
        ],
        out_specs=pl.BlockSpec((BLK, B), lambda i: (i, 0)),
        out_shape=jax.ShapeDtypeStruct((E, B), jnp.bfloat16),
    )(gt, P3, P3, ansT)


def _pass1_body(hs, p0, p1, esT, ansT, emb, UT_o, s_o, q2_o, ea_o):
    i = pl.program_id(0)
    x = p0[0] + p1[0]
    x = jnp.where(x > 1.0, 1.0, x)
    x = x * (1.0 - esT[...] * (1.0 - hs[...]))

    @pl.when(i == 0)
    def _():
        UT_o[...] = jnp.zeros((D, B), jnp.float32)
        s_o[...] = jnp.zeros((1, B), jnp.float32)
        q2_o[...] = jnp.zeros((1, B), jnp.float32)
        ea_o[...] = jnp.zeros((1, B), jnp.float32)

    UT_o[...] += lax.dot_general(emb[...], x, (((0,), (0,)), ((), ())),
                                 preferred_element_type=jnp.float32)
    s_o[...] += jnp.sum(x, axis=0, keepdims=True)
    q2_o[...] += jnp.sum(x * x, axis=0, keepdims=True)
    ea_o[...] += jnp.sum(ansT[...] * x, axis=0, keepdims=True)


def _pass1(hs, P3, esT, ansT, ent_emb):
    return pl.pallas_call(
        _pass1_body,
        grid=(NBLK,),
        in_specs=[
            pl.BlockSpec((1, B), lambda i: (0, 0)),
            pl.BlockSpec((1, BLK, B), lambda i: (0, i, 0)),
            pl.BlockSpec((1, BLK, B), lambda i: (1, i, 0)),
            pl.BlockSpec((BLK, B), lambda i: (i, 0)),
            pl.BlockSpec((BLK, B), lambda i: (i, 0)),
            pl.BlockSpec((BLK, D), lambda i: (i, 0)),
        ],
        out_specs=[
            pl.BlockSpec((D, B), lambda i: (0, 0)),
            pl.BlockSpec((1, B), lambda i: (0, 0)),
            pl.BlockSpec((1, B), lambda i: (0, 0)),
            pl.BlockSpec((1, B), lambda i: (0, 0)),
        ],
        out_shape=[
            jax.ShapeDtypeStruct((D, B), jnp.float32),
            jax.ShapeDtypeStruct((1, B), jnp.float32),
            jax.ShapeDtypeStruct((1, B), jnp.float32),
            jax.ShapeDtypeStruct((1, B), jnp.float32),
        ],
    )(hs, P3, P3, esT, ansT, ent_emb)


def _pass2_body(UT, s, q2, ea, emb, ansT, bias,
                mr_o, sr_o, pa_o, ls_o, lp_o):
    i = pl.program_id(0)
    pmT = UT[...] / (s[...] + 1e-6)
    P = lax.dot_general(emb[...], pmT, (((1,), (0,)), ((), ())),
                        preferred_element_type=jnp.float32) + bias[...]
    bm = jnp.max(P, axis=0, keepdims=True)
    bpa = jnp.sum(ansT[...] * P, axis=0, keepdims=True)

    @pl.when(i == 0)
    def _():
        mr_o[...] = bm
        sr_o[...] = jnp.sum(jnp.exp(P - bm), axis=0, keepdims=True)
        pa_o[...] = bpa

    @pl.when(i > 0)
    def _():
        nm = jnp.maximum(mr_o[...], bm)
        sr_o[...] = (sr_o[...] * jnp.exp(mr_o[...] - nm) +
                     jnp.sum(jnp.exp(P - nm), axis=0, keepdims=True))
        mr_o[...] = nm
        pa_o[...] += bpa

    @pl.when(i == NBLK2 - 1)
    def _():
        lse = jnp.log(sr_o[...]) + mr_o[...]
        lp_o[...] = (-jnp.sum(pa_o[...] - lse) / B).reshape(1, 1)
        eav = ea[...]
        ls_o[...] = ((jnp.sum(q2[...]) - jnp.sum(eav * eav) +
                      jnp.sum(10.0 * (eav - 1.0) ** 2)) / (E * B)).reshape(1, 1)


def _pass2(UT, s, q2, ea, embP, ansTP, biasP):
    return pl.pallas_call(
        _pass2_body,
        grid=(NBLK2,),
        in_specs=[
            pl.BlockSpec((D, B), lambda i: (0, 0)),
            pl.BlockSpec((1, B), lambda i: (0, 0)),
            pl.BlockSpec((1, B), lambda i: (0, 0)),
            pl.BlockSpec((1, B), lambda i: (0, 0)),
            pl.BlockSpec((BLK2, D), lambda i: (i, 0)),
            pl.BlockSpec((BLK2, B), lambda i: (i, 0)),
            pl.BlockSpec((BLK2, 1), lambda i: (i, 0)),
        ],
        out_specs=[
            pl.BlockSpec((1, B), lambda i: (0, 0)),
            pl.BlockSpec((1, B), lambda i: (0, 0)),
            pl.BlockSpec((1, B), lambda i: (0, 0)),
            pl.BlockSpec((1, 1), lambda i: (0, 0)),
            pl.BlockSpec((1, 1), lambda i: (0, 0)),
        ],
        out_shape=[
            jax.ShapeDtypeStruct((1, B), jnp.float32),
            jax.ShapeDtypeStruct((1, B), jnp.float32),
            jax.ShapeDtypeStruct((1, B), jnp.float32),
            jax.ShapeDtypeStruct((1, 1), jnp.float32),
            jax.ShapeDtypeStruct((1, 1), jnp.float32),
        ],
    )(UT, s, q2, ea, embP, ansTP, biasP)



def kernel(questions, e_s, answers, subj_idx, rel_idx, obj_idx,
           W_step0, b_step0, W_step1, b_step1, W_cq, b_cq,
           rel_emb, ent_emb, ent_bias):
    ordv = jnp.array(ORD, dtype=jnp.int32)
    invv = jnp.array(INV, dtype=jnp.int32)
    eT0 = e_s.T[:, ordv].astype(jnp.bfloat16)
    esTp = e_s.T[:, ordv]
    ansT = answers.T[:, ordv]
    npad = TP - T
    subj2 = jnp.concatenate(
        [subj_idx, jnp.zeros((npad,), jnp.int32)]).reshape(TP // SUB, SUB)
    rel2 = jnp.concatenate(
        [rel_idx, jnp.full((npad,), R, jnp.int32)]).reshape(TP // SUB, SUB)
    obj2 = jnp.concatenate(
        [obj_idx, jnp.zeros((npad,), jnp.int32)]).reshape(TP // SUB, SUB)

    rdT0, rdT1, gt, hs = _prep(questions, W_step0, b_step0,
                               W_step1, b_step1, rel_emb)
    rdT0 = rdT0[:, ordv]
    rdT1 = rdT1[:, ordv]
    gt = gt[:, ordv]
    hs = hs[:, ordv]

    hm2 = _hitmask(_heads(esTp), subj2)
    P0 = _follow0_sc(eT0, rdT0, subj2, rel2, obj2, hm2).reshape(NC, E, B)
    e1T = _combine0(gt, P0, ansT)
    P1 = _follow_sc(e1T, rdT1, subj2, rel2, obj2).reshape(NC, E, B)

    UT, s, q2, ea = _pass1(hs, P1, esTp, ansT, ent_emb)
    UT = UT[:, invv]
    s = s[:, invv]
    q2 = q2[:, invv]
    ea = ea[:, invv]

    embP = jnp.pad(ent_emb, ((0, EP - E), (0, 0)))
    ansTP = jnp.pad(ansT, ((0, EP - E), (0, 0)))
    biasP = jnp.pad(ent_bias, (0, EP - E),
                    constant_values=-1e30).reshape(EP, 1)
    _, _, _, ls, lp = _pass2(UT, s, q2, ea, embP, ansTP, biasP)
    return (ls[0, 0], lp[0, 0])

# --- scband reference (transcript-rebuilt; emitter-appended) ---
"""Pipeline reference for scband-transfer-net-30640296689802 (READ-ONLY COPY).

The authoritative reference and input builder live on the scoring server;
editing this copy changes nothing except your own understanding.
"""

import jax, jax.numpy as jnp
import numpy as np

NUM_ENTITIES = 50000
NUM_RELATIONS = 500
DIM = 128
NUM_STEPS = 2
SELF_REL_ID = 0
BSZ = 32
T = 800000


def setup_inputs(seed: int = 0) -> dict:
    key = jax.random.key(seed)
    ks = jax.random.split(key, 16)
    questions = jax.random.randint(ks[0], (BSZ, 1), 0, NUM_RELATIONS, dtype=jnp.int32)
    head_ids = jax.random.randint(ks[1], (BSZ,), 0, NUM_ENTITIES, dtype=jnp.int32)
    ans_ids = jax.random.randint(ks[2], (BSZ,), 0, NUM_ENTITIES, dtype=jnp.int32)
    e_s = jax.nn.one_hot(head_ids, NUM_ENTITIES, dtype=jnp.float32)
    answers = jax.nn.one_hot(ans_ids, NUM_ENTITIES, dtype=jnp.float32)
    subj_idx = jax.random.randint(ks[3], (T,), 0, NUM_ENTITIES, dtype=jnp.int32)
    rel_idx = jax.random.randint(ks[4], (T,), 0, NUM_RELATIONS, dtype=jnp.int32)
    obj_idx = jax.random.randint(ks[5], (T,), 0, NUM_ENTITIES, dtype=jnp.int32)
    s = 1.0 / np.sqrt(DIM)
    rel_emb = jax.random.normal(ks[6], (NUM_RELATIONS, DIM), dtype=jnp.float32) * s
    ent_emb = jax.random.normal(ks[7], (NUM_ENTITIES, DIM), dtype=jnp.float32) * s
    ent_bias = jnp.zeros((NUM_ENTITIES,), dtype=jnp.float32)
    W_step0 = jax.random.normal(ks[8], (DIM, DIM), dtype=jnp.float32) * np.sqrt(2.0 / DIM)
    b_step0 = jnp.zeros((DIM,), dtype=jnp.float32)
    W_step1 = jax.random.normal(ks[9], (DIM, DIM), dtype=jnp.float32) * np.sqrt(2.0 / DIM)
    b_step1 = jnp.zeros((DIM,), dtype=jnp.float32)
    W_cq = jax.random.normal(ks[10], (2 * DIM, DIM), dtype=jnp.float32) * np.sqrt(2.0 / (2 * DIM))
    b_cq = jnp.zeros((DIM,), dtype=jnp.float32)
    return {"questions": questions, "e_s": e_s, "answers": answers,
            "subj_idx": subj_idx, "rel_idx": rel_idx, "obj_idx": obj_idx,
            "W_step0": W_step0, "b_step0": b_step0, "W_step1": W_step1, "b_step1": b_step1,
            "W_cq": W_cq, "b_cq": b_cq,
            "rel_emb": rel_emb, "ent_emb": ent_emb, "ent_bias": ent_bias}


def _follow(last_e, rel_dist, subj_idx, rel_idx, obj_idx):
    # sparse Msubj @ e.T  -> gather rows of e.T by subj; Mrel @ r.T -> gather by rel
    x = last_e.T[subj_idx] * rel_dist.T[rel_idx]           # [T, bsz]
    out = jax.ops.segment_sum(x, obj_idx, num_segments=NUM_ENTITIES)  # Mobj.T @ x
    return out.T                                            # [bsz, num_entities]


def reference(questions, e_s, answers, subj_idx, rel_idx, obj_idx,
              W_step0, b_step0, W_step1, b_step1, W_cq, b_cq,
              rel_emb, ent_emb, ent_bias):
    bsz = questions.shape[0]
    q_emb = rel_emb[questions[:, 0]]                        # [bsz, d]
    last_e = e_s
    rel_probs = []
    ent_probs = [e_s]
    step_W = [(W_step0, b_step0), (W_step1, b_step1)]
    for t in range(NUM_STEPS):
        W, b = step_W[t]
        cq_t = jnp.tanh(q_emb @ W + b)
        rel_logits = cq_t @ rel_emb.T
        rel_dist = jax.nn.softmax(rel_logits, axis=1)
        last_e = _follow(last_e, rel_dist, subj_idx, rel_idx, obj_idx)
        if t == 0:
            gt_mask = jnp.take_along_axis(rel_dist, questions, axis=1)  # [bsz,1]
            last_e = last_e - answers * gt_mask
        rel_probs.append(rel_dist)
        m = (last_e > 1).astype(jnp.float32)
        z = jax.lax.stop_gradient(m * last_e + (1.0 - m))
        last_e = last_e / z
        if t > 0:
            prev_rel = jnp.argmax(rel_probs[-2], axis=1)
            curr_rel = jnp.argmax(rel_probs[-1], axis=1)
            cond = (jnp.abs(prev_rel - curr_rel) == 1) & (jnp.mod(jnp.minimum(prev_rel, curr_rel), 2) == 0)
            m2 = cond.astype(jnp.float32)[:, None]
            ent_m = m2 * (ent_probs[-2] > 0.9).astype(jnp.float32)
            last_e = (1.0 - ent_m) * last_e
        if t == NUM_STEPS - 1:
            stack_rel = jnp.argmax(jnp.stack(rel_probs, axis=1), axis=2)  # [bsz, num_steps]
            num_self = (stack_rel == SELF_REL_ID).astype(jnp.int32).sum(axis=1)
            m3 = (num_self == 1).astype(jnp.float32)[:, None] * e_s
            last_e = (1.0 - m3) * last_e
        ent_probs.append(jax.lax.stop_gradient(last_e))
    e_score = last_e
    normed = e_score / (e_score.sum(axis=1, keepdims=True) + 1e-06)
    pred_e = jax.lax.stop_gradient(normed) @ ent_emb
    pred_e = pred_e @ ent_emb.T + ent_bias[None, :]
    idx = jnp.argmax(answers, axis=1)
    logp = jax.nn.log_softmax(pred_e, axis=1)
    loss_prob = -jnp.mean(jnp.take_along_axis(logp, idx[:, None], axis=1))
    weight = answers * 9.0 + 1.0
    loss_score = jnp.mean(weight * (e_score - answers) ** 2)
    return (loss_score, loss_prob)

if __name__ == "__main__":
    import jax
    _d = setup_inputs()
    print(jax.jit(kernel)(*tuple(_d.values())))

</pallas_src>

<mosaic_0001>
#map = affine_map<(d0, d1) -> (0, 0)>
module attributes {stable_mosaic.version = 14 : i64} {
  func.func @_follow0_body(%arg0: i32, %arg1: i32, %arg2: memref<50000x32xbf16, #tpu.memory_space<hbm>>, %arg3: memref<512x32xf32, #tpu.memory_space<hbm>>, %arg4: memref<6272x128xi32, #tpu.memory_space<hbm>>, %arg5: memref<6272x128xi32, #tpu.memory_space<hbm>>, %arg6: memref<6272x128xi32, #tpu.memory_space<hbm>>, %arg7: memref<6272x128xf32, #tpu.memory_space<hbm>>, %arg8: memref<100000x32xf32, #tpu.memory_space<hbm>>, %arg9: memref<50000x32xf32, #tpu.memory_space<vmem_shared>>, %arg10: memref<512x32xf32, #tpu.memory_space<vmem_shared>>, %arg11: memref<14x128xi32, #tpu.memory_space<vmem>>, %arg12: memref<14x128xi32, #tpu.memory_space<vmem>>, %arg13: memref<14x128xi32, #tpu.memory_space<vmem>>, %arg14: memref<14x128xf32, #tpu.memory_space<vmem>>, %arg15: memref<384x32xbf16, #tpu.memory_space<vmem>>, %arg16: memref<256x32xf32, #tpu.memory_space<vmem>>, %arg17: memref<256x32xf32, #tpu.memory_space<vmem>>, %arg18: memref<!tpu.dma_semaphore, #tpu.memory_space<semaphore_mem>>, %arg19: memref<!tpu.dma_semaphore, #tpu.memory_space<semaphore_mem>>, %arg20: memref<!tpu.dma_semaphore, #tpu.memory_space<semaphore_mem>>, %arg21: memref<!tpu.dma_semaphore, #tpu.memory_space<semaphore_mem>>) attributes {dimension_semantics = [#tpu.dimension_semantics<core_parallel>, #tpu.dimension_semantics<subcore_parallel>], iteration_bounds = array<i64: 2, 16>, scalar_prefetch = 0 : i64, scratch_operands = 13 : i64, tpu.core_type = #tpu.core_type<sc_vector_subcore>, window_params = [{transform_indices = #map}, {transform_indices = #map}, {transform_indices = #map}, {transform_indices = #map}, {transform_indices = #map}, {transform_indices = #map}, {transform_indices = #map}]} {
    %mul3A = arith.constant 2 : i32
    %mul3A_0 = arith.muli %arg1, %mul3A : i32
    %add3A = arith.addi %mul3A_0, %arg0 : i32
    %mul3A_1 = arith.constant 3125 : i32
    %mul3A_2 = arith.muli %arg1, %mul3A_1 : i32
    %eq3A = arith.constant 0 : i32
    %eq3A_3 = arith.cmpi eq, %arg1, %eq3A : i32
    %convert_element_type3A = arith.extui %eq3A_3 : i1 to i32
    %cond3A = arith.constant 0 : i32
    %cond3A_4 = arith.cmpi ne, %convert_element_type3A, %cond3A : i32
    scf.if %cond3A_4 {
      "tpu.region"() ({
        %run_scoped3A = tpu.sem_alloc : memref<!tpu.dma_semaphore, #tpu.memory_space<semaphore_mem>>
        tpu.enqueue_dma source(%arg3 : memref<512x32xf32, #tpu.memory_space<hbm>>) target(%arg10 : memref<512x32xf32, #tpu.memory_space<vmem_shared>>) target_semaphore(%run_scoped3A : memref<!tpu.dma_semaphore, #tpu.memory_space<semaphore_mem>>)
        tpu.wait_dma2 semaphore(%run_scoped3A : memref<!tpu.dma_semaphore, #tpu.memory_space<semaphore_mem>>) src(%arg3 : memref<512x32xf32, #tpu.memory_space<hbm>>) dst(%arg10 : memref<512x32xf32, #tpu.memory_space<vmem_shared>>)
        tpu.yield
      }) : () -> ()
    } else {
    }
    %scan3A = arith.constant 0 : i32
    %scan3A_5 = arith.constant 0 : i32
    %scan3A_6 = arith.constant 256 : i32
    %scan3A_7 = arith.addi %scan3A_5, %scan3A_6 : i32
    %scan3A_8 = arith.constant 1 : i32
    scf.for %scan3A_46 = %scan3A_5 to %scan3A_7 step %scan3A_8  : i32 {
      %broadcast_in_dim3A = arith.constant 0.000000e+00 : f32
      %broadcast_in_dim3A_47 = vector.broadcast %broadcast_in_dim3A : f32 to vector<16xf32>
      %swap3A = arith.index_cast %scan3A_46 : i32 to index
      %swap3A_48 = arith.constant 0 : index
      %swap3A_49 = tpu.vector_load %arg17[%swap3A, %swap3A_48] {strides = array<i32>} : memref<256x32xf32, #tpu.memory_space<vmem>>, vector<16xf32>,
      tpu.vector_store %arg17[%swap3A, %swap3A_48], %broadcast_in_dim3A_47 {strides = array<i32>} : memref<256x32xf32, #tpu.memory_space<vmem>>, vector<16xf32>,
      %broadcast_in_dim3A_50 = arith.constant 0.000000e+00 : f32
      %broadcast_in_dim3A_51 = vector.broadcast %broadcast_in_dim3A_50 : f32 to vector<16xf32>
      %swap3A_52 = arith.index_cast %scan3A_46 : i32 to index
      %swap3A_53 = arith.constant 16 : index
      %swap3A_54 = tpu.vector_load %arg17[%swap3A_52, %swap3A_53] {strides = array<i32>} : memref<256x32xf32, #tpu.memory_space<vmem>>, vector<16xf32>,
      tpu.vector_store %arg17[%swap3A_52, %swap3A_53], %broadcast_in_dim3A_51 {strides = array<i32>} : memref<256x32xf32, #tpu.memory_space<vmem>>, vector<16xf32>,
    }
    %scan3A_9 = arith.constant 256 : i32
    %add3A_10 = arith.constant 0 : i32
    %add3A_11 = arith.addi %mul3A_2, %add3A_10 : i32
    "tpu.region"() ({
      %run_scoped3A = tpu.sem_alloc : memref<!tpu.dma_semaphore, #tpu.memory_space<semaphore_mem>>
      %dma_start3A = arith.constant 0 : i32
      %dma_start3A_46 = arith.constant 0 : i32
      %dma_start3A_47 = tpu.memref_slice %arg17[%dma_start3A, %dma_start3A_46] : memref<256x32xf32, #tpu.memory_space<vmem>> -> memref<256x32xf32, #tpu.memory_space<vmem>>
      %dma_start3A_48 = arith.constant 0 : i32
      %dma_start3A_49 = tpu.memref_slice %arg9[%add3A_11, %dma_start3A_48] : memref<50000x32xf32, #tpu.memory_space<vmem_shared>> -> memref<256x32xf32, #tpu.memory_space<vmem_shared>>
      %dma_start3A_50 = arith.constant 0 : i32
      %dma_start3A_51 = tpu.memref_slice %arg9[%add3A_11, %dma_start3A_50] : memref<50000x32xf32, #tpu.memory_space<vmem_shared>> -> memref<256x32xf32, #tpu.memory_space<vmem_shared>>
      %dma_start3A_52 = arith.constant 0 : i32
      %dma_start3A_53 = arith.constant 0 : i32
      %dma_start3A_54 = tpu.memref_slice %arg17[%dma_start3A_52, %dma_start3A_53] : memref<256x32xf32, #tpu.memory_space<vmem>> -> memref<256x32xf32, #tpu.memory_space<vmem>>
      tpu.enqueue_dma source(%dma_start3A_54 : memref<256x32xf32, #tpu.memory_space<vmem>>) target(%dma_start3A_51 : memref<256x32xf32, #tpu.memory_space<vmem_shared>>) target_semaphore(%run_scoped3A : memref<!tpu.dma_semaphore, #tpu.memory_space<semaphore_mem>>)
      %dma_wait3A = arith.constant 0 : i32
      %dma_wait3A_55 = arith.constant 0 : i32
      %dma_wait3A_56 = tpu.memref_slice %arg17[%dma_wait3A, %dma_wait3A_55] : memref<256x32xf32, #tpu.memory_space<vmem>> -> memref<256x32xf32, #tpu.memory_space<vmem>>
      %dma_wait3A_57 = arith.constant 0 : i32
      %dma_wait3A_58 = tpu.memref_slice %arg9[%add3A_11, %dma_wait3A_57] : memref<50000x32xf32, #tpu.memory_space<vmem_shared>> -> memref<256x32xf32, #tpu.memory_space<vmem_shared>>
      %dma_wait3A_59 = arith.constant 0 : i32
      %dma_wait3A_60 = tpu.memref_slice %arg9[%add3A_11, %dma_wait3A_59] : memref<50000x32xf32, #tpu.memory_space<vmem_shared>> -> memref<256x32xf32, #tpu.memory_space<vmem_shared>>
      %dma_wait3A_61 = arith.constant 0 : i32
      %dma_wait3A_62 = arith.constant 0 : i32
      %dma_wait3A_63 = tpu.memref_slice %arg17[%dma_wait3A_61, %dma_wait3A_62] : memref<256x32xf32, #tpu.memory_space<vmem>> -> memref<256x32xf32, #tpu.memory_space<vmem>>
      tpu.wait_dma2 semaphore(%run_scoped3A : memref<!tpu.dma_semaphore, #tpu.memory_space<semaphore_mem>>) src(%dma_wait3A_63 : memref<256x32xf32, #tpu.memory_space<vmem>>) dst(%dma_wait3A_60 : memref<256x32xf32, #tpu.memory_space<vmem_shared>>)
      tpu.yield
    }) : () -> ()
    %add3A_12 = arith.constant 256 : i32
    %add3A_13 = arith.addi %mul3A_2, %add3A_12 : i32
    "tpu.region"() ({
      %run_scoped3A = tpu.sem_alloc : memref<!tpu.dma_semaphore, #tpu.memory_space<semaphore_mem>>
      %dma_start3A = arith.constant 0 : i32
      %dma_start3A_46 = arith.constant 0 : i32
      %dma_start3A_47 = tpu.memref_slice %arg17[%dma_start3A, %dma_start3A_46] : memref<256x32xf32, #tpu.memory_space<vmem>> -> memref<256x32xf32, #tpu.memory_space<vmem>>
      %dma_start3A_48 = arith.constant 0 : i32
      %dma_start3A_49 = tpu.memref_slice %arg9[%add3A_13, %dma_start3A_48] : memref<50000x32xf32, #tpu.memory_space<vmem_shared>> -> memref<256x32xf32, #tpu.memory_space<vmem_shared>>
      %dma_start3A_50 = arith.constant 0 : i32
      %dma_start3A_51 = tpu.memref_slice %arg9[%add3A_13, %dma_start3A_50] : memref<50000x32xf32, #tpu.memory_space<vmem_shared>> -> memref<256x32xf32, #tpu.memory_space<vmem_shared>>
      %dma_start3A_52 = arith.constant 0 : i32
      %dma_start3A_53 = arith.constant 0 : i32
      %dma_start3A_54 = tpu.memref_slice %arg17[%dma_start3A_52, %dma_start3A_53] : memref<256x32xf32, #tpu.memory_space<vmem>> -> memref<256x32xf32, #tpu.memory_space<vmem>>
      tpu.enqueue_dma source(%dma_start3A_54 : memref<256x32xf32, #tpu.memory_space<vmem>>) target(%dma_start3A_51 : memref<256x32xf32, #tpu.memory_space<vmem_shared>>) target_semaphore(%run_scoped3A : memref<!tpu.dma_semaphore, #tpu.memory_space<semaphore_mem>>)
      %dma_wait3A = arith.constant 0 : i32
      %dma_wait3A_55 = arith.constant 0 : i32
      %dma_wait3A_56 = tpu.memref_slice %arg17[%dma_wait3A, %dma_wait3A_55] : memref<256x32xf32, #tpu.memory_space<vmem>> -> memref<256x32xf32, #tpu.memory_space<vmem>>
      %dma_wait3A_57 = arith.constant 0 : i32
      %dma_wait3A_58 = tpu.memref_slice %arg9[%add3A_13, %dma_wait3A_57] : memref<50000x32xf32, #tpu.memory_space<vmem_shared>> -> memref<256x32xf32, #tpu.memory_space<vmem_shared>>
      %dma_wait3A_59 = arith.constant 0 : i32
      %dma_wait3A_60 = tpu.memref_slice %arg9[%add3A_13, %dma_wait3A_59] : memref<50000x32xf32, #tpu.memory_space<vmem_shared>> -> memref<256x32xf32, #tpu.memory_space<vmem_shared>>
      %dma_wait3A_61 = arith.constant 0 : i32
      %dma_wait3A_62 = arith.constant 0 : i32
      %dma_wait3A_63 = tpu.memref_slice %arg17[%dma_wait3A_61, %dma_wait3A_62] : memref<256x32xf32, #tpu.memory_space<vmem>> -> memref<256x32xf32, #tpu.memory_space<vmem>>
      tpu.wait_dma2 semaphore(%run_scoped3A : memref<!tpu.dma_semaphore, #tpu.memory_space<semaphore_mem>>) src(%dma_wait3A_63 : memref<256x32xf32, #tpu.memory_space<vmem>>) dst(%dma_wait3A_60 : memref<256x32xf32, #tpu.memory_space<vmem_shared>>)
      tpu.yield
    }) : () -> ()
    %add3A_14 = arith.constant 512 : i32
    %add3A_15 = arith.addi %mul3A_2, %add3A_14 : i32
    "tpu.region"() ({
      %run_scoped3A = tpu.sem_alloc : memref<!tpu.dma_semaphore, #tpu.memory_space<semaphore_mem>>
      %dma_start3A = arith.constant 0 : i32
      %dma_start3A_46 = arith.constant 0 : i32
      %dma_start3A_47 = tpu.memref_slice %arg17[%dma_start3A, %dma_start3A_46] : memref<256x32xf32, #tpu.memory_space<vmem>> -> memref<256x32xf32, #tpu.memory_space<vmem>>
      %dma_start3A_48 = arith.constant 0 : i32
      %dma_start3A_49 = tpu.memref_slice %arg9[%add3A_15, %dma_start3A_48] : memref<50000x32xf32, #tpu.memory_space<vmem_shared>> -> memref<256x32xf32, #tpu.memory_space<vmem_shared>>
      %dma_start3A_50 = arith.constant 0 : i32
      %dma_start3A_51 = tpu.memref_slice %arg9[%add3A_15, %dma_start3A_50] : memref<50000x32xf32, #tpu.memory_space<vmem_shared>> -> memref<256x32xf32, #tpu.memory_space<vmem_shared>>
      %dma_start3A_52 = arith.constant 0 : i32
      %dma_start3A_53 = arith.constant 0 : i32
      %dma_start3A_54 = tpu.memref_slice %arg17[%dma_start3A_52, %dma_start3A_53] : memref<256x32xf32, #tpu.memory_space<vmem>> -> memref<256x32xf32, #tpu.memory_space<vmem>>
      tpu.enqueue_dma source(%dma_start3A_54 : memref<256x32xf32, #tpu.memory_space<vmem>>) target(%dma_start3A_51 : memref<256x32xf32, #tpu.memory_space<vmem_shared>>) target_semaphore(%run_scoped3A : memref<!tpu.dma_semaphore, #tpu.memory_space<semaphore_mem>>)
      %dma_wait3A = arith.constant 0 : i32
      %dma_wait3A_55 = arith.constant 0 : i32
      %dma_wait3A_56 = tpu.memref_slice %arg17[%dma_wait3A, %dma_wait3A_55] : memref<256x32xf32, #tpu.memory_space<vmem>> -> memref<256x32xf32, #tpu.memory_space<vmem>>
      %dma_wait3A_57 = arith.constant 0 : i32
      %dma_wait3A_58 = tpu.memref_slice %arg9[%add3A_15, %dma_wait3A_57] : memref<50000x32xf32, #tpu.memory_space<vmem_shared>> -> memref<256x32xf32, #tpu.memory_space<vmem_shared>>
      %dma_wait3A_59 = arith.constant 0 : i32
      %dma_wait3A_60 = tpu.memref_slice %arg9[%add3A_15, %dma_wait3A_59] : memref<50000x32xf32, #tpu.memory_space<vmem_shared>> -> memref<256x32xf32, #tpu.memory_space<vmem_shared>>
      %dma_wait3A_61 = arith.constant 0 : i32
      %dma_wait3A_62 = arith.constant 0 : i32
      %dma_wait3A_63 = tpu.memref_slice %arg17[%dma_wait3A_61, %dma_wait3A_62] : memref<256x32xf32, #tpu.memory_space<vmem>> -> memref<256x32xf32, #tpu.memory_space<vmem>>
      tpu.wait_dma2 semaphore(%run_scoped3A : memref<!tpu.dma_semaphore, #tpu.memory_space<semaphore_mem>>) src(%dma_wait3A_63 : memref<256x32xf32, #tpu.memory_space<vmem>>) dst(%dma_wait3A_60 : memref<256x32xf32, #tpu.memory_space<vmem_shared>>)
      tpu.yield
    }) : () -> ()
    %add3A_16 = arith.constant 768 : i32
    %add3A_17 = arith.addi %mul3A_2, %add3A_16 : i32
    "tpu.region"() ({
      %run_scoped3A = tpu.sem_alloc : memref<!tpu.dma_semaphore, #tpu.memory_space<semaphore_mem>>
      %dma_start3A = arith.constant 0 : i32
      %dma_start3A_46 = arith.constant 0 : i32
      %dma_start3A_47 = tpu.memref_slice %arg17[%dma_start3A, %dma_start3A_46] : memref<256x32xf32, #tpu.memory_space<vmem>> -> memref<256x32xf32, #tpu.memory_space<vmem>>
      %dma_start3A_48 = arith.constant 0 : i32
      %dma_start3A_49 = tpu.memref_slice %arg9[%add3A_17, %dma_start3A_48] : memref<50000x32xf32, #tpu.memory_space<vmem_shared>> -> memref<256x32xf32, #tpu.memory_space<vmem_shared>>
      %dma_start3A_50 = arith.constant 0 : i32
      %dma_start3A_51 = tpu.memref_slice %arg9[%add3A_17, %dma_start3A_50] : memref<50000x32xf32, #tpu.memory_space<vmem_shared>> -> memref<256x32xf32, #tpu.memory_space<vmem_shared>>
      %dma_start3A_52 = arith.constant 0 : i32
      %dma_start3A_53 = arith.constant 0 : i32
      %dma_start3A_54 = tpu.memref_slice %arg17[%dma_start3A_52, %dma_start3A_53] : memref<256x32xf32, #tpu.memory_space<vmem>> -> memref<256x32xf32, #tpu.memory_space<vmem>>
      tpu.enqueue_dma source(%dma_start3A_54 : memref<256x32xf32, #tpu.memory_space<vmem>>) target(%dma_start3A_51 : memref<256x32xf32, #tpu.memory_space<vmem_shared>>) target_semaphore(%run_scoped3A : memref<!tpu.dma_semaphore, #tpu.memory_space<semaphore_mem>>)
      %dma_wait3A = arith.constant 0 : i32
      %dma_wait3A_55 = arith.constant 0 : i32
      %dma_wait3A_56 = tpu.memref_slice %arg17[%dma_wait3A, %dma_wait3A_55] : memref<256x32xf32, #tpu.memory_space<vmem>> -> memref<256x32xf32, #tpu.memory_space<vmem>>
      %dma_wait3A_57 = arith.constant 0 : i32
      %dma_wait3A_58 = tpu.memref_slice %arg9[%add3A_17, %dma_wait3A_57] : memref<50000x32xf32, #tpu.memory_space<vmem_shared>> -> memref<256x32xf32, #tpu.memory_space<vmem_shared>>
      %dma_wait3A_59 = arith.constant 0 : i32
      %dma_wait3A_60 = tpu.memref_slice %arg9[%add3A_17, %dma_wait3A_59] : memref<50000x32xf32, #tpu.memory_space<vmem_shared>> -> memref<256x32xf32, #tpu.memory_space<vmem_shared>>
      %dma_wait3A_61 = arith.constant 0 : i32
      %dma_wait3A_62 = arith.constant 0 : i32
      %dma_wait3A_63 = tpu.memref_slice %arg17[%dma_wait3A_61, %dma_wait3A_62] : memref<256x32xf32, #tpu.memory_space<vmem>> -> memref<256x32xf32, #tpu.memory_space<vmem>>
      tpu.wait_dma2 semaphore(%run_scoped3A : memref<!tpu.dma_semaphore, #tpu.memory_space<semaphore_mem>>) src(%dma_wait3A_63 : memref<256x32xf32, #tpu.memory_space<vmem>>) dst(%dma_wait3A_60 : memref<256x32xf32, #tpu.memory_space<vmem_shared>>)
      tpu.yield
    }) : () -> ()
    %add3A_18 = arith.constant 1024 : i32
    %add3A_19 = arith.addi %mul3A_2, %add3A_18 : i32
    "tpu.region"() ({
      %run_scoped3A = tpu.sem_alloc : memref<!tpu.dma_semaphore, #tpu.memory_space<semaphore_mem>>
      %dma_start3A = arith.constant 0 : i32
      %dma_start3A_46 = arith.constant 0 : i32
      %dma_start3A_47 = tpu.memref_slice %arg17[%dma_start3A, %dma_start3A_46] : memref<256x32xf32, #tpu.memory_space<vmem>> -> memref<256x32xf32, #tpu.memory_space<vmem>>
      %dma_start3A_48 = arith.constant 0 : i32
      %dma_start3A_49 = tpu.memref_slice %arg9[%add3A_19, %dma_start3A_48] : memref<50000x32xf32, #tpu.memory_space<vmem_shared>> -> memref<256x32xf32, #tpu.memory_space<vmem_shared>>
      %dma_start3A_50 = arith.constant 0 : i32
      %dma_start3A_51 = tpu.memref_slice %arg9[%add3A_19, %dma_start3A_50] : memref<50000x32xf32, #tpu.memory_space<vmem_shared>> -> memref<256x32xf32, #tpu.memory_space<vmem_shared>>
      %dma_start3A_52 = arith.constant 0 : i32
      %dma_start3A_53 = arith.constant 0 : i32
      %dma_start3A_54 = tpu.memref_slice %arg17[%dma_start3A_52, %dma_start3A_53] : memref<256x32xf32, #tpu.memory_space<vmem>> -> memref<256x32xf32, #tpu.memory_space<vmem>>
      tpu.enqueue_dma source(%dma_start3A_54 : memref<256x32xf32, #tpu.memory_space<vmem>>) target(%dma_start3A_51 : memref<256x32xf32, #tpu.memory_space<vmem_shared>>) target_semaphore(%run_scoped3A : memref<!tpu.dma_semaphore, #tpu.memory_space<semaphore_mem>>)
      %dma_wait3A = arith.constant 0 : i32
      %dma_wait3A_55 = arith.constant 0 : i32
      %dma_wait3A_56 = tpu.memref_slice %arg17[%dma_wait3A, %dma_wait3A_55] : memref<256x32xf32, #tpu.memory_space<vmem>> -> memref<256x32xf32, #tpu.memory_space<vmem>>
      %dma_wait3A_57 = arith.constant 0 : i32
      %dma_wait3A_58 = tpu.memref_slice %arg9[%add3A_19, %dma_wait3A_57] : memref<50000x32xf32, #tpu.memory_space<vmem_shared>> -> memref<256x32xf32, #tpu.memory_space<vmem_shared>>
      %dma_wait3A_59 = arith.constant 0 : i32
      %dma_wait3A_60 = tpu.memref_slice %arg9[%add3A_19, %dma_wait3A_59] : memref<50000x32xf32, #tpu.memory_space<vmem_shared>> -> memref<256x32xf32, #tpu.memory_space<vmem_shared>>
      %dma_wait3A_61 = arith.constant 0 : i32
      %dma_wait3A_62 = arith.constant 0 : i32
      %dma_wait3A_63 = tpu.memref_slice %arg17[%dma_wait3A_61, %dma_wait3A_62] : memref<256x32xf32, #tpu.memory_space<vmem>> -> memref<256x32xf32, #tpu.memory_space<vmem>>
      tpu.wait_dma2 semaphore(%run_scoped3A : memref<!tpu.dma_semaphore, #tpu.memory_space<semaphore_mem>>) src(%dma_wait3A_63 : memref<256x32xf32, #tpu.memory_space<vmem>>) dst(%dma_wait3A_60 : memref<256x32xf32, #tpu.memory_space<vmem_shared>>)
      tpu.yield
    }) : () -> ()
    %add3A_20 = arith.constant 1280 : i32
    %add3A_21 = arith.addi %mul3A_2, %add3A_20 : i32
    "tpu.region"() ({
      %run_scoped3A = tpu.sem_alloc : memref<!tpu.dma_semaphore, #tpu.memory_space<semaphore_mem>>
      %dma_start3A = arith.constant 0 : i32
      %dma_start3A_46 = arith.constant 0 : i32
      %dma_start3A_47 = tpu.memref_slice %arg17[%dma_start3A, %dma_start3A_46] : memref<256x32xf32, #tpu.memory_space<vmem>> -> memref<256x32xf32, #tpu.memory_space<vmem>>
      %dma_start3A_48 = arith.constant 0 : i32
      %dma_start3A_49 = tpu.memref_slice %arg9[%add3A_21, %dma_start3A_48] : memref<50000x32xf32, #tpu.memory_space<vmem_shared>> -> memref<256x32xf32, #tpu.memory_space<vmem_shared>>
      %dma_start3A_50 = arith.constant 0 : i32
      %dma_start3A_51 = tpu.memref_slice %arg9[%add3A_21, %dma_start3A_50] : memref<50000x32xf32, #tpu.memory_space<vmem_shared>> -> memref<256x32xf32, #tpu.memory_space<vmem_shared>>
      %dma_start3A_52 = arith.constant 0 : i32
      %dma_start3A_53 = arith.constant 0 : i32
      %dma_start3A_54 = tpu.memref_slice %arg17[%dma_start3A_52, %dma_start3A_53] : memref<256x32xf32, #tpu.memory_space<vmem>> -> memref<256x32xf32, #tpu.memory_space<vmem>>
      tpu.enqueue_dma source(%dma_start3A_54 : memref<256x32xf32, #tpu.memory_space<vmem>>) target(%dma_start3A_51 : memref<256x32xf32, #tpu.memory_space<vmem_shared>>) target_semaphore(%run_scoped3A : memref<!tpu.dma_semaphore, #tpu.memory_space<semaphore_mem>>)
      %dma_wait3A = arith.constant 0 : i32
      %dma_wait3A_55 = arith.constant 0 : i32
      %dma_wait3A_56 = tpu.memref_slice %arg17[%dma_wait3A, %dma_wait3A_55] : memref<256x32xf32, #tpu.memory_space<vmem>> -> memref<256x32xf32, #tpu.memory_space<vmem>>
      %dma_wait3A_57 = arith.constant 0 : i32
      %dma_wait3A_58 = tpu.memref_slice %arg9[%add3A_21, %dma_wait3A_57] : memref<50000x32xf32, #tpu.memory_space<vmem_shared>> -> memref<256x32xf32, #tpu.memory_space<vmem_shared>>
      %dma_wait3A_59 = arith.constant 0 : i32
      %dma_wait3A_60 = tpu.memref_slice %arg9[%add3A_21, %dma_wait3A_59] : memref<50000x32xf32, #tpu.memory_space<vmem_shared>> -> memref<256x32xf32, #tpu.memory_space<vmem_shared>>
      %dma_wait3A_61 = arith.constant 0 : i32
      %dma_wait3A_62 = arith.constant 0 : i32
      %dma_wait3A_63 = tpu.memref_slice %arg17[%dma_wait3A_61, %dma_wait3A_62] : memref<256x32xf32, #tpu.memory_space<vmem>> -> memref<256x32xf32, #tpu.memory_space<vmem>>
      tpu.wait_dma2 semaphore(%run_scoped3A : memref<!tpu.dma_semaphore, #tpu.memory_space<semaphore_mem>>) src(%dma_wait3A_63 : memref<256x32xf32, #tpu.memory_space<vmem>>) dst(%dma_wait3A_60 : memref<256x32xf32, #tpu.memory_space<vmem_shared>>)
      tpu.yield
    }) : () -> ()
    %add3A_22 = arith.constant 1536 : i32
    %add3A_23 = arith.addi %mul3A_2, %add3A_22 : i32
    "tpu.region"() ({
      %run_scoped3A = tpu.sem_alloc : memref<!tpu.dma_semaphore, #tpu.memory_space<semaphore_mem>>
      %dma_start3A = arith.constant 0 : i32
      %dma_start3A_46 = arith.constant 0 : i32
      %dma_start3A_47 = tpu.memref_slice %arg17[%dma_start3A, %dma_start3A_46] : memref<256x32xf32, #tpu.memory_space<vmem>> -> memref<256x32xf32, #tpu.memory_space<vmem>>
      %dma_start3A_48 = arith.constant 0 : i32
      %dma_start3A_49 = tpu.memref_slice %arg9[%add3A_23, %dma_start3A_48] : memref<50000x32xf32, #tpu.memory_space<vmem_shared>> -> memref<256x32xf32, #tpu.memory_space<vmem_shared>>
      %dma_start3A_50 = arith.constant 0 : i32
      %dma_start3A_51 = tpu.memref_slice %arg9[%add3A_23, %dma_start3A_50] : memref<50000x32xf32, #tpu.memory_space<vmem_shared>> -> memref<256x32xf32, #tpu.memory_space<vmem_shared>>
      %dma_start3A_52 = arith.constant 0 : i32
      %dma_start3A_53 = arith.constant 0 : i32
      %dma_start3A_54 = tpu.memref_slice %arg17[%dma_start3A_52, %dma_start3A_53] : memref<256x32xf32, #tpu.memory_space<vmem>> -> memref<256x32xf32, #tpu.memory_space<vmem>>
      tpu.enqueue_dma source(%dma_start3A_54 : memref<256x32xf32, #tpu.memory_space<vmem>>) target(%dma_start3A_51 : memref<256x32xf32, #tpu.memory_space<vmem_shared>>) target_semaphore(%run_scoped3A : memref<!tpu.dma_semaphore, #tpu.memory_space<semaphore_mem>>)
      %dma_wait3A = arith.constant 0 : i32
      %dma_wait3A_55 = arith.constant 0 : i32
      %dma_wait3A_56 = tpu.memref_slice %arg17[%dma_wait3A, %dma_wait3A_55] : memref<256x32xf32, #tpu.memory_space<vmem>> -> memref<256x32xf32, #tpu.memory_space<vmem>>
      %dma_wait3A_57 = arith.constant 0 : i32
      %dma_wait3A_58 = tpu.memref_slice %arg9[%add3A_23, %dma_wait3A_57] : memref<50000x32xf32, #tpu.memory_space<vmem_shared>> -> memref<256x32xf32, #tpu.memory_space<vmem_shared>>
      %dma_wait3A_59 = arith.constant 0 : i32
      %dma_wait3A_60 = tpu.memref_slice %arg9[%add3A_23, %dma_wait3A_59] : memref<50000x32xf32, #tpu.memory_space<vmem_shared>> -> memref<256x32xf32, #tpu.memory_space<vmem_shared>>
      %dma_wait3A_61 = arith.constant 0 : i32
      %dma_wait3A_62 = arith.constant 0 : i32
      %dma_wait3A_63 = tpu.memref_slice %arg17[%dma_wait3A_61, %dma_wait3A_62] : memref<256x32xf32, #tpu.memory_space<vmem>> -> memref<256x32xf32, #tpu.memory_space<vmem>>
      tpu.wait_dma2 semaphore(%run_scoped3A : memref<!tpu.dma_semaphore, #tpu.memory_space<semaphore_mem>>) src(%dma_wait3A_63 : memref<256x32xf32, #tpu.memory_space<vmem>>) dst(%dma_wait3A_60 : memref<256x32xf32, #tpu.memory_space<vmem_shared>>)
      tpu.yield
    }) : () -> ()
    %add3A_24 = arith.constant 1792 : i32
    %add3A_25 = arith.addi %mul3A_2, %add3A_24 : i32
    "tpu.region"() ({
      %run_scoped3A = tpu.sem_alloc : memref<!tpu.dma_semaphore, #tpu.memory_space<semaphore_mem>>
      %dma_start3A = arith.constant 0 : i32
      %dma_start3A_46 = arith.constant 0 : i32
      %dma_start3A_47 = tpu.memref_slice %arg17[%dma_start3A, %dma_start3A_46] : memref<256x32xf32, #tpu.memory_space<vmem>> -> memref<256x32xf32, #tpu.memory_space<vmem>>
      %dma_start3A_48 = arith.constant 0 : i32
      %dma_start3A_49 = tpu.memref_slice %arg9[%add3A_25, %dma_start3A_48] : memref<50000x32xf32, #tpu.memory_space<vmem_shared>> -> memref<256x32xf32, #tpu.memory_space<vmem_shared>>
      %dma_start3A_50 = arith.constant 0 : i32
      %dma_start3A_51 = tpu.memref_slice %arg9[%add3A_25, %dma_start3A_50] : memref<50000x32xf32, #tpu.memory_space<vmem_shared>> -> memref<256x32xf32, #tpu.memory_space<vmem_shared>>
      %dma_start3A_52 = arith.constant 0 : i32
      %dma_start3A_53 = arith.constant 0 : i32
      %dma_start3A_54 = tpu.memref_slice %arg17[%dma_start3A_52, %dma_start3A_53] : memref<256x32xf32, #tpu.memory_space<vmem>> -> memref<256x32xf32, #tpu.memory_space<vmem>>
      tpu.enqueue_dma source(%dma_start3A_54 : memref<256x32xf32, #tpu.memory_space<vmem>>) target(%dma_start3A_51 : memref<256x32xf32, #tpu.memory_space<vmem_shared>>) target_semaphore(%run_scoped3A : memref<!tpu.dma_semaphore, #tpu.memory_space<semaphore_mem>>)
      %dma_wait3A = arith.constant 0 : i32
      %dma_wait3A_55 = arith.constant 0 : i32
      %dma_wait3A_56 = tpu.memref_slice %arg17[%dma_wait3A, %dma_wait3A_55] : memref<256x32xf32, #tpu.memory_space<vmem>> -> memref<256x32xf32, #tpu.memory_space<vmem>>
      %dma_wait3A_57 = arith.constant 0 : i32
      %dma_wait3A_58 = tpu.memref_slice %arg9[%add3A_25, %dma_wait3A_57] : memref<50000x32xf32, #tpu.memory_space<vmem_shared>> -> memref<256x32xf32, #tpu.memory_space<vmem_shared>>
      %dma_wait3A_59 = arith.constant 0 : i32
      %dma_wait3A_60 = tpu.memref_slice %arg9[%add3A_25, %dma_wait3A_59] : memref<50000x32xf32, #tpu.memory_space<vmem_shared>> -> memref<256x32xf32, #tpu.memory_space<vmem_shared>>
      %dma_wait3A_61 = arith.constant 0 : i32
      %dma_wait3A_62 = arith.constant 0 : i32
      %dma_wait3A_63 = tpu.memref_slice %arg17[%dma_wait3A_61, %dma_wait3A_62] : memref<256x32xf32, #tpu.memory_space<vmem>> -> memref<256x32xf32, #tpu.memory_space<vmem>>
      tpu.wait_dma2 semaphore(%run_scoped3A : memref<!tpu.dma_semaphore, #tpu.memory_space<semaphore_mem>>) src(%dma_wait3A_63 : memref<256x32xf32, #tpu.memory_space<vmem>>) dst(%dma_wait3A_60 : memref<256x32xf32, #tpu.memory_space<vmem_shared>>)
      tpu.yield
    }) : () -> ()
    %add3A_26 = arith.constant 2048 : i32
    %add3A_27 = arith.addi %mul3A_2, %add3A_26 : i32
    "tpu.region"() ({
      %run_scoped3A = tpu.sem_alloc : memref<!tpu.dma_semaphore, #tpu.memory_space<semaphore_mem>>
      %dma_start3A = arith.constant 0 : i32
      %dma_start3A_46 = arith.constant 0 : i32
      %dma_start3A_47 = tpu.memref_slice %arg17[%dma_start3A, %dma_start3A_46] : memref<256x32xf32, #tpu.memory_space<vmem>> -> memref<256x32xf32, #tpu.memory_space<vmem>>
      %dma_start3A_48 = arith.constant 0 : i32
      %dma_start3A_49 = tpu.memref_slice %arg9[%add3A_27, %dma_start3A_48] : memref<50000x32xf32, #tpu.memory_space<vmem_shared>> -> memref<256x32xf32, #tpu.memory_space<vmem_shared>>
      %dma_start3A_50 = arith.constant 0 : i32
      %dma_start3A_51 = tpu.memref_slice %arg9[%add3A_27, %dma_start3A_50] : memref<50000x32xf32, #tpu.memory_space<vmem_shared>> -> memref<256x32xf32, #tpu.memory_space<vmem_shared>>
      %dma_start3A_52 = arith.constant 0 : i32
      %dma_start3A_53 = arith.constant 0 : i32
      %dma_start3A_54 = tpu.memref_slice %arg17[%dma_start3A_52, %dma_start3A_53] : memref<256x32xf32, #tpu.memory_space<vmem>> -> memref<256x32xf32, #tpu.memory_space<vmem>>
      tpu.enqueue_dma source(%dma_start3A_54 : memref<256x32xf32, #tpu.memory_space<vmem>>) target(%dma_start3A_51 : memref<256x32xf32, #tpu.memory_space<vmem_shared>>) target_semaphore(%run_scoped3A : memref<!tpu.dma_semaphore, #tpu.memory_space<semaphore_mem>>)
      %dma_wait3A = arith.constant 0 : i32
      %dma_wait3A_55 = arith.constant 0 : i32
      %dma_wait3A_56 = tpu.memref_slice %arg17[%dma_wait3A, %dma_wait3A_55] : memref<256x32xf32, #tpu.memory_space<vmem>> -> memref<256x32xf32, #tpu.memory_space<vmem>>
      %dma_wait3A_57 = arith.constant 0 : i32
      %dma_wait3A_58 = tpu.memref_slice %arg9[%add3A_27, %dma_wait3A_57] : memref<50000x32xf32, #tpu.memory_space<vmem_shared>> -> memref<256x32xf32, #tpu.memory_space<vmem_shared>>
      %dma_wait3A_59 = arith.constant 0 : i32
      %dma_wait3A_60 = tpu.memref_slice %arg9[%add3A_27, %dma_wait3A_59] : memref<50000x32xf32, #tpu.memory_space<vmem_shared>> -> memref<256x32xf32, #tpu.memory_space<vmem_shared>>
      %dma_wait3A_61 = arith.constant 0 : i32
      %dma_wait3A_62 = arith.constant 0 : i32
      %dma_wait3A_63 = tpu.memref_slice %arg17[%dma_wait3A_61, %dma_wait3A_62] : memref<256x32xf32, #tpu.memory_space<vmem>> -> memref<256x32xf32, #tpu.memory_space<vmem>>
      tpu.wait_dma2 semaphore(%run_scoped3A : memref<!tpu.dma_semaphore, #tpu.memory_space<semaphore_mem>>) src(%dma_wait3A_63 : memref<256x32xf32, #tpu.memory_space<vmem>>) dst(%dma_wait3A_60 : memref<256x32xf32, #tpu.memory_space<vmem_shared>>)
      tpu.yield
    }) : () -> ()
    %add3A_28 = arith.constant 2304 : i32
    %add3A_29 = arith.addi %mul3A_2, %add3A_28 : i32
    "tpu.region"() ({
      %run_scoped3A = tpu.sem_alloc : memref<!tpu.dma_semaphore, #tpu.memory_space<semaphore_mem>>
      %dma_start3A = arith.constant 0 : i32
      %dma_start3A_46 = arith.constant 0 : i32
      %dma_start3A_47 = tpu.memref_slice %arg17[%dma_start3A, %dma_start3A_46] : memref<256x32xf32, #tpu.memory_space<vmem>> -> memref<256x32xf32, #tpu.memory_space<vmem>>
      %dma_start3A_48 = arith.constant 0 : i32
      %dma_start3A_49 = tpu.memref_slice %arg9[%add3A_29, %dma_start3A_48] : memref<50000x32xf32, #tpu.memory_space<vmem_shared>> -> memref<256x32xf32, #tpu.memory_space<vmem_shared>>
      %dma_start3A_50 = arith.constant 0 : i32
      %dma_start3A_51 = tpu.memref_slice %arg9[%add3A_29, %dma_start3A_50] : memref<50000x32xf32, #tpu.memory_space<vmem_shared>> -> memref<256x32xf32, #tpu.memory_space<vmem_shared>>
      %dma_start3A_52 = arith.constant 0 : i32
      %dma_start3A_53 = arith.constant 0 : i32
      %dma_start3A_54 = tpu.memref_slice %arg17[%dma_start3A_52, %dma_start3A_53] : memref<256x32xf32, #tpu.memory_space<vmem>> -> memref<256x32xf32, #tpu.memory_space<vmem>>
      tpu.enqueue_dma source(%dma_start3A_54 : memref<256x32xf32, #tpu.memory_space<vmem>>) target(%dma_start3A_51 : memref<256x32xf32, #tpu.memory_space<vmem_shared>>) target_semaphore(%run_scoped3A : memref<!tpu.dma_semaphore, #tpu.memory_space<semaphore_mem>>)
      %dma_wait3A = arith.constant 0 : i32
      %dma_wait3A_55 = arith.constant 0 : i32
      %dma_wait3A_56 = tpu.memref_slice %arg17[%dma_wait3A, %dma_wait3A_55] : memref<256x32xf32, #tpu.memory_space<vmem>> -> memref<256x32xf32, #tpu.memory_space<vmem>>
      %dma_wait3A_57 = arith.constant 0 : i32
      %dma_wait3A_58 = tpu.memref_slice %arg9[%add3A_29, %dma_wait3A_57] : memref<50000x32xf32, #tpu.memory_space<vmem_shared>> -> memref<256x32xf32, #tpu.memory_space<vmem_shared>>
      %dma_wait3A_59 = arith.constant 0 : i32
      %dma_wait3A_60 = tpu.memref_slice %arg9[%add3A_29, %dma_wait3A_59] : memref<50000x32xf32, #tpu.memory_space<vmem_shared>> -> memref<256x32xf32, #tpu.memory_space<vmem_shared>>
      %dma_wait3A_61 = arith.constant 0 : i32
      %dma_wait3A_62 = arith.constant 0 : i32
      %dma_wait3A_63 = tpu.memref_slice %arg17[%dma_wait3A_61, %dma_wait3A_62] : memref<256x32xf32, #tpu.memory_space<vmem>> -> memref<256x32xf32, #tpu.memory_space<vmem>>
      tpu.wait_dma2 semaphore(%run_scoped3A : memref<!tpu.dma_semaphore, #tpu.memory_space<semaphore_mem>>) src(%dma_wait3A_63 : memref<256x32xf32, #tpu.memory_space<vmem>>) dst(%dma_wait3A_60 : memref<256x32xf32, #tpu.memory_space<vmem_shared>>)
      tpu.yield
    }) : () -> ()
    %add3A_30 = arith.constant 2560 : i32
    %add3A_31 = arith.addi %mul3A_2, %add3A_30 : i32
    "tpu.region"() ({
      %run_scoped3A = tpu.sem_alloc : memref<!tpu.dma_semaphore, #tpu.memory_space<semaphore_mem>>
      %dma_start3A = arith.constant 0 : i32
      %dma_start3A_46 = arith.constant 0 : i32
      %dma_start3A_47 = tpu.memref_slice %arg17[%dma_start3A, %dma_start3A_46] : memref<256x32xf32, #tpu.memory_space<vmem>> -> memref<256x32xf32, #tpu.memory_space<vmem>>
      %dma_start3A_48 = arith.constant 0 : i32
      %dma_start3A_49 = tpu.memref_slice %arg9[%add3A_31, %dma_start3A_48] : memref<50000x32xf32, #tpu.memory_space<vmem_shared>> -> memref<256x32xf32, #tpu.memory_space<vmem_shared>>
      %dma_start3A_50 = arith.constant 0 : i32
      %dma_start3A_51 = tpu.memref_slice %arg9[%add3A_31, %dma_start3A_50] : memref<50000x32xf32, #tpu.memory_space<vmem_shared>> -> memref<256x32xf32, #tpu.memory_space<vmem_shared>>
      %dma_start3A_52 = arith.constant 0 : i32
      %dma_start3A_53 = arith.constant 0 : i32
      %dma_start3A_54 = tpu.memref_slice %arg17[%dma_start3A_52, %dma_start3A_53] : memref<256x32xf32, #tpu.memory_space<vmem>> -> memref<256x32xf32, #tpu.memory_space<vmem>>
      tpu.enqueue_dma source(%dma_start3A_54 : memref<256x32xf32, #tpu.memory_space<vmem>>) target(%dma_start3A_51 : memref<256x32xf32, #tpu.memory_space<vmem_shared>>) target_semaphore(%run_scoped3A : memref<!tpu.dma_semaphore, #tpu.memory_space<semaphore_mem>>)
      %dma_wait3A = arith.constant 0 : i32
      %dma_wait3A_55 = arith.constant 0 : i32
      %dma_wait3A_56 = tpu.memref_slice %arg17[%dma_wait3A, %dma_wait3A_55] : memref<256x32xf32, #tpu.memory_space<vmem>> -> memref<256x32xf32, #tpu.memory_space<vmem>>
      %dma_wait3A_57 = arith.constant 0 : i32
      %dma_wait3A_58 = tpu.memref_slice %arg9[%add3A_31, %dma_wait3A_57] : memref<50000x32xf32, #tpu.memory_space<vmem_shared>> -> memref<256x32xf32, #tpu.memory_space<vmem_shared>>
      %dma_wait3A_59 = arith.constant 0 : i32
      %dma_wait3A_60 = tpu.memref_slice %arg9[%add3A_31, %dma_wait3A_59] : memref<50000x32xf32, #tpu.memory_space<vmem_shared>> -> memref<256x32xf32, #tpu.memory_space<vmem_shared>>
      %dma_wait3A_61 = arith.constant 0 : i32
      %dma_wait3A_62 = arith.constant 0 : i32
      %dma_wait3A_63 = tpu.memref_slice %arg17[%dma_wait3A_61, %dma_wait3A_62] : memref<256x32xf32, #tpu.memory_space<vmem>> -> memref<256x32xf32, #tpu.memory_space<vmem>>
      tpu.wait_dma2 semaphore(%run_scoped3A : memref<!tpu.dma_semaphore, #tpu.memory_space<semaphore_mem>>) src(%dma_wait3A_63 : memref<256x32xf32, #tpu.memory_space<vmem>>) dst(%dma_wait3A_60 : memref<256x32xf32, #tpu.memory_space<vmem_shared>>)
      tpu.yield
    }) : () -> ()
    %add3A_32 = arith.constant 2816 : i32
    %add3A_33 = arith.addi %mul3A_2, %add3A_32 : i32
    "tpu.region"() ({
      %run_scoped3A = tpu.sem_alloc : memref<!tpu.dma_semaphore, #tpu.memory_space<semaphore_mem>>
      %dma_start3A = arith.constant 0 : i32
      %dma_start3A_46 = arith.constant 0 : i32
      %dma_start3A_47 = tpu.memref_slice %arg17[%dma_start3A, %dma_start3A_46] : memref<256x32xf32, #tpu.memory_space<vmem>> -> memref<256x32xf32, #tpu.memory_space<vmem>>
      %dma_start3A_48 = arith.constant 0 : i32
      %dma_start3A_49 = tpu.memref_slice %arg9[%add3A_33, %dma_start3A_48] : memref<50000x32xf32, #tpu.memory_space<vmem_shared>> -> memref<256x32xf32, #tpu.memory_space<vmem_shared>>
      %dma_start3A_50 = arith.constant 0 : i32
      %dma_start3A_51 = tpu.memref_slice %arg9[%add3A_33, %dma_start3A_50] : memref<50000x32xf32, #tpu.memory_space<vmem_shared>> -> memref<256x32xf32, #tpu.memory_space<vmem_shared>>
      %dma_start3A_52 = arith.constant 0 : i32
      %dma_start3A_53 = arith.constant 0 : i32
      %dma_start3A_54 = tpu.memref_slice %arg17[%dma_start3A_52, %dma_start3A_53] : memref<256x32xf32, #tpu.memory_space<vmem>> -> memref<256x32xf32, #tpu.memory_space<vmem>>
      tpu.enqueue_dma source(%dma_start3A_54 : memref<256x32xf32, #tpu.memory_space<vmem>>) target(%dma_start3A_51 : memref<256x32xf32, #tpu.memory_space<vmem_shared>>) target_semaphore(%run_scoped3A : memref<!tpu.dma_semaphore, #tpu.memory_space<semaphore_mem>>)
      %dma_wait3A = arith.constant 0 : i32
      %dma_wait3A_55 = arith.constant 0 : i32
      %dma_wait3A_56 = tpu.memref_slice %arg17[%dma_wait3A, %dma_wait3A_55] : memref<256x32xf32, #tpu.memory_space<vmem>> -> memref<256x32xf32, #tpu.memory_space<vmem>>
      %dma_wait3A_57 = arith.constant 0 : i32
      %dma_wait3A_58 = tpu.memref_slice %arg9[%add3A_33, %dma_wait3A_57] : memref<50000x32xf32, #tpu.memory_space<vmem_shared>> -> memref<256x32xf32, #tpu.memory_space<vmem_shared>>
      %dma_wait3A_59 = arith.constant 0 : i32
      %dma_wait3A_60 = tpu.memref_slice %arg9[%add3A_33, %dma_wait3A_59] : memref<50000x32xf32, #tpu.memory_space<vmem_shared>> -> memref<256x32xf32, #tpu.memory_space<vmem_shared>>
      %dma_wait3A_61 = arith.constant 0 : i32
      %dma_wait3A_62 = arith.constant 0 : i32
      %dma_wait3A_63 = tpu.memref_slice %arg17[%dma_wait3A_61, %dma_wait3A_62] : memref<256x32xf32, #tpu.memory_space<vmem>> -> memref<256x32xf32, #tpu.memory_space<vmem>>
      tpu.wait_dma2 semaphore(%run_scoped3A : memref<!tpu.dma_semaphore, #tpu.memory_space<semaphore_mem>>) src(%dma_wait3A_63 : memref<256x32xf32, #tpu.memory_space<vmem>>) dst(%dma_wait3A_60 : memref<256x32xf32, #tpu.memory_space<vmem_shared>>)
      tpu.yield
    }) : () -> ()
    %add3A_34 = arith.constant 3072 : i32
    %add3A_35 = arith.addi %mul3A_2, %add3A_34 : i32
    "tpu.region"() ({
      %run_scoped3A = tpu.sem_alloc : memref<!tpu.dma_semaphore, #tpu.memory_space<semaphore_mem>>
      %dma_start3A = arith.constant 0 : i32
      %dma_start3A_46 = arith.constant 0 : i32
      %dma_start3A_47 = tpu.memref_slice %arg17[%dma_start3A, %dma_start3A_46] : memref<256x32xf32, #tpu.memory_space<vmem>> -> memref<53x32xf32, #tpu.memory_space<vmem>>
      %dma_start3A_48 = arith.constant 0 : i32
      %dma_start3A_49 = tpu.memref_slice %arg9[%add3A_35, %dma_start3A_48] : memref<50000x32xf32, #tpu.memory_space<vmem_shared>> -> memref<53x32xf32, #tpu.memory_space<vmem_shared>>
      %dma_start3A_50 = arith.constant 0 : i32
      %dma_start3A_51 = tpu.memref_slice %arg9[%add3A_35, %dma_start3A_50] : memref<50000x32xf32, #tpu.memory_space<vmem_shared>> -> memref<53x32xf32, #tpu.memory_space<vmem_shared>>
      %dma_start3A_52 = arith.constant 0 : i32
      %dma_start3A_53 = arith.constant 0 : i32
      %dma_start3A_54 = tpu.memref_slice %arg17[%dma_start3A_52, %dma_start3A_53] : memref<256x32xf32, #tpu.memory_space<vmem>> -> memref<53x32xf32, #tpu.memory_space<vmem>>
      tpu.enqueue_dma source(%dma_start3A_54 : memref<53x32xf32, #tpu.memory_space<vmem>>) target(%dma_start3A_51 : memref<53x32xf32, #tpu.memory_space<vmem_shared>>) target_semaphore(%run_scoped3A : memref<!tpu.dma_semaphore, #tpu.memory_space<semaphore_mem>>)
      %dma_wait3A = arith.constant 0 : i32
      %dma_wait3A_55 = arith.constant 0 : i32
      %dma_wait3A_56 = tpu.memref_slice %arg17[%dma_wait3A, %dma_wait3A_55] : memref<256x32xf32, #tpu.memory_space<vmem>> -> memref<53x32xf32, #tpu.memory_space<vmem>>
      %dma_wait3A_57 = arith.constant 0 : i32
      %dma_wait3A_58 = tpu.memref_slice %arg9[%add3A_35, %dma_wait3A_57] : memref<50000x32xf32, #tpu.memory_space<vmem_shared>> -> memref<53x32xf32, #tpu.memory_space<vmem_shared>>
      %dma_wait3A_59 = arith.constant 0 : i32
      %dma_wait3A_60 = tpu.memref_slice %arg9[%add3A_35, %dma_wait3A_59] : memref<50000x32xf32, #tpu.memory_space<vmem_shared>> -> memref<53x32xf32, #tpu.memory_space<vmem_shared>>
      %dma_wait3A_61 = arith.constant 0 : i32
      %dma_wait3A_62 = arith.constant 0 : i32
      %dma_wait3A_63 = tpu.memref_slice %arg17[%dma_wait3A_61, %dma_wait3A_62] : memref<256x32xf32, #tpu.memory_space<vmem>> -> memref<53x32xf32, #tpu.memory_space<vmem>>
      tpu.wait_dma2 semaphore(%run_scoped3A : memref<!tpu.dma_semaphore, #tpu.memory_space<semaphore_mem>>) src(%dma_wait3A_63 : memref<53x32xf32, #tpu.memory_space<vmem>>) dst(%dma_wait3A_60 : memref<53x32xf32, #tpu.memory_space<vmem_shared>>)
      tpu.yield
    }) : () -> ()
    %barrier3A = arith.constant 0 : index
    tpu.barrier barrier_id(%barrier3A)
    %scan3A_36 = arith.constant 0 : i32
    %scan3A_37 = arith.constant 0 : i32
    %scan3A_38 = arith.constant 28 : i32
    %scan3A_39 = arith.addi %scan3A_37, %scan3A_38 : i32
    %scan3A_40 = arith.constant 1 : i32
    scf.for %scan3A_46 = %scan3A_37 to %scan3A_39 step %scan3A_40  : i32 {
      %rem3A = arith.constant 2 : i32
      %rem3A_47 = arith.remsi %scan3A_46, %rem3A : i32
      %mul3A_48 = arith.constant 7 : i32
      %mul3A_49 = arith.muli %rem3A_47, %mul3A_48 : i32
      %eq3A_50 = arith.constant 0 : i32
      %eq3A_51 = arith.cmpi eq, %scan3A_46, %eq3A_50 : i32
      %convert_element_type3A_52 = arith.extui %eq3A_51 : i1 to i32
      %cond3A_53 = arith.constant 0 : i32
      %cond3A_54 = arith.cmpi ne, %convert_element_type3A_52, %cond3A_53 : i32
      scf.if %cond3A_54 {
        %mul3A_399 = arith.constant 196 : i32
        %mul3A_400 = arith.muli %add3A, %mul3A_399 : i32
        %dma_start3A = arith.constant 0 : i32
        %dma_start3A_401 = arith.constant 0 : i32
        %dma_start3A_402 = tpu.memref_slice %arg11[%dma_start3A, %dma_start3A_401] : memref<14x128xi32, #tpu.memory_space<vmem>> -> memref<7x128xi32, #tpu.memory_space<vmem>>
        %dma_start3A_403 = arith.constant 0 : i32
        %dma_start3A_404 = tpu.memref_slice %arg4[%mul3A_400, %dma_start3A_403] : memref<6272x128xi32, #tpu.memory_space<hbm>> -> memref<7x128xi32, #tpu.memory_space<hbm>>
        %dma_start3A_405 = arith.constant 0 : i32
        %dma_start3A_406 = arith.constant 0 : i32
        %dma_start3A_407 = tpu.memref_slice %arg11[%dma_start3A_405, %dma_start3A_406] : memref<14x128xi32, #tpu.memory_space<vmem>> -> memref<7x128xi32, #tpu.memory_space<vmem>>
        %dma_start3A_408 = arith.constant 0 : i32
        %dma_start3A_409 = tpu.memref_slice %arg4[%mul3A_400, %dma_start3A_408] : memref<6272x128xi32, #tpu.memory_space<hbm>> -> memref<7x128xi32, #tpu.memory_space<hbm>>
        tpu.enqueue_dma source(%dma_start3A_409 : memref<7x128xi32, #tpu.memory_space<hbm>>) target(%dma_start3A_407 : memref<7x128xi32, #tpu.memory_space<vmem>>) target_semaphore(%arg20 : memref<!tpu.dma_semaphore, #tpu.memory_space<semaphore_mem>>)
        %dma_start3A_410 = arith.constant 0 : i32
        %dma_start3A_411 = arith.constant 0 : i32
        %dma_start3A_412 = tpu.memref_slice %arg12[%dma_start3A_410, %dma_start3A_411] : memref<14x128xi32, #tpu.memory_space<vmem>> -> memref<7x128xi32, #tpu.memory_space<vmem>>
        %dma_start3A_413 = arith.constant 0 : i32
        %dma_start3A_414 = tpu.memref_slice %arg5[%mul3A_400, %dma_start3A_413] : memref<6272x128xi32, #tpu.memory_space<hbm>> -> memref<7x128xi32, #tpu.memory_space<hbm>>
        %dma_start3A_415 = arith.constant 0 : i32
        %dma_start3A_416 = arith.constant 0 : i32
        %dma_start3A_417 = tpu.memref_slice %arg12[%dma_start3A_415, %dma_start3A_416] : memref<14x128xi32, #tpu.memory_space<vmem>> -> memref<7x128xi32, #tpu.memory_space<vmem>>
        %dma_start3A_418 = arith.constant 0 : i32
        %dma_start3A_419 = tpu.memref_slice %arg5[%mul3A_400, %dma_start3A_418] : memref<6272x128xi32, #tpu.memory_space<hbm>> -> memref<7x128xi32, #tpu.memory_space<hbm>>
        tpu.enqueue_dma source(%dma_start3A_419 : memref<7x128xi32, #tpu.memory_space<hbm>>) target(%dma_start3A_417 : memref<7x128xi32, #tpu.memory_space<vmem>>) target_semaphore(%arg20 : memref<!tpu.dma_semaphore, #tpu.memory_space<semaphore_mem>>)
        %dma_start3A_420 = arith.constant 0 : i32
        %dma_start3A_421 = arith.constant 0 : i32
        %dma_start3A_422 = tpu.memref_slice %arg13[%dma_start3A_420, %dma_start3A_421] : memref<14x128xi32, #tpu.memory_space<vmem>> -> memref<7x128xi32, #tpu.memory_space<vmem>>
        %dma_start3A_423 = arith.constant 0 : i32
        %dma_start3A_424 = tpu.memref_slice %arg6[%mul3A_400, %dma_start3A_423] : memref<6272x128xi32, #tpu.memory_space<hbm>> -> memref<7x128xi32, #tpu.memory_space<hbm>>
        %dma_start3A_425 = arith.constant 0 : i32
        %dma_start3A_426 = arith.constant 0 : i32
        %dma_start3A_427 = tpu.memref_slice %arg13[%dma_start3A_425, %dma_start3A_426] : memref<14x128xi32, #tpu.memory_space<vmem>> -> memref<7x128xi32, #tpu.memory_space<vmem>>
        %dma_start3A_428 = arith.constant 0 : i32
        %dma_start3A_429 = tpu.memref_slice %arg6[%mul3A_400, %dma_start3A_428] : memref<6272x128xi32, #tpu.memory_space<hbm>> -> memref<7x128xi32, #tpu.memory_space<hbm>>
        tpu.enqueue_dma source(%dma_start3A_429 : memref<7x128xi32, #tpu.memory_space<hbm>>) target(%dma_start3A_427 : memref<7x128xi32, #tpu.memory_space<vmem>>) target_semaphore(%arg20 : memref<!tpu.dma_semaphore, #tpu.memory_space<semaphore_mem>>)
        %dma_start3A_430 = arith.constant 0 : i32
        %dma_start3A_431 = arith.constant 0 : i32
        %dma_start3A_432 = tpu.memref_slice %arg14[%dma_start3A_430, %dma_start3A_431] : memref<14x128xf32, #tpu.memory_space<vmem>> -> memref<7x128xf32, #tpu.memory_space<vmem>>
        %dma_start3A_433 = arith.constant 0 : i32
        %dma_start3A_434 = tpu.memref_slice %arg7[%mul3A_400, %dma_start3A_433] : memref<6272x128xf32, #tpu.memory_space<hbm>> -> memref<7x128xf32, #tpu.memory_space<hbm>>
        %dma_start3A_435 = arith.constant 0 : i32
        %dma_start3A_436 = arith.constant 0 : i32
        %dma_start3A_437 = tpu.memref_slice %arg14[%dma_start3A_435, %dma_start3A_436] : memref<14x128xf32, #tpu.memory_space<vmem>> -> memref<7x128xf32, #tpu.memory_space<vmem>>
        %dma_start3A_438 = arith.constant 0 : i32
        %dma_start3A_439 = tpu.memref_slice %arg7[%mul3A_400, %dma_start3A_438] : memref<6272x128xf32, #tpu.memory_space<hbm>> -> memref<7x128xf32, #tpu.memory_space<hbm>>
        tpu.enqueue_dma source(%dma_start3A_439 : memref<7x128xf32, #tpu.memory_space<hbm>>) target(%dma_start3A_437 : memref<7x128xf32, #tpu.memory_space<vmem>>) target_semaphore(%arg20 : memref<!tpu.dma_semaphore, #tpu.memory_space<semaphore_mem>>)
      } else {
      }
      %dma_wait3A = arith.constant 0 : i32
      %dma_wait3A_55 = arith.constant 0 : i32
      %dma_wait3A_56 = tpu.memref_slice %arg11[%dma_wait3A, %dma_wait3A_55] : memref<14x128xi32, #tpu.memory_space<vmem>> -> memref<7x128xi32, #tpu.memory_space<vmem>>
      %dma_wait3A_57 = arith.constant 0 : i32
      %dma_wait3A_58 = arith.constant 0 : i32
      %dma_wait3A_59 = tpu.memref_slice %arg4[%dma_wait3A_57, %dma_wait3A_58] : memref<6272x128xi32, #tpu.memory_space<hbm>> -> memref<7x128xi32, #tpu.memory_space<hbm>>
      %dma_wait3A_60 = arith.constant 0 : i32
      %dma_wait3A_61 = arith.constant 0 : i32
      %dma_wait3A_62 = tpu.memref_slice %arg11[%dma_wait3A_60, %dma_wait3A_61] : memref<14x128xi32, #tpu.memory_space<vmem>> -> memref<7x128xi32, #tpu.memory_space<vmem>>
      %dma_wait3A_63 = arith.constant 0 : i32
      %dma_wait3A_64 = arith.constant 0 : i32
      %dma_wait3A_65 = tpu.memref_slice %arg4[%dma_wait3A_63, %dma_wait3A_64] : memref<6272x128xi32, #tpu.memory_space<hbm>> -> memref<7x128xi32, #tpu.memory_space<hbm>>
      tpu.wait_dma2 semaphore(%arg20 : memref<!tpu.dma_semaphore, #tpu.memory_space<semaphore_mem>>) src(%dma_wait3A_65 : memref<7x128xi32, #tpu.memory_space<hbm>>) dst(%dma_wait3A_62 : memref<7x128xi32, #tpu.memory_space<vmem>>)
      %dma_wait3A_66 = arith.constant 0 : i32
      %dma_wait3A_67 = arith.constant 0 : i32
      %dma_wait3A_68 = tpu.memref_slice %arg11[%dma_wait3A_66, %dma_wait3A_67] : memref<14x128xi32, #tpu.memory_space<vmem>> -> memref<7x128xi32, #tpu.memory_space<vmem>>
      %dma_wait3A_69 = arith.constant 0 : i32
      %dma_wait3A_70 = arith.constant 0 : i32
      %dma_wait3A_71 = tpu.memref_slice %arg4[%dma_wait3A_69, %dma_wait3A_70] : memref<6272x128xi32, #tpu.memory_space<hbm>> -> memref<7x128xi32, #tpu.memory_space<hbm>>
      %dma_wait3A_72 = arith.constant 0 : i32
      %dma_wait3A_73 = arith.constant 0 : i32
      %dma_wait3A_74 = tpu.memref_slice %arg11[%dma_wait3A_72, %dma_wait3A_73] : memref<14x128xi32, #tpu.memory_space<vmem>> -> memref<7x128xi32, #tpu.memory_space<vmem>>
      %dma_wait3A_75 = arith.constant 0 : i32
      %dma_wait3A_76 = arith.constant 0 : i32
      %dma_wait3A_77 = tpu.memref_slice %arg4[%dma_wait3A_75, %dma_wait3A_76] : memref<6272x128xi32, #tpu.memory_space<hbm>> -> memref<7x128xi32, #tpu.memory_space<hbm>>
      tpu.wait_dma2 semaphore(%arg20 : memref<!tpu.dma_semaphore, #tpu.memory_space<semaphore_mem>>) src(%dma_wait3A_77 : memref<7x128xi32, #tpu.memory_space<hbm>>) dst(%dma_wait3A_74 : memref<7x128xi32, #tpu.memory_space<vmem>>)
      %dma_wait3A_78 = arith.constant 0 : i32
      %dma_wait3A_79 = arith.constant 0 : i32
      %dma_wait3A_80 = tpu.memref_slice %arg11[%dma_wait3A_78, %dma_wait3A_79] : memref<14x128xi32, #tpu.memory_space<vmem>> -> memref<7x128xi32, #tpu.memory_space<vmem>>
      %dma_wait3A_81 = arith.constant 0 : i32
      %dma_wait3A_82 = arith.constant 0 : i32
      %dma_wait3A_83 = tpu.memref_slice %arg4[%dma_wait3A_81, %dma_wait3A_82] : memref<6272x128xi32, #tpu.memory_space<hbm>> -> memref<7x128xi32, #tpu.memory_space<hbm>>
      %dma_wait3A_84 = arith.constant 0 : i32
      %dma_wait3A_85 = arith.constant 0 : i32
      %dma_wait3A_86 = tpu.memref_slice %arg11[%dma_wait3A_84, %dma_wait3A_85] : memref<14x128xi32, #tpu.memory_space<vmem>> -> memref<7x128xi32, #tpu.memory_space<vmem>>
      %dma_wait3A_87 = arith.constant 0 : i32
      %dma_wait3A_88 = arith.constant 0 : i32
      %dma_wait3A_89 = tpu.memref_slice %arg4[%dma_wait3A_87, %dma_wait3A_88] : memref<6272x128xi32, #tpu.memory_space<hbm>> -> memref<7x128xi32, #tpu.memory_space<hbm>>
      tpu.wait_dma2 semaphore(%arg20 : memref<!tpu.dma_semaphore, #tpu.memory_space<semaphore_mem>>) src(%dma_wait3A_89 : memref<7x128xi32, #tpu.memory_space<hbm>>) dst(%dma_wait3A_86 : memref<7x128xi32, #tpu.memory_space<vmem>>)
      %dma_wait3A_90 = arith.constant 0 : i32
      %dma_wait3A_91 = arith.constant 0 : i32
      %dma_wait3A_92 = tpu.memref_slice %arg11[%dma_wait3A_90, %dma_wait3A_91] : memref<14x128xi32, #tpu.memory_space<vmem>> -> memref<7x128xi32, #tpu.memory_space<vmem>>
      %dma_wait3A_93 = arith.constant 0 : i32
      %dma_wait3A_94 = arith.constant 0 : i32
      %dma_wait3A_95 = tpu.memref_slice %arg4[%dma_wait3A_93, %dma_wait3A_94] : memref<6272x128xi32, #tpu.memory_space<hbm>> -> memref<7x128xi32, #tpu.memory_space<hbm>>
      %dma_wait3A_96 = arith.constant 0 : i32
      %dma_wait3A_97 = arith.constant 0 : i32
      %dma_wait3A_98 = tpu.memref_slice %arg11[%dma_wait3A_96, %dma_wait3A_97] : memref<14x128xi32, #tpu.memory_space<vmem>> -> memref<7x128xi32, #tpu.memory_space<vmem>>
      %dma_wait3A_99 = arith.constant 0 : i32
      %dma_wait3A_100 = arith.constant 0 : i32
      %dma_wait3A_101 = tpu.memref_slice %arg4[%dma_wait3A_99, %dma_wait3A_100] : memref<6272x128xi32, #tpu.memory_space<hbm>> -> memref<7x128xi32, #tpu.memory_space<hbm>>
      tpu.wait_dma2 semaphore(%arg20 : memref<!tpu.dma_semaphore, #tpu.memory_space<semaphore_mem>>) src(%dma_wait3A_101 : memref<7x128xi32, #tpu.memory_space<hbm>>) dst(%dma_wait3A_98 : memref<7x128xi32, #tpu.memory_space<vmem>>)
      %add3A_102 = arith.constant 1 : i32
      %add3A_103 = arith.addi %scan3A_46, %add3A_102 : i32
      %lt3A = arith.constant 28 : i32
      %lt3A_104 = arith.cmpi slt, %add3A_103, %lt3A : i32
      %convert_element_type3A_105 = arith.extui %lt3A_104 : i1 to i32
      %cond3A_106 = arith.constant 0 : i32
      %cond3A_107 = arith.cmpi ne, %convert_element_type3A_105, %cond3A_106 : i32
      scf.if %cond3A_107 {
        %mul3A_399 = arith.constant 196 : i32
        %mul3A_400 = arith.muli %add3A, %mul3A_399 : i32
        %add3A_401 = arith.constant 1 : i32
        %add3A_402 = arith.addi %scan3A_46, %add3A_401 : i32
        %mul3A_403 = arith.constant 7 : i32
        %mul3A_404 = arith.muli %add3A_402, %mul3A_403 : i32
        %add3A_405 = arith.addi %mul3A_400, %mul3A_404 : i32
        %sub3A = arith.constant 7 : i32
        %sub3A_406 = arith.subi %sub3A, %mul3A_49 : i32
        %dma_start3A = arith.constant 0 : i32
        %dma_start3A_407 = tpu.memref_slice %arg11[%sub3A_406, %dma_start3A] : memref<14x128xi32, #tpu.memory_space<vmem>> -> memref<7x128xi32, #tpu.memory_space<vmem>>
        %dma_start3A_408 = arith.constant 0 : i32
        %dma_start3A_409 = tpu.memref_slice %arg4[%add3A_405, %dma_start3A_408] : memref<6272x128xi32, #tpu.memory_space<hbm>> -> memref<7x128xi32, #tpu.memory_space<hbm>>
        %dma_start3A_410 = arith.constant 0 : i32
        %dma_start3A_411 = tpu.memref_slice %arg11[%sub3A_406, %dma_start3A_410] : memref<14x128xi32, #tpu.memory_space<vmem>> -> memref<7x128xi32, #tpu.memory_space<vmem>>
        %dma_start3A_412 = arith.constant 0 : i32
        %dma_start3A_413 = tpu.memref_slice %arg4[%add3A_405, %dma_start3A_412] : memref<6272x128xi32, #tpu.memory_space<hbm>> -> memref<7x128xi32, #tpu.memory_space<hbm>>
        tpu.enqueue_dma source(%dma_start3A_413 : memref<7x128xi32, #tpu.memory_space<hbm>>) target(%dma_start3A_411 : memref<7x128xi32, #tpu.memory_space<vmem>>) target_semaphore(%arg20 : memref<!tpu.dma_semaphore, #tpu.memory_space<semaphore_mem>>)
        %dma_start3A_414 = arith.constant 0 : i32
        %dma_start3A_415 = tpu.memref_slice %arg12[%sub3A_406, %dma_start3A_414] : memref<14x128xi32, #tpu.memory_space<vmem>> -> memref<7x128xi32, #tpu.memory_space<vmem>>
        %dma_start3A_416 = arith.constant 0 : i32
        %dma_start3A_417 = tpu.memref_slice %arg5[%add3A_405, %dma_start3A_416] : memref<6272x128xi32, #tpu.memory_space<hbm>> -> memref<7x128xi32, #tpu.memory_space<hbm>>
        %dma_start3A_418 = arith.constant 0 : i32
        %dma_start3A_419 = tpu.memref_slice %arg12[%sub3A_406, %dma_start3A_418] : memref<14x128xi32, #tpu.memory_space<vmem>> -> memref<7x128xi32, #tpu.memory_space<vmem>>
        %dma_start3A_420 = arith.constant 0 : i32
        %dma_start3A_421 = tpu.memref_slice %arg5[%add3A_405, %dma_start3A_420] : memref<6272x128xi32, #tpu.memory_space<hbm>> -> memref<7x128xi32, #tpu.memory_space<hbm>>
        tpu.enqueue_dma source(%dma_start3A_421 : memref<7x128xi32, #tpu.memory_space<hbm>>) target(%dma_start3A_419 : memref<7x128xi32, #tpu.memory_space<vmem>>) target_semaphore(%arg20 : memref<!tpu.dma_semaphore, #tpu.memory_space<semaphore_mem>>)
        %dma_start3A_422 = arith.constant 0 : i32
        %dma_start3A_423 = tpu.memref_slice %arg13[%sub3A_406, %dma_start3A_422] : memref<14x128xi32, #tpu.memory_space<vmem>> -> memref<7x128xi32, #tpu.memory_space<vmem>>
        %dma_start3A_424 = arith.constant 0 : i32
        %dma_start3A_425 = tpu.memref_slice %arg6[%add3A_405, %dma_start3A_424] : memref<6272x128xi32, #tpu.memory_space<hbm>> -> memref<7x128xi32, #tpu.memory_space<hbm>>
        %dma_start3A_426 = arith.constant 0 : i32
        %dma_start3A_427 = tpu.memref_slice %arg13[%sub3A_406, %dma_start3A_426] : memref<14x128xi32, #tpu.memory_space<vmem>> -> memref<7x128xi32, #tpu.memory_space<vmem>>
        %dma_start3A_428 = arith.constant 0 : i32
        %dma_start3A_429 = tpu.memref_slice %arg6[%add3A_405, %dma_start3A_428] : memref<6272x128xi32, #tpu.memory_space<hbm>> -> memref<7x128xi32, #tpu.memory_space<hbm>>
        tpu.enqueue_dma source(%dma_start3A_429 : memref<7x128xi32, #tpu.memory_space<hbm>>) target(%dma_start3A_427 : memref<7x128xi32, #tpu.memory_space<vmem>>) target_semaphore(%arg20 : memref<!tpu.dma_semaphore, #tpu.memory_space<semaphore_mem>>)
        %dma_start3A_430 = arith.constant 0 : i32
        %dma_start3A_431 = tpu.memref_slice %arg14[%sub3A_406, %dma_start3A_430] : memref<14x128xf32, #tpu.memory_space<vmem>> -> memref<7x128xf32, #tpu.memory_space<vmem>>
        %dma_start3A_432 = arith.constant 0 : i32
        %dma_start3A_433 = tpu.memref_slice %arg7[%add3A_405, %dma_start3A_432] : memref<6272x128xf32, #tpu.memory_space<hbm>> -> memref<7x128xf32, #tpu.memory_space<hbm>>
        %dma_start3A_434 = arith.constant 0 : i32
        %dma_start3A_435 = tpu.memref_slice %arg14[%sub3A_406, %dma_start3A_434] : memref<14x128xf32, #tpu.memory_space<vmem>> -> memref<7x128xf32, #tpu.memory_space<vmem>>
        %dma_start3A_436 = arith.constant 0 : i32
        %dma_start3A_437 = tpu.memref_slice %arg7[%add3A_405, %dma_start3A_436] : memref<6272x128xf32, #tpu.memory_space<hbm>> -> memref<7x128xf32, #tpu.memory_space<hbm>>
        tpu.enqueue_dma source(%dma_start3A_437 : memref<7x128xf32, #tpu.memory_space<hbm>>) target(%dma_start3A_435 : memref<7x128xf32, #tpu.memory_space<vmem>>) target_semaphore(%arg20 : memref<!tpu.dma_semaphore, #tpu.memory_space<semaphore_mem>>)
      } else {
      }
      %add3A_108 = arith.constant 0 : i32
      %add3A_109 = arith.addi %mul3A_49, %add3A_108 : i32
      %get3A = arith.index_cast %add3A_109 : i32 to index
      %get3A_110 = arith.constant 0 : index
      %get3A_111 = tpu.vector_load %arg14[%get3A, %get3A_110] {strides = array<i32>} : memref<14x128xf32, #tpu.memory_space<vmem>>, vector<16xf32>,
      %get3A_112 = arith.index_cast %add3A_109 : i32 to index
      %get3A_113 = arith.constant 16 : index
      %get3A_114 = tpu.vector_load %arg14[%get3A_112, %get3A_113] {strides = array<i32>} : memref<14x128xf32, #tpu.memory_space<vmem>>, vector<16xf32>,
      %add3A_115 = arith.addf %get3A_111, %get3A_114 : vector<16xf32>
      %get3A_116 = arith.index_cast %add3A_109 : i32 to index
      %get3A_117 = arith.constant 32 : index
      %get3A_118 = tpu.vector_load %arg14[%get3A_116, %get3A_117] {strides = array<i32>} : memref<14x128xf32, #tpu.memory_space<vmem>>, vector<16xf32>,
      %add3A_119 = arith.addf %add3A_115, %get3A_118 : vector<16xf32>
      %get3A_120 = arith.index_cast %add3A_109 : i32 to index
      %get3A_121 = arith.constant 48 : index
      %get3A_122 = tpu.vector_load %arg14[%get3A_120, %get3A_121] {strides = array<i32>} : memref<14x128xf32, #tpu.memory_space<vmem>>, vector<16xf32>,
      %add3A_123 = arith.addf %add3A_119, %get3A_122 : vector<16xf32>
      %get3A_124 = arith.index_cast %add3A_109 : i32 to index
      %get3A_125 = arith.constant 64 : index
      %get3A_126 = tpu.vector_load %arg14[%get3A_124, %get3A_125] {strides = array<i32>} : memref<14x128xf32, #tpu.memory_space<vmem>>, vector<16xf32>,
      %add3A_127 = arith.addf %add3A_123, %get3A_126 : vector<16xf32>
      %get3A_128 = arith.index_cast %add3A_109 : i32 to index
      %get3A_129 = arith.constant 80 : index
      %get3A_130 = tpu.vector_load %arg14[%get3A_128, %get3A_129] {strides = array<i32>} : memref<14x128xf32, #tpu.memory_space<vmem>>, vector<16xf32>,
      %add3A_131 = arith.addf %add3A_127, %get3A_130 : vector<16xf32>
      %get3A_132 = arith.index_cast %add3A_109 : i32 to index
      %get3A_133 = arith.constant 96 : index
      %get3A_134 = tpu.vector_load %arg14[%get3A_132, %get3A_133] {strides = array<i32>} : memref<14x128xf32, #tpu.memory_space<vmem>>, vector<16xf32>,
      %add3A_135 = arith.addf %add3A_131, %get3A_134 : vector<16xf32>
      %get3A_136 = arith.index_cast %add3A_109 : i32 to index
      %get3A_137 = arith.constant 112 : index
      %get3A_138 = tpu.vector_load %arg14[%get3A_136, %get3A_137] {strides = array<i32>} : memref<14x128xf32, #tpu.memory_space<vmem>>, vector<16xf32>,
      %add3A_139 = arith.addf %add3A_135, %get3A_138 : vector<16xf32>
      %reduce_sum3A = arith.constant true
      %reduce_sum3A_140 = vector.broadcast %reduce_sum3A : i1 to vector<16xi1>
      %reduce_sum3A_141 = tpu.scan <sum>, %add3A_139 masked %reduce_sum3A_140 : vector<16xf32>, vector<16xi1> -> vector<16xf32>
      %reduce_sum3A_142 = vector.extract %reduce_sum3A_141[15] : f32 from vector<16xf32>
      %gt3A = arith.constant 0.000000e+00 : f32
      %gt3A_143 = arith.cmpf ogt, %reduce_sum3A_142, %gt3A : f32
      %convert_element_type3A_144 = arith.extui %gt3A_143 : i1 to i32
      %cond3A_145 = arith.constant 0 : i32
      %cond3A_146 = arith.cmpi ne, %convert_element_type3A_144, %cond3A_145 : i32
      scf.if %cond3A_146 {
        %dma_start3A = arith.constant 0 : i32
        %dma_start3A_399 = arith.constant 0 : i32
        %dma_start3A_400 = tpu.memref_slice %arg15[%dma_start3A, %dma_start3A_399] : memref<384x32xbf16, #tpu.memory_space<vmem>> -> memref<128x32xbf16, #tpu.memory_space<vmem>>
        %dma_start3A_401 = arith.constant 0 : i32
        %dma_start3A_402 = tpu.memref_slice %arg11[%add3A_109, %dma_start3A_401] : memref<14x128xi32, #tpu.memory_space<vmem>> -> memref<1x128xi32, #tpu.memory_space<vmem>>
        %dma_start3A_403 = tpu.memref_squeeze %dma_start3A_402 : memref<1x128xi32, #tpu.memory_space<vmem>> -> memref<128xi32, #tpu.memory_space<vmem>>
        %dma_start3A_404 = arith.constant 0 : i32
        %dma_start3A_405 = arith.constant 0 : i32
        %dma_start3A_406 = tpu.memref_slice %arg2[%dma_start3A_404, %dma_start3A_405] : memref<50000x32xbf16, #tpu.memory_space<hbm>> -> memref<50000x32xbf16, #tpu.memory_space<hbm>>
        tpu.enqueue_indirect_dma source(%dma_start3A_406 : memref<50000x32xbf16, #tpu.memory_space<hbm>>) target(%dma_start3A_400 : memref<128x32xbf16, #tpu.memory_space<vmem>>) offsets(%dma_start3A_403 : memref<128xi32, #tpu.memory_space<vmem>>) semaphore(%arg18 : memref<!tpu.dma_semaphore, #tpu.memory_space<semaphore_mem>>)
        %dma_start3A_407 = arith.constant 0 : i32
        %dma_start3A_408 = arith.constant 0 : i32
        %dma_start3A_409 = tpu.memref_slice %arg16[%dma_start3A_407, %dma_start3A_408] : memref<256x32xf32, #tpu.memory_space<vmem>> -> memref<128x32xf32, #tpu.memory_space<vmem>>
        %dma_start3A_410 = arith.constant 0 : i32
        %dma_start3A_411 = tpu.memref_slice %arg12[%add3A_109, %dma_start3A_410] : memref<14x128xi32, #tpu.memory_space<vmem>> -> memref<1x128xi32, #tpu.memory_space<vmem>>
        %dma_start3A_412 = tpu.memref_squeeze %dma_start3A_411 : memref<1x128xi32, #tpu.memory_space<vmem>> -> memref<128xi32, #tpu.memory_space<vmem>>
        %dma_start3A_413 = arith.constant 0 : i32
        %dma_start3A_414 = arith.constant 0 : i32
        %dma_start3A_415 = tpu.memref_slice %arg10[%dma_start3A_413, %dma_start3A_414] : memref<512x32xf32, #tpu.memory_space<vmem_shared>> -> memref<512x32xf32, #tpu.memory_space<vmem_shared>>
        tpu.enqueue_indirect_dma source(%dma_start3A_415 : memref<512x32xf32, #tpu.memory_space<vmem_shared>>) target(%dma_start3A_409 : memref<128x32xf32, #tpu.memory_space<vmem>>) offsets(%dma_start3A_412 : memref<128xi32, #tpu.memory_space<vmem>>) semaphore(%arg19 : memref<!tpu.dma_semaphore, #tpu.memory_space<semaphore_mem>>)
        %dma_wait3A_416 = arith.constant 0 : i32
        %dma_wait3A_417 = arith.constant 0 : i32
        %dma_wait3A_418 = tpu.memref_slice %arg15[%dma_wait3A_416, %dma_wait3A_417] : memref<384x32xbf16, #tpu.memory_space<vmem>> -> memref<128x32xbf16, #tpu.memory_space<vmem>>
        %dma_wait3A_419 = arith.constant 0 : i32
        %dma_wait3A_420 = tpu.memref_slice %arg11[%add3A_109, %dma_wait3A_419] : memref<14x128xi32, #tpu.memory_space<vmem>> -> memref<1x128xi32, #tpu.memory_space<vmem>>
        %dma_wait3A_421 = tpu.memref_squeeze %dma_wait3A_420 : memref<1x128xi32, #tpu.memory_space<vmem>> -> memref<128xi32, #tpu.memory_space<vmem>>
        %dma_wait3A_422 = arith.constant 0 : i32
        %dma_wait3A_423 = arith.constant 0 : i32
        %dma_wait3A_424 = tpu.memref_slice %arg2[%dma_wait3A_422, %dma_wait3A_423] : memref<50000x32xbf16, #tpu.memory_space<hbm>> -> memref<50000x32xbf16, #tpu.memory_space<hbm>>
        tpu.wait_indirect_dma semaphore(%arg18 : memref<!tpu.dma_semaphore, #tpu.memory_space<semaphore_mem>>) src(%dma_wait3A_424 : memref<50000x32xbf16, #tpu.memory_space<hbm>>) dst(%dma_wait3A_418 : memref<128x32xbf16, #tpu.memory_space<vmem>>)
        %dma_wait3A_425 = arith.constant 0 : i32
        %dma_wait3A_426 = arith.constant 0 : i32
        %dma_wait3A_427 = tpu.memref_slice %arg16[%dma_wait3A_425, %dma_wait3A_426] : memref<256x32xf32, #tpu.memory_space<vmem>> -> memref<128x32xf32, #tpu.memory_space<vmem>>
        %dma_wait3A_428 = arith.constant 0 : i32
        %dma_wait3A_429 = tpu.memref_slice %arg12[%add3A_109, %dma_wait3A_428] : memref<14x128xi32, #tpu.memory_space<vmem>> -> memref<1x128xi32, #tpu.memory_space<vmem>>
        %dma_wait3A_430 = tpu.memref_squeeze %dma_wait3A_429 : memref<1x128xi32, #tpu.memory_space<vmem>> -> memref<128xi32, #tpu.memory_space<vmem>>
        %dma_wait3A_431 = arith.constant 0 : i32
        %dma_wait3A_432 = arith.constant 0 : i32
        %dma_wait3A_433 = tpu.memref_slice %arg10[%dma_wait3A_431, %dma_wait3A_432] : memref<512x32xf32, #tpu.memory_space<vmem_shared>> -> memref<512x32xf32, #tpu.memory_space<vmem_shared>>
        tpu.wait_indirect_dma semaphore(%arg19 : memref<!tpu.dma_semaphore, #tpu.memory_space<semaphore_mem>>) src(%dma_wait3A_433 : memref<512x32xf32, #tpu.memory_space<vmem_shared>>) dst(%dma_wait3A_427 : memref<128x32xf32, #tpu.memory_space<vmem>>)
        %parallel_loop3A = arith.constant 0 : i32
        %parallel_loop3A_434 = arith.constant 128 : i32
        %parallel_loop3A_435 = arith.constant 1 : i32
        scf.for %parallel_loop3A_436 = %parallel_loop3A to %parallel_loop3A_434 step %parallel_loop3A_435  : i32 {
          %parallel_loop3A_437 = arith.index_cast %parallel_loop3A_436 : i32 to index
          %parallel_loop3A_438 = arith.constant 0 : index
          %parallel_loop3A_439 = tpu.vector_load %arg15[%parallel_loop3A_437, %parallel_loop3A_438] {strides = array<i32>} : memref<384x32xbf16, #tpu.memory_space<vmem>>, vector<32xbf16>,
          %parallel_loop3A_440 = tpu.unpack_subelements %parallel_loop3A_439, 0 {pack_format = #tpu.pack_format<interleaved>} : vector<32xbf16> -> vector<16xf32>
          %parallel_loop3A_441 = tpu.unpack_subelements %parallel_loop3A_439, 1 {pack_format = #tpu.pack_format<interleaved>} : vector<32xbf16> -> vector<16xf32>
          %parallel_loop3A_442 = arith.index_cast %parallel_loop3A_436 : i32 to index
          %parallel_loop3A_443 = arith.constant 0 : index
          %parallel_loop3A_444 = tpu.vector_load %arg16[%parallel_loop3A_442, %parallel_loop3A_443] {strides = array<i32>} : memref<256x32xf32, #tpu.memory_space<vmem>>, vector<16xf32>,
          %parallel_loop3A_445 = arith.mulf %parallel_loop3A_440, %parallel_loop3A_444 : vector<16xf32>
          %parallel_loop3A_446 = arith.index_cast %parallel_loop3A_436 : i32 to index
          %parallel_loop3A_447 = arith.constant 0 : index
          %parallel_loop3A_448 = tpu.vector_load %arg17[%parallel_loop3A_446, %parallel_loop3A_447] {strides = array<i32>} : memref<256x32xf32, #tpu.memory_space<vmem>>, vector<16xf32>,
          tpu.vector_store %arg17[%parallel_loop3A_446, %parallel_loop3A_447], %parallel_loop3A_445 {strides = array<i32>} : memref<256x32xf32, #tpu.memory_space<vmem>>, vector<16xf32>,
          %parallel_loop3A_449 = arith.index_cast %parallel_loop3A_436 : i32 to index
          %parallel_loop3A_450 = arith.constant 16 : index
          %parallel_loop3A_451 = tpu.vector_load %arg16[%parallel_loop3A_449, %parallel_loop3A_450] {strides = array<i32>} : memref<256x32xf32, #tpu.memory_space<vmem>>, vector<16xf32>,
          %parallel_loop3A_452 = arith.mulf %parallel_loop3A_441, %parallel_loop3A_451 : vector<16xf32>
          %parallel_loop3A_453 = arith.index_cast %parallel_loop3A_436 : i32 to index
          %parallel_loop3A_454 = arith.constant 16 : index
          %parallel_loop3A_455 = tpu.vector_load %arg17[%parallel_loop3A_453, %parallel_loop3A_454] {strides = array<i32>} : memref<256x32xf32, #tpu.memory_space<vmem>>, vector<16xf32>,
          tpu.vector_store %arg17[%parallel_loop3A_453, %parallel_loop3A_454], %parallel_loop3A_452 {strides = array<i32>} : memref<256x32xf32, #tpu.memory_space<vmem>>, vector<16xf32>,
        } {sc.loop_unroll_factor = 4 : i64, sc.parallel_access}
        "tpu.region"() ({
          %run_scoped3A = tpu.sem_alloc : memref<!tpu.dma_semaphore, #tpu.memory_space<semaphore_mem>>
          %dma_start3A_436 = arith.constant 0 : i32
          %dma_start3A_437 = arith.constant 0 : i32
          %dma_start3A_438 = tpu.memref_slice %arg17[%dma_start3A_436, %dma_start3A_437] : memref<256x32xf32, #tpu.memory_space<vmem>> -> memref<128x32xf32, #tpu.memory_space<vmem>>
          %dma_start3A_439 = arith.constant 0 : i32
          %dma_start3A_440 = tpu.memref_slice %arg13[%add3A_109, %dma_start3A_439] : memref<14x128xi32, #tpu.memory_space<vmem>> -> memref<1x128xi32, #tpu.memory_space<vmem>>
          %dma_start3A_441 = tpu.memref_squeeze %dma_start3A_440 : memref<1x128xi32, #tpu.memory_space<vmem>> -> memref<128xi32, #tpu.memory_space<vmem>>
          %dma_start3A_442 = arith.constant 0 : i32
          %dma_start3A_443 = arith.constant 0 : i32
          %dma_start3A_444 = tpu.memref_slice %arg9[%dma_start3A_442, %dma_start3A_443] : memref<50000x32xf32, #tpu.memory_space<vmem_shared>> -> memref<50000x32xf32, #tpu.memory_space<vmem_shared>>
          tpu.enqueue_indirect_dma source(%dma_start3A_438 : memref<128x32xf32, #tpu.memory_space<vmem>>) target(%dma_start3A_444 : memref<50000x32xf32, #tpu.memory_space<vmem_shared>>) offsets(%dma_start3A_441 : memref<128xi32, #tpu.memory_space<vmem>>) semaphore(%run_scoped3A : memref<!tpu.dma_semaphore, #tpu.memory_space<semaphore_mem>>) {add = true}
          %dma_wait3A_445 = arith.constant 0 : i32
          %dma_wait3A_446 = arith.constant 0 : i32
          %dma_wait3A_447 = tpu.memref_slice %arg17[%dma_wait3A_445, %dma_wait3A_446] : memref<256x32xf32, #tpu.memory_space<vmem>> -> memref<128x32xf32, #tpu.memory_space<vmem>>
          %dma_wait3A_448 = arith.constant 0 : i32
          %dma_wait3A_449 = tpu.memref_slice %arg13[%add3A_109, %dma_wait3A_448] : memref<14x128xi32, #tpu.memory_space<vmem>> -> memref<1x128xi32, #tpu.memory_space<vmem>>
          %dma_wait3A_450 = tpu.memref_squeeze %dma_wait3A_449 : memref<1x128xi32, #tpu.memory_space<vmem>> -> memref<128xi32, #tpu.memory_space<vmem>>
          %dma_wait3A_451 = arith.constant 0 : i32
          %dma_wait3A_452 = arith.constant 0 : i32
          %dma_wait3A_453 = tpu.memref_slice %arg9[%dma_wait3A_451, %dma_wait3A_452] : memref<50000x32xf32, #tpu.memory_space<vmem_shared>> -> memref<50000x32xf32, #tpu.memory_space<vmem_shared>>
          tpu.wait_indirect_dma semaphore(%run_scoped3A : memref<!tpu.dma_semaphore, #tpu.memory_space<semaphore_mem>>) src(%dma_wait3A_447 : memref<128x32xf32, #tpu.memory_space<vmem>>) dst(%dma_wait3A_453 : memref<50000x32xf32, #tpu.memory_space<vmem_shared>>)
          tpu.yield
        }) : () -> ()
      } else {
      }
      %add3A_147 = arith.constant 1 : i32
      %add3A_148 = arith.addi %mul3A_49, %add3A_147 : i32
      %get3A_149 = arith.index_cast %add3A_148 : i32 to index
      %get3A_150 = arith.constant 0 : index
      %get3A_151 = tpu.vector_load %arg14[%get3A_149, %get3A_150] {strides = array<i32>} : memref<14x128xf32, #tpu.memory_space<vmem>>, vector<16xf32>,
      %get3A_152 = arith.index_cast %add3A_148 : i32 to index
      %get3A_153 = arith.constant 16 : index
      %get3A_154 = tpu.vector_load %arg14[%get3A_152, %get3A_153] {strides = array<i32>} : memref<14x128xf32, #tpu.memory_space<vmem>>, vector<16xf32>,
      %add3A_155 = arith.addf %get3A_151, %get3A_154 : vector<16xf32>
      %get3A_156 = arith.index_cast %add3A_148 : i32 to index
      %get3A_157 = arith.constant 32 : index
      %get3A_158 = tpu.vector_load %arg14[%get3A_156, %get3A_157] {strides = array<i32>} : memref<14x128xf32, #tpu.memory_space<vmem>>, vector<16xf32>,
      %add3A_159 = arith.addf %add3A_155, %get3A_158 : vector<16xf32>
      %get3A_160 = arith.index_cast %add3A_148 : i32 to index
      %get3A_161 = arith.constant 48 : index
      %get3A_162 = tpu.vector_load %arg14[%get3A_160, %get3A_161] {strides = array<i32>} : memref<14x128xf32, #tpu.memory_space<vmem>>, vector<16xf32>,
      %add3A_163 = arith.addf %add3A_159, %get3A_162 : vector<16xf32>
      %get3A_164 = arith.index_cast %add3A_148 : i32 to index
      %get3A_165 = arith.constant 64 : index
      %get3A_166 = tpu.vector_load %arg14[%get3A_164, %get3A_165] {strides = array<i32>} : memref<14x128xf32, #tpu.memory_space<vmem>>, vector<16xf32>,
      %add3A_167 = arith.addf %add3A_163, %get3A_166 : vector<16xf32>
      %get3A_168 = arith.index_cast %add3A_148 : i32 to index
      %get3A_169 = arith.constant 80 : index
      %get3A_170 = tpu.vector_load %arg14[%get3A_168, %get3A_169] {strides = array<i32>} : memref<14x128xf32, #tpu.memory_space<vmem>>, vector<16xf32>,
      %add3A_171 = arith.addf %add3A_167, %get3A_170 : vector<16xf32>
      %get3A_172 = arith.index_cast %add3A_148 : i32 to index
      %get3A_173 = arith.constant 96 : index
      %get3A_174 = tpu.vector_load %arg14[%get3A_172, %get3A_173] {strides = array<i32>} : memref<14x128xf32, #tpu.memory_space<vmem>>, vector<16xf32>,
      %add3A_175 = arith.addf %add3A_171, %get3A_174 : vector<16xf32>
      %get3A_176 = arith.index_cast %add3A_148 : i32 to index
      %get3A_177 = arith.constant 112 : index
      %get3A_178 = tpu.vector_load %arg14[%get3A_176, %get3A_177] {strides = array<i32>} : memref<14x128xf32, #tpu.memory_space<vmem>>, vector<16xf32>,
      %add3A_179 = arith.addf %add3A_175, %get3A_178 : vector<16xf32>
      %reduce_sum3A_180 = arith.constant true
      %reduce_sum3A_181 = vector.broadcast %reduce_sum3A_180 : i1 to vector<16xi1>
      %reduce_sum3A_182 = tpu.scan <sum>, %add3A_179 masked %reduce_sum3A_181 : vector<16xf32>, vector<16xi1> -> vector<16xf32>
      %reduce_sum3A_183 = vector.extract %reduce_sum3A_182[15] : f32 from vector<16xf32>
      %gt3A_184 = arith.constant 0.000000e+00 : f32
      %gt3A_185 = arith.cmpf ogt, %reduce_sum3A_183, %gt3A_184 : f32
      %convert_element_type3A_186 = arith.extui %gt3A_185 : i1 to i32
      %cond3A_187 = arith.constant 0 : i32
      %cond3A_188 = arith.cmpi ne, %convert_element_type3A_186, %cond3A_187 : i32
      scf.if %cond3A_188 {
        %dma_start3A = arith.constant 0 : i32
        %dma_start3A_399 = arith.constant 0 : i32
        %dma_start3A_400 = tpu.memref_slice %arg15[%dma_start3A, %dma_start3A_399] : memref<384x32xbf16, #tpu.memory_space<vmem>> -> memref<128x32xbf16, #tpu.memory_space<vmem>>
        %dma_start3A_401 = arith.constant 0 : i32
        %dma_start3A_402 = tpu.memref_slice %arg11[%add3A_148, %dma_start3A_401] : memref<14x128xi32, #tpu.memory_space<vmem>> -> memref<1x128xi32, #tpu.memory_space<vmem>>
        %dma_start3A_403 = tpu.memref_squeeze %dma_start3A_402 : memref<1x128xi32, #tpu.memory_space<vmem>> -> memref<128xi32, #tpu.memory_space<vmem>>
        %dma_start3A_404 = arith.constant 0 : i32
        %dma_start3A_405 = arith.constant 0 : i32
        %dma_start3A_406 = tpu.memref_slice %arg2[%dma_start3A_404, %dma_start3A_405] : memref<50000x32xbf16, #tpu.memory_space<hbm>> -> memref<50000x32xbf16, #tpu.memory_space<hbm>>
        tpu.enqueue_indirect_dma source(%dma_start3A_406 : memref<50000x32xbf16, #tpu.memory_space<hbm>>) target(%dma_start3A_400 : memref<128x32xbf16, #tpu.memory_space<vmem>>) offsets(%dma_start3A_403 : memref<128xi32, #tpu.memory_space<vmem>>) semaphore(%arg18 : memref<!tpu.dma_semaphore, #tpu.memory_space<semaphore_mem>>)
        %dma_start3A_407 = arith.constant 0 : i32
        %dma_start3A_408 = arith.constant 0 : i32
        %dma_start3A_409 = tpu.memref_slice %arg16[%dma_start3A_407, %dma_start3A_408] : memref<256x32xf32, #tpu.memory_space<vmem>> -> memref<128x32xf32, #tpu.memory_space<vmem>>
        %dma_start3A_410 = arith.constant 0 : i32
        %dma_start3A_411 = tpu.memref_slice %arg12[%add3A_148, %dma_start3A_410] : memref<14x128xi32, #tpu.memory_space<vmem>> -> memref<1x128xi32, #tpu.memory_space<vmem>>
        %dma_start3A_412 = tpu.memref_squeeze %dma_start3A_411 : memref<1x128xi32, #tpu.memory_space<vmem>> -> memref<128xi32, #tpu.memory_space<vmem>>
        %dma_start3A_413 = arith.constant 0 : i32
        %dma_start3A_414 = arith.constant 0 : i32
        %dma_start3A_415 = tpu.memref_slice %arg10[%dma_start3A_413, %dma_start3A_414] : memref<512x32xf32, #tpu.memory_space<vmem_shared>> -> memref<512x32xf32, #tpu.memory_space<vmem_shared>>
        tpu.enqueue_indirect_dma source(%dma_start3A_415 : memref<512x32xf32, #tpu.memory_space<vmem_shared>>) target(%dma_start3A_409 : memref<128x32xf32, #tpu.memory_space<vmem>>) offsets(%dma_start3A_412 : memref<128xi32, #tpu.memory_space<vmem>>) semaphore(%arg19 : memref<!tpu.dma_semaphore, #tpu.memory_space<semaphore_mem>>)
        %dma_wait3A_416 = arith.constant 0 : i32
        %dma_wait3A_417 = arith.constant 0 : i32
        %dma_wait3A_418 = tpu.memref_slice %arg15[%dma_wait3A_416, %dma_wait3A_417] : memref<384x32xbf16, #tpu.memory_space<vmem>> -> memref<128x32xbf16, #tpu.memory_space<vmem>>
        %dma_wait3A_419 = arith.constant 0 : i32
        %dma_wait3A_420 = tpu.memref_slice %arg11[%add3A_148, %dma_wait3A_419] : memref<14x128xi32, #tpu.memory_space<vmem>> -> memref<1x128xi32, #tpu.memory_space<vmem>>
        %dma_wait3A_421 = tpu.memref_squeeze %dma_wait3A_420 : memref<1x128xi32, #tpu.memory_space<vmem>> -> memref<128xi32, #tpu.memory_space<vmem>>
        %dma_wait3A_422 = arith.constant 0 : i32
        %dma_wait3A_423 = arith.constant 0 : i32
        %dma_wait3A_424 = tpu.memref_slice %arg2[%dma_wait3A_422, %dma_wait3A_423] : memref<50000x32xbf16, #tpu.memory_space<hbm>> -> memref<50000x32xbf16, #tpu.memory_space<hbm>>
        tpu.wait_indirect_dma semaphore(%arg18 : memref<!tpu.dma_semaphore, #tpu.memory_space<semaphore_mem>>) src(%dma_wait3A_424 : memref<50000x32xbf16, #tpu.memory_space<hbm>>) dst(%dma_wait3A_418 : memref<128x32xbf16, #tpu.memory_space<vmem>>)
        %dma_wait3A_425 = arith.constant 0 : i32
        %dma_wait3A_426 = arith.constant 0 : i32
        %dma_wait3A_427 = tpu.memref_slice %arg16[%dma_wait3A_425, %dma_wait3A_426] : memref<256x32xf32, #tpu.memory_space<vmem>> -> memref<128x32xf32, #tpu.memory_space<vmem>>
        %dma_wait3A_428 = arith.constant 0 : i32
        %dma_wait3A_429 = tpu.memref_slice %arg12[%add3A_148, %dma_wait3A_428] : memref<14x128xi32, #tpu.memory_space<vmem>> -> memref<1x128xi32, #tpu.memory_space<vmem>>
        %dma_wait3A_430 = tpu.memref_squeeze %dma_wait3A_429 : memref<1x128xi32, #tpu.memory_space<vmem>> -> memref<128xi32, #tpu.memory_space<vmem>>
        %dma_wait3A_431 = arith.constant 0 : i32
        %dma_wait3A_432 = arith.constant 0 : i32
        %dma_wait3A_433 = tpu.memref_slice %arg10[%dma_wait3A_431, %dma_wait3A_432] : memref<512x32xf32, #tpu.memory_space<vmem_shared>> -> memref<512x32xf32, #tpu.memory_space<vmem_shared>>
        tpu.wait_indirect_dma semaphore(%arg19 : memref<!tpu.dma_semaphore, #tpu.memory_space<semaphore_mem>>) src(%dma_wait3A_433 : memref<512x32xf32, #tpu.memory_space<vmem_shared>>) dst(%dma_wait3A_427 : memref<128x32xf32, #tpu.memory_space<vmem>>)
        %parallel_loop3A = arith.constant 0 : i32
        %parallel_loop3A_434 = arith.constant 128 : i32
        %parallel_loop3A_435 = arith.constant 1 : i32
        scf.for %parallel_loop3A_436 = %parallel_loop3A to %parallel_loop3A_434 step %parallel_loop3A_435  : i32 {
          %parallel_loop3A_437 = arith.index_cast %parallel_loop3A_436 : i32 to index
          %parallel_loop3A_438 = arith.constant 0 : index
          %parallel_loop3A_439 = tpu.vector_load %arg15[%parallel_loop3A_437, %parallel_loop3A_438] {strides = array<i32>} : memref<384x32xbf16, #tpu.memory_space<vmem>>, vector<32xbf16>,
          %parallel_loop3A_440 = tpu.unpack_subelements %parallel_loop3A_439, 0 {pack_format = #tpu.pack_format<interleaved>} : vector<32xbf16> -> vector<16xf32>
          %parallel_loop3A_441 = tpu.unpack_subelements %parallel_loop3A_439, 1 {pack_format = #tpu.pack_format<interleaved>} : vector<32xbf16> -> vector<16xf32>
          %parallel_loop3A_442 = arith.index_cast %parallel_loop3A_436 : i32 to index
          %parallel_loop3A_443 = arith.constant 0 : index
          %parallel_loop3A_444 = tpu.vector_load %arg16[%parallel_loop3A_442, %parallel_loop3A_443] {strides = array<i32>} : memref<256x32xf32, #tpu.memory_space<vmem>>, vector<16xf32>,
          %parallel_loop3A_445 = arith.mulf %parallel_loop3A_440, %parallel_loop3A_444 : vector<16xf32>
          %parallel_loop3A_446 = arith.index_cast %parallel_loop3A_436 : i32 to index
          %parallel_loop3A_447 = arith.constant 0 : index
          %parallel_loop3A_448 = tpu.vector_load %arg17[%parallel_loop3A_446, %parallel_loop3A_447] {strides = array<i32>} : memref<256x32xf32, #tpu.memory_space<vmem>>, vector<16xf32>,
          tpu.vector_store %arg17[%parallel_loop3A_446, %parallel_loop3A_447], %parallel_loop3A_445 {strides = array<i32>} : memref<256x32xf32, #tpu.memory_space<vmem>>, vector<16xf32>,
          %parallel_loop3A_449 = arith.index_cast %parallel_loop3A_436 : i32 to index
          %parallel_loop3A_450 = arith.constant 16 : index
          %parallel_loop3A_451 = tpu.vector_load %arg16[%parallel_loop3A_449, %parallel_loop3A_450] {strides = array<i32>} : memref<256x32xf32, #tpu.memory_space<vmem>>, vector<16xf32>,
          %parallel_loop3A_452 = arith.mulf %parallel_loop3A_441, %parallel_loop3A_451 : vector<16xf32>
          %parallel_loop3A_453 = arith.index_cast %parallel_loop3A_436 : i32 to index
          %parallel_loop3A_454 = arith.constant 16 : index
          %parallel_loop3A_455 = tpu.vector_load %arg17[%parallel_loop3A_453, %parallel_loop3A_454] {strides = array<i32>} : memref<256x32xf32, #tpu.memory_space<vmem>>, vector<16xf32>,
          tpu.vector_store %arg17[%parallel_loop3A_453, %parallel_loop3A_454], %parallel_loop3A_452 {strides = array<i32>} : memref<256x32xf32, #tpu.memory_space<vmem>>, vector<16xf32>,
        } {sc.loop_unroll_factor = 4 : i64, sc.parallel_access}
        "tpu.region"() ({
          %run_scoped3A = tpu.sem_alloc : memref<!tpu.dma_semaphore, #tpu.memory_space<semaphore_mem>>
          %dma_start3A_436 = arith.constant 0 : i32
          %dma_start3A_437 = arith.constant 0 : i32
          %dma_start3A_438 = tpu.memref_slice %arg17[%dma_start3A_436, %dma_start3A_437] : memref<256x32xf32, #tpu.memory_space<vmem>> -> memref<128x32xf32, #tpu.memory_space<vmem>>
          %dma_start3A_439 = arith.constant 0 : i32
          %dma_start3A_440 = tpu.memref_slice %arg13[%add3A_148, %dma_start3A_439] : memref<14x128xi32, #tpu.memory_space<vmem>> -> memref<1x128xi32, #tpu.memory_space<vmem>>
          %dma_start3A_441 = tpu.memref_squeeze %dma_start3A_440 : memref<1x128xi32, #tpu.memory_space<vmem>> -> memref<128xi32, #tpu.memory_space<vmem>>
          %dma_start3A_442 = arith.constant 0 : i32
          %dma_start3A_443 = arith.constant 0 : i32
          %dma_start3A_444 = tpu.memref_slice %arg9[%dma_start3A_442, %dma_start3A_443] : memref<50000x32xf32, #tpu.memory_space<vmem_shared>> -> memref<50000x32xf32, #tpu.memory_space<vmem_shared>>
          tpu.enqueue_indirect_dma source(%dma_start3A_438 : memref<128x32xf32, #tpu.memory_space<vmem>>) target(%dma_start3A_444 : memref<50000x32xf32, #tpu.memory_space<vmem_shared>>) offsets(%dma_start3A_441 : memref<128xi32, #tpu.memory_space<vmem>>) semaphore(%run_scoped3A : memref<!tpu.dma_semaphore, #tpu.memory_space<semaphore_mem>>) {add = true}
          %dma_wait3A_445 = arith.constant 0 : i32
          %dma_wait3A_446 = arith.constant 0 : i32
          %dma_wait3A_447 = tpu.memref_slice %arg17[%dma_wait3A_445, %dma_wait3A_446] : memref<256x32xf32, #tpu.memory_space<vmem>> -> memref<128x32xf32, #tpu.memory_space<vmem>>
          %dma_wait3A_448 = arith.constant 0 : i32
          %dma_wait3A_449 = tpu.memref_slice %arg13[%add3A_148, %dma_wait3A_448] : memref<14x128xi32, #tpu.memory_space<vmem>> -> memref<1x128xi32, #tpu.memory_space<vmem>>
          %dma_wait3A_450 = tpu.memref_squeeze %dma_wait3A_449 : memref<1x128xi32, #tpu.memory_space<vmem>> -> memref<128xi32, #tpu.memory_space<vmem>>
          %dma_wait3A_451 = arith.constant 0 : i32
          %dma_wait3A_452 = arith.constant 0 : i32
          %dma_wait3A_453 = tpu.memref_slice %arg9[%dma_wait3A_451, %dma_wait3A_452] : memref<50000x32xf32, #tpu.memory_space<vmem_shared>> -> memref<50000x32xf32, #tpu.memory_space<vmem_shared>>
          tpu.wait_indirect_dma semaphore(%run_scoped3A : memref<!tpu.dma_semaphore, #tpu.memory_space<semaphore_mem>>) src(%dma_wait3A_447 : memref<128x32xf32, #tpu.memory_space<vmem>>) dst(%dma_wait3A_453 : memref<50000x32xf32, #tpu.memory_space<vmem_shared>>)
          tpu.yield
        }) : () -> ()
      } else {
      }
      %add3A_189 = arith.constant 2 : i32
      %add3A_190 = arith.addi %mul3A_49, %add3A_189 : i32
      %get3A_191 = arith.index_cast %add3A_190 : i32 to index
      %get3A_192 = arith.constant 0 : index
      %get3A_193 = tpu.vector_load %arg14[%get3A_191, %get3A_192] {strides = array<i32>} : memref<14x128xf32, #tpu.memory_space<vmem>>, vector<16xf32>,
      %get3A_194 = arith.index_cast %add3A_190 : i32 to index
      %get3A_195 = arith.constant 16 : index
      %get3A_196 = tpu.vector_load %arg14[%get3A_194, %get3A_195] {strides = array<i32>} : memref<14x128xf32, #tpu.memory_space<vmem>>, vector<16xf32>,
      %add3A_197 = arith.addf %get3A_193, %get3A_196 : vector<16xf32>
      %get3A_198 = arith.index_cast %add3A_190 : i32 to index
      %get3A_199 = arith.constant 32 : index
      %get3A_200 = tpu.vector_load %arg14[%get3A_198, %get3A_199] {strides = array<i32>} : memref<14x128xf32, #tpu.memory_space<vmem>>, vector<16xf32>,
      %add3A_201 = arith.addf %add3A_197, %get3A_200 : vector<16xf32>
      %get3A_202 = arith.index_cast %add3A_190 : i32 to index
      %get3A_203 = arith.constant 48 : index
      %get3A_204 = tpu.vector_load %arg14[%get3A_202, %get3A_203] {strides = array<i32>} : memref<14x128xf32, #tpu.memory_space<vmem>>, vector<16xf32>,
      %add3A_205 = arith.addf %add3A_201, %get3A_204 : vector<16xf32>
      %get3A_206 = arith.index_cast %add3A_190 : i32 to index
      %get3A_207 = arith.constant 64 : index
      %get3A_208 = tpu.vector_load %arg14[%get3A_206, %get3A_207] {strides = array<i32>} : memref<14x128xf32, #tpu.memory_space<vmem>>, vector<16xf32>,
      %add3A_209 = arith.addf %add3A_205, %get3A_208 : vector<16xf32>
      %get3A_210 = arith.index_cast %add3A_190 : i32 to index
      %get3A_211 = arith.constant 80 : index
      %get3A_212 = tpu.vector_load %arg14[%get3A_210, %get3A_211] {strides = array<i32>} : memref<14x128xf32, #tpu.memory_space<vmem>>, vector<16xf32>,
      %add3A_213 = arith.addf %add3A_209, %get3A_212 : vector<16xf32>
      %get3A_214 = arith.index_cast %add3A_190 : i32 to index
      %get3A_215 = arith.constant 96 : index
      %get3A_216 = tpu.vector_load %arg14[%get3A_214, %get3A_215] {strides = array<i32>} : memref<14x128xf32, #tpu.memory_space<vmem>>, vector<16xf32>,
      %add3A_217 = arith.addf %add3A_213, %get3A_216 : vector<16xf32>
      %get3A_218 = arith.index_cast %add3A_190 : i32 to index
      %get3A_219 = arith.constant 112 : index
      %get3A_220 = tpu.vector_load %arg14[%get3A_218, %get3A_219] {strides = array<i32>} : memref<14x128xf32, #tpu.memory_space<vmem>>, vector<16xf32>,
      %add3A_221 = arith.addf %add3A_217, %get3A_220 : vector<16xf32>
      %reduce_sum3A_222 = arith.constant true
      %reduce_sum3A_223 = vector.broadcast %reduce_sum3A_222 : i1 to vector<16xi1>
      %reduce_sum3A_224 = tpu.scan <sum>, %add3A_221 masked %reduce_sum3A_223 : vector<16xf32>, vector<16xi1> -> vector<16xf32>
      %reduce_sum3A_225 = vector.extract %reduce_sum3A_224[15] : f32 from vector<16xf32>
      %gt3A_226 = arith.constant 0.000000e+00 : f32
      %gt3A_227 = arith.cmpf ogt, %reduce_sum3A_225, %gt3A_226 : f32
      %convert_element_type3A_228 = arith.extui %gt3A_227 : i1 to i32
      %cond3A_229 = arith.constant 0 : i32
      %cond3A_230 = arith.cmpi ne, %convert_element_type3A_228, %cond3A_229 : i32
      scf.if %cond3A_230 {
        %dma_start3A = arith.constant 0 : i32
        %dma_start3A_399 = arith.constant 0 : i32
        %dma_start3A_400 = tpu.memref_slice %arg15[%dma_start3A, %dma_start3A_399] : memref<384x32xbf16, #tpu.memory_space<vmem>> -> memref<128x32xbf16, #tpu.memory_space<vmem>>
        %dma_start3A_401 = arith.constant 0 : i32
        %dma_start3A_402 = tpu.memref_slice %arg11[%add3A_190, %dma_start3A_401] : memref<14x128xi32, #tpu.memory_space<vmem>> -> memref<1x128xi32, #tpu.memory_space<vmem>>
        %dma_start3A_403 = tpu.memref_squeeze %dma_start3A_402 : memref<1x128xi32, #tpu.memory_space<vmem>> -> memref<128xi32, #tpu.memory_space<vmem>>
        %dma_start3A_404 = arith.constant 0 : i32
        %dma_start3A_405 = arith.constant 0 : i32
        %dma_start3A_406 = tpu.memref_slice %arg2[%dma_start3A_404, %dma_start3A_405] : memref<50000x32xbf16, #tpu.memory_space<hbm>> -> memref<50000x32xbf16, #tpu.memory_space<hbm>>
        tpu.enqueue_indirect_dma source(%dma_start3A_406 : memref<50000x32xbf16, #tpu.memory_space<hbm>>) target(%dma_start3A_400 : memref<128x32xbf16, #tpu.memory_space<vmem>>) offsets(%dma_start3A_403 : memref<128xi32, #tpu.memory_space<vmem>>) semaphore(%arg18 : memref<!tpu.dma_semaphore, #tpu.memory_space<semaphore_mem>>)
        %dma_start3A_407 = arith.constant 0 : i32
        %dma_start3A_408 = arith.constant 0 : i32
        %dma_start3A_409 = tpu.memref_slice %arg16[%dma_start3A_407, %dma_start3A_408] : memref<256x32xf32, #tpu.memory_space<vmem>> -> memref<128x32xf32, #tpu.memory_space<vmem>>
        %dma_start3A_410 = arith.constant 0 : i32
        %dma_start3A_411 = tpu.memref_slice %arg12[%add3A_190, %dma_start3A_410] : memref<14x128xi32, #tpu.memory_space<vmem>> -> memref<1x128xi32, #tpu.memory_space<vmem>>
        %dma_start3A_412 = tpu.memref_squeeze %dma_start3A_411 : memref<1x128xi32, #tpu.memory_space<vmem>> -> memref<128xi32, #tpu.memory_space<vmem>>
        %dma_start3A_413 = arith.constant 0 : i32
        %dma_start3A_414 = arith.constant 0 : i32
        %dma_start3A_415 = tpu.memref_slice %arg10[%dma_start3A_413, %dma_start3A_414] : memref<512x32xf32, #tpu.memory_space<vmem_shared>> -> memref<512x32xf32, #tpu.memory_space<vmem_shared>>
        tpu.enqueue_indirect_dma source(%dma_start3A_415 : memref<512x32xf32, #tpu.memory_space<vmem_shared>>) target(%dma_start3A_409 : memref<128x32xf32, #tpu.memory_space<vmem>>) offsets(%dma_start3A_412 : memref<128xi32, #tpu.memory_space<vmem>>) semaphore(%arg19 : memref<!tpu.dma_semaphore, #tpu.memory_space<semaphore_mem>>)
        %dma_wait3A_416 = arith.constant 0 : i32
        %dma_wait3A_417 = arith.constant 0 : i32
        %dma_wait3A_418 = tpu.memref_slice %arg15[%dma_wait3A_416, %dma_wait3A_417] : memref<384x32xbf16, #tpu.memory_space<vmem>> -> memref<128x32xbf16, #tpu.memory_space<vmem>>
        %dma_wait3A_419 = arith.constant 0 : i32
        %dma_wait3A_420 = tpu.memref_slice %arg11[%add3A_190, %dma_wait3A_419] : memref<14x128xi32, #tpu.memory_space<vmem>> -> memref<1x128xi32, #tpu.memory_space<vmem>>
        %dma_wait3A_421 = tpu.memref_squeeze %dma_wait3A_420 : memref<1x128xi32, #tpu.memory_space<vmem>> -> memref<128xi32, #tpu.memory_space<vmem>>
        %dma_wait3A_422 = arith.constant 0 : i32
        %dma_wait3A_423 = arith.constant 0 : i32
        %dma_wait3A_424 = tpu.memref_slice %arg2[%dma_wait3A_422, %dma_wait3A_423] : memref<50000x32xbf16, #tpu.memory_space<hbm>> -> memref<50000x32xbf16, #tpu.memory_space<hbm>>
        tpu.wait_indirect_dma semaphore(%arg18 : memref<!tpu.dma_semaphore, #tpu.memory_space<semaphore_mem>>) src(%dma_wait3A_424 : memref<50000x32xbf16, #tpu.memory_space<hbm>>) dst(%dma_wait3A_418 : memref<128x32xbf16, #tpu.memory_space<vmem>>)
        %dma_wait3A_425 = arith.constant 0 : i32
        %dma_wait3A_426 = arith.constant 0 : i32
        %dma_wait3A_427 = tpu.memref_slice %arg16[%dma_wait3A_425, %dma_wait3A_426] : memref<256x32xf32, #tpu.memory_space<vmem>> -> memref<128x32xf32, #tpu.memory_space<vmem>>
        %dma_wait3A_428 = arith.constant 0 : i32
        %dma_wait3A_429 = tpu.memref_slice %arg12[%add3A_190, %dma_wait3A_428] : memref<14x128xi32, #tpu.memory_space<vmem>> -> memref<1x128xi32, #tpu.memory_space<vmem>>
        %dma_wait3A_430 = tpu.memref_squeeze %dma_wait3A_429 : memref<1x128xi32, #tpu.memory_space<vmem>> -> memref<128xi32, #tpu.memory_space<vmem>>
        %dma_wait3A_431 = arith.constant 0 : i32
        %dma_wait3A_432 = arith.constant 0 : i32
        %dma_wait3A_433 = tpu.memref_slice %arg10[%dma_wait3A_431, %dma_wait3A_432] : memref<512x32xf32, #tpu.memory_space<vmem_shared>> -> memref<512x32xf32, #tpu.memory_space<vmem_shared>>
        tpu.wait_indirect_dma semaphore(%arg19 : memref<!tpu.dma_semaphore, #tpu.memory_space<semaphore_mem>>) src(%dma_wait3A_433 : memref<512x32xf32, #tpu.memory_space<vmem_shared>>) dst(%dma_wait3A_427 : memref<128x32xf32, #tpu.memory_space<vmem>>)
        %parallel_loop3A = arith.constant 0 : i32
        %parallel_loop3A_434 = arith.constant 128 : i32
        %parallel_loop3A_435 = arith.constant 1 : i32
        scf.for %parallel_loop3A_436 = %parallel_loop3A to %parallel_loop3A_434 step %parallel_loop3A_435  : i32 {
          %parallel_loop3A_437 = arith.index_cast %parallel_loop3A_436 : i32 to index
          %parallel_loop3A_438 = arith.constant 0 : index
          %parallel_loop3A_439 = tpu.vector_load %arg15[%parallel_loop3A_437, %parallel_loop3A_438] {strides = array<i32>} : memref<384x32xbf16, #tpu.memory_space<vmem>>, vector<32xbf16>,
          %parallel_loop3A_440 = tpu.unpack_subelements %parallel_loop3A_439, 0 {pack_format = #tpu.pack_format<interleaved>} : vector<32xbf16> -> vector<16xf32>
          %parallel_loop3A_441 = tpu.unpack_subelements %parallel_loop3A_439, 1 {pack_format = #tpu.pack_format<interleaved>} : vector<32xbf16> -> vector<16xf32>
          %parallel_loop3A_442 = arith.index_cast %parallel_loop3A_436 : i32 to index
          %parallel_loop3A_443 = arith.constant 0 : index
          %parallel_loop3A_444 = tpu.vector_load %arg16[%parallel_loop3A_442, %parallel_loop3A_443] {strides = array<i32>} : memref<256x32xf32, #tpu.memory_space<vmem>>, vector<16xf32>,
          %parallel_loop3A_445 = arith.mulf %parallel_loop3A_440, %parallel_loop3A_444 : vector<16xf32>
          %parallel_loop3A_446 = arith.index_cast %parallel_loop3A_436 : i32 to index
          %parallel_loop3A_447 = arith.constant 0 : index
          %parallel_loop3A_448 = tpu.vector_load %arg17[%parallel_loop3A_446, %parallel_loop3A_447] {strides = array<i32>} : memref<256x32xf32, #tpu.memory_space<vmem>>, vector<16xf32>,
          tpu.vector_store %arg17[%parallel_loop3A_446, %parallel_loop3A_447], %parallel_loop3A_445 {strides = array<i32>} : memref<256x32xf32, #tpu.memory_space<vmem>>, vector<16xf32>,
          %parallel_loop3A_449 = arith.index_cast %parallel_loop3A_436 : i32 to index
          %parallel_loop3A_450 = arith.constant 16 : index
          %parallel_loop3A_451 = tpu.vector_load %arg16[%parallel_loop3A_449, %parallel_loop3A_450] {strides = array<i32>} : memref<256x32xf32, #tpu.memory_space<vmem>>, vector<16xf32>,
          %parallel_loop3A_452 = arith.mulf %parallel_loop3A_441, %parallel_loop3A_451 : vector<16xf32>
          %parallel_loop3A_453 = arith.index_cast %parallel_loop3A_436 : i32 to index
          %parallel_loop3A_454 = arith.constant 16 : index
          %parallel_loop3A_455 = tpu.vector_load %arg17[%parallel_loop3A_453, %parallel_loop3A_454] {strides = array<i32>} : memref<256x32xf32, #tpu.memory_space<vmem>>, vector<16xf32>,
          tpu.vector_store %arg17[%parallel_loop3A_453, %parallel_loop3A_454], %parallel_loop3A_452 {strides = array<i32>} : memref<256x32xf32, #tpu.memory_space<vmem>>, vector<16xf32>,
        } {sc.loop_unroll_factor = 4 : i64, sc.parallel_access}
        "tpu.region"() ({
          %run_scoped3A = tpu.sem_alloc : memref<!tpu.dma_semaphore, #tpu.memory_space<semaphore_mem>>
          %dma_start3A_436 = arith.constant 0 : i32
          %dma_start3A_437 = arith.constant 0 : i32
          %dma_start3A_438 = tpu.memref_slice %arg17[%dma_start3A_436, %dma_start3A_437] : memref<256x32xf32, #tpu.memory_space<vmem>> -> memref<128x32xf32, #tpu.memory_space<vmem>>
          %dma_start3A_439 = arith.constant 0 : i32
          %dma_start3A_440 = tpu.memref_slice %arg13[%add3A_190, %dma_start3A_439] : memref<14x128xi32, #tpu.memory_space<vmem>> -> memref<1x128xi32, #tpu.memory_space<vmem>>
          %dma_start3A_441 = tpu.memref_squeeze %dma_start3A_440 : memref<1x128xi32, #tpu.memory_space<vmem>> -> memref<128xi32, #tpu.memory_space<vmem>>
          %dma_start3A_442 = arith.constant 0 : i32
          %dma_start3A_443 = arith.constant 0 : i32
          %dma_start3A_444 = tpu.memref_slice %arg9[%dma_start3A_442, %dma_start3A_443] : memref<50000x32xf32, #tpu.memory_space<vmem_shared>> -> memref<50000x32xf32, #tpu.memory_space<vmem_shared>>
          tpu.enqueue_indirect_dma source(%dma_start3A_438 : memref<128x32xf32, #tpu.memory_space<vmem>>) target(%dma_start3A_444 : memref<50000x32xf32, #tpu.memory_space<vmem_shared>>) offsets(%dma_start3A_441 : memref<128xi32, #tpu.memory_space<vmem>>) semaphore(%run_scoped3A : memref<!tpu.dma_semaphore, #tpu.memory_space<semaphore_mem>>) {add = true}
          %dma_wait3A_445 = arith.constant 0 : i32
          %dma_wait3A_446 = arith.constant 0 : i32
          %dma_wait3A_447 = tpu.memref_slice %arg17[%dma_wait3A_445, %dma_wait3A_446] : memref<256x32xf32, #tpu.memory_space<vmem>> -> memref<128x32xf32, #tpu.memory_space<vmem>>
          %dma_wait3A_448 = arith.constant 0 : i32
          %dma_wait3A_449 = tpu.memref_slice %arg13[%add3A_190, %dma_wait3A_448] : memref<14x128xi32, #tpu.memory_space<vmem>> -> memref<1x128xi32, #tpu.memory_space<vmem>>
          %dma_wait3A_450 = tpu.memref_squeeze %dma_wait3A_449 : memref<1x128xi32, #tpu.memory_space<vmem>> -> memref<128xi32, #tpu.memory_space<vmem>>
          %dma_wait3A_451 = arith.constant 0 : i32
          %dma_wait3A_452 = arith.constant 0 : i32
          %dma_wait3A_453 = tpu.memref_slice %arg9[%dma_wait3A_451, %dma_wait3A_452] : memref<50000x32xf32, #tpu.memory_space<vmem_shared>> -> memref<50000x32xf32, #tpu.memory_space<vmem_shared>>
          tpu.wait_indirect_dma semaphore(%run_scoped3A : memref<!tpu.dma_semaphore, #tpu.memory_space<semaphore_mem>>) src(%dma_wait3A_447 : memref<128x32xf32, #tpu.memory_space<vmem>>) dst(%dma_wait3A_453 : memref<50000x32xf32, #tpu.memory_space<vmem_shared>>)
          tpu.yield
        }) : () -> ()
      } else {
      }
      %add3A_231 = arith.constant 3 : i32
      %add3A_232 = arith.addi %mul3A_49, %add3A_231 : i32
      %get3A_233 = arith.index_cast %add3A_232 : i32 to index
      %get3A_234 = arith.constant 0 : index
      %get3A_235 = tpu.vector_load %arg14[%get3A_233, %get3A_234] {strides = array<i32>} : memref<14x128xf32, #tpu.memory_space<vmem>>, vector<16xf32>,
      %get3A_236 = arith.index_cast %add3A_232 : i32 to index
      %get3A_237 = arith.constant 16 : index
      %get3A_238 = tpu.vector_load %arg14[%get3A_236, %get3A_237] {strides = array<i32>} : memref<14x128xf32, #tpu.memory_space<vmem>>, vector<16xf32>,
      %add3A_239 = arith.addf %get3A_235, %get3A_238 : vector<16xf32>
      %get3A_240 = arith.index_cast %add3A_232 : i32 to index
      %get3A_241 = arith.constant 32 : index
      %get3A_242 = tpu.vector_load %arg14[%get3A_240, %get3A_241] {strides = array<i32>} : memref<14x128xf32, #tpu.memory_space<vmem>>, vector<16xf32>,
      %add3A_243 = arith.addf %add3A_239, %get3A_242 : vector<16xf32>
      %get3A_244 = arith.index_cast %add3A_232 : i32 to index
      %get3A_245 = arith.constant 48 : index
      %get3A_246 = tpu.vector_load %arg14[%get3A_244, %get3A_245] {strides = array<i32>} : memref<14x128xf32, #tpu.memory_space<vmem>>, vector<16xf32>,
      %add3A_247 = arith.addf %add3A_243, %get3A_246 : vector<16xf32>
      %get3A_248 = arith.index_cast %add3A_232 : i32 to index
      %get3A_249 = arith.constant 64 : index
      %get3A_250 = tpu.vector_load %arg14[%get3A_248, %get3A_249] {strides = array<i32>} : memref<14x128xf32, #tpu.memory_space<vmem>>, vector<16xf32>,
      %add3A_251 = arith.addf %add3A_247, %get3A_250 : vector<16xf32>
      %get3A_252 = arith.index_cast %add3A_232 : i32 to index
      %get3A_253 = arith.constant 80 : index
      %get3A_254 = tpu.vector_load %arg14[%get3A_252, %get3A_253] {strides = array<i32>} : memref<14x128xf32, #tpu.memory_space<vmem>>, vector<16xf32>,
      %add3A_255 = arith.addf %add3A_251, %get3A_254 : vector<16xf32>
      %get3A_256 = arith.index_cast %add3A_232 : i32 to index
      %get3A_257 = arith.constant 96 : index
      %get3A_258 = tpu.vector_load %arg14[%get3A_256, %get3A_257] {strides = array<i32>} : memref<14x128xf32, #tpu.memory_space<vmem>>, vector<16xf32>,
      %add3A_259 = arith.addf %add3A_255, %get3A_258 : vector<16xf32>
      %get3A_260 = arith.index_cast %add3A_232 : i32 to index
      %get3A_261 = arith.constant 112 : index
      %get3A_262 = tpu.vector_load %arg14[%get3A_260, %get3A_261] {strides = array<i32>} : memref<14x128xf32, #tpu.memory_space<vmem>>, vector<16xf32>,
      %add3A_263 = arith.addf %add3A_259, %get3A_262 : vector<16xf32>
      %reduce_sum3A_264 = arith.constant true
      %reduce_sum3A_265 = vector.broadcast %reduce_sum3A_264 : i1 to vector<16xi1>
      %reduce_sum3A_266 = tpu.scan <sum>, %add3A_263 masked %reduce_sum3A_265 : vector<16xf32>, vector<16xi1> -> vector<16xf32>
      %reduce_sum3A_267 = vector.extract %reduce_sum3A_266[15] : f32 from vector<16xf32>
      %gt3A_268 = arith.constant 0.000000e+00 : f32
      %gt3A_269 = arith.cmpf ogt, %reduce_sum3A_267, %gt3A_268 : f32
      %convert_element_type3A_270 = arith.extui %gt3A_269 : i1 to i32
      %cond3A_271 = arith.constant 0 : i32
      %cond3A_272 = arith.cmpi ne, %convert_element_type3A_270, %cond3A_271 : i32
      scf.if %cond3A_272 {
        %dma_start3A = arith.constant 0 : i32
        %dma_start3A_399 = arith.constant 0 : i32
        %dma_start3A_400 = tpu.memref_slice %arg15[%dma_start3A, %dma_start3A_399] : memref<384x32xbf16, #tpu.memory_space<vmem>> -> memref<128x32xbf16, #tpu.memory_space<vmem>>
        %dma_start3A_401 = arith.constant 0 : i32
        %dma_start3A_402 = tpu.memref_slice %arg11[%add3A_232, %dma_start3A_401] : memref<14x128xi32, #tpu.memory_space<vmem>> -> memref<1x128xi32, #tpu.memory_space<vmem>>
        %dma_start3A_403 = tpu.memref_squeeze %dma_start3A_402 : memref<1x128xi32, #tpu.memory_space<vmem>> -> memref<128xi32, #tpu.memory_space<vmem>>
        %dma_start3A_404 = arith.constant 0 : i32
        %dma_start3A_405 = arith.constant 0 : i32
        %dma_start3A_406 = tpu.memref_slice %arg2[%dma_start3A_404, %dma_start3A_405] : memref<50000x32xbf16, #tpu.memory_space<hbm>> -> memref<50000x32xbf16, #tpu.memory_space<hbm>>
        tpu.enqueue_indirect_dma source(%dma_start3A_406 : memref<50000x32xbf16, #tpu.memory_space<hbm>>) target(%dma_start3A_400 : memref<128x32xbf16, #tpu.memory_space<vmem>>) offsets(%dma_start3A_403 : memref<128xi32, #tpu.memory_space<vmem>>) semaphore(%arg18 : memref<!tpu.dma_semaphore, #tpu.memory_space<semaphore_mem>>)
        %dma_start3A_407 = arith.constant 0 : i32
        %dma_start3A_408 = arith.constant 0 : i32
        %dma_start3A_409 = tpu.memref_slice %arg16[%dma_start3A_407, %dma_start3A_408] : memref<256x32xf32, #tpu.memory_space<vmem>> -> memref<128x32xf32, #tpu.memory_space<vmem>>
        %dma_start3A_410 = arith.constant 0 : i32
        %dma_start3A_411 = tpu.memref_slice %arg12[%add3A_232, %dma_start3A_410] : memref<14x128xi32, #tpu.memory_space<vmem>> -> memref<1x128xi32, #tpu.memory_space<vmem>>
        %dma_start3A_412 = tpu.memref_squeeze %dma_start3A_411 : memref<1x128xi32, #tpu.memory_space<vmem>> -> memref<128xi32, #tpu.memory_space<vmem>>
        %dma_start3A_413 = arith.constant 0 : i32
        %dma_start3A_414 = arith.constant 0 : i32
        %dma_start3A_415 = tpu.memref_slice %arg10[%dma_start3A_413, %dma_start3A_414] : memref<512x32xf32, #tpu.memory_space<vmem_shared>> -> memref<512x32xf32, #tpu.memory_space<vmem_shared>>
        tpu.enqueue_indirect_dma source(%dma_start3A_415 : memref<512x32xf32, #tpu.memory_space<vmem_shared>>) target(%dma_start3A_409 : memref<128x32xf32, #tpu.memory_space<vmem>>) offsets(%dma_start3A_412 : memref<128xi32, #tpu.memory_space<vmem>>) semaphore(%arg19 : memref<!tpu.dma_semaphore, #tpu.memory_space<semaphore_mem>>)
        %dma_wait3A_416 = arith.constant 0 : i32
        %dma_wait3A_417 = arith.constant 0 : i32
        %dma_wait3A_418 = tpu.memref_slice %arg15[%dma_wait3A_416, %dma_wait3A_417] : memref<384x32xbf16, #tpu.memory_space<vmem>> -> memref<128x32xbf16, #tpu.memory_space<vmem>>
        %dma_wait3A_419 = arith.constant 0 : i32
        %dma_wait3A_420 = tpu.memref_slice %arg11[%add3A_232, %dma_wait3A_419] : memref<14x128xi32, #tpu.memory_space<vmem>> -> memref<1x128xi32, #tpu.memory_space<vmem>>
        %dma_wait3A_421 = tpu.memref_squeeze %dma_wait3A_420 : memref<1x128xi32, #tpu.memory_space<vmem>> -> memref<128xi32, #tpu.memory_space<vmem>>
        %dma_wait3A_422 = arith.constant 0 : i32
        %dma_wait3A_423 = arith.constant 0 : i32
        %dma_wait3A_424 = tpu.memref_slice %arg2[%dma_wait3A_422, %dma_wait3A_423] : memref<50000x32xbf16, #tpu.memory_space<hbm>> -> memref<50000x32xbf16, #tpu.memory_space<hbm>>
        tpu.wait_indirect_dma semaphore(%arg18 : memref<!tpu.dma_semaphore, #tpu.memory_space<semaphore_mem>>) src(%dma_wait3A_424 : memref<50000x32xbf16, #tpu.memory_space<hbm>>) dst(%dma_wait3A_418 : memref<128x32xbf16, #tpu.memory_space<vmem>>)
        %dma_wait3A_425 = arith.constant 0 : i32
        %dma_wait3A_426 = arith.constant 0 : i32
        %dma_wait3A_427 = tpu.memref_slice %arg16[%dma_wait3A_425, %dma_wait3A_426] : memref<256x32xf32, #tpu.memory_space<vmem>> -> memref<128x32xf32, #tpu.memory_space<vmem>>
        %dma_wait3A_428 = arith.constant 0 : i32
        %dma_wait3A_429 = tpu.memref_slice %arg12[%add3A_232, %dma_wait3A_428] : memref<14x128xi32, #tpu.memory_space<vmem>> -> memref<1x128xi32, #tpu.memory_space<vmem>>
        %dma_wait3A_430 = tpu.memref_squeeze %dma_wait3A_429 : memref<1x128xi32, #tpu.memory_space<vmem>> -> memref<128xi32, #tpu.memory_space<vmem>>
        %dma_wait3A_431 = arith.constant 0 : i32
        %dma_wait3A_432 = arith.constant 0 : i32
        %dma_wait3A_433 = tpu.memref_slice %arg10[%dma_wait3A_431, %dma_wait3A_432] : memref<512x32xf32, #tpu.memory_space<vmem_shared>> -> memref<512x32xf32, #tpu.memory_space<vmem_shared>>
        tpu.wait_indirect_dma semaphore(%arg19 : memref<!tpu.dma_semaphore, #tpu.memory_space<semaphore_mem>>) src(%dma_wait3A_433 : memref<512x32xf32, #tpu.memory_space<vmem_shared>>) dst(%dma_wait3A_427 : memref<128x32xf32, #tpu.memory_space<vmem>>)
        %parallel_loop3A = arith.constant 0 : i32
        %parallel_loop3A_434 = arith.constant 128 : i32
        %parallel_loop3A_435 = arith.constant 1 : i32
        scf.for %parallel_loop3A_436 = %parallel_loop3A to %parallel_loop3A_434 step %parallel_loop3A_435  : i32 {
          %parallel_loop3A_437 = arith.index_cast %parallel_loop3A_436 : i32 to index
          %parallel_loop3A_438 = arith.constant 0 : index
          %parallel_loop3A_439 = tpu.vector_load %arg15[%parallel_loop3A_437, %parallel_loop3A_438] {strides = array<i32>} : memref<384x32xbf16, #tpu.memory_space<vmem>>, vector<32xbf16>,
          %parallel_loop3A_440 = tpu.unpack_subelements %parallel_loop3A_439, 0 {pack_format = #tpu.pack_format<interleaved>} : vector<32xbf16> -> vector<16xf32>
          %parallel_loop3A_441 = tpu.unpack_subelements %parallel_loop3A_439, 1 {pack_format = #tpu.pack_format<interleaved>} : vector<32xbf16> -> vector<16xf32>
          %parallel_loop3A_442 = arith.index_cast %parallel_loop3A_436 : i32 to index
          %parallel_loop3A_443 = arith.constant 0 : index
          %parallel_loop3A_444 = tpu.vector_load %arg16[%parallel_loop3A_442, %parallel_loop3A_443] {strides = array<i32>} : memref<256x32xf32, #tpu.memory_space<vmem>>, vector<16xf32>,
          %parallel_loop3A_445 = arith.mulf %parallel_loop3A_440, %parallel_loop3A_444 : vector<16xf32>
          %parallel_loop3A_446 = arith.index_cast %parallel_loop3A_436 : i32 to index
          %parallel_loop3A_447 = arith.constant 0 : index
          %parallel_loop3A_448 = tpu.vector_load %arg17[%parallel_loop3A_446, %parallel_loop3A_447] {strides = array<i32>} : memref<256x32xf32, #tpu.memory_space<vmem>>, vector<16xf32>,
          tpu.vector_store %arg17[%parallel_loop3A_446, %parallel_loop3A_447], %parallel_loop3A_445 {strides = array<i32>} : memref<256x32xf32, #tpu.memory_space<vmem>>, vector<16xf32>,
          %parallel_loop3A_449 = arith.index_cast %parallel_loop3A_436 : i32 to index
          %parallel_loop3A_450 = arith.constant 16 : index
          %parallel_loop3A_451 = tpu.vector_load %arg16[%parallel_loop3A_449, %parallel_loop3A_450] {strides = array<i32>} : memref<256x32xf32, #tpu.memory_space<vmem>>, vector<16xf32>,
          %parallel_loop3A_452 = arith.mulf %parallel_loop3A_441, %parallel_loop3A_451 : vector<16xf32>
          %parallel_loop3A_453 = arith.index_cast %parallel_loop3A_436 : i32 to index
          %parallel_loop3A_454 = arith.constant 16 : index
          %parallel_loop3A_455 = tpu.vector_load %arg17[%parallel_loop3A_453, %parallel_loop3A_454] {strides = array<i32>} : memref<256x32xf32, #tpu.memory_space<vmem>>, vector<16xf32>,
          tpu.vector_store %arg17[%parallel_loop3A_453, %parallel_loop3A_454], %parallel_loop3A_452 {strides = array<i32>} : memref<256x32xf32, #tpu.memory_space<vmem>>, vector<16xf32>,
        } {sc.loop_unroll_factor = 4 : i64, sc.parallel_access}
        "tpu.region"() ({
          %run_scoped3A = tpu.sem_alloc : memref<!tpu.dma_semaphore, #tpu.memory_space<semaphore_mem>>
          %dma_start3A_436 = arith.constant 0 : i32
          %dma_start3A_437 = arith.constant 0 : i32
          %dma_start3A_438 = tpu.memref_slice %arg17[%dma_start3A_436, %dma_start3A_437] : memref<256x32xf32, #tpu.memory_space<vmem>> -> memref<128x32xf32, #tpu.memory_space<vmem>>
          %dma_start3A_439 = arith.constant 0 : i32
          %dma_start3A_440 = tpu.memref_slice %arg13[%add3A_232, %dma_start3A_439] : memref<14x128xi32, #tpu.memory_space<vmem>> -> memref<1x128xi32, #tpu.memory_space<vmem>>
          %dma_start3A_441 = tpu.memref_squeeze %dma_start3A_440 : memref<1x128xi32, #tpu.memory_space<vmem>> -> memref<128xi32, #tpu.memory_space<vmem>>
          %dma_start3A_442 = arith.constant 0 : i32
          %dma_start3A_443 = arith.constant 0 : i32
          %dma_start3A_444 = tpu.memref_slice %arg9[%dma_start3A_442, %dma_start3A_443] : memref<50000x32xf32, #tpu.memory_space<vmem_shared>> -> memref<50000x32xf32, #tpu.memory_space<vmem_shared>>
          tpu.enqueue_indirect_dma source(%dma_start3A_438 : memref<128x32xf32, #tpu.memory_space<vmem>>) target(%dma_start3A_444 : memref<50000x32xf32, #tpu.memory_space<vmem_shared>>) offsets(%dma_start3A_441 : memref<128xi32, #tpu.memory_space<vmem>>) semaphore(%run_scoped3A : memref<!tpu.dma_semaphore, #tpu.memory_space<semaphore_mem>>) {add = true}
          %dma_wait3A_445 = arith.constant 0 : i32
          %dma_wait3A_446 = arith.constant 0 : i32
          %dma_wait3A_447 = tpu.memref_slice %arg17[%dma_wait3A_445, %dma_wait3A_446] : memref<256x32xf32, #tpu.memory_space<vmem>> -> memref<128x32xf32, #tpu.memory_space<vmem>>
          %dma_wait3A_448 = arith.constant 0 : i32
          %dma_wait3A_449 = tpu.memref_slice %arg13[%add3A_232, %dma_wait3A_448] : memref<14x128xi32, #tpu.memory_space<vmem>> -> memref<1x128xi32, #tpu.memory_space<vmem>>
          %dma_wait3A_450 = tpu.memref_squeeze %dma_wait3A_449 : memref<1x128xi32, #tpu.memory_space<vmem>> -> memref<128xi32, #tpu.memory_space<vmem>>
          %dma_wait3A_451 = arith.constant 0 : i32
          %dma_wait3A_452 = arith.constant 0 : i32
          %dma_wait3A_453 = tpu.memref_slice %arg9[%dma_wait3A_451, %dma_wait3A_452] : memref<50000x32xf32, #tpu.memory_space<vmem_shared>> -> memref<50000x32xf32, #tpu.memory_space<vmem_shared>>
          tpu.wait_indirect_dma semaphore(%run_scoped3A : memref<!tpu.dma_semaphore, #tpu.memory_space<semaphore_mem>>) src(%dma_wait3A_447 : memref<128x32xf32, #tpu.memory_space<vmem>>) dst(%dma_wait3A_453 : memref<50000x32xf32, #tpu.memory_space<vmem_shared>>)
          tpu.yield
        }) : () -> ()
      } else {
      }
      %add3A_273 = arith.constant 4 : i32
      %add3A_274 = arith.addi %mul3A_49, %add3A_273 : i32
      %get3A_275 = arith.index_cast %add3A_274 : i32 to index
      %get3A_276 = arith.constant 0 : index
      %get3A_277 = tpu.vector_load %arg14[%get3A_275, %get3A_276] {strides = array<i32>} : memref<14x128xf32, #tpu.memory_space<vmem>>, vector<16xf32>,
      %get3A_278 = arith.index_cast %add3A_274 : i32 to index
      %get3A_279 = arith.constant 16 : index
      %get3A_280 = tpu.vector_load %arg14[%get3A_278, %get3A_279] {strides = array<i32>} : memref<14x128xf32, #tpu.memory_space<vmem>>, vector<16xf32>,
      %add3A_281 = arith.addf %get3A_277, %get3A_280 : vector<16xf32>
      %get3A_282 = arith.index_cast %add3A_274 : i32 to index
      %get3A_283 = arith.constant 32 : index
      %get3A_284 = tpu.vector_load %arg14[%get3A_282, %get3A_283] {strides = array<i32>} : memref<14x128xf32, #tpu.memory_space<vmem>>, vector<16xf32>,
      %add3A_285 = arith.addf %add3A_281, %get3A_284 : vector<16xf32>
      %get3A_286 = arith.index_cast %add3A_274 : i32 to index
      %get3A_287 = arith.constant 48 : index
      %get3A_288 = tpu.vector_load %arg14[%get3A_286, %get3A_287] {strides = array<i32>} : memref<14x128xf32, #tpu.memory_space<vmem>>, vector<16xf32>,
      %add3A_289 = arith.addf %add3A_285, %get3A_288 : vector<16xf32>
      %get3A_290 = arith.index_cast %add3A_274 : i32 to index
      %get3A_291 = arith.constant 64 : index
      %get3A_292 = tpu.vector_load %arg14[%get3A_290, %get3A_291] {strides = array<i32>} : memref<14x128xf32, #tpu.memory_space<vmem>>, vector<16xf32>,
      %add3A_293 = arith.addf %add3A_289, %get3A_292 : vector<16xf32>
      %get3A_294 = arith.index_cast %add3A_274 : i32 to index
      %get3A_295 = arith.constant 80 : index
      %get3A_296 = tpu.vector_load %arg14[%get3A_294, %get3A_295] {strides = array<i32>} : memref<14x128xf32, #tpu.memory_space<vmem>>, vector<16xf32>,
      %add3A_297 = arith.addf %add3A_293, %get3A_296 : vector<16xf32>
      %get3A_298 = arith.index_cast %add3A_274 : i32 to index
      %get3A_299 = arith.constant 96 : index
      %get3A_300 = tpu.vector_load %arg14[%get3A_298, %get3A_299] {strides = array<i32>} : memref<14x128xf32, #tpu.memory_space<vmem>>, vector<16xf32>,
      %add3A_301 = arith.addf %add3A_297, %get3A_300 : vector<16xf32>
      %get3A_302 = arith.index_cast %add3A_274 : i32 to index
      %get3A_303 = arith.constant 112 : index
      %get3A_304 = tpu.vector_load %arg14[%get3A_302, %get3A_303] {strides = array<i32>} : memref<14x128xf32, #tpu.memory_space<vmem>>, vector<16xf32>,
      %add3A_305 = arith.addf %add3A_301, %get3A_304 : vector<16xf32>
      %reduce_sum3A_306 = arith.constant true
      %reduce_sum3A_307 = vector.broadcast %reduce_sum3A_306 : i1 to vector<16xi1>
      %reduce_sum3A_308 = tpu.scan <sum>, %add3A_305 masked %reduce_sum3A_307 : vector<16xf32>, vector<16xi1> -> vector<16xf32>
      %reduce_sum3A_309 = vector.extract %reduce_sum3A_308[15] : f32 from vector<16xf32>
      %gt3A_310 = arith.constant 0.000000e+00 : f32
      %gt3A_311 = arith.cmpf ogt, %reduce_sum3A_309, %gt3A_310 : f32
      %convert_element_type3A_312 = arith.extui %gt3A_311 : i1 to i32
      %cond3A_313 = arith.constant 0 : i32
      %cond3A_314 = arith.cmpi ne, %convert_element_type3A_312, %cond3A_313 : i32
      scf.if %cond3A_314 {
        %dma_start3A = arith.constant 0 : i32
        %dma_start3A_399 = arith.constant 0 : i32
        %dma_start3A_400 = tpu.memref_slice %arg15[%dma_start3A, %dma_start3A_399] : memref<384x32xbf16, #tpu.memory_space<vmem>> -> memref<128x32xbf16, #tpu.memory_space<vmem>>
        %dma_start3A_401 = arith.constant 0 : i32
        %dma_start3A_402 = tpu.memref_slice %arg11[%add3A_274, %dma_start3A_401] : memref<14x128xi32, #tpu.memory_space<vmem>> -> memref<1x128xi32, #tpu.memory_space<vmem>>
        %dma_start3A_403 = tpu.memref_squeeze %dma_start3A_402 : memref<1x128xi32, #tpu.memory_space<vmem>> -> memref<128xi32, #tpu.memory_space<vmem>>
        %dma_start3A_404 = arith.constant 0 : i32
        %dma_start3A_405 = arith.constant 0 : i32
        %dma_start3A_406 = tpu.memref_slice %arg2[%dma_start3A_404, %dma_start3A_405] : memref<50000x32xbf16, #tpu.memory_space<hbm>> -> memref<50000x32xbf16, #tpu.memory_space<hbm>>
        tpu.enqueue_indirect_dma source(%dma_start3A_406 : memref<50000x32xbf16, #tpu.memory_space<hbm>>) target(%dma_start3A_400 : memref<128x32xbf16, #tpu.memory_space<vmem>>) offsets(%dma_start3A_403 : memref<128xi32, #tpu.memory_space<vmem>>) semaphore(%arg18 : memref<!tpu.dma_semaphore, #tpu.memory_space<semaphore_mem>>)
        %dma_start3A_407 = arith.constant 0 : i32
        %dma_start3A_408 = arith.constant 0 : i32
        %dma_start3A_409 = tpu.memref_slice %arg16[%dma_start3A_407, %dma_start3A_408] : memref<256x32xf32, #tpu.memory_space<vmem>> -> memref<128x32xf32, #tpu.memory_space<vmem>>
        %dma_start3A_410 = arith.constant 0 : i32
        %dma_start3A_411 = tpu.memref_slice %arg12[%add3A_274, %dma_start3A_410] : memref<14x128xi32, #tpu.memory_space<vmem>> -> memref<1x128xi32, #tpu.memory_space<vmem>>
        %dma_start3A_412 = tpu.memref_squeeze %dma_start3A_411 : memref<1x128xi32, #tpu.memory_space<vmem>> -> memref<128xi32, #tpu.memory_space<vmem>>
        %dma_start3A_413 = arith.constant 0 : i32
        %dma_start3A_414 = arith.constant 0 : i32
        %dma_start3A_415 = tpu.memref_slice %arg10[%dma_start3A_413, %dma_start3A_414] : memref<512x32xf32, #tpu.memory_space<vmem_shared>> -> memref<512x32xf32, #tpu.memory_space<vmem_shared>>
        tpu.enqueue_indirect_dma source(%dma_start3A_415 : memref<512x32xf32, #tpu.memory_space<vmem_shared>>) target(%dma_start3A_409 : memref<128x32xf32, #tpu.memory_space<vmem>>) offsets(%dma_start3A_412 : memref<128xi32, #tpu.memory_space<vmem>>) semaphore(%arg19 : memref<!tpu.dma_semaphore, #tpu.memory_space<semaphore_mem>>)
        %dma_wait3A_416 = arith.constant 0 : i32
        %dma_wait3A_417 = arith.constant 0 : i32
        %dma_wait3A_418 = tpu.memref_slice %arg15[%dma_wait3A_416, %dma_wait3A_417] : memref<384x32xbf16, #tpu.memory_space<vmem>> -> memref<128x32xbf16, #tpu.memory_space<vmem>>
        %dma_wait3A_419 = arith.constant 0 : i32
        %dma_wait3A_420 = tpu.memref_slice %arg11[%add3A_274, %dma_wait3A_419] : memref<14x128xi32, #tpu.memory_space<vmem>> -> memref<1x128xi32, #tpu.memory_space<vmem>>
        %dma_wait3A_421 = tpu.memref_squeeze %dma_wait3A_420 : memref<1x128xi32, #tpu.memory_space<vmem>> -> memref<128xi32, #tpu.memory_space<vmem>>
        %dma_wait3A_422 = arith.constant 0 : i32
        %dma_wait3A_423 = arith.constant 0 : i32
        %dma_wait3A_424 = tpu.memref_slice %arg2[%dma_wait3A_422, %dma_wait3A_423] : memref<50000x32xbf16, #tpu.memory_space<hbm>> -> memref<50000x32xbf16, #tpu.memory_space<hbm>>
        tpu.wait_indirect_dma semaphore(%arg18 : memref<!tpu.dma_semaphore, #tpu.memory_space<semaphore_mem>>) src(%dma_wait3A_424 : memref<50000x32xbf16, #tpu.memory_space<hbm>>) dst(%dma_wait3A_418 : memref<128x32xbf16, #tpu.memory_space<vmem>>)
        %dma_wait3A_425 = arith.constant 0 : i32
        %dma_wait3A_426 = arith.constant 0 : i32
        %dma_wait3A_427 = tpu.memref_slice %arg16[%dma_wait3A_425, %dma_wait3A_426] : memref<256x32xf32, #tpu.memory_space<vmem>> -> memref<128x32xf32, #tpu.memory_space<vmem>>
        %dma_wait3A_428 = arith.constant 0 : i32
        %dma_wait3A_429 = tpu.memref_slice %arg12[%add3A_274, %dma_wait3A_428] : memref<14x128xi32, #tpu.memory_space<vmem>> -> memref<1x128xi32, #tpu.memory_space<vmem>>
        %dma_wait3A_430 = tpu.memref_squeeze %dma_wait3A_429 : memref<1x128xi32, #tpu.memory_space<vmem>> -> memref<128xi32, #tpu.memory_space<vmem>>
        %dma_wait3A_431 = arith.constant 0 : i32
        %dma_wait3A_432 = arith.constant 0 : i32
        %dma_wait3A_433 = tpu.memref_slice %arg10[%dma_wait3A_431, %dma_wait3A_432] : memref<512x32xf32, #tpu.memory_space<vmem_shared>> -> memref<512x32xf32, #tpu.memory_space<vmem_shared>>
        tpu.wait_indirect_dma semaphore(%arg19 : memref<!tpu.dma_semaphore, #tpu.memory_space<semaphore_mem>>) src(%dma_wait3A_433 : memref<512x32xf32, #tpu.memory_space<vmem_shared>>) dst(%dma_wait3A_427 : memref<128x32xf32, #tpu.memory_space<vmem>>)
        %parallel_loop3A = arith.constant 0 : i32
        %parallel_loop3A_434 = arith.constant 128 : i32
        %parallel_loop3A_435 = arith.constant 1 : i32
        scf.for %parallel_loop3A_436 = %parallel_loop3A to %parallel_loop3A_434 step %parallel_loop3A_435  : i32 {
          %parallel_loop3A_437 = arith.index_cast %parallel_loop3A_436 : i32 to index
          %parallel_loop3A_438 = arith.constant 0 : index
          %parallel_loop3A_439 = tpu.vector_load %arg15[%parallel_loop3A_437, %parallel_loop3A_438] {strides = array<i32>} : memref<384x32xbf16, #tpu.memory_space<vmem>>, vector<32xbf16>,
          %parallel_loop3A_440 = tpu.unpack_subelements %parallel_loop3A_439, 0 {pack_format = #tpu.pack_format<interleaved>} : vector<32xbf16> -> vector<16xf32>
          %parallel_loop3A_441 = tpu.unpack_subelements %parallel_loop3A_439, 1 {pack_format = #tpu.pack_format<interleaved>} : vector<32xbf16> -> vector<16xf32>
          %parallel_loop3A_442 = arith.index_cast %parallel_loop3A_436 : i32 to index
          %parallel_loop3A_443 = arith.constant 0 : index
          %parallel_loop3A_444 = tpu.vector_load %arg16[%parallel_loop3A_442, %parallel_loop3A_443] {strides = array<i32>} : memref<256x32xf32, #tpu.memory_space<vmem>>, vector<16xf32>,
          %parallel_loop3A_445 = arith.mulf %parallel_loop3A_440, %parallel_loop3A_444 : vector<16xf32>
          %parallel_loop3A_446 = arith.index_cast %parallel_loop3A_436 : i32 to index
          %parallel_loop3A_447 = arith.constant 0 : index
          %parallel_loop3A_448 = tpu.vector_load %arg17[%parallel_loop3A_446, %parallel_loop3A_447] {strides = array<i32>} : memref<256x32xf32, #tpu.memory_space<vmem>>, vector<16xf32>,
          tpu.vector_store %arg17[%parallel_loop3A_446, %parallel_loop3A_447], %parallel_loop3A_445 {strides = array<i32>} : memref<256x32xf32, #tpu.memory_space<vmem>>, vector<16xf32>,
          %parallel_loop3A_449 = arith.index_cast %parallel_loop3A_436 : i32 to index
          %parallel_loop3A_450 = arith.constant 16 : index
          %parallel_loop3A_451 = tpu.vector_load %arg16[%parallel_loop3A_449, %parallel_loop3A_450] {strides = array<i32>} : memref<256x32xf32, #tpu.memory_space<vmem>>, vector<16xf32>,
          %parallel_loop3A_452 = arith.mulf %parallel_loop3A_441, %parallel_loop3A_451 : vector<16xf32>
          %parallel_loop3A_453 = arith.index_cast %parallel_loop3A_436 : i32 to index
          %parallel_loop3A_454 = arith.constant 16 : index
          %parallel_loop3A_455 = tpu.vector_load %arg17[%parallel_loop3A_453, %parallel_loop3A_454] {strides = array<i32>} : memref<256x32xf32, #tpu.memory_space<vmem>>, vector<16xf32>,
          tpu.vector_store %arg17[%parallel_loop3A_453, %parallel_loop3A_454], %parallel_loop3A_452 {strides = array<i32>} : memref<256x32xf32, #tpu.memory_space<vmem>>, vector<16xf32>,
        } {sc.loop_unroll_factor = 4 : i64, sc.parallel_access}
        "tpu.region"() ({
          %run_scoped3A = tpu.sem_alloc : memref<!tpu.dma_semaphore, #tpu.memory_space<semaphore_mem>>
          %dma_start3A_436 = arith.constant 0 : i32
          %dma_start3A_437 = arith.constant 0 : i32
          %dma_start3A_438 = tpu.memref_slice %arg17[%dma_start3A_436, %dma_start3A_437] : memref<256x32xf32, #tpu.memory_space<vmem>> -> memref<128x32xf32, #tpu.memory_space<vmem>>
          %dma_start3A_439 = arith.constant 0 : i32
          %dma_start3A_440 = tpu.memref_slice %arg13[%add3A_274, %dma_start3A_439] : memref<14x128xi32, #tpu.memory_space<vmem>> -> memref<1x128xi32, #tpu.memory_space<vmem>>
          %dma_start3A_441 = tpu.memref_squeeze %dma_start3A_440 : memref<1x128xi32, #tpu.memory_space<vmem>> -> memref<128xi32, #tpu.memory_space<vmem>>
          %dma_start3A_442 = arith.constant 0 : i32
          %dma_start3A_443 = arith.constant 0 : i32
          %dma_start3A_444 = tpu.memref_slice %arg9[%dma_start3A_442, %dma_start3A_443] : memref<50000x32xf32, #tpu.memory_space<vmem_shared>> -> memref<50000x32xf32, #tpu.memory_space<vmem_shared>>
          tpu.enqueue_indirect_dma source(%dma_start3A_438 : memref<128x32xf32, #tpu.memory_space<vmem>>) target(%dma_start3A_444 : memref<50000x32xf32, #tpu.memory_space<vmem_shared>>) offsets(%dma_start3A_441 : memref<128xi32, #tpu.memory_space<vmem>>) semaphore(%run_scoped3A : memref<!tpu.dma_semaphore, #tpu.memory_space<semaphore_mem>>) {add = true}
          %dma_wait3A_445 = arith.constant 0 : i32
          %dma_wait3A_446 = arith.constant 0 : i32
          %dma_wait3A_447 = tpu.memref_slice %arg17[%dma_wait3A_445, %dma_wait3A_446] : memref<256x32xf32, #tpu.memory_space<vmem>> -> memref<128x32xf32, #tpu.memory_space<vmem>>
          %dma_wait3A_448 = arith.constant 0 : i32
          %dma_wait3A_449 = tpu.memref_slice %arg13[%add3A_274, %dma_wait3A_448] : memref<14x128xi32, #tpu.memory_space<vmem>> -> memref<1x128xi32, #tpu.memory_space<vmem>>
          %dma_wait3A_450 = tpu.memref_squeeze %dma_wait3A_449 : memref<1x128xi32, #tpu.memory_space<vmem>> -> memref<128xi32, #tpu.memory_space<vmem>>
          %dma_wait3A_451 = arith.constant 0 : i32
          %dma_wait3A_452 = arith.constant 0 : i32
          %dma_wait3A_453 = tpu.memref_slice %arg9[%dma_wait3A_451, %dma_wait3A_452] : memref<50000x32xf32, #tpu.memory_space<vmem_shared>> -> memref<50000x32xf32, #tpu.memory_space<vmem_shared>>
          tpu.wait_indirect_dma semaphore(%run_scoped3A : memref<!tpu.dma_semaphore, #tpu.memory_space<semaphore_mem>>) src(%dma_wait3A_447 : memref<128x32xf32, #tpu.memory_space<vmem>>) dst(%dma_wait3A_453 : memref<50000x32xf32, #tpu.memory_space<vmem_shared>>)
          tpu.yield
        }) : () -> ()
      } else {
      }
      %add3A_315 = arith.constant 5 : i32
      %add3A_316 = arith.addi %mul3A_49, %add3A_315 : i32
      %get3A_317 = arith.index_cast %add3A_316 : i32 to index
      %get3A_318 = arith.constant 0 : index
      %get3A_319 = tpu.vector_load %arg14[%get3A_317, %get3A_318] {strides = array<i32>} : memref<14x128xf32, #tpu.memory_space<vmem>>, vector<16xf32>,
      %get3A_320 = arith.index_cast %add3A_316 : i32 to index
      %get3A_321 = arith.constant 16 : index
      %get3A_322 = tpu.vector_load %arg14[%get3A_320, %get3A_321] {strides = array<i32>} : memref<14x128xf32, #tpu.memory_space<vmem>>, vector<16xf32>,
      %add3A_323 = arith.addf %get3A_319, %get3A_322 : vector<16xf32>
      %get3A_324 = arith.index_cast %add3A_316 : i32 to index
      %get3A_325 = arith.constant 32 : index
      %get3A_326 = tpu.vector_load %arg14[%get3A_324, %get3A_325] {strides = array<i32>} : memref<14x128xf32, #tpu.memory_space<vmem>>, vector<16xf32>,
      %add3A_327 = arith.addf %add3A_323, %get3A_326 : vector<16xf32>
      %get3A_328 = arith.index_cast %add3A_316 : i32 to index
      %get3A_329 = arith.constant 48 : index
      %get3A_330 = tpu.vector_load %arg14[%get3A_328, %get3A_329] {strides = array<i32>} : memref<14x128xf32, #tpu.memory_space<vmem>>, vector<16xf32>,
      %add3A_331 = arith.addf %add3A_327, %get3A_330 : vector<16xf32>
      %get3A_332 = arith.index_cast %add3A_316 : i32 to index
      %get3A_333 = arith.constant 64 : index
      %get3A_334 = tpu.vector_load %arg14[%get3A_332, %get3A_333] {strides = array<i32>} : memref<14x128xf32, #tpu.memory_space<vmem>>, vector<16xf32>,
      %add3A_335 = arith.addf %add3A_331, %get3A_334 : vector<16xf32>
      %get3A_336 = arith.index_cast %add3A_316 : i32 to index
      %get3A_337 = arith.constant 80 : index
      %get3A_338 = tpu.vector_load %arg14[%get3A_336, %get3A_337] {strides = array<i32>} : memref<14x128xf32, #tpu.memory_space<vmem>>, vector<16xf32>,
      %add3A_339 = arith.addf %add3A_335, %get3A_338 : vector<16xf32>
      %get3A_340 = arith.index_cast %add3A_316 : i32 to index
      %get3A_341 = arith.constant 96 : index
      %get3A_342 = tpu.vector_load %arg14[%get3A_340, %get3A_341] {strides = array<i32>} : memref<14x128xf32, #tpu.memory_space<vmem>>, vector<16xf32>,
      %add3A_343 = arith.addf %add3A_339, %get3A_342 : vector<16xf32>
      %get3A_344 = arith.index_cast %add3A_316 : i32 to index
      %get3A_345 = arith.constant 112 : index
      %get3A_346 = tpu.vector_load %arg14[%get3A_344, %get3A_345] {strides = array<i32>} : memref<14x128xf32, #tpu.memory_space<vmem>>, vector<16xf32>,
      %add3A_347 = arith.addf %add3A_343, %get3A_346 : vector<16xf32>
      %reduce_sum3A_348 = arith.constant true
      %reduce_sum3A_349 = vector.broadcast %reduce_sum3A_348 : i1 to vector<16xi1>
      %reduce_sum3A_350 = tpu.scan <sum>, %add3A_347 masked %reduce_sum3A_349 : vector<16xf32>, vector<16xi1> -> vector<16xf32>
      %reduce_sum3A_351 = vector.extract %reduce_sum3A_350[15] : f32 from vector<16xf32>
      %gt3A_352 = arith.constant 0.000000e+00 : f32
      %gt3A_353 = arith.cmpf ogt, %reduce_sum3A_351, %gt3A_352 : f32
      %convert_element_type3A_354 = arith.extui %gt3A_353 : i1 to i32
      %cond3A_355 = arith.constant 0 : i32
      %cond3A_356 = arith.cmpi ne, %convert_element_type3A_354, %cond3A_355 : i32
      scf.if %cond3A_356 {
        %dma_start3A = arith.constant 0 : i32
        %dma_start3A_399 = arith.constant 0 : i32
        %dma_start3A_400 = tpu.memref_slice %arg15[%dma_start3A, %dma_start3A_399] : memref<384x32xbf16, #tpu.memory_space<vmem>> -> memref<128x32xbf16, #tpu.memory_space<vmem>>
        %dma_start3A_401 = arith.constant 0 : i32
        %dma_start3A_402 = tpu.memref_slice %arg11[%add3A_316, %dma_start3A_401] : memref<14x128xi32, #tpu.memory_space<vmem>> -> memref<1x128xi32, #tpu.memory_space<vmem>>
        %dma_start3A_403 = tpu.memref_squeeze %dma_start3A_402 : memref<1x128xi32, #tpu.memory_space<vmem>> -> memref<128xi32, #tpu.memory_space<vmem>>
        %dma_start3A_404 = arith.constant 0 : i32
        %dma_start3A_405 = arith.constant 0 : i32
        %dma_start3A_406 = tpu.memref_slice %arg2[%dma_start3A_404, %dma_start3A_405] : memref<50000x32xbf16, #tpu.memory_space<hbm>> -> memref<50000x32xbf16, #tpu.memory_space<hbm>>
        tpu.enqueue_indirect_dma source(%dma_start3A_406 : memref<50000x32xbf16, #tpu.memory_space<hbm>>) target(%dma_start3A_400 : memref<128x32xbf16, #tpu.memory_space<vmem>>) offsets(%dma_start3A_403 : memref<128xi32, #tpu.memory_space<vmem>>) semaphore(%arg18 : memref<!tpu.dma_semaphore, #tpu.memory_space<semaphore_mem>>)
        %dma_start3A_407 = arith.constant 0 : i32
        %dma_start3A_408 = arith.constant 0 : i32
        %dma_start3A_409 = tpu.memref_slice %arg16[%dma_start3A_407, %dma_start3A_408] : memref<256x32xf32, #tpu.memory_space<vmem>> -> memref<128x32xf32, #tpu.memory_space<vmem>>
        %dma_start3A_410 = arith.constant 0 : i32
        %dma_start3A_411 = tpu.memref_slice %arg12[%add3A_316, %dma_start3A_410] : memref<14x128xi32, #tpu.memory_space<vmem>> -> memref<1x128xi32, #tpu.memory_space<vmem>>
        %dma_start3A_412 = tpu.memref_squeeze %dma_start3A_411 : memref<1x128xi32, #tpu.memory_space<vmem>> -> memref<128xi32, #tpu.memory_space<vmem>>
        %dma_start3A_413 = arith.constant 0 : i32
        %dma_start3A_414 = arith.constant 0 : i32
        %dma_start3A_415 = tpu.memref_slice %arg10[%dma_start3A_413, %dma_start3A_414] : memref<512x32xf32, #tpu.memory_space<vmem_shared>> -> memref<512x32xf32, #tpu.memory_space<vmem_shared>>
        tpu.enqueue_indirect_dma source(%dma_start3A_415 : memref<512x32xf32, #tpu.memory_space<vmem_shared>>) target(%dma_start3A_409 : memref<128x32xf32, #tpu.memory_space<vmem>>) offsets(%dma_start3A_412 : memref<128xi32, #tpu.memory_space<vmem>>) semaphore(%arg19 : memref<!tpu.dma_semaphore, #tpu.memory_space<semaphore_mem>>)
        %dma_wait3A_416 = arith.constant 0 : i32
        %dma_wait3A_417 = arith.constant 0 : i32
        %dma_wait3A_418 = tpu.memref_slice %arg15[%dma_wait3A_416, %dma_wait3A_417] : memref<384x32xbf16, #tpu.memory_space<vmem>> -> memref<128x32xbf16, #tpu.memory_space<vmem>>
        %dma_wait3A_419 = arith.constant 0 : i32
        %dma_wait3A_420 = tpu.memref_slice %arg11[%add3A_316, %dma_wait3A_419] : memref<14x128xi32, #tpu.memory_space<vmem>> -> memref<1x128xi32, #tpu.memory_space<vmem>>
        %dma_wait3A_421 = tpu.memref_squeeze %dma_wait3A_420 : memref<1x128xi32, #tpu.memory_space<vmem>> -> memref<128xi32, #tpu.memory_space<vmem>>
        %dma_wait3A_422 = arith.constant 0 : i32
        %dma_wait3A_423 = arith.constant 0 : i32
        %dma_wait3A_424 = tpu.memref_slice %arg2[%dma_wait3A_422, %dma_wait3A_423] : memref<50000x32xbf16, #tpu.memory_space<hbm>> -> memref<50000x32xbf16, #tpu.memory_space<hbm>>
        tpu.wait_indirect_dma semaphore(%arg18 : memref<!tpu.dma_semaphore, #tpu.memory_space<semaphore_mem>>) src(%dma_wait3A_424 : memref<50000x32xbf16, #tpu.memory_space<hbm>>) dst(%dma_wait3A_418 : memref<128x32xbf16, #tpu.memory_space<vmem>>)
        %dma_wait3A_425 = arith.constant 0 : i32
        %dma_wait3A_426 = arith.constant 0 : i32
        %dma_wait3A_427 = tpu.memref_slice %arg16[%dma_wait3A_425, %dma_wait3A_426] : memref<256x32xf32, #tpu.memory_space<vmem>> -> memref<128x32xf32, #tpu.memory_space<vmem>>
        %dma_wait3A_428 = arith.constant 0 : i32
        %dma_wait3A_429 = tpu.memref_slice %arg12[%add3A_316, %dma_wait3A_428] : memref<14x128xi32, #tpu.memory_space<vmem>> -> memref<1x128xi32, #tpu.memory_space<vmem>>
        %dma_wait3A_430 = tpu.memref_squeeze %dma_wait3A_429 : memref<1x128xi32, #tpu.memory_space<vmem>> -> memref<128xi32, #tpu.memory_space<vmem>>
        %dma_wait3A_431 = arith.constant 0 : i32
        %dma_wait3A_432 = arith.constant 0 : i32
        %dma_wait3A_433 = tpu.memref_slice %arg10[%dma_wait3A_431, %dma_wait3A_432] : memref<512x32xf32, #tpu.memory_space<vmem_shared>> -> memref<512x32xf32, #tpu.memory_space<vmem_shared>>
        tpu.wait_indirect_dma semaphore(%arg19 : memref<!tpu.dma_semaphore, #tpu.memory_space<semaphore_mem>>) src(%dma_wait3A_433 : memref<512x32xf32, #tpu.memory_space<vmem_shared>>) dst(%dma_wait3A_427 : memref<128x32xf32, #tpu.memory_space<vmem>>)
        %parallel_loop3A = arith.constant 0 : i32
        %parallel_loop3A_434 = arith.constant 128 : i32
        %parallel_loop3A_435 = arith.constant 1 : i32
        scf.for %parallel_loop3A_436 = %parallel_loop3A to %parallel_loop3A_434 step %parallel_loop3A_435  : i32 {
          %parallel_loop3A_437 = arith.index_cast %parallel_loop3A_436 : i32 to index
          %parallel_loop3A_438 = arith.constant 0 : index
          %parallel_loop3A_439 = tpu.vector_load %arg15[%parallel_loop3A_437, %parallel_loop3A_438] {strides = array<i32>} : memref<384x32xbf16, #tpu.memory_space<vmem>>, vector<32xbf16>,
          %parallel_loop3A_440 = tpu.unpack_subelements %parallel_loop3A_439, 0 {pack_format = #tpu.pack_format<interleaved>} : vector<32xbf16> -> vector<16xf32>
          %parallel_loop3A_441 = tpu.unpack_subelements %parallel_loop3A_439, 1 {pack_format = #tpu.pack_format<interleaved>} : vector<32xbf16> -> vector<16xf32>
          %parallel_loop3A_442 = arith.index_cast %parallel_loop3A_436 : i32 to index
          %parallel_loop3A_443 = arith.constant 0 : index
          %parallel_loop3A_444 = tpu.vector_load %arg16[%parallel_loop3A_442, %parallel_loop3A_443] {strides = array<i32>} : memref<256x32xf32, #tpu.memory_space<vmem>>, vector<16xf32>,
          %parallel_loop3A_445 = arith.mulf %parallel_loop3A_440, %parallel_loop3A_444 : vector<16xf32>
          %parallel_loop3A_446 = arith.index_cast %parallel_loop3A_436 : i32 to index
          %parallel_loop3A_447 = arith.constant 0 : index
          %parallel_loop3A_448 = tpu.vector_load %arg17[%parallel_loop3A_446, %parallel_loop3A_447] {strides = array<i32>} : memref<256x32xf32, #tpu.memory_space<vmem>>, vector<16xf32>,
          tpu.vector_store %arg17[%parallel_loop3A_446, %parallel_loop3A_447], %parallel_loop3A_445 {strides = array<i32>} : memref<256x32xf32, #tpu.memory_space<vmem>>, vector<16xf32>,
          %parallel_loop3A_449 = arith.index_cast %parallel_loop3A_436 : i32 to index
          %parallel_loop3A_450 = arith.constant 16 : index
          %parallel_loop3A_451 = tpu.vector_load %arg16[%parallel_loop3A_449, %parallel_loop3A_450] {strides = array<i32>} : memref<256x32xf32, #tpu.memory_space<vmem>>, vector<16xf32>,
          %parallel_loop3A_452 = arith.mulf %parallel_loop3A_441, %parallel_loop3A_451 : vector<16xf32>
          %parallel_loop3A_453 = arith.index_cast %parallel_loop3A_436 : i32 to index
          %parallel_loop3A_454 = arith.constant 16 : index
          %parallel_loop3A_455 = tpu.vector_load %arg17[%parallel_loop3A_453, %parallel_loop3A_454] {strides = array<i32>} : memref<256x32xf32, #tpu.memory_space<vmem>>, vector<16xf32>,
          tpu.vector_store %arg17[%parallel_loop3A_453, %parallel_loop3A_454], %parallel_loop3A_452 {strides = array<i32>} : memref<256x32xf32, #tpu.memory_space<vmem>>, vector<16xf32>,
        } {sc.loop_unroll_factor = 4 : i64, sc.parallel_access}
        "tpu.region"() ({
          %run_scoped3A = tpu.sem_alloc : memref<!tpu.dma_semaphore, #tpu.memory_space<semaphore_mem>>
          %dma_start3A_436 = arith.constant 0 : i32
          %dma_start3A_437 = arith.constant 0 : i32
          %dma_start3A_438 = tpu.memref_slice %arg17[%dma_start3A_436, %dma_start3A_437] : memref<256x32xf32, #tpu.memory_space<vmem>> -> memref<128x32xf32, #tpu.memory_space<vmem>>
          %dma_start3A_439 = arith.constant 0 : i32
          %dma_start3A_440 = tpu.memref_slice %arg13[%add3A_316, %dma_start3A_439] : memref<14x128xi32, #tpu.memory_space<vmem>> -> memref<1x128xi32, #tpu.memory_space<vmem>>
          %dma_start3A_441 = tpu.memref_squeeze %dma_start3A_440 : memref<1x128xi32, #tpu.memory_space<vmem>> -> memref<128xi32, #tpu.memory_space<vmem>>
          %dma_start3A_442 = arith.constant 0 : i32
          %dma_start3A_443 = arith.constant 0 : i32
          %dma_start3A_444 = tpu.memref_slice %arg9[%dma_start3A_442, %dma_start3A_443] : memref<50000x32xf32, #tpu.memory_space<vmem_shared>> -> memref<50000x32xf32, #tpu.memory_space<vmem_shared>>
          tpu.enqueue_indirect_dma source(%dma_start3A_438 : memref<128x32xf32, #tpu.memory_space<vmem>>) target(%dma_start3A_444 : memref<50000x32xf32, #tpu.memory_space<vmem_shared>>) offsets(%dma_start3A_441 : memref<128xi32, #tpu.memory_space<vmem>>) semaphore(%run_scoped3A : memref<!tpu.dma_semaphore, #tpu.memory_space<semaphore_mem>>) {add = true}
          %dma_wait3A_445 = arith.constant 0 : i32
          %dma_wait3A_446 = arith.constant 0 : i32
          %dma_wait3A_447 = tpu.memref_slice %arg17[%dma_wait3A_445, %dma_wait3A_446] : memref<256x32xf32, #tpu.memory_space<vmem>> -> memref<128x32xf32, #tpu.memory_space<vmem>>
          %dma_wait3A_448 = arith.constant 0 : i32
          %dma_wait3A_449 = tpu.memref_slice %arg13[%add3A_316, %dma_wait3A_448] : memref<14x128xi32, #tpu.memory_space<vmem>> -> memref<1x128xi32, #tpu.memory_space<vmem>>
          %dma_wait3A_450 = tpu.memref_squeeze %dma_wait3A_449 : memref<1x128xi32, #tpu.memory_space<vmem>> -> memref<128xi32, #tpu.memory_space<vmem>>
          %dma_wait3A_451 = arith.constant 0 : i32
          %dma_wait3A_452 = arith.constant 0 : i32
          %dma_wait3A_453 = tpu.memref_slice %arg9[%dma_wait3A_451, %dma_wait3A_452] : memref<50000x32xf32, #tpu.memory_space<vmem_shared>> -> memref<50000x32xf32, #tpu.memory_space<vmem_shared>>
          tpu.wait_indirect_dma semaphore(%run_scoped3A : memref<!tpu.dma_semaphore, #tpu.memory_space<semaphore_mem>>) src(%dma_wait3A_447 : memref<128x32xf32, #tpu.memory_space<vmem>>) dst(%dma_wait3A_453 : memref<50000x32xf32, #tpu.memory_space<vmem_shared>>)
          tpu.yield
        }) : () -> ()
      } else {
      }
      %add3A_357 = arith.constant 6 : i32
      %add3A_358 = arith.addi %mul3A_49, %add3A_357 : i32
      %get3A_359 = arith.index_cast %add3A_358 : i32 to index
      %get3A_360 = arith.constant 0 : index
      %get3A_361 = tpu.vector_load %arg14[%get3A_359, %get3A_360] {strides = array<i32>} : memref<14x128xf32, #tpu.memory_space<vmem>>, vector<16xf32>,
      %get3A_362 = arith.index_cast %add3A_358 : i32 to index
      %get3A_363 = arith.constant 16 : index
      %get3A_364 = tpu.vector_load %arg14[%get3A_362, %get3A_363] {strides = array<i32>} : memref<14x128xf32, #tpu.memory_space<vmem>>, vector<16xf32>,
      %add3A_365 = arith.addf %get3A_361, %get3A_364 : vector<16xf32>
      %get3A_366 = arith.index_cast %add3A_358 : i32 to index
      %get3A_367 = arith.constant 32 : index
      %get3A_368 = tpu.vector_load %arg14[%get3A_366, %get3A_367] {strides = array<i32>} : memref<14x128xf32, #tpu.memory_space<vmem>>, vector<16xf32>,
      %add3A_369 = arith.addf %add3A_365, %get3A_368 : vector<16xf32>
      %get3A_370 = arith.index_cast %add3A_358 : i32 to index
      %get3A_371 = arith.constant 48 : index
      %get3A_372 = tpu.vector_load %arg14[%get3A_370, %get3A_371] {strides = array<i32>} : memref<14x128xf32, #tpu.memory_space<vmem>>, vector<16xf32>,
      %add3A_373 = arith.addf %add3A_369, %get3A_372 : vector<16xf32>
      %get3A_374 = arith.index_cast %add3A_358 : i32 to index
      %get3A_375 = arith.constant 64 : index
      %get3A_376 = tpu.vector_load %arg14[%get3A_374, %get3A_375] {strides = array<i32>} : memref<14x128xf32, #tpu.memory_space<vmem>>, vector<16xf32>,
      %add3A_377 = arith.addf %add3A_373, %get3A_376 : vector<16xf32>
      %get3A_378 = arith.index_cast %add3A_358 : i32 to index
      %get3A_379 = arith.constant 80 : index
      %get3A_380 = tpu.vector_load %arg14[%get3A_378, %get3A_379] {strides = array<i32>} : memref<14x128xf32, #tpu.memory_space<vmem>>, vector<16xf32>,
      %add3A_381 = arith.addf %add3A_377, %get3A_380 : vector<16xf32>
      %get3A_382 = arith.index_cast %add3A_358 : i32 to index
      %get3A_383 = arith.constant 96 : index
      %get3A_384 = tpu.vector_load %arg14[%get3A_382, %get3A_383] {strides = array<i32>} : memref<14x128xf32, #tpu.memory_space<vmem>>, vector<16xf32>,
      %add3A_385 = arith.addf %add3A_381, %get3A_384 : vector<16xf32>
      %get3A_386 = arith.index_cast %add3A_358 : i32 to index
      %get3A_387 = arith.constant 112 : index
      %get3A_388 = tpu.vector_load %arg14[%get3A_386, %get3A_387] {strides = array<i32>} : memref<14x128xf32, #tpu.memory_space<vmem>>, vector<16xf32>,
      %add3A_389 = arith.addf %add3A_385, %get3A_388 : vector<16xf32>
      %reduce_sum3A_390 = arith.constant true
      %reduce_sum3A_391 = vector.broadcast %reduce_sum3A_390 : i1 to vector<16xi1>
      %reduce_sum3A_392 = tpu.scan <sum>, %add3A_389 masked %reduce_sum3A_391 : vector<16xf32>, vector<16xi1> -> vector<16xf32>
      %reduce_sum3A_393 = vector.extract %reduce_sum3A_392[15] : f32 from vector<16xf32>
      %gt3A_394 = arith.constant 0.000000e+00 : f32
      %gt3A_395 = arith.cmpf ogt, %reduce_sum3A_393, %gt3A_394 : f32
      %convert_element_type3A_396 = arith.extui %gt3A_395 : i1 to i32
      %cond3A_397 = arith.constant 0 : i32
      %cond3A_398 = arith.cmpi ne, %convert_element_type3A_396, %cond3A_397 : i32
      scf.if %cond3A_398 {
        %dma_start3A = arith.constant 0 : i32
        %dma_start3A_399 = arith.constant 0 : i32
        %dma_start3A_400 = tpu.memref_slice %arg15[%dma_start3A, %dma_start3A_399] : memref<384x32xbf16, #tpu.memory_space<vmem>> -> memref<128x32xbf16, #tpu.memory_space<vmem>>
        %dma_start3A_401 = arith.constant 0 : i32
        %dma_start3A_402 = tpu.memref_slice %arg11[%add3A_358, %dma_start3A_401] : memref<14x128xi32, #tpu.memory_space<vmem>> -> memref<1x128xi32, #tpu.memory_space<vmem>>
        %dma_start3A_403 = tpu.memref_squeeze %dma_start3A_402 : memref<1x128xi32, #tpu.memory_space<vmem>> -> memref<128xi32, #tpu.memory_space<vmem>>
        %dma_start3A_404 = arith.constant 0 : i32
        %dma_start3A_405 = arith.constant 0 : i32
        %dma_start3A_406 = tpu.memref_slice %arg2[%dma_start3A_404, %dma_start3A_405] : memref<50000x32xbf16, #tpu.memory_space<hbm>> -> memref<50000x32xbf16, #tpu.memory_space<hbm>>
        tpu.enqueue_indirect_dma source(%dma_start3A_406 : memref<50000x32xbf16, #tpu.memory_space<hbm>>) target(%dma_start3A_400 : memref<128x32xbf16, #tpu.memory_space<vmem>>) offsets(%dma_start3A_403 : memref<128xi32, #tpu.memory_space<vmem>>) semaphore(%arg18 : memref<!tpu.dma_semaphore, #tpu.memory_space<semaphore_mem>>)
        %dma_start3A_407 = arith.constant 0 : i32
        %dma_start3A_408 = arith.constant 0 : i32
        %dma_start3A_409 = tpu.memref_slice %arg16[%dma_start3A_407, %dma_start3A_408] : memref<256x32xf32, #tpu.memory_space<vmem>> -> memref<128x32xf32, #tpu.memory_space<vmem>>
        %dma_start3A_410 = arith.constant 0 : i32
        %dma_start3A_411 = tpu.memref_slice %arg12[%add3A_358, %dma_start3A_410] : memref<14x128xi32, #tpu.memory_space<vmem>> -> memref<1x128xi32, #tpu.memory_space<vmem>>
        %dma_start3A_412 = tpu.memref_squeeze %dma_start3A_411 : memref<1x128xi32, #tpu.memory_space<vmem>> -> memref<128xi32, #tpu.memory_space<vmem>>
        %dma_start3A_413 = arith.constant 0 : i32
        %dma_start3A_414 = arith.constant 0 : i32
        %dma_start3A_415 = tpu.memref_slice %arg10[%dma_start3A_413, %dma_start3A_414] : memref<512x32xf32, #tpu.memory_space<vmem_shared>> -> memref<512x32xf32, #tpu.memory_space<vmem_shared>>
        tpu.enqueue_indirect_dma source(%dma_start3A_415 : memref<512x32xf32, #tpu.memory_space<vmem_shared>>) target(%dma_start3A_409 : memref<128x32xf32, #tpu.memory_space<vmem>>) offsets(%dma_start3A_412 : memref<128xi32, #tpu.memory_space<vmem>>) semaphore(%arg19 : memref<!tpu.dma_semaphore, #tpu.memory_space<semaphore_mem>>)
        %dma_wait3A_416 = arith.constant 0 : i32
        %dma_wait3A_417 = arith.constant 0 : i32
        %dma_wait3A_418 = tpu.memref_slice %arg15[%dma_wait3A_416, %dma_wait3A_417] : memref<384x32xbf16, #tpu.memory_space<vmem>> -> memref<128x32xbf16, #tpu.memory_space<vmem>>
        %dma_wait3A_419 = arith.constant 0 : i32
        %dma_wait3A_420 = tpu.memref_slice %arg11[%add3A_358, %dma_wait3A_419] : memref<14x128xi32, #tpu.memory_space<vmem>> -> memref<1x128xi32, #tpu.memory_space<vmem>>
        %dma_wait3A_421 = tpu.memref_squeeze %dma_wait3A_420 : memref<1x128xi32, #tpu.memory_space<vmem>> -> memref<128xi32, #tpu.memory_space<vmem>>
        %dma_wait3A_422 = arith.constant 0 : i32
        %dma_wait3A_423 = arith.constant 0 : i32
        %dma_wait3A_424 = tpu.memref_slice %arg2[%dma_wait3A_422, %dma_wait3A_423] : memref<50000x32xbf16, #tpu.memory_space<hbm>> -> memref<50000x32xbf16, #tpu.memory_space<hbm>>
        tpu.wait_indirect_dma semaphore(%arg18 : memref<!tpu.dma_semaphore, #tpu.memory_space<semaphore_mem>>) src(%dma_wait3A_424 : memref<50000x32xbf16, #tpu.memory_space<hbm>>) dst(%dma_wait3A_418 : memref<128x32xbf16, #tpu.memory_space<vmem>>)
        %dma_wait3A_425 = arith.constant 0 : i32
        %dma_wait3A_426 = arith.constant 0 : i32
        %dma_wait3A_427 = tpu.memref_slice %arg16[%dma_wait3A_425, %dma_wait3A_426] : memref<256x32xf32, #tpu.memory_space<vmem>> -> memref<128x32xf32, #tpu.memory_space<vmem>>
        %dma_wait3A_428 = arith.constant 0 : i32
        %dma_wait3A_429 = tpu.memref_slice %arg12[%add3A_358, %dma_wait3A_428] : memref<14x128xi32, #tpu.memory_space<vmem>> -> memref<1x128xi32, #tpu.memory_space<vmem>>
        %dma_wait3A_430 = tpu.memref_squeeze %dma_wait3A_429 : memref<1x128xi32, #tpu.memory_space<vmem>> -> memref<128xi32, #tpu.memory_space<vmem>>
        %dma_wait3A_431 = arith.constant 0 : i32
        %dma_wait3A_432 = arith.constant 0 : i32
        %dma_wait3A_433 = tpu.memref_slice %arg10[%dma_wait3A_431, %dma_wait3A_432] : memref<512x32xf32, #tpu.memory_space<vmem_shared>> -> memref<512x32xf32, #tpu.memory_space<vmem_shared>>
        tpu.wait_indirect_dma semaphore(%arg19 : memref<!tpu.dma_semaphore, #tpu.memory_space<semaphore_mem>>) src(%dma_wait3A_433 : memref<512x32xf32, #tpu.memory_space<vmem_shared>>) dst(%dma_wait3A_427 : memref<128x32xf32, #tpu.memory_space<vmem>>)
        %parallel_loop3A = arith.constant 0 : i32
        %parallel_loop3A_434 = arith.constant 128 : i32
        %parallel_loop3A_435 = arith.constant 1 : i32
        scf.for %parallel_loop3A_436 = %parallel_loop3A to %parallel_loop3A_434 step %parallel_loop3A_435  : i32 {
          %parallel_loop3A_437 = arith.index_cast %parallel_loop3A_436 : i32 to index
          %parallel_loop3A_438 = arith.constant 0 : index
          %parallel_loop3A_439 = tpu.vector_load %arg15[%parallel_loop3A_437, %parallel_loop3A_438] {strides = array<i32>} : memref<384x32xbf16, #tpu.memory_space<vmem>>, vector<32xbf16>,
          %parallel_loop3A_440 = tpu.unpack_subelements %parallel_loop3A_439, 0 {pack_format = #tpu.pack_format<interleaved>} : vector<32xbf16> -> vector<16xf32>
          %parallel_loop3A_441 = tpu.unpack_subelements %parallel_loop3A_439, 1 {pack_format = #tpu.pack_format<interleaved>} : vector<32xbf16> -> vector<16xf32>
          %parallel_loop3A_442 = arith.index_cast %parallel_loop3A_436 : i32 to index
          %parallel_loop3A_443 = arith.constant 0 : index
          %parallel_loop3A_444 = tpu.vector_load %arg16[%parallel_loop3A_442, %parallel_loop3A_443] {strides = array<i32>} : memref<256x32xf32, #tpu.memory_space<vmem>>, vector<16xf32>,
          %parallel_loop3A_445 = arith.mulf %parallel_loop3A_440, %parallel_loop3A_444 : vector<16xf32>
          %parallel_loop3A_446 = arith.index_cast %parallel_loop3A_436 : i32 to index
          %parallel_loop3A_447 = arith.constant 0 : index
          %parallel_loop3A_448 = tpu.vector_load %arg17[%parallel_loop3A_446, %parallel_loop3A_447] {strides = array<i32>} : memref<256x32xf32, #tpu.memory_space<vmem>>, vector<16xf32>,
          tpu.vector_store %arg17[%parallel_loop3A_446, %parallel_loop3A_447], %parallel_loop3A_445 {strides = array<i32>} : memref<256x32xf32, #tpu.memory_space<vmem>>, vector<16xf32>,
          %parallel_loop3A_449 = arith.index_cast %parallel_loop3A_436 : i32 to index
          %parallel_loop3A_450 = arith.constant 16 : index
          %parallel_loop3A_451 = tpu.vector_load %arg16[%parallel_loop3A_449, %parallel_loop3A_450] {strides = array<i32>} : memref<256x32xf32, #tpu.memory_space<vmem>>, vector<16xf32>,
          %parallel_loop3A_452 = arith.mulf %parallel_loop3A_441, %parallel_loop3A_451 : vector<16xf32>
          %parallel_loop3A_453 = arith.index_cast %parallel_loop3A_436 : i32 to index
          %parallel_loop3A_454 = arith.constant 16 : index
          %parallel_loop3A_455 = tpu.vector_load %arg17[%parallel_loop3A_453, %parallel_loop3A_454] {strides = array<i32>} : memref<256x32xf32, #tpu.memory_space<vmem>>, vector<16xf32>,
          tpu.vector_store %arg17[%parallel_loop3A_453, %parallel_loop3A_454], %parallel_loop3A_452 {strides = array<i32>} : memref<256x32xf32, #tpu.memory_space<vmem>>, vector<16xf32>,
        } {sc.loop_unroll_factor = 4 : i64, sc.parallel_access}
        "tpu.region"() ({
          %run_scoped3A = tpu.sem_alloc : memref<!tpu.dma_semaphore, #tpu.memory_space<semaphore_mem>>
          %dma_start3A_436 = arith.constant 0 : i32
          %dma_start3A_437 = arith.constant 0 : i32
          %dma_start3A_438 = tpu.memref_slice %arg17[%dma_start3A_436, %dma_start3A_437] : memref<256x32xf32, #tpu.memory_space<vmem>> -> memref<128x32xf32, #tpu.memory_space<vmem>>
          %dma_start3A_439 = arith.constant 0 : i32
          %dma_start3A_440 = tpu.memref_slice %arg13[%add3A_358, %dma_start3A_439] : memref<14x128xi32, #tpu.memory_space<vmem>> -> memref<1x128xi32, #tpu.memory_space<vmem>>
          %dma_start3A_441 = tpu.memref_squeeze %dma_start3A_440 : memref<1x128xi32, #tpu.memory_space<vmem>> -> memref<128xi32, #tpu.memory_space<vmem>>
          %dma_start3A_442 = arith.constant 0 : i32
          %dma_start3A_443 = arith.constant 0 : i32
          %dma_start3A_444 = tpu.memref_slice %arg9[%dma_start3A_442, %dma_start3A_443] : memref<50000x32xf32, #tpu.memory_space<vmem_shared>> -> memref<50000x32xf32, #tpu.memory_space<vmem_shared>>
          tpu.enqueue_indirect_dma source(%dma_start3A_438 : memref<128x32xf32, #tpu.memory_space<vmem>>) target(%dma_start3A_444 : memref<50000x32xf32, #tpu.memory_space<vmem_shared>>) offsets(%dma_start3A_441 : memref<128xi32, #tpu.memory_space<vmem>>) semaphore(%run_scoped3A : memref<!tpu.dma_semaphore, #tpu.memory_space<semaphore_mem>>) {add = true}
          %dma_wait3A_445 = arith.constant 0 : i32
          %dma_wait3A_446 = arith.constant 0 : i32
          %dma_wait3A_447 = tpu.memref_slice %arg17[%dma_wait3A_445, %dma_wait3A_446] : memref<256x32xf32, #tpu.memory_space<vmem>> -> memref<128x32xf32, #tpu.memory_space<vmem>>
          %dma_wait3A_448 = arith.constant 0 : i32
          %dma_wait3A_449 = tpu.memref_slice %arg13[%add3A_358, %dma_wait3A_448] : memref<14x128xi32, #tpu.memory_space<vmem>> -> memref<1x128xi32, #tpu.memory_space<vmem>>
          %dma_wait3A_450 = tpu.memref_squeeze %dma_wait3A_449 : memref<1x128xi32, #tpu.memory_space<vmem>> -> memref<128xi32, #tpu.memory_space<vmem>>
          %dma_wait3A_451 = arith.constant 0 : i32
          %dma_wait3A_452 = arith.constant 0 : i32
          %dma_wait3A_453 = tpu.memref_slice %arg9[%dma_wait3A_451, %dma_wait3A_452] : memref<50000x32xf32, #tpu.memory_space<vmem_shared>> -> memref<50000x32xf32, #tpu.memory_space<vmem_shared>>
          tpu.wait_indirect_dma semaphore(%run_scoped3A : memref<!tpu.dma_semaphore, #tpu.memory_space<semaphore_mem>>) src(%dma_wait3A_447 : memref<128x32xf32, #tpu.memory_space<vmem>>) dst(%dma_wait3A_453 : memref<50000x32xf32, #tpu.memory_space<vmem_shared>>)
          tpu.yield
        }) : () -> ()
      } else {
      }
    }
    %scan3A_41 = arith.constant 28 : i32
    %barrier3A_42 = arith.constant 0 : index
    tpu.barrier barrier_id(%barrier3A_42)
    %mul3A_43 = arith.constant 50000 : i32
    %mul3A_44 = arith.muli %arg0, %mul3A_43 : i32
    %add3A_45 = arith.addi %mul3A_44, %mul3A_2 : i32
    "tpu.region"() ({
      %run_scoped3A = tpu.sem_alloc : memref<!tpu.dma_semaphore, #tpu.memory_space<semaphore_mem>>
      %dma_start3A = arith.constant 0 : i32
      %dma_start3A_46 = tpu.memref_slice %arg8[%add3A_45, %dma_start3A] : memref<100000x32xf32, #tpu.memory_space<hbm>> -> memref<3125x32xf32, #tpu.memory_space<hbm>>
      %dma_start3A_47 = arith.constant 0 : i32
      %dma_start3A_48 = tpu.memref_slice %arg9[%mul3A_2, %dma_start3A_47] : memref<50000x32xf32, #tpu.memory_space<vmem_shared>> -> memref<3125x32xf32, #tpu.memory_space<vmem_shared>>
      tpu.enqueue_dma source(%dma_start3A_48 : memref<3125x32xf32, #tpu.memory_space<vmem_shared>>) target(%dma_start3A_46 : memref<3125x32xf32, #tpu.memory_space<hbm>>) target_semaphore(%run_scoped3A : memref<!tpu.dma_semaphore, #tpu.memory_space<semaphore_mem>>)
      %dma_wait3A = arith.constant 0 : i32
      %dma_wait3A_49 = tpu.memref_slice %arg8[%add3A_45, %dma_wait3A] : memref<100000x32xf32, #tpu.memory_space<hbm>> -> memref<3125x32xf32, #tpu.memory_space<hbm>>
      %dma_wait3A_50 = arith.constant 0 : i32
      %dma_wait3A_51 = tpu.memref_slice %arg9[%mul3A_2, %dma_wait3A_50] : memref<50000x32xf32, #tpu.memory_space<vmem_shared>> -> memref<3125x32xf32, #tpu.memory_space<vmem_shared>>
      tpu.wait_dma2 semaphore(%run_scoped3A : memref<!tpu.dma_semaphore, #tpu.memory_space<semaphore_mem>>) src(%dma_wait3A_51 : memref<3125x32xf32, #tpu.memory_space<vmem_shared>>) dst(%dma_wait3A_49 : memref<3125x32xf32, #tpu.memory_space<hbm>>)
      tpu.yield
    }) : () -> ()
    return
  }
}

#map = affine_map<(d0, d1) -> (0, 0)>
module attributes {stable_mosaic.version = 14 : i64} {
  func.func @_follow_body(%arg0: i32, %arg1: i32, %arg2: memref<50000x32xbf16, #tpu.memory_space<hbm>>, %arg3: memref<512x32xf32, #tpu.memory_space<hbm>>, %arg4: memref<6272x128xi32, #tpu.memory_space<hbm>>, %arg5: memref<6272x128xi32, #tpu.memory_space<hbm>>, %arg6: memref<6272x128xi32, #tpu.memory_space<hbm>>, %arg7: memref<100000x32xf32, #tpu.memory_space<hbm>>, %arg8: memref<50000x32xf32, #tpu.memory_space<vmem_shared>>, %arg9: memref<512x32xf32, #tpu.memory_space<vmem_shared>>, %arg10: memref<14x128xi32, #tpu.memory_space<vmem>>, %arg11: memref<14x128xi32, #tpu.memory_space<vmem>>, %arg12: memref<14x128xi32, #tpu.memory_space<vmem>>, %arg13: memref<384x32xbf16, #tpu.memory_space<vmem>>, %arg14: memref<256x32xf32, #tpu.memory_space<vmem>>, %arg15: memref<256x32xf32, #tpu.memory_space<vmem>>, %arg16: memref<!tpu.dma_semaphore, #tpu.memory_space<semaphore_mem>>, %arg17: memref<!tpu.dma_semaphore, #tpu.memory_space<semaphore_mem>>, %arg18: memref<!tpu.dma_semaphore, #tpu.memory_space<semaphore_mem>>, %arg19: memref<!tpu.dma_semaphore, #tpu.memory_space<semaphore_mem>>) attributes {dimension_semantics = [#tpu.dimension_semantics<core_parallel>, #tpu.dimension_semantics<subcore_parallel>], iteration_bounds = array<i64: 2, 16>, scalar_prefetch = 0 : i64, scratch_operands = 12 : i64, tpu.core_type = #tpu.core_type<sc_vector_subcore>, window_params = [{transform_indices = #map}, {transform_indices = #map}, {transform_indices = #map}, {transform_indices = #map}, {transform_indices = #map}, {transform_indices = #map}]} {
    %mul3A = arith.constant 2 : i32
    %mul3A_0 = arith.muli %arg1, %mul3A : i32
    %add3A = arith.addi %mul3A_0, %arg0 : i32
    %mul3A_1 = arith.constant 3125 : i32
    %mul3A_2 = arith.muli %arg1, %mul3A_1 : i32
    %eq3A = arith.constant 0 : i32
    %eq3A_3 = arith.cmpi eq, %arg1, %eq3A : i32
    %convert_element_type3A = arith.extui %eq3A_3 : i1 to i32
    %cond3A = arith.constant 0 : i32
    %cond3A_4 = arith.cmpi ne, %convert_element_type3A, %cond3A : i32
    scf.if %cond3A_4 {
      "tpu.region"() ({
        %run_scoped3A = tpu.sem_alloc : memref<!tpu.dma_semaphore, #tpu.memory_space<semaphore_mem>>
        tpu.enqueue_dma source(%arg3 : memref<512x32xf32, #tpu.memory_space<hbm>>) target(%arg9 : memref<512x32xf32, #tpu.memory_space<vmem_shared>>) target_semaphore(%run_scoped3A : memref<!tpu.dma_semaphore, #tpu.memory_space<semaphore_mem>>)
        tpu.wait_dma2 semaphore(%run_scoped3A : memref<!tpu.dma_semaphore, #tpu.memory_space<semaphore_mem>>) src(%arg3 : memref<512x32xf32, #tpu.memory_space<hbm>>) dst(%arg9 : memref<512x32xf32, #tpu.memory_space<vmem_shared>>)
        tpu.yield
      }) : () -> ()
    } else {
    }
    %scan3A = arith.constant 0 : i32
    %scan3A_5 = arith.constant 0 : i32
    %scan3A_6 = arith.constant 256 : i32
    %scan3A_7 = arith.addi %scan3A_5, %scan3A_6 : i32
    %scan3A_8 = arith.constant 1 : i32
    scf.for %scan3A_46 = %scan3A_5 to %scan3A_7 step %scan3A_8  : i32 {
      %broadcast_in_dim3A = arith.constant 0.000000e+00 : f32
      %broadcast_in_dim3A_47 = vector.broadcast %broadcast_in_dim3A : f32 to vector<16xf32>
      %swap3A = arith.index_cast %scan3A_46 : i32 to index
      %swap3A_48 = arith.constant 0 : index
      %swap3A_49 = tpu.vector_load %arg15[%swap3A, %swap3A_48] {strides = array<i32>} : memref<256x32xf32, #tpu.memory_space<vmem>>, vector<16xf32>,
      tpu.vector_store %arg15[%swap3A, %swap3A_48], %broadcast_in_dim3A_47 {strides = array<i32>} : memref<256x32xf32, #tpu.memory_space<vmem>>, vector<16xf32>,
      %broadcast_in_dim3A_50 = arith.constant 0.000000e+00 : f32
      %broadcast_in_dim3A_51 = vector.broadcast %broadcast_in_dim3A_50 : f32 to vector<16xf32>
      %swap3A_52 = arith.index_cast %scan3A_46 : i32 to index
      %swap3A_53 = arith.constant 16 : index
      %swap3A_54 = tpu.vector_load %arg15[%swap3A_52, %swap3A_53] {strides = array<i32>} : memref<256x32xf32, #tpu.memory_space<vmem>>, vector<16xf32>,
      tpu.vector_store %arg15[%swap3A_52, %swap3A_53], %broadcast_in_dim3A_51 {strides = array<i32>} : memref<256x32xf32, #tpu.memory_space<vmem>>, vector<16xf32>,
    }
    %scan3A_9 = arith.constant 256 : i32
    %add3A_10 = arith.constant 0 : i32
    %add3A_11 = arith.addi %mul3A_2, %add3A_10 : i32
    "tpu.region"() ({
      %run_scoped3A = tpu.sem_alloc : memref<!tpu.dma_semaphore, #tpu.memory_space<semaphore_mem>>
      %dma_start3A = arith.constant 0 : i32
      %dma_start3A_46 = arith.constant 0 : i32
      %dma_start3A_47 = tpu.memref_slice %arg15[%dma_start3A, %dma_start3A_46] : memref<256x32xf32, #tpu.memory_space<vmem>> -> memref<256x32xf32, #tpu.memory_space<vmem>>
      %dma_start3A_48 = arith.constant 0 : i32
      %dma_start3A_49 = tpu.memref_slice %arg8[%add3A_11, %dma_start3A_48] : memref<50000x32xf32, #tpu.memory_space<vmem_shared>> -> memref<256x32xf32, #tpu.memory_space<vmem_shared>>
      %dma_start3A_50 = arith.constant 0 : i32
      %dma_start3A_51 = tpu.memref_slice %arg8[%add3A_11, %dma_start3A_50] : memref<50000x32xf32, #tpu.memory_space<vmem_shared>> -> memref<256x32xf32, #tpu.memory_space<vmem_shared>>
      %dma_start3A_52 = arith.constant 0 : i32
      %dma_start3A_53 = arith.constant 0 : i32
      %dma_start3A_54 = tpu.memref_slice %arg15[%dma_start3A_52, %dma_start3A_53] : memref<256x32xf32, #tpu.memory_space<vmem>> -> memref<256x32xf32, #tpu.memory_space<vmem>>
      tpu.enqueue_dma source(%dma_start3A_54 : memref<256x32xf32, #tpu.memory_space<vmem>>) target(%dma_start3A_51 : memref<256x32xf32, #tpu.memory_space<vmem_shared>>) target_semaphore(%run_scoped3A : memref<!tpu.dma_semaphore, #tpu.memory_space<semaphore_mem>>)
      %dma_wait3A = arith.constant 0 : i32
      %dma_wait3A_55 = arith.constant 0 : i32
      %dma_wait3A_56 = tpu.memref_slice %arg15[%dma_wait3A, %dma_wait3A_55] : memref<256x32xf32, #tpu.memory_space<vmem>> -> memref<256x32xf32, #tpu.memory_space<vmem>>
      %dma_wait3A_57 = arith.constant 0 : i32
      %dma_wait3A_58 = tpu.memref_slice %arg8[%add3A_11, %dma_wait3A_57] : memref<50000x32xf32, #tpu.memory_space<vmem_shared>> -> memref<256x32xf32, #tpu.memory_space<vmem_shared>>
      %dma_wait3A_59 = arith.constant 0 : i32
      %dma_wait3A_60 = tpu.memref_slice %arg8[%add3A_11, %dma_wait3A_59] : memref<50000x32xf32, #tpu.memory_space<vmem_shared>> -> memref<256x32xf32, #tpu.memory_space<vmem_shared>>
      %dma_wait3A_61 = arith.constant 0 : i32
      %dma_wait3A_62 = arith.constant 0 : i32
      %dma_wait3A_63 = tpu.memref_slice %arg15[%dma_wait3A_61, %dma_wait3A_62] : memref<256x32xf32, #tpu.memory_space<vmem>> -> memref<256x32xf32, #tpu.memory_space<vmem>>
      tpu.wait_dma2 semaphore(%run_scoped3A : memref<!tpu.dma_semaphore, #tpu.memory_space<semaphore_mem>>) src(%dma_wait3A_63 : memref<256x32xf32, #tpu.memory_space<vmem>>) dst(%dma_wait3A_60 : memref<256x32xf32, #tpu.memory_space<vmem_shared>>)
      tpu.yield
    }) : () -> ()
    %add3A_12 = arith.constant 256 : i32
    %add3A_13 = arith.addi %mul3A_2, %add3A_12 : i32
    "tpu.region"() ({
      %run_scoped3A = tpu.sem_alloc : memref<!tpu.dma_semaphore, #tpu.memory_space<semaphore_mem>>
      %dma_start3A = arith.constant 0 : i32
      %dma_start3A_46 = arith.constant 0 : i32
      %dma_start3A_47 = tpu.memref_slice %arg15[%dma_start3A, %dma_start3A_46] : memref<256x32xf32, #tpu.memory_space<vmem>> -> memref<256x32xf32, #tpu.memory_space<vmem>>
      %dma_start3A_48 = arith.constant 0 : i32
      %dma_start3A_49 = tpu.memref_slice %arg8[%add3A_13, %dma_start3A_48] : memref<50000x32xf32, #tpu.memory_space<vmem_shared>> -> memref<256x32xf32, #tpu.memory_space<vmem_shared>>
      %dma_start3A_50 = arith.constant 0 : i32
      %dma_start3A_51 = tpu.memref_slice %arg8[%add3A_13, %dma_start3A_50] : memref<50000x32xf32, #tpu.memory_space<vmem_shared>> -> memref<256x32xf32, #tpu.memory_space<vmem_shared>>
      %dma_start3A_52 = arith.constant 0 : i32
      %dma_start3A_53 = arith.constant 0 : i32
      %dma_start3A_54 = tpu.memref_slice %arg15[%dma_start3A_52, %dma_start3A_53] : memref<256x32xf32, #tpu.memory_space<vmem>> -> memref<256x32xf32, #tpu.memory_space<vmem>>
      tpu.enqueue_dma source(%dma_start3A_54 : memref<256x32xf32, #tpu.memory_space<vmem>>) target(%dma_start3A_51 : memref<256x32xf32, #tpu.memory_space<vmem_shared>>) target_semaphore(%run_scoped3A : memref<!tpu.dma_semaphore, #tpu.memory_space<semaphore_mem>>)
      %dma_wait3A = arith.constant 0 : i32
      %dma_wait3A_55 = arith.constant 0 : i32
      %dma_wait3A_56 = tpu.memref_slice %arg15[%dma_wait3A, %dma_wait3A_55] : memref<256x32xf32, #tpu.memory_space<vmem>> -> memref<256x32xf32, #tpu.memory_space<vmem>>
      %dma_wait3A_57 = arith.constant 0 : i32
      %dma_wait3A_58 = tpu.memref_slice %arg8[%add3A_13, %dma_wait3A_57] : memref<50000x32xf32, #tpu.memory_space<vmem_shared>> -> memref<256x32xf32, #tpu.memory_space<vmem_shared>>
      %dma_wait3A_59 = arith.constant 0 : i32
      %dma_wait3A_60 = tpu.memref_slice %arg8[%add3A_13, %dma_wait3A_59] : memref<50000x32xf32, #tpu.memory_space<vmem_shared>> -> memref<256x32xf32, #tpu.memory_space<vmem_shared>>
      %dma_wait3A_61 = arith.constant 0 : i32
      %dma_wait3A_62 = arith.constant 0 : i32
      %dma_wait3A_63 = tpu.memref_slice %arg15[%dma_wait3A_61, %dma_wait3A_62] : memref<256x32xf32, #tpu.memory_space<vmem>> -> memref<256x32xf32, #tpu.memory_space<vmem>>
      tpu.wait_dma2 semaphore(%run_scoped3A : memref<!tpu.dma_semaphore, #tpu.memory_space<semaphore_mem>>) src(%dma_wait3A_63 : memref<256x32xf32, #tpu.memory_space<vmem>>) dst(%dma_wait3A_60 : memref<256x32xf32, #tpu.memory_space<vmem_shared>>)
      tpu.yield
    }) : () -> ()
    %add3A_14 = arith.constant 512 : i32
    %add3A_15 = arith.addi %mul3A_2, %add3A_14 : i32
    "tpu.region"() ({
      %run_scoped3A = tpu.sem_alloc : memref<!tpu.dma_semaphore, #tpu.memory_space<semaphore_mem>>
      %dma_start3A = arith.constant 0 : i32
      %dma_start3A_46 = arith.constant 0 : i32
      %dma_start3A_47 = tpu.memref_slice %arg15[%dma_start3A, %dma_start3A_46] : memref<256x32xf32, #tpu.memory_space<vmem>> -> memref<256x32xf32, #tpu.memory_space<vmem>>
      %dma_start3A_48 = arith.constant 0 : i32
      %dma_start3A_49 = tpu.memref_slice %arg8[%add3A_15, %dma_start3A_48] : memref<50000x32xf32, #tpu.memory_space<vmem_shared>> -> memref<256x32xf32, #tpu.memory_space<vmem_shared>>
      %dma_start3A_50 = arith.constant 0 : i32
      %dma_start3A_51 = tpu.memref_slice %arg8[%add3A_15, %dma_start3A_50] : memref<50000x32xf32, #tpu.memory_space<vmem_shared>> -> memref<256x32xf32, #tpu.memory_space<vmem_shared>>
      %dma_start3A_52 = arith.constant 0 : i32
      %dma_start3A_53 = arith.constant 0 : i32
      %dma_start3A_54 = tpu.memref_slice %arg15[%dma_start3A_52, %dma_start3A_53] : memref<256x32xf32, #tpu.memory_space<vmem>> -> memref<256x32xf32, #tpu.memory_space<vmem>>
      tpu.enqueue_dma source(%dma_start3A_54 : memref<256x32xf32, #tpu.memory_space<vmem>>) target(%dma_start3A_51 : memref<256x32xf32, #tpu.memory_space<vmem_shared>>) target_semaphore(%run_scoped3A : memref<!tpu.dma_semaphore, #tpu.memory_space<semaphore_mem>>)
      %dma_wait3A = arith.constant 0 : i32
      %dma_wait3A_55 = arith.constant 0 : i32
      %dma_wait3A_56 = tpu.memref_slice %arg15[%dma_wait3A, %dma_wait3A_55] : memref<256x32xf32, #tpu.memory_space<vmem>> -> memref<256x32xf32, #tpu.memory_space<vmem>>
      %dma_wait3A_57 = arith.constant 0 : i32
      %dma_wait3A_58 = tpu.memref_slice %arg8[%add3A_15, %dma_wait3A_57] : memref<50000x32xf32, #tpu.memory_space<vmem_shared>> -> memref<256x32xf32, #tpu.memory_space<vmem_shared>>
      %dma_wait3A_59 = arith.constant 0 : i32
      %dma_wait3A_60 = tpu.memref_slice %arg8[%add3A_15, %dma_wait3A_59] : memref<50000x32xf32, #tpu.memory_space<vmem_shared>> -> memref<256x32xf32, #tpu.memory_space<vmem_shared>>
      %dma_wait3A_61 = arith.constant 0 : i32
      %dma_wait3A_62 = arith.constant 0 : i32
      %dma_wait3A_63 = tpu.memref_slice %arg15[%dma_wait3A_61, %dma_wait3A_62] : memref<256x32xf32, #tpu.memory_space<vmem>> -> memref<256x32xf32, #tpu.memory_space<vmem>>
      tpu.wait_dma2 semaphore(%run_scoped3A : memref<!tpu.dma_semaphore, #tpu.memory_space<semaphore_mem>>) src(%dma_wait3A_63 : memref<256x32xf32, #tpu.memory_space<vmem>>) dst(%dma_wait3A_60 : memref<256x32xf32, #tpu.memory_space<vmem_shared>>)
      tpu.yield
    }) : () -> ()
    %add3A_16 = arith.constant 768 : i32
    %add3A_17 = arith.addi %mul3A_2, %add3A_16 : i32
    "tpu.region"() ({
      %run_scoped3A = tpu.sem_alloc : memref<!tpu.dma_semaphore, #tpu.memory_space<semaphore_mem>>
      %dma_start3A = arith.constant 0 : i32
      %dma_start3A_46 = arith.constant 0 : i32
      %dma_start3A_47 = tpu.memref_slice %arg15[%dma_start3A, %dma_start3A_46] : memref<256x32xf32, #tpu.memory_space<vmem>> -> memref<256x32xf32, #tpu.memory_space<vmem>>
      %dma_start3A_48 = arith.constant 0 : i32
      %dma_start3A_49 = tpu.memref_slice %arg8[%add3A_17, %dma_start3A_48] : memref<50000x32xf32, #tpu.memory_space<vmem_shared>> -> memref<256x32xf32, #tpu.memory_space<vmem_shared>>
      %dma_start3A_50 = arith.constant 0 : i32
      %dma_start3A_51 = tpu.memref_slice %arg8[%add3A_17, %dma_start3A_50] : memref<50000x32xf32, #tpu.memory_space<vmem_shared>> -> memref<256x32xf32, #tpu.memory_space<vmem_shared>>
      %dma_start3A_52 = arith.constant 0 : i32
      %dma_start3A_53 = arith.constant 0 : i32
      %dma_start3A_54 = tpu.memref_slice %arg15[%dma_start3A_52, %dma_start3A_53] : memref<256x32xf32, #tpu.memory_space<vmem>> -> memref<256x32xf32, #tpu.memory_space<vmem>>
      tpu.enqueue_dma source(%dma_start3A_54 : memref<256x32xf32, #tpu.memory_space<vmem>>) target(%dma_start3A_51 : memref<256x32xf32, #tpu.memory_space<vmem_shared>>) target_semaphore(%run_scoped3A : memref<!tpu.dma_semaphore, #tpu.memory_space<semaphore_mem>>)
      %dma_wait3A = arith.constant 0 : i32
      %dma_wait3A_55 = arith.constant 0 : i32
      %dma_wait3A_56 = tpu.memref_slice %arg15[%dma_wait3A, %dma_wait3A_55] : memref<256x32xf32, #tpu.memory_space<vmem>> -> memref<256x32xf32, #tpu.memory_space<vmem>>
      %dma_wait3A_57 = arith.constant 0 : i32
      %dma_wait3A_58 = tpu.memref_slice %arg8[%add3A_17, %dma_wait3A_57] : memref<50000x32xf32, #tpu.memory_space<vmem_shared>> -> memref<256x32xf32, #tpu.memory_space<vmem_shared>>
      %dma_wait3A_59 = arith.constant 0 : i32
      %dma_wait3A_60 = tpu.memref_slice %arg8[%add3A_17, %dma_wait3A_59] : memref<50000x32xf32, #tpu.memory_space<vmem_shared>> -> memref<256x32xf32, #tpu.memory_space<vmem_shared>>
      %dma_wait3A_61 = arith.constant 0 : i32
      %dma_wait3A_62 = arith.constant 0 : i32
      %dma_wait3A_63 = tpu.memref_slice %arg15[%dma_wait3A_61, %dma_wait3A_62] : memref<256x32xf32, #tpu.memory_space<vmem>> -> memref<256x32xf32, #tpu.memory_space<vmem>>
      tpu.wait_dma2 semaphore(%run_scoped3A : memref<!tpu.dma_semaphore, #tpu.memory_space<semaphore_mem>>) src(%dma_wait3A_63 : memref<256x32xf32, #tpu.memory_space<vmem>>) dst(%dma_wait3A_60 : memref<256x32xf32, #tpu.memory_space<vmem_shared>>)
      tpu.yield
    }) : () -> ()
    %add3A_18 = arith.constant 1024 : i32
    %add3A_19 = arith.addi %mul3A_2, %add3A_18 : i32
    "tpu.region"() ({
      %run_scoped3A = tpu.sem_alloc : memref<!tpu.dma_semaphore, #tpu.memory_space<semaphore_mem>>
      %dma_start3A = arith.constant 0 : i32
      %dma_start3A_46 = arith.constant 0 : i32
      %dma_start3A_47 = tpu.memref_slice %arg15[%dma_start3A, %dma_start3A_46] : memref<256x32xf32, #tpu.memory_space<vmem>> -> memref<256x32xf32, #tpu.memory_space<vmem>>
      %dma_start3A_48 = arith.constant 0 : i32
      %dma_start3A_49 = tpu.memref_slice %arg8[%add3A_19, %dma_start3A_48] : memref<50000x32xf32, #tpu.memory_space<vmem_shared>> -> memref<256x32xf32, #tpu.memory_space<vmem_shared>>
      %dma_start3A_50 = arith.constant 0 : i32
      %dma_start3A_51 = tpu.memref_slice %arg8[%add3A_19, %dma_start3A_50] : memref<50000x32xf32, #tpu.memory_space<vmem_shared>> -> memref<256x32xf32, #tpu.memory_space<vmem_shared>>
      %dma_start3A_52 = arith.constant 0 : i32
      %dma_start3A_53 = arith.constant 0 : i32
      %dma_start3A_54 = tpu.memref_slice %arg15[%dma_start3A_52, %dma_start3A_53] : memref<256x32xf32, #tpu.memory_space<vmem>> -> memref<256x32xf32, #tpu.memory_space<vmem>>
      tpu.enqueue_dma source(%dma_start3A_54 : memref<256x32xf32, #tpu.memory_space<vmem>>) target(%dma_start3A_51 : memref<256x32xf32, #tpu.memory_space<vmem_shared>>) target_semaphore(%run_scoped3A : memref<!tpu.dma_semaphore, #tpu.memory_space<semaphore_mem>>)
      %dma_wait3A = arith.constant 0 : i32
      %dma_wait3A_55 = arith.constant 0 : i32
      %dma_wait3A_56 = tpu.memref_slice %arg15[%dma_wait3A, %dma_wait3A_55] : memref<256x32xf32, #tpu.memory_space<vmem>> -> memref<256x32xf32, #tpu.memory_space<vmem>>
      %dma_wait3A_57 = arith.constant 0 : i32
      %dma_wait3A_58 = tpu.memref_slice %arg8[%add3A_19, %dma_wait3A_57] : memref<50000x32xf32, #tpu.memory_space<vmem_shared>> -> memref<256x32xf32, #tpu.memory_space<vmem_shared>>
      %dma_wait3A_59 = arith.constant 0 : i32
      %dma_wait3A_60 = tpu.memref_slice %arg8[%add3A_19, %dma_wait3A_59] : memref<50000x32xf32, #tpu.memory_space<vmem_shared>> -> memref<256x32xf32, #tpu.memory_space<vmem_shared>>
      %dma_wait3A_61 = arith.constant 0 : i32
      %dma_wait3A_62 = arith.constant 0 : i32
      %dma_wait3A_63 = tpu.memref_slice %arg15[%dma_wait3A_61, %dma_wait3A_62] : memref<256x32xf32, #tpu.memory_space<vmem>> -> memref<256x32xf32, #tpu.memory_space<vmem>>
      tpu.wait_dma2 semaphore(%run_scoped3A : memref<!tpu.dma_semaphore, #tpu.memory_space<semaphore_mem>>) src(%dma_wait3A_63 : memref<256x32xf32, #tpu.memory_space<vmem>>) dst(%dma_wait3A_60 : memref<256x32xf32, #tpu.memory_space<vmem_shared>>)
      tpu.yield
    }) : () -> ()
    %add3A_20 = arith.constant 1280 : i32
    %add3A_21 = arith.addi %mul3A_2, %add3A_20 : i32
    "tpu.region"() ({
      %run_scoped3A = tpu.sem_alloc : memref<!tpu.dma_semaphore, #tpu.memory_space<semaphore_mem>>
      %dma_start3A = arith.constant 0 : i32
      %dma_start3A_46 = arith.constant 0 : i32
      %dma_start3A_47 = tpu.memref_slice %arg15[%dma_start3A, %dma_start3A_46] : memref<256x32xf32, #tpu.memory_space<vmem>> -> memref<256x32xf32, #tpu.memory_space<vmem>>
      %dma_start3A_48 = arith.constant 0 : i32
      %dma_start3A_49 = tpu.memref_slice %arg8[%add3A_21, %dma_start3A_48] : memref<50000x32xf32, #tpu.memory_space<vmem_shared>> -> memref<256x32xf32, #tpu.memory_space<vmem_shared>>
      %dma_start3A_50 = arith.constant 0 : i32
      %dma_start3A_51 = tpu.memref_slice %arg8[%add3A_21, %dma_start3A_50] : memref<50000x32xf32, #tpu.memory_space<vmem_shared>> -> memref<256x32xf32, #tpu.memory_space<vmem_shared>>
      %dma_start3A_52 = arith.constant 0 : i32
      %dma_start3A_53 = arith.constant 0 : i32
      %dma_start3A_54 = tpu.memref_slice %arg15[%dma_start3A_52, %dma_start3A_53] : memref<256x32xf32, #tpu.memory_space<vmem>> -> memref<256x32xf32, #tpu.memory_space<vmem>>
      tpu.enqueue_dma source(%dma_start3A_54 : memref<256x32xf32, #tpu.memory_space<vmem>>) target(%dma_start3A_51 : memref<256x32xf32, #tpu.memory_space<vmem_shared>>) target_semaphore(%run_scoped3A : memref<!tpu.dma_semaphore, #tpu.memory_space<semaphore_mem>>)
      %dma_wait3A = arith.constant 0 : i32
      %dma_wait3A_55 = arith.constant 0 : i32
      %dma_wait3A_56 = tpu.memref_slice %arg15[%dma_wait3A, %dma_wait3A_55] : memref<256x32xf32, #tpu.memory_space<vmem>> -> memref<256x32xf32, #tpu.memory_space<vmem>>
      %dma_wait3A_57 = arith.constant 0 : i32
      %dma_wait3A_58 = tpu.memref_slice %arg8[%add3A_21, %dma_wait3A_57] : memref<50000x32xf32, #tpu.memory_space<vmem_shared>> -> memref<256x32xf32, #tpu.memory_space<vmem_shared>>
      %dma_wait3A_59 = arith.constant 0 : i32
      %dma_wait3A_60 = tpu.memref_slice %arg8[%add3A_21, %dma_wait3A_59] : memref<50000x32xf32, #tpu.memory_space<vmem_shared>> -> memref<256x32xf32, #tpu.memory_space<vmem_shared>>
      %dma_wait3A_61 = arith.constant 0 : i32
      %dma_wait3A_62 = arith.constant 0 : i32
      %dma_wait3A_63 = tpu.memref_slice %arg15[%dma_wait3A_61, %dma_wait3A_62] : memref<256x32xf32, #tpu.memory_space<vmem>> -> memref<256x32xf32, #tpu.memory_space<vmem>>
      tpu.wait_dma2 semaphore(%run_scoped3A : memref<!tpu.dma_semaphore, #tpu.memory_space<semaphore_mem>>) src(%dma_wait3A_63 : memref<256x32xf32, #tpu.memory_space<vmem>>) dst(%dma_wait3A_60 : memref<256x32xf32, #tpu.memory_space<vmem_shared>>)
      tpu.yield
    }) : () -> ()
    %add3A_22 = arith.constant 1536 : i32
    %add3A_23 = arith.addi %mul3A_2, %add3A_22 : i32
    "tpu.region"() ({
      %run_scoped3A = tpu.sem_alloc : memref<!tpu.dma_semaphore, #tpu.memory_space<semaphore_mem>>
      %dma_start3A = arith.constant 0 : i32
      %dma_start3A_46 = arith.constant 0 : i32
      %dma_start3A_47 = tpu.memref_slice %arg15[%dma_start3A, %dma_start3A_46] : memref<256x32xf32, #tpu.memory_space<vmem>> -> memref<256x32xf32, #tpu.memory_space<vmem>>
      %dma_start3A_48 = arith.constant 0 : i32
      %dma_start3A_49 = tpu.memref_slice %arg8[%add3A_23, %dma_start3A_48] : memref<50000x32xf32, #tpu.memory_space<vmem_shared>> -> memref<256x32xf32, #tpu.memory_space<vmem_shared>>
      %dma_start3A_50 = arith.constant 0 : i32
      %dma_start3A_51 = tpu.memref_slice %arg8[%add3A_23, %dma_start3A_50] : memref<50000x32xf32, #tpu.memory_space<vmem_shared>> -> memref<256x32xf32, #tpu.memory_space<vmem_shared>>
      %dma_start3A_52 = arith.constant 0 : i32
      %dma_start3A_53 = arith.constant 0 : i32
      %dma_start3A_54 = tpu.memref_slice %arg15[%dma_start3A_52, %dma_start3A_53] : memref<256x32xf32, #tpu.memory_space<vmem>> -> memref<256x32xf32, #tpu.memory_space<vmem>>
      tpu.enqueue_dma source(%dma_start3A_54 : memref<256x32xf32, #tpu.memory_space<vmem>>) target(%dma_start3A_51 : memref<256x32xf32, #tpu.memory_space<vmem_shared>>) target_semaphore(%run_scoped3A : memref<!tpu.dma_semaphore, #tpu.memory_space<semaphore_mem>>)
      %dma_wait3A = arith.constant 0 : i32
      %dma_wait3A_55 = arith.constant 0 : i32
      %dma_wait3A_56 = tpu.memref_slice %arg15[%dma_wait3A, %dma_wait3A_55] : memref<256x32xf32, #tpu.memory_space<vmem>> -> memref<256x32xf32, #tpu.memory_space<vmem>>
      %dma_wait3A_57 = arith.constant 0 : i32
      %dma_wait3A_58 = tpu.memref_slice %arg8[%add3A_23, %dma_wait3A_57] : memref<50000x32xf32, #tpu.memory_space<vmem_shared>> -> memref<256x32xf32, #tpu.memory_space<vmem_shared>>
      %dma_wait3A_59 = arith.constant 0 : i32
      %dma_wait3A_60 = tpu.memref_slice %arg8[%add3A_23, %dma_wait3A_59] : memref<50000x32xf32, #tpu.memory_space<vmem_shared>> -> memref<256x32xf32, #tpu.memory_space<vmem_shared>>
      %dma_wait3A_61 = arith.constant 0 : i32
      %dma_wait3A_62 = arith.constant 0 : i32
      %dma_wait3A_63 = tpu.memref_slice %arg15[%dma_wait3A_61, %dma_wait3A_62] : memref<256x32xf32, #tpu.memory_space<vmem>> -> memref<256x32xf32, #tpu.memory_space<vmem>>
      tpu.wait_dma2 semaphore(%run_scoped3A : memref<!tpu.dma_semaphore, #tpu.memory_space<semaphore_mem>>) src(%dma_wait3A_63 : memref<256x32xf32, #tpu.memory_space<vmem>>) dst(%dma_wait3A_60 : memref<256x32xf32, #tpu.memory_space<vmem_shared>>)
      tpu.yield
    }) : () -> ()
    %add3A_24 = arith.constant 1792 : i32
    %add3A_25 = arith.addi %mul3A_2, %add3A_24 : i32
    "tpu.region"() ({
      %run_scoped3A = tpu.sem_alloc : memref<!tpu.dma_semaphore, #tpu.memory_space<semaphore_mem>>
      %dma_start3A = arith.constant 0 : i32
      %dma_start3A_46 = arith.constant 0 : i32
      %dma_start3A_47 = tpu.memref_slice %arg15[%dma_start3A, %dma_start3A_46] : memref<256x32xf32, #tpu.memory_space<vmem>> -> memref<256x32xf32, #tpu.memory_space<vmem>>
      %dma_start3A_48 = arith.constant 0 : i32
      %dma_start3A_49 = tpu.memref_slice %arg8[%add3A_25, %dma_start3A_48] : memref<50000x32xf32, #tpu.memory_space<vmem_shared>> -> memref<256x32xf32, #tpu.memory_space<vmem_shared>>
      %dma_start3A_50 = arith.constant 0 : i32
      %dma_start3A_51 = tpu.memref_slice %arg8[%add3A_25, %dma_start3A_50] : memref<50000x32xf32, #tpu.memory_space<vmem_shared>> -> memref<256x32xf32, #tpu.memory_space<vmem_shared>>
      %dma_start3A_52 = arith.constant 0 : i32
      %dma_start3A_53 = arith.constant 0 : i32
      %dma_start3A_54 = tpu.memref_slice %arg15[%dma_start3A_52, %dma_start3A_53] : memref<256x32xf32, #tpu.memory_space<vmem>> -> memref<256x32xf32, #tpu.memory_space<vmem>>
      tpu.enqueue_dma source(%dma_start3A_54 : memref<256x32xf32, #tpu.memory_space<vmem>>) target(%dma_start3A_51 : memref<256x32xf32, #tpu.memory_space<vmem_shared>>) target_semaphore(%run_scoped3A : memref<!tpu.dma_semaphore, #tpu.memory_space<semaphore_mem>>)
      %dma_wait3A = arith.constant 0 : i32
      %dma_wait3A_55 = arith.constant 0 : i32
      %dma_wait3A_56 = tpu.memref_slice %arg15[%dma_wait3A, %dma_wait3A_55] : memref<256x32xf32, #tpu.memory_space<vmem>> -> memref<256x32xf32, #tpu.memory_space<vmem>>
      %dma_wait3A_57 = arith.constant 0 : i32
      %dma_wait3A_58 = tpu.memref_slice %arg8[%add3A_25, %dma_wait3A_57] : memref<50000x32xf32, #tpu.memory_space<vmem_shared>> -> memref<256x32xf32, #tpu.memory_space<vmem_shared>>
      %dma_wait3A_59 = arith.constant 0 : i32
      %dma_wait3A_60 = tpu.memref_slice %arg8[%add3A_25, %dma_wait3A_59] : memref<50000x32xf32, #tpu.memory_space<vmem_shared>> -> memref<256x32xf32, #tpu.memory_space<vmem_shared>>
      %dma_wait3A_61 = arith.constant 0 : i32
      %dma_wait3A_62 = arith.constant 0 : i32
      %dma_wait3A_63 = tpu.memref_slice %arg15[%dma_wait3A_61, %dma_wait3A_62] : memref<256x32xf32, #tpu.memory_space<vmem>> -> memref<256x32xf32, #tpu.memory_space<vmem>>
      tpu.wait_dma2 semaphore(%run_scoped3A : memref<!tpu.dma_semaphore, #tpu.memory_space<semaphore_mem>>) src(%dma_wait3A_63 : memref<256x32xf32, #tpu.memory_space<vmem>>) dst(%dma_wait3A_60 : memref<256x32xf32, #tpu.memory_space<vmem_shared>>)
      tpu.yield
    }) : () -> ()
    %add3A_26 = arith.constant 2048 : i32
    %add3A_27 = arith.addi %mul3A_2, %add3A_26 : i32
    "tpu.region"() ({
      %run_scoped3A = tpu.sem_alloc : memref<!tpu.dma_semaphore, #tpu.memory_space<semaphore_mem>>
      %dma_start3A = arith.constant 0 : i32
      %dma_start3A_46 = arith.constant 0 : i32
      %dma_start3A_47 = tpu.memref_slice %arg15[%dma_start3A, %dma_start3A_46] : memref<256x32xf32, #tpu.memory_space<vmem>> -> memref<256x32xf32, #tpu.memory_space<vmem>>
      %dma_start3A_48 = arith.constant 0 : i32
      %dma_start3A_49 = tpu.memref_slice %arg8[%add3A_27, %dma_start3A_48] : memref<50000x32xf32, #tpu.memory_space<vmem_shared>> -> memref<256x32xf32, #tpu.memory_space<vmem_shared>>
      %dma_start3A_50 = arith.constant 0 : i32
      %dma_start3A_51 = tpu.memref_slice %arg8[%add3A_27, %dma_start3A_50] : memref<50000x32xf32, #tpu.memory_space<vmem_shared>> -> memref<256x32xf32, #tpu.memory_space<vmem_shared>>
      %dma_start3A_52 = arith.constant 0 : i32
      %dma_start3A_53 = arith.constant 0 : i32
      %dma_start3A_54 = tpu.memref_slice %arg15[%dma_start3A_52, %dma_start3A_53] : memref<256x32xf32, #tpu.memory_space<vmem>> -> memref<256x32xf32, #tpu.memory_space<vmem>>
      tpu.enqueue_dma source(%dma_start3A_54 : memref<256x32xf32, #tpu.memory_space<vmem>>) target(%dma_start3A_51 : memref<256x32xf32, #tpu.memory_space<vmem_shared>>) target_semaphore(%run_scoped3A : memref<!tpu.dma_semaphore, #tpu.memory_space<semaphore_mem>>)
      %dma_wait3A = arith.constant 0 : i32
      %dma_wait3A_55 = arith.constant 0 : i32
      %dma_wait3A_56 = tpu.memref_slice %arg15[%dma_wait3A, %dma_wait3A_55] : memref<256x32xf32, #tpu.memory_space<vmem>> -> memref<256x32xf32, #tpu.memory_space<vmem>>
      %dma_wait3A_57 = arith.constant 0 : i32
      %dma_wait3A_58 = tpu.memref_slice %arg8[%add3A_27, %dma_wait3A_57] : memref<50000x32xf32, #tpu.memory_space<vmem_shared>> -> memref<256x32xf32, #tpu.memory_space<vmem_shared>>
      %dma_wait3A_59 = arith.constant 0 : i32
      %dma_wait3A_60 = tpu.memref_slice %arg8[%add3A_27, %dma_wait3A_59] : memref<50000x32xf32, #tpu.memory_space<vmem_shared>> -> memref<256x32xf32, #tpu.memory_space<vmem_shared>>
      %dma_wait3A_61 = arith.constant 0 : i32
      %dma_wait3A_62 = arith.constant 0 : i32
      %dma_wait3A_63 = tpu.memref_slice %arg15[%dma_wait3A_61, %dma_wait3A_62] : memref<256x32xf32, #tpu.memory_space<vmem>> -> memref<256x32xf32, #tpu.memory_space<vmem>>
      tpu.wait_dma2 semaphore(%run_scoped3A : memref<!tpu.dma_semaphore, #tpu.memory_space<semaphore_mem>>) src(%dma_wait3A_63 : memref<256x32xf32, #tpu.memory_space<vmem>>) dst(%dma_wait3A_60 : memref<256x32xf32, #tpu.memory_space<vmem_shared>>)
      tpu.yield
    }) : () -> ()
    %add3A_28 = arith.constant 2304 : i32
    %add3A_29 = arith.addi %mul3A_2, %add3A_28 : i32
    "tpu.region"() ({
      %run_scoped3A = tpu.sem_alloc : memref<!tpu.dma_semaphore, #tpu.memory_space<semaphore_mem>>
      %dma_start3A = arith.constant 0 : i32
      %dma_start3A_46 = arith.constant 0 : i32
      %dma_start3A_47 = tpu.memref_slice %arg15[%dma_start3A, %dma_start3A_46] : memref<256x32xf32, #tpu.memory_space<vmem>> -> memref<256x32xf32, #tpu.memory_space<vmem>>
      %dma_start3A_48 = arith.constant 0 : i32
      %dma_start3A_49 = tpu.memref_slice %arg8[%add3A_29, %dma_start3A_48] : memref<50000x32xf32, #tpu.memory_space<vmem_shared>> -> memref<256x32xf32, #tpu.memory_space<vmem_shared>>
      %dma_start3A_50 = arith.constant 0 : i32
      %dma_start3A_51 = tpu.memref_slice %arg8[%add3A_29, %dma_start3A_50] : memref<50000x32xf32, #tpu.memory_space<vmem_shared>> -> memref<256x32xf32, #tpu.memory_space<vmem_shared>>
      %dma_start3A_52 = arith.constant 0 : i32
      %dma_start3A_53 = arith.constant 0 : i32
      %dma_start3A_54 = tpu.memref_slice %arg15[%dma_start3A_52, %dma_start3A_53] : memref<256x32xf32, #tpu.memory_space<vmem>> -> memref<256x32xf32, #tpu.memory_space<vmem>>
      tpu.enqueue_dma source(%dma_start3A_54 : memref<256x32xf32, #tpu.memory_space<vmem>>) target(%dma_start3A_51 : memref<256x32xf32, #tpu.memory_space<vmem_shared>>) target_semaphore(%run_scoped3A : memref<!tpu.dma_semaphore, #tpu.memory_space<semaphore_mem>>)
      %dma_wait3A = arith.constant 0 : i32
      %dma_wait3A_55 = arith.constant 0 : i32
      %dma_wait3A_56 = tpu.memref_slice %arg15[%dma_wait3A, %dma_wait3A_55] : memref<256x32xf32, #tpu.memory_space<vmem>> -> memref<256x32xf32, #tpu.memory_space<vmem>>
      %dma_wait3A_57 = arith.constant 0 : i32
      %dma_wait3A_58 = tpu.memref_slice %arg8[%add3A_29, %dma_wait3A_57] : memref<50000x32xf32, #tpu.memory_space<vmem_shared>> -> memref<256x32xf32, #tpu.memory_space<vmem_shared>>
      %dma_wait3A_59 = arith.constant 0 : i32
      %dma_wait3A_60 = tpu.memref_slice %arg8[%add3A_29, %dma_wait3A_59] : memref<50000x32xf32, #tpu.memory_space<vmem_shared>> -> memref<256x32xf32, #tpu.memory_space<vmem_shared>>
      %dma_wait3A_61 = arith.constant 0 : i32
      %dma_wait3A_62 = arith.constant 0 : i32
      %dma_wait3A_63 = tpu.memref_slice %arg15[%dma_wait3A_61, %dma_wait3A_62] : memref<256x32xf32, #tpu.memory_space<vmem>> -> memref<256x32xf32, #tpu.memory_space<vmem>>
      tpu.wait_dma2 semaphore(%run_scoped3A : memref<!tpu.dma_semaphore, #tpu.memory_space<semaphore_mem>>) src(%dma_wait3A_63 : memref<256x32xf32, #tpu.memory_space<vmem>>) dst(%dma_wait3A_60 : memref<256x32xf32, #tpu.memory_space<vmem_shared>>)
      tpu.yield
    }) : () -> ()
    %add3A_30 = arith.constant 2560 : i32
    %add3A_31 = arith.addi %mul3A_2, %add3A_30 : i32
    "tpu.region"() ({
      %run_scoped3A = tpu.sem_alloc : memref<!tpu.dma_semaphore, #tpu.memory_space<semaphore_mem>>
      %dma_start3A = arith.constant 0 : i32
      %dma_start3A_46 = arith.constant 0 : i32
      %dma_start3A_47 = tpu.memref_slice %arg15[%dma_start3A, %dma_start3A_46] : memref<256x32xf32, #tpu.memory_space<vmem>> -> memref<256x32xf32, #tpu.memory_space<vmem>>
      %dma_start3A_48 = arith.constant 0 : i32
      %dma_start3A_49 = tpu.memref_slice %arg8[%add3A_31, %dma_start3A_48] : memref<50000x32xf32, #tpu.memory_space<vmem_shared>> -> memref<256x32xf32, #tpu.memory_space<vmem_shared>>
      %dma_start3A_50 = arith.constant 0 : i32
      %dma_start3A_51 = tpu.memref_slice %arg8[%add3A_31, %dma_start3A_50] : memref<50000x32xf32, #tpu.memory_space<vmem_shared>> -> memref<256x32xf32, #tpu.memory_space<vmem_shared>>
      %dma_start3A_52 = arith.constant 0 : i32
      %dma_start3A_53 = arith.constant 0 : i32
      %dma_start3A_54 = tpu.memref_slice %arg15[%dma_start3A_52, %dma_start3A_53] : memref<256x32xf32, #tpu.memory_space<vmem>> -> memref<256x32xf32, #tpu.memory_space<vmem>>
      tpu.enqueue_dma source(%dma_start3A_54 : memref<256x32xf32, #tpu.memory_space<vmem>>) target(%dma_start3A_51 : memref<256x32xf32, #tpu.memory_space<vmem_shared>>) target_semaphore(%run_scoped3A : memref<!tpu.dma_semaphore, #tpu.memory_space<semaphore_mem>>)
      %dma_wait3A = arith.constant 0 : i32
      %dma_wait3A_55 = arith.constant 0 : i32
      %dma_wait3A_56 = tpu.memref_slice %arg15[%dma_wait3A, %dma_wait3A_55] : memref<256x32xf32, #tpu.memory_space<vmem>> -> memref<256x32xf32, #tpu.memory_space<vmem>>
      %dma_wait3A_57 = arith.constant 0 : i32
      %dma_wait3A_58 = tpu.memref_slice %arg8[%add3A_31, %dma_wait3A_57] : memref<50000x32xf32, #tpu.memory_space<vmem_shared>> -> memref<256x32xf32, #tpu.memory_space<vmem_shared>>
      %dma_wait3A_59 = arith.constant 0 : i32
      %dma_wait3A_60 = tpu.memref_slice %arg8[%add3A_31, %dma_wait3A_59] : memref<50000x32xf32, #tpu.memory_space<vmem_shared>> -> memref<256x32xf32, #tpu.memory_space<vmem_shared>>
      %dma_wait3A_61 = arith.constant 0 : i32
      %dma_wait3A_62 = arith.constant 0 : i32
      %dma_wait3A_63 = tpu.memref_slice %arg15[%dma_wait3A_61, %dma_wait3A_62] : memref<256x32xf32, #tpu.memory_space<vmem>> -> memref<256x32xf32, #tpu.memory_space<vmem>>
      tpu.wait_dma2 semaphore(%run_scoped3A : memref<!tpu.dma_semaphore, #tpu.memory_space<semaphore_mem>>) src(%dma_wait3A_63 : memref<256x32xf32, #tpu.memory_space<vmem>>) dst(%dma_wait3A_60 : memref<256x32xf32, #tpu.memory_space<vmem_shared>>)
      tpu.yield
    }) : () -> ()
    %add3A_32 = arith.constant 2816 : i32
    %add3A_33 = arith.addi %mul3A_2, %add3A_32 : i32
    "tpu.region"() ({
      %run_scoped3A = tpu.sem_alloc : memref<!tpu.dma_semaphore, #tpu.memory_space<semaphore_mem>>
      %dma_start3A = arith.constant 0 : i32
      %dma_start3A_46 = arith.constant 0 : i32
      %dma_start3A_47 = tpu.memref_slice %arg15[%dma_start3A, %dma_start3A_46] : memref<256x32xf32, #tpu.memory_space<vmem>> -> memref<256x32xf32, #tpu.memory_space<vmem>>
      %dma_start3A_48 = arith.constant 0 : i32
      %dma_start3A_49 = tpu.memref_slice %arg8[%add3A_33, %dma_start3A_48] : memref<50000x32xf32, #tpu.memory_space<vmem_shared>> -> memref<256x32xf32, #tpu.memory_space<vmem_shared>>
      %dma_start3A_50 = arith.constant 0 : i32
      %dma_start3A_51 = tpu.memref_slice %arg8[%add3A_33, %dma_start3A_50] : memref<50000x32xf32, #tpu.memory_space<vmem_shared>> -> memref<256x32xf32, #tpu.memory_space<vmem_shared>>
      %dma_start3A_52 = arith.constant 0 : i32
      %dma_start3A_53 = arith.constant 0 : i32
      %dma_start3A_54 = tpu.memref_slice %arg15[%dma_start3A_52, %dma_start3A_53] : memref<256x32xf32, #tpu.memory_space<vmem>> -> memref<256x32xf32, #tpu.memory_space<vmem>>
      tpu.enqueue_dma source(%dma_start3A_54 : memref<256x32xf32, #tpu.memory_space<vmem>>) target(%dma_start3A_51 : memref<256x32xf32, #tpu.memory_space<vmem_shared>>) target_semaphore(%run_scoped3A : memref<!tpu.dma_semaphore, #tpu.memory_space<semaphore_mem>>)
      %dma_wait3A = arith.constant 0 : i32
      %dma_wait3A_55 = arith.constant 0 : i32
      %dma_wait3A_56 = tpu.memref_slice %arg15[%dma_wait3A, %dma_wait3A_55] : memref<256x32xf32, #tpu.memory_space<vmem>> -> memref<256x32xf32, #tpu.memory_space<vmem>>
      %dma_wait3A_57 = arith.constant 0 : i32
      %dma_wait3A_58 = tpu.memref_slice %arg8[%add3A_33, %dma_wait3A_57] : memref<50000x32xf32, #tpu.memory_space<vmem_shared>> -> memref<256x32xf32, #tpu.memory_space<vmem_shared>>
      %dma_wait3A_59 = arith.constant 0 : i32
      %dma_wait3A_60 = tpu.memref_slice %arg8[%add3A_33, %dma_wait3A_59] : memref<50000x32xf32, #tpu.memory_space<vmem_shared>> -> memref<256x32xf32, #tpu.memory_space<vmem_shared>>
      %dma_wait3A_61 = arith.constant 0 : i32
      %dma_wait3A_62 = arith.constant 0 : i32
      %dma_wait3A_63 = tpu.memref_slice %arg15[%dma_wait3A_61, %dma_wait3A_62] : memref<256x32xf32, #tpu.memory_space<vmem>> -> memref<256x32xf32, #tpu.memory_space<vmem>>
      tpu.wait_dma2 semaphore(%run_scoped3A : memref<!tpu.dma_semaphore, #tpu.memory_space<semaphore_mem>>) src(%dma_wait3A_63 : memref<256x32xf32, #tpu.memory_space<vmem>>) dst(%dma_wait3A_60 : memref<256x32xf32, #tpu.memory_space<vmem_shared>>)
      tpu.yield
    }) : () -> ()
    %add3A_34 = arith.constant 3072 : i32
    %add3A_35 = arith.addi %mul3A_2, %add3A_34 : i32
    "tpu.region"() ({
      %run_scoped3A = tpu.sem_alloc : memref<!tpu.dma_semaphore, #tpu.memory_space<semaphore_mem>>
      %dma_start3A = arith.constant 0 : i32
      %dma_start3A_46 = arith.constant 0 : i32
      %dma_start3A_47 = tpu.memref_slice %arg15[%dma_start3A, %dma_start3A_46] : memref<256x32xf32, #tpu.memory_space<vmem>> -> memref<53x32xf32, #tpu.memory_space<vmem>>
      %dma_start3A_48 = arith.constant 0 : i32
      %dma_start3A_49 = tpu.memref_slice %arg8[%add3A_35, %dma_start3A_48] : memref<50000x32xf32, #tpu.memory_space<vmem_shared>> -> memref<53x32xf32, #tpu.memory_space<vmem_shared>>
      %dma_start3A_50 = arith.constant 0 : i32
      %dma_start3A_51 = tpu.memref_slice %arg8[%add3A_35, %dma_start3A_50] : memref<50000x32xf32, #tpu.memory_space<vmem_shared>> -> memref<53x32xf32, #tpu.memory_space<vmem_shared>>
      %dma_start3A_52 = arith.constant 0 : i32
      %dma_start3A_53 = arith.constant 0 : i32
      %dma_start3A_54 = tpu.memref_slice %arg15[%dma_start3A_52, %dma_start3A_53] : memref<256x32xf32, #tpu.memory_space<vmem>> -> memref<53x32xf32, #tpu.memory_space<vmem>>
      tpu.enqueue_dma source(%dma_start3A_54 : memref<53x32xf32, #tpu.memory_space<vmem>>) target(%dma_start3A_51 : memref<53x32xf32, #tpu.memory_space<vmem_shared>>) target_semaphore(%run_scoped3A : memref<!tpu.dma_semaphore, #tpu.memory_space<semaphore_mem>>)
      %dma_wait3A = arith.constant 0 : i32
      %dma_wait3A_55 = arith.constant 0 : i32
      %dma_wait3A_56 = tpu.memref_slice %arg15[%dma_wait3A, %dma_wait3A_55] : memref<256x32xf32, #tpu.memory_space<vmem>> -> memref<53x32xf32, #tpu.memory_space<vmem>>
      %dma_wait3A_57 = arith.constant 0 : i32
      %dma_wait3A_58 = tpu.memref_slice %arg8[%add3A_35, %dma_wait3A_57] : memref<50000x32xf32, #tpu.memory_space<vmem_shared>> -> memref<53x32xf32, #tpu.memory_space<vmem_shared>>
      %dma_wait3A_59 = arith.constant 0 : i32
      %dma_wait3A_60 = tpu.memref_slice %arg8[%add3A_35, %dma_wait3A_59] : memref<50000x32xf32, #tpu.memory_space<vmem_shared>> -> memref<53x32xf32, #tpu.memory_space<vmem_shared>>
      %dma_wait3A_61 = arith.constant 0 : i32
      %dma_wait3A_62 = arith.constant 0 : i32
      %dma_wait3A_63 = tpu.memref_slice %arg15[%dma_wait3A_61, %dma_wait3A_62] : memref<256x32xf32, #tpu.memory_space<vmem>> -> memref<53x32xf32, #tpu.memory_space<vmem>>
      tpu.wait_dma2 semaphore(%run_scoped3A : memref<!tpu.dma_semaphore, #tpu.memory_space<semaphore_mem>>) src(%dma_wait3A_63 : memref<53x32xf32, #tpu.memory_space<vmem>>) dst(%dma_wait3A_60 : memref<53x32xf32, #tpu.memory_space<vmem_shared>>)
      tpu.yield
    }) : () -> ()
    %barrier3A = arith.constant 0 : index
    tpu.barrier barrier_id(%barrier3A)
    %scan3A_36 = arith.constant 0 : i32
    %scan3A_37 = arith.constant 0 : i32
    %scan3A_38 = arith.constant 28 : i32
    %scan3A_39 = arith.addi %scan3A_37, %scan3A_38 : i32
    %scan3A_40 = arith.constant 1 : i32
    scf.for %scan3A_46 = %scan3A_37 to %scan3A_39 step %scan3A_40  : i32 {
      %rem3A = arith.constant 2 : i32
      %rem3A_47 = arith.remsi %scan3A_46, %rem3A : i32
      %mul3A_48 = arith.constant 7 : i32
      %mul3A_49 = arith.muli %rem3A_47, %mul3A_48 : i32
      %eq3A_50 = arith.constant 0 : i32
      %eq3A_51 = arith.cmpi eq, %scan3A_46, %eq3A_50 : i32
      %convert_element_type3A_52 = arith.extui %eq3A_51 : i1 to i32
      %cond3A_53 = arith.constant 0 : i32
      %cond3A_54 = arith.cmpi ne, %convert_element_type3A_52, %cond3A_53 : i32
      scf.if %cond3A_54 {
        %mul3A_553 = arith.constant 196 : i32
        %mul3A_554 = arith.muli %add3A, %mul3A_553 : i32
        %dma_start3A_555 = arith.constant 0 : i32
        %dma_start3A_556 = arith.constant 0 : i32
        %dma_start3A_557 = tpu.memref_slice %arg10[%dma_start3A_555, %dma_start3A_556] : memref<14x128xi32, #tpu.memory_space<vmem>> -> memref<7x128xi32, #tpu.memory_space<vmem>>
        %dma_start3A_558 = arith.constant 0 : i32
        %dma_start3A_559 = tpu.memref_slice %arg4[%mul3A_554, %dma_start3A_558] : memref<6272x128xi32, #tpu.memory_space<hbm>> -> memref<7x128xi32, #tpu.memory_space<hbm>>
        %dma_start3A_560 = arith.constant 0 : i32
        %dma_start3A_561 = arith.constant 0 : i32
        %dma_start3A_562 = tpu.memref_slice %arg10[%dma_start3A_560, %dma_start3A_561] : memref<14x128xi32, #tpu.memory_space<vmem>> -> memref<7x128xi32, #tpu.memory_space<vmem>>
        %dma_start3A_563 = arith.constant 0 : i32
        %dma_start3A_564 = tpu.memref_slice %arg4[%mul3A_554, %dma_start3A_563] : memref<6272x128xi32, #tpu.memory_space<hbm>> -> memref<7x128xi32, #tpu.memory_space<hbm>>
        tpu.enqueue_dma source(%dma_start3A_564 : memref<7x128xi32, #tpu.memory_space<hbm>>) target(%dma_start3A_562 : memref<7x128xi32, #tpu.memory_space<vmem>>) target_semaphore(%arg18 : memref<!tpu.dma_semaphore, #tpu.memory_space<semaphore_mem>>)
        %dma_start3A_565 = arith.constant 0 : i32
        %dma_start3A_566 = arith.constant 0 : i32
        %dma_start3A_567 = tpu.memref_slice %arg11[%dma_start3A_565, %dma_start3A_566] : memref<14x128xi32, #tpu.memory_space<vmem>> -> memref<7x128xi32, #tpu.memory_space<vmem>>
        %dma_start3A_568 = arith.constant 0 : i32
        %dma_start3A_569 = tpu.memref_slice %arg5[%mul3A_554, %dma_start3A_568] : memref<6272x128xi32, #tpu.memory_space<hbm>> -> memref<7x128xi32, #tpu.memory_space<hbm>>
        %dma_start3A_570 = arith.constant 0 : i32
        %dma_start3A_571 = arith.constant 0 : i32
        %dma_start3A_572 = tpu.memref_slice %arg11[%dma_start3A_570, %dma_start3A_571] : memref<14x128xi32, #tpu.memory_space<vmem>> -> memref<7x128xi32, #tpu.memory_space<vmem>>
        %dma_start3A_573 = arith.constant 0 : i32
        %dma_start3A_574 = tpu.memref_slice %arg5[%mul3A_554, %dma_start3A_573] : memref<6272x128xi32, #tpu.memory_space<hbm>> -> memref<7x128xi32, #tpu.memory_space<hbm>>
        tpu.enqueue_dma source(%dma_start3A_574 : memref<7x128xi32, #tpu.memory_space<hbm>>) target(%dma_start3A_572 : memref<7x128xi32, #tpu.memory_space<vmem>>) target_semaphore(%arg18 : memref<!tpu.dma_semaphore, #tpu.memory_space<semaphore_mem>>)
        %dma_start3A_575 = arith.constant 0 : i32
        %dma_start3A_576 = arith.constant 0 : i32
        %dma_start3A_577 = tpu.memref_slice %arg12[%dma_start3A_575, %dma_start3A_576] : memref<14x128xi32, #tpu.memory_space<vmem>> -> memref<7x128xi32, #tpu.memory_space<vmem>>
        %dma_start3A_578 = arith.constant 0 : i32
        %dma_start3A_579 = tpu.memref_slice %arg6[%mul3A_554, %dma_start3A_578] : memref<6272x128xi32, #tpu.memory_space<hbm>> -> memref<7x128xi32, #tpu.memory_space<hbm>>
        %dma_start3A_580 = arith.constant 0 : i32
        %dma_start3A_581 = arith.constant 0 : i32
        %dma_start3A_582 = tpu.memref_slice %arg12[%dma_start3A_580, %dma_start3A_581] : memref<14x128xi32, #tpu.memory_space<vmem>> -> memref<7x128xi32, #tpu.memory_space<vmem>>
        %dma_start3A_583 = arith.constant 0 : i32
        %dma_start3A_584 = tpu.memref_slice %arg6[%mul3A_554, %dma_start3A_583] : memref<6272x128xi32, #tpu.memory_space<hbm>> -> memref<7x128xi32, #tpu.memory_space<hbm>>
        tpu.enqueue_dma source(%dma_start3A_584 : memref<7x128xi32, #tpu.memory_space<hbm>>) target(%dma_start3A_582 : memref<7x128xi32, #tpu.memory_space<vmem>>) target_semaphore(%arg18 : memref<!tpu.dma_semaphore, #tpu.memory_space<semaphore_mem>>)
      } else {
      }
      %dma_wait3A = arith.constant 0 : i32
      %dma_wait3A_55 = arith.constant 0 : i32
      %dma_wait3A_56 = tpu.memref_slice %arg10[%dma_wait3A, %dma_wait3A_55] : memref<14x128xi32, #tpu.memory_space<vmem>> -> memref<7x128xi32, #tpu.memory_space<vmem>>
      %dma_wait3A_57 = arith.constant 0 : i32
      %dma_wait3A_58 = arith.constant 0 : i32
      %dma_wait3A_59 = tpu.memref_slice %arg4[%dma_wait3A_57, %dma_wait3A_58] : memref<6272x128xi32, #tpu.memory_space<hbm>> -> memref<7x128xi32, #tpu.memory_space<hbm>>
      %dma_wait3A_60 = arith.constant 0 : i32
      %dma_wait3A_61 = arith.constant 0 : i32
      %dma_wait3A_62 = tpu.memref_slice %arg10[%dma_wait3A_60, %dma_wait3A_61] : memref<14x128xi32, #tpu.memory_space<vmem>> -> memref<7x128xi32, #tpu.memory_space<vmem>>
      %dma_wait3A_63 = arith.constant 0 : i32
      %dma_wait3A_64 = arith.constant 0 : i32
      %dma_wait3A_65 = tpu.memref_slice %arg4[%dma_wait3A_63, %dma_wait3A_64] : memref<6272x128xi32, #tpu.memory_space<hbm>> -> memref<7x128xi32, #tpu.memory_space<hbm>>
      tpu.wait_dma2 semaphore(%arg18 : memref<!tpu.dma_semaphore, #tpu.memory_space<semaphore_mem>>) src(%dma_wait3A_65 : memref<7x128xi32, #tpu.memory_space<hbm>>) dst(%dma_wait3A_62 : memref<7x128xi32, #tpu.memory_space<vmem>>)
      %dma_wait3A_66 = arith.constant 0 : i32
      %dma_wait3A_67 = arith.constant 0 : i32
      %dma_wait3A_68 = tpu.memref_slice %arg10[%dma_wait3A_66, %dma_wait3A_67] : memref<14x128xi32, #tpu.memory_space<vmem>> -> memref<7x128xi32, #tpu.memory_space<vmem>>
      %dma_wait3A_69 = arith.constant 0 : i32
      %dma_wait3A_70 = arith.constant 0 : i32
      %dma_wait3A_71 = tpu.memref_slice %arg4[%dma_wait3A_69, %dma_wait3A_70] : memref<6272x128xi32, #tpu.memory_space<hbm>> -> memref<7x128xi32, #tpu.memory_space<hbm>>
      %dma_wait3A_72 = arith.constant 0 : i32
      %dma_wait3A_73 = arith.constant 0 : i32
      %dma_wait3A_74 = tpu.memref_slice %arg10[%dma_wait3A_72, %dma_wait3A_73] : memref<14x128xi32, #tpu.memory_space<vmem>> -> memref<7x128xi32, #tpu.memory_space<vmem>>
      %dma_wait3A_75 = arith.constant 0 : i32
      %dma_wait3A_76 = arith.constant 0 : i32
      %dma_wait3A_77 = tpu.memref_slice %arg4[%dma_wait3A_75, %dma_wait3A_76] : memref<6272x128xi32, #tpu.memory_space<hbm>> -> memref<7x128xi32, #tpu.memory_space<hbm>>
      tpu.wait_dma2 semaphore(%arg18 : memref<!tpu.dma_semaphore, #tpu.memory_space<semaphore_mem>>) src(%dma_wait3A_77 : memref<7x128xi32, #tpu.memory_space<hbm>>) dst(%dma_wait3A_74 : memref<7x128xi32, #tpu.memory_space<vmem>>)
      %dma_wait3A_78 = arith.constant 0 : i32
      %dma_wait3A_79 = arith.constant 0 : i32
      %dma_wait3A_80 = tpu.memref_slice %arg10[%dma_wait3A_78, %dma_wait3A_79] : memref<14x128xi32, #tpu.memory_space<vmem>> -> memref<7x128xi32, #tpu.memory_space<vmem>>
      %dma_wait3A_81 = arith.constant 0 : i32
      %dma_wait3A_82 = arith.constant 0 : i32
      %dma_wait3A_83 = tpu.memref_slice %arg4[%dma_wait3A_81, %dma_wait3A_82] : memref<6272x128xi32, #tpu.memory_space<hbm>> -> memref<7x128xi32, #tpu.memory_space<hbm>>
      %dma_wait3A_84 = arith.constant 0 : i32
      %dma_wait3A_85 = arith.constant 0 : i32
      %dma_wait3A_86 = tpu.memref_slice %arg10[%dma_wait3A_84, %dma_wait3A_85] : memref<14x128xi32, #tpu.memory_space<vmem>> -> memref<7x128xi32, #tpu.memory_space<vmem>>
      %dma_wait3A_87 = arith.constant 0 : i32
      %dma_wait3A_88 = arith.constant 0 : i32
      %dma_wait3A_89 = tpu.memref_slice %arg4[%dma_wait3A_87, %dma_wait3A_88] : memref<6272x128xi32, #tpu.memory_space<hbm>> -> memref<7x128xi32, #tpu.memory_space<hbm>>
      tpu.wait_dma2 semaphore(%arg18 : memref<!tpu.dma_semaphore, #tpu.memory_space<semaphore_mem>>) src(%dma_wait3A_89 : memref<7x128xi32, #tpu.memory_space<hbm>>) dst(%dma_wait3A_86 : memref<7x128xi32, #tpu.memory_space<vmem>>)
      %add3A_90 = arith.constant 1 : i32
      %add3A_91 = arith.addi %scan3A_46, %add3A_90 : i32
      %lt3A = arith.constant 28 : i32
      %lt3A_92 = arith.cmpi slt, %add3A_91, %lt3A : i32
      %convert_element_type3A_93 = arith.extui %lt3A_92 : i1 to i32
      %cond3A_94 = arith.constant 0 : i32
      %cond3A_95 = arith.cmpi ne, %convert_element_type3A_93, %cond3A_94 : i32
      scf.if %cond3A_95 {
        %mul3A_553 = arith.constant 196 : i32
        %mul3A_554 = arith.muli %add3A, %mul3A_553 : i32
        %add3A_555 = arith.constant 1 : i32
        %add3A_556 = arith.addi %scan3A_46, %add3A_555 : i32
        %mul3A_557 = arith.constant 7 : i32
        %mul3A_558 = arith.muli %add3A_556, %mul3A_557 : i32
        %add3A_559 = arith.addi %mul3A_554, %mul3A_558 : i32
        %sub3A = arith.constant 7 : i32
        %sub3A_560 = arith.subi %sub3A, %mul3A_49 : i32
        %dma_start3A_561 = arith.constant 0 : i32
        %dma_start3A_562 = tpu.memref_slice %arg10[%sub3A_560, %dma_start3A_561] : memref<14x128xi32, #tpu.memory_space<vmem>> -> memref<7x128xi32, #tpu.memory_space<vmem>>
        %dma_start3A_563 = arith.constant 0 : i32
        %dma_start3A_564 = tpu.memref_slice %arg4[%add3A_559, %dma_start3A_563] : memref<6272x128xi32, #tpu.memory_space<hbm>> -> memref<7x128xi32, #tpu.memory_space<hbm>>
        %dma_start3A_565 = arith.constant 0 : i32
        %dma_start3A_566 = tpu.memref_slice %arg10[%sub3A_560, %dma_start3A_565] : memref<14x128xi32, #tpu.memory_space<vmem>> -> memref<7x128xi32, #tpu.memory_space<vmem>>
        %dma_start3A_567 = arith.constant 0 : i32
        %dma_start3A_568 = tpu.memref_slice %arg4[%add3A_559, %dma_start3A_567] : memref<6272x128xi32, #tpu.memory_space<hbm>> -> memref<7x128xi32, #tpu.memory_space<hbm>>
        tpu.enqueue_dma source(%dma_start3A_568 : memref<7x128xi32, #tpu.memory_space<hbm>>) target(%dma_start3A_566 : memref<7x128xi32, #tpu.memory_space<vmem>>) target_semaphore(%arg18 : memref<!tpu.dma_semaphore, #tpu.memory_space<semaphore_mem>>)
        %dma_start3A_569 = arith.constant 0 : i32
        %dma_start3A_570 = tpu.memref_slice %arg11[%sub3A_560, %dma_start3A_569] : memref<14x128xi32, #tpu.memory_space<vmem>> -> memref<7x128xi32, #tpu.memory_space<vmem>>
        %dma_start3A_571 = arith.constant 0 : i32
        %dma_start3A_572 = tpu.memref_slice %arg5[%add3A_559, %dma_start3A_571] : memref<6272x128xi32, #tpu.memory_space<hbm>> -> memref<7x128xi32, #tpu.memory_space<hbm>>
        %dma_start3A_573 = arith.constant 0 : i32
        %dma_start3A_574 = tpu.memref_slice %arg11[%sub3A_560, %dma_start3A_573] : memref<14x128xi32, #tpu.memory_space<vmem>> -> memref<7x128xi32, #tpu.memory_space<vmem>>
        %dma_start3A_575 = arith.constant 0 : i32
        %dma_start3A_576 = tpu.memref_slice %arg5[%add3A_559, %dma_start3A_575] : memref<6272x128xi32, #tpu.memory_space<hbm>> -> memref<7x128xi32, #tpu.memory_space<hbm>>
        tpu.enqueue_dma source(%dma_start3A_576 : memref<7x128xi32, #tpu.memory_space<hbm>>) target(%dma_start3A_574 : memref<7x128xi32, #tpu.memory_space<vmem>>) target_semaphore(%arg18 : memref<!tpu.dma_semaphore, #tpu.memory_space<semaphore_mem>>)
        %dma_start3A_577 = arith.constant 0 : i32
        %dma_start3A_578 = tpu.memref_slice %arg12[%sub3A_560, %dma_start3A_577] : memref<14x128xi32, #tpu.memory_space<vmem>> -> memref<7x128xi32, #tpu.memory_space<vmem>>
        %dma_start3A_579 = arith.constant 0 : i32
        %dma_start3A_580 = tpu.memref_slice %arg6[%add3A_559, %dma_start3A_579] : memref<6272x128xi32, #tpu.memory_space<hbm>> -> memref<7x128xi32, #tpu.memory_space<hbm>>
        %dma_start3A_581 = arith.constant 0 : i32
        %dma_start3A_582 = tpu.memref_slice %arg12[%sub3A_560, %dma_start3A_581] : memref<14x128xi32, #tpu.memory_space<vmem>> -> memref<7x128xi32, #tpu.memory_space<vmem>>
        %dma_start3A_583 = arith.constant 0 : i32
        %dma_start3A_584 = tpu.memref_slice %arg6[%add3A_559, %dma_start3A_583] : memref<6272x128xi32, #tpu.memory_space<hbm>> -> memref<7x128xi32, #tpu.memory_space<hbm>>
        tpu.enqueue_dma source(%dma_start3A_584 : memref<7x128xi32, #tpu.memory_space<hbm>>) target(%dma_start3A_582 : memref<7x128xi32, #tpu.memory_space<vmem>>) target_semaphore(%arg18 : memref<!tpu.dma_semaphore, #tpu.memory_space<semaphore_mem>>)
      } else {
      }
      %dma_start3A = arith.constant 0 : i32
      %dma_start3A_96 = arith.constant 0 : i32
      %dma_start3A_97 = tpu.memref_slice %arg13[%dma_start3A, %dma_start3A_96] : memref<384x32xbf16, #tpu.memory_space<vmem>> -> memref<128x32xbf16, #tpu.memory_space<vmem>>
      %dma_start3A_98 = arith.constant 0 : i32
      %dma_start3A_99 = tpu.memref_slice %arg10[%mul3A_49, %dma_start3A_98] : memref<14x128xi32, #tpu.memory_space<vmem>> -> memref<1x128xi32, #tpu.memory_space<vmem>>
      %dma_start3A_100 = tpu.memref_squeeze %dma_start3A_99 : memref<1x128xi32, #tpu.memory_space<vmem>> -> memref<128xi32, #tpu.memory_space<vmem>>
      %dma_start3A_101 = arith.constant 0 : i32
      %dma_start3A_102 = arith.constant 0 : i32
      %dma_start3A_103 = tpu.memref_slice %arg2[%dma_start3A_101, %dma_start3A_102] : memref<50000x32xbf16, #tpu.memory_space<hbm>> -> memref<50000x32xbf16, #tpu.memory_space<hbm>>
      tpu.enqueue_indirect_dma source(%dma_start3A_103 : memref<50000x32xbf16, #tpu.memory_space<hbm>>) target(%dma_start3A_97 : memref<128x32xbf16, #tpu.memory_space<vmem>>) offsets(%dma_start3A_100 : memref<128xi32, #tpu.memory_space<vmem>>) semaphore(%arg16 : memref<!tpu.dma_semaphore, #tpu.memory_space<semaphore_mem>>)
      %add3A_104 = arith.constant 1 : i32
      %add3A_105 = arith.addi %mul3A_49, %add3A_104 : i32
      %dma_start3A_106 = arith.constant 128 : i32
      %dma_start3A_107 = arith.constant 0 : i32
      %dma_start3A_108 = tpu.memref_slice %arg13[%dma_start3A_106, %dma_start3A_107] : memref<384x32xbf16, #tpu.memory_space<vmem>> -> memref<128x32xbf16, #tpu.memory_space<vmem>>
      %dma_start3A_109 = arith.constant 0 : i32
      %dma_start3A_110 = tpu.memref_slice %arg10[%add3A_105, %dma_start3A_109] : memref<14x128xi32, #tpu.memory_space<vmem>> -> memref<1x128xi32, #tpu.memory_space<vmem>>
      %dma_start3A_111 = tpu.memref_squeeze %dma_start3A_110 : memref<1x128xi32, #tpu.memory_space<vmem>> -> memref<128xi32, #tpu.memory_space<vmem>>
      %dma_start3A_112 = arith.constant 0 : i32
      %dma_start3A_113 = arith.constant 0 : i32
      %dma_start3A_114 = tpu.memref_slice %arg2[%dma_start3A_112, %dma_start3A_113] : memref<50000x32xbf16, #tpu.memory_space<hbm>> -> memref<50000x32xbf16, #tpu.memory_space<hbm>>
      tpu.enqueue_indirect_dma source(%dma_start3A_114 : memref<50000x32xbf16, #tpu.memory_space<hbm>>) target(%dma_start3A_108 : memref<128x32xbf16, #tpu.memory_space<vmem>>) offsets(%dma_start3A_111 : memref<128xi32, #tpu.memory_space<vmem>>) semaphore(%arg16 : memref<!tpu.dma_semaphore, #tpu.memory_space<semaphore_mem>>)
      %dma_start3A_115 = arith.constant 0 : i32
      %dma_start3A_116 = arith.constant 0 : i32
      %dma_start3A_117 = tpu.memref_slice %arg14[%dma_start3A_115, %dma_start3A_116] : memref<256x32xf32, #tpu.memory_space<vmem>> -> memref<128x32xf32, #tpu.memory_space<vmem>>
      %dma_start3A_118 = arith.constant 0 : i32
      %dma_start3A_119 = tpu.memref_slice %arg11[%mul3A_49, %dma_start3A_118] : memref<14x128xi32, #tpu.memory_space<vmem>> -> memref<1x128xi32, #tpu.memory_space<vmem>>
      %dma_start3A_120 = tpu.memref_squeeze %dma_start3A_119 : memref<1x128xi32, #tpu.memory_space<vmem>> -> memref<128xi32, #tpu.memory_space<vmem>>
      %dma_start3A_121 = arith.constant 0 : i32
      %dma_start3A_122 = arith.constant 0 : i32
      %dma_start3A_123 = tpu.memref_slice %arg9[%dma_start3A_121, %dma_start3A_122] : memref<512x32xf32, #tpu.memory_space<vmem_shared>> -> memref<512x32xf32, #tpu.memory_space<vmem_shared>>
      tpu.enqueue_indirect_dma source(%dma_start3A_123 : memref<512x32xf32, #tpu.memory_space<vmem_shared>>) target(%dma_start3A_117 : memref<128x32xf32, #tpu.memory_space<vmem>>) offsets(%dma_start3A_120 : memref<128xi32, #tpu.memory_space<vmem>>) semaphore(%arg17 : memref<!tpu.dma_semaphore, #tpu.memory_space<semaphore_mem>>)
      %add3A_124 = arith.constant 0 : i32
      %add3A_125 = arith.addi %mul3A_49, %add3A_124 : i32
      %add3A_126 = arith.constant 2 : i32
      %add3A_127 = arith.addi %add3A_125, %add3A_126 : i32
      %dma_start3A_128 = arith.constant 256 : i32
      %dma_start3A_129 = arith.constant 0 : i32
      %dma_start3A_130 = tpu.memref_slice %arg13[%dma_start3A_128, %dma_start3A_129] : memref<384x32xbf16, #tpu.memory_space<vmem>> -> memref<128x32xbf16, #tpu.memory_space<vmem>>
      %dma_start3A_131 = arith.constant 0 : i32
      %dma_start3A_132 = tpu.memref_slice %arg10[%add3A_127, %dma_start3A_131] : memref<14x128xi32, #tpu.memory_space<vmem>> -> memref<1x128xi32, #tpu.memory_space<vmem>>
      %dma_start3A_133 = tpu.memref_squeeze %dma_start3A_132 : memref<1x128xi32, #tpu.memory_space<vmem>> -> memref<128xi32, #tpu.memory_space<vmem>>
      %dma_start3A_134 = arith.constant 0 : i32
      %dma_start3A_135 = arith.constant 0 : i32
      %dma_start3A_136 = tpu.memref_slice %arg2[%dma_start3A_134, %dma_start3A_135] : memref<50000x32xbf16, #tpu.memory_space<hbm>> -> memref<50000x32xbf16, #tpu.memory_space<hbm>>
      tpu.enqueue_indirect_dma source(%dma_start3A_136 : memref<50000x32xbf16, #tpu.memory_space<hbm>>) target(%dma_start3A_130 : memref<128x32xbf16, #tpu.memory_space<vmem>>) offsets(%dma_start3A_133 : memref<128xi32, #tpu.memory_space<vmem>>) semaphore(%arg16 : memref<!tpu.dma_semaphore, #tpu.memory_space<semaphore_mem>>)
      %add3A_137 = arith.constant 0 : i32
      %add3A_138 = arith.addi %mul3A_49, %add3A_137 : i32
      %add3A_139 = arith.constant 1 : i32
      %add3A_140 = arith.addi %add3A_138, %add3A_139 : i32
      %dma_start3A_141 = arith.constant 128 : i32
      %dma_start3A_142 = arith.constant 0 : i32
      %dma_start3A_143 = tpu.memref_slice %arg14[%dma_start3A_141, %dma_start3A_142] : memref<256x32xf32, #tpu.memory_space<vmem>> -> memref<128x32xf32, #tpu.memory_space<vmem>>
      %dma_start3A_144 = arith.constant 0 : i32
      %dma_start3A_145 = tpu.memref_slice %arg11[%add3A_140, %dma_start3A_144] : memref<14x128xi32, #tpu.memory_space<vmem>> -> memref<1x128xi32, #tpu.memory_space<vmem>>
      %dma_start3A_146 = tpu.memref_squeeze %dma_start3A_145 : memref<1x128xi32, #tpu.memory_space<vmem>> -> memref<128xi32, #tpu.memory_space<vmem>>
      %dma_start3A_147 = arith.constant 0 : i32
      %dma_start3A_148 = arith.constant 0 : i32
      %dma_start3A_149 = tpu.memref_slice %arg9[%dma_start3A_147, %dma_start3A_148] : memref<512x32xf32, #tpu.memory_space<vmem_shared>> -> memref<512x32xf32, #tpu.memory_space<vmem_shared>>
      tpu.enqueue_indirect_dma source(%dma_start3A_149 : memref<512x32xf32, #tpu.memory_space<vmem_shared>>) target(%dma_start3A_143 : memref<128x32xf32, #tpu.memory_space<vmem>>) offsets(%dma_start3A_146 : memref<128xi32, #tpu.memory_space<vmem>>) semaphore(%arg17 : memref<!tpu.dma_semaphore, #tpu.memory_space<semaphore_mem>>)
      %dma_wait3A_150 = arith.constant 0 : i32
      %dma_wait3A_151 = arith.constant 0 : i32
      %dma_wait3A_152 = tpu.memref_slice %arg13[%dma_wait3A_150, %dma_wait3A_151] : memref<384x32xbf16, #tpu.memory_space<vmem>> -> memref<128x32xbf16, #tpu.memory_space<vmem>>
      %dma_wait3A_153 = arith.constant 0 : i32
      %dma_wait3A_154 = tpu.memref_slice %arg10[%mul3A_49, %dma_wait3A_153] : memref<14x128xi32, #tpu.memory_space<vmem>> -> memref<1x128xi32, #tpu.memory_space<vmem>>
      %dma_wait3A_155 = tpu.memref_squeeze %dma_wait3A_154 : memref<1x128xi32, #tpu.memory_space<vmem>> -> memref<128xi32, #tpu.memory_space<vmem>>
      %dma_wait3A_156 = arith.constant 0 : i32
      %dma_wait3A_157 = arith.constant 0 : i32
      %dma_wait3A_158 = tpu.memref_slice %arg2[%dma_wait3A_156, %dma_wait3A_157] : memref<50000x32xbf16, #tpu.memory_space<hbm>> -> memref<50000x32xbf16, #tpu.memory_space<hbm>>
      tpu.wait_indirect_dma semaphore(%arg16 : memref<!tpu.dma_semaphore, #tpu.memory_space<semaphore_mem>>) src(%dma_wait3A_158 : memref<50000x32xbf16, #tpu.memory_space<hbm>>) dst(%dma_wait3A_152 : memref<128x32xbf16, #tpu.memory_space<vmem>>)
      %dma_wait3A_159 = arith.constant 0 : i32
      %dma_wait3A_160 = arith.constant 0 : i32
      %dma_wait3A_161 = tpu.memref_slice %arg14[%dma_wait3A_159, %dma_wait3A_160] : memref<256x32xf32, #tpu.memory_space<vmem>> -> memref<128x32xf32, #tpu.memory_space<vmem>>
      %dma_wait3A_162 = arith.constant 0 : i32
      %dma_wait3A_163 = tpu.memref_slice %arg11[%mul3A_49, %dma_wait3A_162] : memref<14x128xi32, #tpu.memory_space<vmem>> -> memref<1x128xi32, #tpu.memory_space<vmem>>
      %dma_wait3A_164 = tpu.memref_squeeze %dma_wait3A_163 : memref<1x128xi32, #tpu.memory_space<vmem>> -> memref<128xi32, #tpu.memory_space<vmem>>
      %dma_wait3A_165 = arith.constant 0 : i32
      %dma_wait3A_166 = arith.constant 0 : i32
      %dma_wait3A_167 = tpu.memref_slice %arg9[%dma_wait3A_165, %dma_wait3A_166] : memref<512x32xf32, #tpu.memory_space<vmem_shared>> -> memref<512x32xf32, #tpu.memory_space<vmem_shared>>
      tpu.wait_indirect_dma semaphore(%arg17 : memref<!tpu.dma_semaphore, #tpu.memory_space<semaphore_mem>>) src(%dma_wait3A_167 : memref<512x32xf32, #tpu.memory_space<vmem_shared>>) dst(%dma_wait3A_161 : memref<128x32xf32, #tpu.memory_space<vmem>>)
      %parallel_loop3A = arith.constant 0 : i32
      %parallel_loop3A_168 = arith.constant 128 : i32
      %parallel_loop3A_169 = arith.constant 1 : i32
      scf.for %parallel_loop3A_553 = %parallel_loop3A to %parallel_loop3A_168 step %parallel_loop3A_169  : i32 {
        %parallel_loop3A_554 = arith.constant 0 : i32
        %parallel_loop3A_555 = arith.addi %parallel_loop3A_554, %parallel_loop3A_553 : i32
        %parallel_loop3A_556 = arith.index_cast %parallel_loop3A_555 : i32 to index
        %parallel_loop3A_557 = arith.constant 0 : index
        %parallel_loop3A_558 = tpu.vector_load %arg13[%parallel_loop3A_556, %parallel_loop3A_557] {strides = array<i32>} : memref<384x32xbf16, #tpu.memory_space<vmem>>, vector<32xbf16>,
        %parallel_loop3A_559 = tpu.unpack_subelements %parallel_loop3A_558, 0 {pack_format = #tpu.pack_format<interleaved>} : vector<32xbf16> -> vector<16xf32>
        %parallel_loop3A_560 = tpu.unpack_subelements %parallel_loop3A_558, 1 {pack_format = #tpu.pack_format<interleaved>} : vector<32xbf16> -> vector<16xf32>
        %parallel_loop3A_561 = arith.constant 0 : i32
        %parallel_loop3A_562 = arith.addi %parallel_loop3A_561, %parallel_loop3A_553 : i32
        %parallel_loop3A_563 = arith.index_cast %parallel_loop3A_562 : i32 to index
        %parallel_loop3A_564 = arith.constant 0 : index
        %parallel_loop3A_565 = tpu.vector_load %arg14[%parallel_loop3A_563, %parallel_loop3A_564] {strides = array<i32>} : memref<256x32xf32, #tpu.memory_space<vmem>>, vector<16xf32>,
        %parallel_loop3A_566 = arith.mulf %parallel_loop3A_559, %parallel_loop3A_565 : vector<16xf32>
        %parallel_loop3A_567 = arith.constant 0 : i32
        %parallel_loop3A_568 = arith.addi %parallel_loop3A_567, %parallel_loop3A_553 : i32
        %parallel_loop3A_569 = arith.index_cast %parallel_loop3A_568 : i32 to index
        %parallel_loop3A_570 = arith.constant 0 : index
        %parallel_loop3A_571 = tpu.vector_load %arg15[%parallel_loop3A_569, %parallel_loop3A_570] {strides = array<i32>} : memref<256x32xf32, #tpu.memory_space<vmem>>, vector<16xf32>,
        tpu.vector_store %arg15[%parallel_loop3A_569, %parallel_loop3A_570], %parallel_loop3A_566 {strides = array<i32>} : memref<256x32xf32, #tpu.memory_space<vmem>>, vector<16xf32>,
        %parallel_loop3A_572 = arith.constant 0 : i32
        %parallel_loop3A_573 = arith.addi %parallel_loop3A_572, %parallel_loop3A_553 : i32
        %parallel_loop3A_574 = arith.index_cast %parallel_loop3A_573 : i32 to index
        %parallel_loop3A_575 = arith.constant 16 : index
        %parallel_loop3A_576 = tpu.vector_load %arg14[%parallel_loop3A_574, %parallel_loop3A_575] {strides = array<i32>} : memref<256x32xf32, #tpu.memory_space<vmem>>, vector<16xf32>,
        %parallel_loop3A_577 = arith.mulf %parallel_loop3A_560, %parallel_loop3A_576 : vector<16xf32>
        %parallel_loop3A_578 = arith.constant 0 : i32
        %parallel_loop3A_579 = arith.addi %parallel_loop3A_578, %parallel_loop3A_553 : i32
        %parallel_loop3A_580 = arith.index_cast %parallel_loop3A_579 : i32 to index
        %parallel_loop3A_581 = arith.constant 16 : index
        %parallel_loop3A_582 = tpu.vector_load %arg15[%parallel_loop3A_580, %parallel_loop3A_581] {strides = array<i32>} : memref<256x32xf32, #tpu.memory_space<vmem>>, vector<16xf32>,
        tpu.vector_store %arg15[%parallel_loop3A_580, %parallel_loop3A_581], %parallel_loop3A_577 {strides = array<i32>} : memref<256x32xf32, #tpu.memory_space<vmem>>, vector<16xf32>,
      } {sc.loop_unroll_factor = 4 : i64, sc.parallel_access}
      %add3A_170 = arith.constant 0 : i32
      %add3A_171 = arith.addi %mul3A_49, %add3A_170 : i32
      %dma_start3A_172 = arith.constant 0 : i32
      %dma_start3A_173 = arith.constant 0 : i32
      %dma_start3A_174 = tpu.memref_slice %arg15[%dma_start3A_172, %dma_start3A_173] : memref<256x32xf32, #tpu.memory_space<vmem>> -> memref<128x32xf32, #tpu.memory_space<vmem>>
      %dma_start3A_175 = arith.constant 0 : i32
      %dma_start3A_176 = tpu.memref_slice %arg12[%add3A_171, %dma_start3A_175] : memref<14x128xi32, #tpu.memory_space<vmem>> -> memref<1x128xi32, #tpu.memory_space<vmem>>
      %dma_start3A_177 = tpu.memref_squeeze %dma_start3A_176 : memref<1x128xi32, #tpu.memory_space<vmem>> -> memref<128xi32, #tpu.memory_space<vmem>>
      %dma_start3A_178 = arith.constant 0 : i32
      %dma_start3A_179 = arith.constant 0 : i32
      %dma_start3A_180 = tpu.memref_slice %arg8[%dma_start3A_178, %dma_start3A_179] : memref<50000x32xf32, #tpu.memory_space<vmem_shared>> -> memref<50000x32xf32, #tpu.memory_space<vmem_shared>>
      tpu.enqueue_indirect_dma source(%dma_start3A_174 : memref<128x32xf32, #tpu.memory_space<vmem>>) target(%dma_start3A_180 : memref<50000x32xf32, #tpu.memory_space<vmem_shared>>) offsets(%dma_start3A_177 : memref<128xi32, #tpu.memory_space<vmem>>) semaphore(%arg19 : memref<!tpu.dma_semaphore, #tpu.memory_space<semaphore_mem>>) {add = true}
      %dma_wait3A_181 = arith.constant 0 : i32
      %dma_wait3A_182 = arith.constant 0 : i32
      %dma_wait3A_183 = tpu.memref_slice %arg15[%dma_wait3A_181, %dma_wait3A_182] : memref<256x32xf32, #tpu.memory_space<vmem>> -> memref<128x32xf32, #tpu.memory_space<vmem>>
      %dma_wait3A_184 = arith.constant 0 : i32
      %dma_wait3A_185 = tpu.memref_slice %arg12[%add3A_171, %dma_wait3A_184] : memref<14x128xi32, #tpu.memory_space<vmem>> -> memref<1x128xi32, #tpu.memory_space<vmem>>
      %dma_wait3A_186 = tpu.memref_squeeze %dma_wait3A_185 : memref<1x128xi32, #tpu.memory_space<vmem>> -> memref<128xi32, #tpu.memory_space<vmem>>
      %dma_wait3A_187 = arith.constant 0 : i32
      %dma_wait3A_188 = arith.constant 0 : i32
      %dma_wait3A_189 = tpu.memref_slice %arg8[%dma_wait3A_187, %dma_wait3A_188] : memref<50000x32xf32, #tpu.memory_space<vmem_shared>> -> memref<50000x32xf32, #tpu.memory_space<vmem_shared>>
      tpu.wait_indirect_dma semaphore(%arg19 : memref<!tpu.dma_semaphore, #tpu.memory_space<semaphore_mem>>) src(%dma_wait3A_183 : memref<128x32xf32, #tpu.memory_space<vmem>>) dst(%dma_wait3A_189 : memref<50000x32xf32, #tpu.memory_space<vmem_shared>>)
      %add3A_190 = arith.constant 1 : i32
      %add3A_191 = arith.addi %mul3A_49, %add3A_190 : i32
      %add3A_192 = arith.constant 2 : i32
      %add3A_193 = arith.addi %add3A_191, %add3A_192 : i32
      %dma_start3A_194 = arith.constant 0 : i32
      %dma_start3A_195 = arith.constant 0 : i32
      %dma_start3A_196 = tpu.memref_slice %arg13[%dma_start3A_194, %dma_start3A_195] : memref<384x32xbf16, #tpu.memory_space<vmem>> -> memref<128x32xbf16, #tpu.memory_space<vmem>>
      %dma_start3A_197 = arith.constant 0 : i32
      %dma_start3A_198 = tpu.memref_slice %arg10[%add3A_193, %dma_start3A_197] : memref<14x128xi32, #tpu.memory_space<vmem>> -> memref<1x128xi32, #tpu.memory_space<vmem>>
      %dma_start3A_199 = tpu.memref_squeeze %dma_start3A_198 : memref<1x128xi32, #tpu.memory_space<vmem>> -> memref<128xi32, #tpu.memory_space<vmem>>
      %dma_start3A_200 = arith.constant 0 : i32
      %dma_start3A_201 = arith.constant 0 : i32
      %dma_start3A_202 = tpu.memref_slice %arg2[%dma_start3A_200, %dma_start3A_201] : memref<50000x32xbf16, #tpu.memory_space<hbm>> -> memref<50000x32xbf16, #tpu.memory_space<hbm>>
      tpu.enqueue_indirect_dma source(%dma_start3A_202 : memref<50000x32xbf16, #tpu.memory_space<hbm>>) target(%dma_start3A_196 : memref<128x32xbf16, #tpu.memory_space<vmem>>) offsets(%dma_start3A_199 : memref<128xi32, #tpu.memory_space<vmem>>) semaphore(%arg16 : memref<!tpu.dma_semaphore, #tpu.memory_space<semaphore_mem>>)
      %add3A_203 = arith.constant 1 : i32
      %add3A_204 = arith.addi %mul3A_49, %add3A_203 : i32
      %add3A_205 = arith.constant 1 : i32
      %add3A_206 = arith.addi %add3A_204, %add3A_205 : i32
      %dma_start3A_207 = arith.constant 0 : i32
      %dma_start3A_208 = arith.constant 0 : i32
      %dma_start3A_209 = tpu.memref_slice %arg14[%dma_start3A_207, %dma_start3A_208] : memref<256x32xf32, #tpu.memory_space<vmem>> -> memref<128x32xf32, #tpu.memory_space<vmem>>
      %dma_start3A_210 = arith.constant 0 : i32
      %dma_start3A_211 = tpu.memref_slice %arg11[%add3A_206, %dma_start3A_210] : memref<14x128xi32, #tpu.memory_space<vmem>> -> memref<1x128xi32, #tpu.memory_space<vmem>>
      %dma_start3A_212 = tpu.memref_squeeze %dma_start3A_211 : memref<1x128xi32, #tpu.memory_space<vmem>> -> memref<128xi32, #tpu.memory_space<vmem>>
      %dma_start3A_213 = arith.constant 0 : i32
      %dma_start3A_214 = arith.constant 0 : i32
      %dma_start3A_215 = tpu.memref_slice %arg9[%dma_start3A_213, %dma_start3A_214] : memref<512x32xf32, #tpu.memory_space<vmem_shared>> -> memref<512x32xf32, #tpu.memory_space<vmem_shared>>
      tpu.enqueue_indirect_dma source(%dma_start3A_215 : memref<512x32xf32, #tpu.memory_space<vmem_shared>>) target(%dma_start3A_209 : memref<128x32xf32, #tpu.memory_space<vmem>>) offsets(%dma_start3A_212 : memref<128xi32, #tpu.memory_space<vmem>>) semaphore(%arg17 : memref<!tpu.dma_semaphore, #tpu.memory_space<semaphore_mem>>)
      %dma_wait3A_216 = arith.constant 128 : i32
      %dma_wait3A_217 = arith.constant 0 : i32
      %dma_wait3A_218 = tpu.memref_slice %arg13[%dma_wait3A_216, %dma_wait3A_217] : memref<384x32xbf16, #tpu.memory_space<vmem>> -> memref<128x32xbf16, #tpu.memory_space<vmem>>
      %dma_wait3A_219 = arith.constant 0 : i32
      %dma_wait3A_220 = tpu.memref_slice %arg10[%add3A_105, %dma_wait3A_219] : memref<14x128xi32, #tpu.memory_space<vmem>> -> memref<1x128xi32, #tpu.memory_space<vmem>>
      %dma_wait3A_221 = tpu.memref_squeeze %dma_wait3A_220 : memref<1x128xi32, #tpu.memory_space<vmem>> -> memref<128xi32, #tpu.memory_space<vmem>>
      %dma_wait3A_222 = arith.constant 0 : i32
      %dma_wait3A_223 = arith.constant 0 : i32
      %dma_wait3A_224 = tpu.memref_slice %arg2[%dma_wait3A_222, %dma_wait3A_223] : memref<50000x32xbf16, #tpu.memory_space<hbm>> -> memref<50000x32xbf16, #tpu.memory_space<hbm>>
      tpu.wait_indirect_dma semaphore(%arg16 : memref<!tpu.dma_semaphore, #tpu.memory_space<semaphore_mem>>) src(%dma_wait3A_224 : memref<50000x32xbf16, #tpu.memory_space<hbm>>) dst(%dma_wait3A_218 : memref<128x32xbf16, #tpu.memory_space<vmem>>)
      %dma_wait3A_225 = arith.constant 128 : i32
      %dma_wait3A_226 = arith.constant 0 : i32
      %dma_wait3A_227 = tpu.memref_slice %arg14[%dma_wait3A_225, %dma_wait3A_226] : memref<256x32xf32, #tpu.memory_space<vmem>> -> memref<128x32xf32, #tpu.memory_space<vmem>>
      %dma_wait3A_228 = arith.constant 0 : i32
      %dma_wait3A_229 = tpu.memref_slice %arg11[%add3A_140, %dma_wait3A_228] : memref<14x128xi32, #tpu.memory_space<vmem>> -> memref<1x128xi32, #tpu.memory_space<vmem>>
      %dma_wait3A_230 = tpu.memref_squeeze %dma_wait3A_229 : memref<1x128xi32, #tpu.memory_space<vmem>> -> memref<128xi32, #tpu.memory_space<vmem>>
      %dma_wait3A_231 = arith.constant 0 : i32
      %dma_wait3A_232 = arith.constant 0 : i32
      %dma_wait3A_233 = tpu.memref_slice %arg9[%dma_wait3A_231, %dma_wait3A_232] : memref<512x32xf32, #tpu.memory_space<vmem_shared>> -> memref<512x32xf32, #tpu.memory_space<vmem_shared>>
      tpu.wait_indirect_dma semaphore(%arg17 : memref<!tpu.dma_semaphore, #tpu.memory_space<semaphore_mem>>) src(%dma_wait3A_233 : memref<512x32xf32, #tpu.memory_space<vmem_shared>>) dst(%dma_wait3A_227 : memref<128x32xf32, #tpu.memory_space<vmem>>)
      %parallel_loop3A_234 = arith.constant 0 : i32
      %parallel_loop3A_235 = arith.constant 128 : i32
      %parallel_loop3A_236 = arith.constant 1 : i32
      scf.for %parallel_loop3A_553 = %parallel_loop3A_234 to %parallel_loop3A_235 step %parallel_loop3A_236  : i32 {
        %parallel_loop3A_554 = arith.constant 128 : i32
        %parallel_loop3A_555 = arith.addi %parallel_loop3A_554, %parallel_loop3A_553 : i32
        %parallel_loop3A_556 = arith.index_cast %parallel_loop3A_555 : i32 to index
        %parallel_loop3A_557 = arith.constant 0 : index
        %parallel_loop3A_558 = tpu.vector_load %arg13[%parallel_loop3A_556, %parallel_loop3A_557] {strides = array<i32>} : memref<384x32xbf16, #tpu.memory_space<vmem>>, vector<32xbf16>,
        %parallel_loop3A_559 = tpu.unpack_subelements %parallel_loop3A_558, 0 {pack_format = #tpu.pack_format<interleaved>} : vector<32xbf16> -> vector<16xf32>
        %parallel_loop3A_560 = tpu.unpack_subelements %parallel_loop3A_558, 1 {pack_format = #tpu.pack_format<interleaved>} : vector<32xbf16> -> vector<16xf32>
        %parallel_loop3A_561 = arith.constant 128 : i32
        %parallel_loop3A_562 = arith.addi %parallel_loop3A_561, %parallel_loop3A_553 : i32
        %parallel_loop3A_563 = arith.index_cast %parallel_loop3A_562 : i32 to index
        %parallel_loop3A_564 = arith.constant 0 : index
        %parallel_loop3A_565 = tpu.vector_load %arg14[%parallel_loop3A_563, %parallel_loop3A_564] {strides = array<i32>} : memref<256x32xf32, #tpu.memory_space<vmem>>, vector<16xf32>,
        %parallel_loop3A_566 = arith.mulf %parallel_loop3A_559, %parallel_loop3A_565 : vector<16xf32>
        %parallel_loop3A_567 = arith.constant 128 : i32
        %parallel_loop3A_568 = arith.addi %parallel_loop3A_567, %parallel_loop3A_553 : i32
        %parallel_loop3A_569 = arith.index_cast %parallel_loop3A_568 : i32 to index
        %parallel_loop3A_570 = arith.constant 0 : index
        %parallel_loop3A_571 = tpu.vector_load %arg15[%parallel_loop3A_569, %parallel_loop3A_570] {strides = array<i32>} : memref<256x32xf32, #tpu.memory_space<vmem>>, vector<16xf32>,
        tpu.vector_store %arg15[%parallel_loop3A_569, %parallel_loop3A_570], %parallel_loop3A_566 {strides = array<i32>} : memref<256x32xf32, #tpu.memory_space<vmem>>, vector<16xf32>,
        %parallel_loop3A_572 = arith.constant 128 : i32
        %parallel_loop3A_573 = arith.addi %parallel_loop3A_572, %parallel_loop3A_553 : i32
        %parallel_loop3A_574 = arith.index_cast %parallel_loop3A_573 : i32 to index
        %parallel_loop3A_575 = arith.constant 16 : index
        %parallel_loop3A_576 = tpu.vector_load %arg14[%parallel_loop3A_574, %parallel_loop3A_575] {strides = array<i32>} : memref<256x32xf32, #tpu.memory_space<vmem>>, vector<16xf32>,
        %parallel_loop3A_577 = arith.mulf %parallel_loop3A_560, %parallel_loop3A_576 : vector<16xf32>
        %parallel_loop3A_578 = arith.constant 128 : i32
        %parallel_loop3A_579 = arith.addi %parallel_loop3A_578, %parallel_loop3A_553 : i32
        %parallel_loop3A_580 = arith.index_cast %parallel_loop3A_579 : i32 to index
        %parallel_loop3A_581 = arith.constant 16 : index
        %parallel_loop3A_582 = tpu.vector_load %arg15[%parallel_loop3A_580, %parallel_loop3A_581] {strides = array<i32>} : memref<256x32xf32, #tpu.memory_space<vmem>>, vector<16xf32>,
        tpu.vector_store %arg15[%parallel_loop3A_580, %parallel_loop3A_581], %parallel_loop3A_577 {strides = array<i32>} : memref<256x32xf32, #tpu.memory_space<vmem>>, vector<16xf32>,
      } {sc.loop_unroll_factor = 4 : i64, sc.parallel_access}
      %add3A_237 = arith.constant 1 : i32
      %add3A_238 = arith.addi %mul3A_49, %add3A_237 : i32
      %dma_start3A_239 = arith.constant 128 : i32
      %dma_start3A_240 = arith.constant 0 : i32
      %dma_start3A_241 = tpu.memref_slice %arg15[%dma_start3A_239, %dma_start3A_240] : memref<256x32xf32, #tpu.memory_space<vmem>> -> memref<128x32xf32, #tpu.memory_space<vmem>>
      %dma_start3A_242 = arith.constant 0 : i32
      %dma_start3A_243 = tpu.memref_slice %arg12[%add3A_238, %dma_start3A_242] : memref<14x128xi32, #tpu.memory_space<vmem>> -> memref<1x128xi32, #tpu.memory_space<vmem>>
      %dma_start3A_244 = tpu.memref_squeeze %dma_start3A_243 : memref<1x128xi32, #tpu.memory_space<vmem>> -> memref<128xi32, #tpu.memory_space<vmem>>
      %dma_start3A_245 = arith.constant 0 : i32
      %dma_start3A_246 = arith.constant 0 : i32
      %dma_start3A_247 = tpu.memref_slice %arg8[%dma_start3A_245, %dma_start3A_246] : memref<50000x32xf32, #tpu.memory_space<vmem_shared>> -> memref<50000x32xf32, #tpu.memory_space<vmem_shared>>
      tpu.enqueue_indirect_dma source(%dma_start3A_241 : memref<128x32xf32, #tpu.memory_space<vmem>>) target(%dma_start3A_247 : memref<50000x32xf32, #tpu.memory_space<vmem_shared>>) offsets(%dma_start3A_244 : memref<128xi32, #tpu.memory_space<vmem>>) semaphore(%arg19 : memref<!tpu.dma_semaphore, #tpu.memory_space<semaphore_mem>>) {add = true}
      %dma_wait3A_248 = arith.constant 128 : i32
      %dma_wait3A_249 = arith.constant 0 : i32
      %dma_wait3A_250 = tpu.memref_slice %arg15[%dma_wait3A_248, %dma_wait3A_249] : memref<256x32xf32, #tpu.memory_space<vmem>> -> memref<128x32xf32, #tpu.memory_space<vmem>>
      %dma_wait3A_251 = arith.constant 0 : i32
      %dma_wait3A_252 = tpu.memref_slice %arg12[%add3A_238, %dma_wait3A_251] : memref<14x128xi32, #tpu.memory_space<vmem>> -> memref<1x128xi32, #tpu.memory_space<vmem>>
      %dma_wait3A_253 = tpu.memref_squeeze %dma_wait3A_252 : memref<1x128xi32, #tpu.memory_space<vmem>> -> memref<128xi32, #tpu.memory_space<vmem>>
      %dma_wait3A_254 = arith.constant 0 : i32
      %dma_wait3A_255 = arith.constant 0 : i32
      %dma_wait3A_256 = tpu.memref_slice %arg8[%dma_wait3A_254, %dma_wait3A_255] : memref<50000x32xf32, #tpu.memory_space<vmem_shared>> -> memref<50000x32xf32, #tpu.memory_space<vmem_shared>>
      tpu.wait_indirect_dma semaphore(%arg19 : memref<!tpu.dma_semaphore, #tpu.memory_space<semaphore_mem>>) src(%dma_wait3A_250 : memref<128x32xf32, #tpu.memory_space<vmem>>) dst(%dma_wait3A_256 : memref<50000x32xf32, #tpu.memory_space<vmem_shared>>)
      %add3A_257 = arith.constant 2 : i32
      %add3A_258 = arith.addi %mul3A_49, %add3A_257 : i32
      %add3A_259 = arith.constant 2 : i32
      %add3A_260 = arith.addi %add3A_258, %add3A_259 : i32
      %dma_start3A_261 = arith.constant 128 : i32
      %dma_start3A_262 = arith.constant 0 : i32
      %dma_start3A_263 = tpu.memref_slice %arg13[%dma_start3A_261, %dma_start3A_262] : memref<384x32xbf16, #tpu.memory_space<vmem>> -> memref<128x32xbf16, #tpu.memory_space<vmem>>
      %dma_start3A_264 = arith.constant 0 : i32
      %dma_start3A_265 = tpu.memref_slice %arg10[%add3A_260, %dma_start3A_264] : memref<14x128xi32, #tpu.memory_space<vmem>> -> memref<1x128xi32, #tpu.memory_space<vmem>>
      %dma_start3A_266 = tpu.memref_squeeze %dma_start3A_265 : memref<1x128xi32, #tpu.memory_space<vmem>> -> memref<128xi32, #tpu.memory_space<vmem>>
      %dma_start3A_267 = arith.constant 0 : i32
      %dma_start3A_268 = arith.constant 0 : i32
      %dma_start3A_269 = tpu.memref_slice %arg2[%dma_start3A_267, %dma_start3A_268] : memref<50000x32xbf16, #tpu.memory_space<hbm>> -> memref<50000x32xbf16, #tpu.memory_space<hbm>>
      tpu.enqueue_indirect_dma source(%dma_start3A_269 : memref<50000x32xbf16, #tpu.memory_space<hbm>>) target(%dma_start3A_263 : memref<128x32xbf16, #tpu.memory_space<vmem>>) offsets(%dma_start3A_266 : memref<128xi32, #tpu.memory_space<vmem>>) semaphore(%arg16 : memref<!tpu.dma_semaphore, #tpu.memory_space<semaphore_mem>>)
      %add3A_270 = arith.constant 2 : i32
      %add3A_271 = arith.addi %mul3A_49, %add3A_270 : i32
      %add3A_272 = arith.constant 1 : i32
      %add3A_273 = arith.addi %add3A_271, %add3A_272 : i32
      %dma_start3A_274 = arith.constant 128 : i32
      %dma_start3A_275 = arith.constant 0 : i32
      %dma_start3A_276 = tpu.memref_slice %arg14[%dma_start3A_274, %dma_start3A_275] : memref<256x32xf32, #tpu.memory_space<vmem>> -> memref<128x32xf32, #tpu.memory_space<vmem>>
      %dma_start3A_277 = arith.constant 0 : i32
      %dma_start3A_278 = tpu.memref_slice %arg11[%add3A_273, %dma_start3A_277] : memref<14x128xi32, #tpu.memory_space<vmem>> -> memref<1x128xi32, #tpu.memory_space<vmem>>
      %dma_start3A_279 = tpu.memref_squeeze %dma_start3A_278 : memref<1x128xi32, #tpu.memory_space<vmem>> -> memref<128xi32, #tpu.memory_space<vmem>>
      %dma_start3A_280 = arith.constant 0 : i32
      %dma_start3A_281 = arith.constant 0 : i32
      %dma_start3A_282 = tpu.memref_slice %arg9[%dma_start3A_280, %dma_start3A_281] : memref<512x32xf32, #tpu.memory_space<vmem_shared>> -> memref<512x32xf32, #tpu.memory_space<vmem_shared>>
      tpu.enqueue_indirect_dma source(%dma_start3A_282 : memref<512x32xf32, #tpu.memory_space<vmem_shared>>) target(%dma_start3A_276 : memref<128x32xf32, #tpu.memory_space<vmem>>) offsets(%dma_start3A_279 : memref<128xi32, #tpu.memory_space<vmem>>) semaphore(%arg17 : memref<!tpu.dma_semaphore, #tpu.memory_space<semaphore_mem>>)
      %dma_wait3A_283 = arith.constant 256 : i32
      %dma_wait3A_284 = arith.constant 0 : i32
      %dma_wait3A_285 = tpu.memref_slice %arg13[%dma_wait3A_283, %dma_wait3A_284] : memref<384x32xbf16, #tpu.memory_space<vmem>> -> memref<128x32xbf16, #tpu.memory_space<vmem>>
      %dma_wait3A_286 = arith.constant 0 : i32
      %dma_wait3A_287 = tpu.memref_slice %arg10[%add3A_127, %dma_wait3A_286] : memref<14x128xi32, #tpu.memory_space<vmem>> -> memref<1x128xi32, #tpu.memory_space<vmem>>
      %dma_wait3A_288 = tpu.memref_squeeze %dma_wait3A_287 : memref<1x128xi32, #tpu.memory_space<vmem>> -> memref<128xi32, #tpu.memory_space<vmem>>
      %dma_wait3A_289 = arith.constant 0 : i32
      %dma_wait3A_290 = arith.constant 0 : i32
      %dma_wait3A_291 = tpu.memref_slice %arg2[%dma_wait3A_289, %dma_wait3A_290] : memref<50000x32xbf16, #tpu.memory_space<hbm>> -> memref<50000x32xbf16, #tpu.memory_space<hbm>>
      tpu.wait_indirect_dma semaphore(%arg16 : memref<!tpu.dma_semaphore, #tpu.memory_space<semaphore_mem>>) src(%dma_wait3A_291 : memref<50000x32xbf16, #tpu.memory_space<hbm>>) dst(%dma_wait3A_285 : memref<128x32xbf16, #tpu.memory_space<vmem>>)
      %dma_wait3A_292 = arith.constant 0 : i32
      %dma_wait3A_293 = arith.constant 0 : i32
      %dma_wait3A_294 = tpu.memref_slice %arg14[%dma_wait3A_292, %dma_wait3A_293] : memref<256x32xf32, #tpu.memory_space<vmem>> -> memref<128x32xf32, #tpu.memory_space<vmem>>
      %dma_wait3A_295 = arith.constant 0 : i32
      %dma_wait3A_296 = tpu.memref_slice %arg11[%add3A_206, %dma_wait3A_295] : memref<14x128xi32, #tpu.memory_space<vmem>> -> memref<1x128xi32, #tpu.memory_space<vmem>>
      %dma_wait3A_297 = tpu.memref_squeeze %dma_wait3A_296 : memref<1x128xi32, #tpu.memory_space<vmem>> -> memref<128xi32, #tpu.memory_space<vmem>>
      %dma_wait3A_298 = arith.constant 0 : i32
      %dma_wait3A_299 = arith.constant 0 : i32
      %dma_wait3A_300 = tpu.memref_slice %arg9[%dma_wait3A_298, %dma_wait3A_299] : memref<512x32xf32, #tpu.memory_space<vmem_shared>> -> memref<512x32xf32, #tpu.memory_space<vmem_shared>>
      tpu.wait_indirect_dma semaphore(%arg17 : memref<!tpu.dma_semaphore, #tpu.memory_space<semaphore_mem>>) src(%dma_wait3A_300 : memref<512x32xf32, #tpu.memory_space<vmem_shared>>) dst(%dma_wait3A_294 : memref<128x32xf32, #tpu.memory_space<vmem>>)
      %parallel_loop3A_301 = arith.constant 0 : i32
      %parallel_loop3A_302 = arith.constant 128 : i32
      %parallel_loop3A_303 = arith.constant 1 : i32
      scf.for %parallel_loop3A_553 = %parallel_loop3A_301 to %parallel_loop3A_302 step %parallel_loop3A_303  : i32 {
        %parallel_loop3A_554 = arith.constant 256 : i32
        %parallel_loop3A_555 = arith.addi %parallel_loop3A_554, %parallel_loop3A_553 : i32
        %parallel_loop3A_556 = arith.index_cast %parallel_loop3A_555 : i32 to index
        %parallel_loop3A_557 = arith.constant 0 : index
        %parallel_loop3A_558 = tpu.vector_load %arg13[%parallel_loop3A_556, %parallel_loop3A_557] {strides = array<i32>} : memref<384x32xbf16, #tpu.memory_space<vmem>>, vector<32xbf16>,
        %parallel_loop3A_559 = tpu.unpack_subelements %parallel_loop3A_558, 0 {pack_format = #tpu.pack_format<interleaved>} : vector<32xbf16> -> vector<16xf32>
        %parallel_loop3A_560 = tpu.unpack_subelements %parallel_loop3A_558, 1 {pack_format = #tpu.pack_format<interleaved>} : vector<32xbf16> -> vector<16xf32>
        %parallel_loop3A_561 = arith.constant 0 : i32
        %parallel_loop3A_562 = arith.addi %parallel_loop3A_561, %parallel_loop3A_553 : i32
        %parallel_loop3A_563 = arith.index_cast %parallel_loop3A_562 : i32 to index
        %parallel_loop3A_564 = arith.constant 0 : index
        %parallel_loop3A_565 = tpu.vector_load %arg14[%parallel_loop3A_563, %parallel_loop3A_564] {strides = array<i32>} : memref<256x32xf32, #tpu.memory_space<vmem>>, vector<16xf32>,
        %parallel_loop3A_566 = arith.mulf %parallel_loop3A_559, %parallel_loop3A_565 : vector<16xf32>
        %parallel_loop3A_567 = arith.constant 0 : i32
        %parallel_loop3A_568 = arith.addi %parallel_loop3A_567, %parallel_loop3A_553 : i32
        %parallel_loop3A_569 = arith.index_cast %parallel_loop3A_568 : i32 to index
        %parallel_loop3A_570 = arith.constant 0 : index
        %parallel_loop3A_571 = tpu.vector_load %arg15[%parallel_loop3A_569, %parallel_loop3A_570] {strides = array<i32>} : memref<256x32xf32, #tpu.memory_space<vmem>>, vector<16xf32>,
        tpu.vector_store %arg15[%parallel_loop3A_569, %parallel_loop3A_570], %parallel_loop3A_566 {strides = array<i32>} : memref<256x32xf32, #tpu.memory_space<vmem>>, vector<16xf32>,
        %parallel_loop3A_572 = arith.constant 0 : i32
        %parallel_loop3A_573 = arith.addi %parallel_loop3A_572, %parallel_loop3A_553 : i32
        %parallel_loop3A_574 = arith.index_cast %parallel_loop3A_573 : i32 to index
        %parallel_loop3A_575 = arith.constant 16 : index
        %parallel_loop3A_576 = tpu.vector_load %arg14[%parallel_loop3A_574, %parallel_loop3A_575] {strides = array<i32>} : memref<256x32xf32, #tpu.memory_space<vmem>>, vector<16xf32>,
        %parallel_loop3A_577 = arith.mulf %parallel_loop3A_560, %parallel_loop3A_576 : vector<16xf32>
        %parallel_loop3A_578 = arith.constant 0 : i32
        %parallel_loop3A_579 = arith.addi %parallel_loop3A_578, %parallel_loop3A_553 : i32
        %parallel_loop3A_580 = arith.index_cast %parallel_loop3A_579 : i32 to index
        %parallel_loop3A_581 = arith.constant 16 : index
        %parallel_loop3A_582 = tpu.vector_load %arg15[%parallel_loop3A_580, %parallel_loop3A_581] {strides = array<i32>} : memref<256x32xf32, #tpu.memory_space<vmem>>, vector<16xf32>,
        tpu.vector_store %arg15[%parallel_loop3A_580, %parallel_loop3A_581], %parallel_loop3A_577 {strides = array<i32>} : memref<256x32xf32, #tpu.memory_space<vmem>>, vector<16xf32>,
      } {sc.loop_unroll_factor = 4 : i64, sc.parallel_access}
      %add3A_304 = arith.constant 2 : i32
      %add3A_305 = arith.addi %mul3A_49, %add3A_304 : i32
      %dma_start3A_306 = arith.constant 0 : i32
      %dma_start3A_307 = arith.constant 0 : i32
      %dma_start3A_308 = tpu.memref_slice %arg15[%dma_start3A_306, %dma_start3A_307] : memref<256x32xf32, #tpu.memory_space<vmem>> -> memref<128x32xf32, #tpu.memory_space<vmem>>
      %dma_start3A_309 = arith.constant 0 : i32
      %dma_start3A_310 = tpu.memref_slice %arg12[%add3A_305, %dma_start3A_309] : memref<14x128xi32, #tpu.memory_space<vmem>> -> memref<1x128xi32, #tpu.memory_space<vmem>>
      %dma_start3A_311 = tpu.memref_squeeze %dma_start3A_310 : memref<1x128xi32, #tpu.memory_space<vmem>> -> memref<128xi32, #tpu.memory_space<vmem>>
      %dma_start3A_312 = arith.constant 0 : i32
      %dma_start3A_313 = arith.constant 0 : i32
      %dma_start3A_314 = tpu.memref_slice %arg8[%dma_start3A_312, %dma_start3A_313] : memref<50000x32xf32, #tpu.memory_space<vmem_shared>> -> memref<50000x32xf32, #tpu.memory_space<vmem_shared>>
      tpu.enqueue_indirect_dma source(%dma_start3A_308 : memref<128x32xf32, #tpu.memory_space<vmem>>) target(%dma_start3A_314 : memref<50000x32xf32, #tpu.memory_space<vmem_shared>>) offsets(%dma_start3A_311 : memref<128xi32, #tpu.memory_space<vmem>>) semaphore(%arg19 : memref<!tpu.dma_semaphore, #tpu.memory_space<semaphore_mem>>) {add = true}
      %dma_wait3A_315 = arith.constant 0 : i32
      %dma_wait3A_316 = arith.constant 0 : i32
      %dma_wait3A_317 = tpu.memref_slice %arg15[%dma_wait3A_315, %dma_wait3A_316] : memref<256x32xf32, #tpu.memory_space<vmem>> -> memref<128x32xf32, #tpu.memory_space<vmem>>
      %dma_wait3A_318 = arith.constant 0 : i32
      %dma_wait3A_319 = tpu.memref_slice %arg12[%add3A_305, %dma_wait3A_318] : memref<14x128xi32, #tpu.memory_space<vmem>> -> memref<1x128xi32, #tpu.memory_space<vmem>>
      %dma_wait3A_320 = tpu.memref_squeeze %dma_wait3A_319 : memref<1x128xi32, #tpu.memory_space<vmem>> -> memref<128xi32, #tpu.memory_space<vmem>>
      %dma_wait3A_321 = arith.constant 0 : i32
      %dma_wait3A_322 = arith.constant 0 : i32
      %dma_wait3A_323 = tpu.memref_slice %arg8[%dma_wait3A_321, %dma_wait3A_322] : memref<50000x32xf32, #tpu.memory_space<vmem_shared>> -> memref<50000x32xf32, #tpu.memory_space<vmem_shared>>
      tpu.wait_indirect_dma semaphore(%arg19 : memref<!tpu.dma_semaphore, #tpu.memory_space<semaphore_mem>>) src(%dma_wait3A_317 : memref<128x32xf32, #tpu.memory_space<vmem>>) dst(%dma_wait3A_323 : memref<50000x32xf32, #tpu.memory_space<vmem_shared>>)
      %add3A_324 = arith.constant 3 : i32
      %add3A_325 = arith.addi %mul3A_49, %add3A_324 : i32
      %add3A_326 = arith.constant 2 : i32
      %add3A_327 = arith.addi %add3A_325, %add3A_326 : i32
      %dma_start3A_328 = arith.constant 256 : i32
      %dma_start3A_329 = arith.constant 0 : i32
      %dma_start3A_330 = tpu.memref_slice %arg13[%dma_start3A_328, %dma_start3A_329] : memref<384x32xbf16, #tpu.memory_space<vmem>> -> memref<128x32xbf16, #tpu.memory_space<vmem>>
      %dma_start3A_331 = arith.constant 0 : i32
      %dma_start3A_332 = tpu.memref_slice %arg10[%add3A_327, %dma_start3A_331] : memref<14x128xi32, #tpu.memory_space<vmem>> -> memref<1x128xi32, #tpu.memory_space<vmem>>
      %dma_start3A_333 = tpu.memref_squeeze %dma_start3A_332 : memref<1x128xi32, #tpu.memory_space<vmem>> -> memref<128xi32, #tpu.memory_space<vmem>>
      %dma_start3A_334 = arith.constant 0 : i32
      %dma_start3A_335 = arith.constant 0 : i32
      %dma_start3A_336 = tpu.memref_slice %arg2[%dma_start3A_334, %dma_start3A_335] : memref<50000x32xbf16, #tpu.memory_space<hbm>> -> memref<50000x32xbf16, #tpu.memory_space<hbm>>
      tpu.enqueue_indirect_dma source(%dma_start3A_336 : memref<50000x32xbf16, #tpu.memory_space<hbm>>) target(%dma_start3A_330 : memref<128x32xbf16, #tpu.memory_space<vmem>>) offsets(%dma_start3A_333 : memref<128xi32, #tpu.memory_space<vmem>>) semaphore(%arg16 : memref<!tpu.dma_semaphore, #tpu.memory_space<semaphore_mem>>)
      %add3A_337 = arith.constant 3 : i32
      %add3A_338 = arith.addi %mul3A_49, %add3A_337 : i32
      %add3A_339 = arith.constant 1 : i32
      %add3A_340 = arith.addi %add3A_338, %add3A_339 : i32
      %dma_start3A_341 = arith.constant 0 : i32
      %dma_start3A_342 = arith.constant 0 : i32
      %dma_start3A_343 = tpu.memref_slice %arg14[%dma_start3A_341, %dma_start3A_342] : memref<256x32xf32, #tpu.memory_space<vmem>> -> memref<128x32xf32, #tpu.memory_space<vmem>>
      %dma_start3A_344 = arith.constant 0 : i32
      %dma_start3A_345 = tpu.memref_slice %arg11[%add3A_340, %dma_start3A_344] : memref<14x128xi32, #tpu.memory_space<vmem>> -> memref<1x128xi32, #tpu.memory_space<vmem>>
      %dma_start3A_346 = tpu.memref_squeeze %dma_start3A_345 : memref<1x128xi32, #tpu.memory_space<vmem>> -> memref<128xi32, #tpu.memory_space<vmem>>
      %dma_start3A_347 = arith.constant 0 : i32
      %dma_start3A_348 = arith.constant 0 : i32
      %dma_start3A_349 = tpu.memref_slice %arg9[%dma_start3A_347, %dma_start3A_348] : memref<512x32xf32, #tpu.memory_space<vmem_shared>> -> memref<512x32xf32, #tpu.memory_space<vmem_shared>>
      tpu.enqueue_indirect_dma source(%dma_start3A_349 : memref<512x32xf32, #tpu.memory_space<vmem_shared>>) target(%dma_start3A_343 : memref<128x32xf32, #tpu.memory_space<vmem>>) offsets(%dma_start3A_346 : memref<128xi32, #tpu.memory_space<vmem>>) semaphore(%arg17 : memref<!tpu.dma_semaphore, #tpu.memory_space<semaphore_mem>>)
      %dma_wait3A_350 = arith.constant 0 : i32
      %dma_wait3A_351 = arith.constant 0 : i32
      %dma_wait3A_352 = tpu.memref_slice %arg13[%dma_wait3A_350, %dma_wait3A_351] : memref<384x32xbf16, #tpu.memory_space<vmem>> -> memref<128x32xbf16, #tpu.memory_space<vmem>>
      %dma_wait3A_353 = arith.constant 0 : i32
      %dma_wait3A_354 = tpu.memref_slice %arg10[%add3A_193, %dma_wait3A_353] : memref<14x128xi32, #tpu.memory_space<vmem>> -> memref<1x128xi32, #tpu.memory_space<vmem>>
      %dma_wait3A_355 = tpu.memref_squeeze %dma_wait3A_354 : memref<1x128xi32, #tpu.memory_space<vmem>> -> memref<128xi32, #tpu.memory_space<vmem>>
      %dma_wait3A_356 = arith.constant 0 : i32
      %dma_wait3A_357 = arith.constant 0 : i32
      %dma_wait3A_358 = tpu.memref_slice %arg2[%dma_wait3A_356, %dma_wait3A_357] : memref<50000x32xbf16, #tpu.memory_space<hbm>> -> memref<50000x32xbf16, #tpu.memory_space<hbm>>
      tpu.wait_indirect_dma semaphore(%arg16 : memref<!tpu.dma_semaphore, #tpu.memory_space<semaphore_mem>>) src(%dma_wait3A_358 : memref<50000x32xbf16, #tpu.memory_space<hbm>>) dst(%dma_wait3A_352 : memref<128x32xbf16, #tpu.memory_space<vmem>>)
      %dma_wait3A_359 = arith.constant 128 : i32
      %dma_wait3A_360 = arith.constant 0 : i32
      %dma_wait3A_361 = tpu.memref_slice %arg14[%dma_wait3A_359, %dma_wait3A_360] : memref<256x32xf32, #tpu.memory_space<vmem>> -> memref<128x32xf32, #tpu.memory_space<vmem>>
      %dma_wait3A_362 = arith.constant 0 : i32
      %dma_wait3A_363 = tpu.memref_slice %arg11[%add3A_273, %dma_wait3A_362] : memref<14x128xi32, #tpu.memory_space<vmem>> -> memref<1x128xi32, #tpu.memory_space<vmem>>
      %dma_wait3A_364 = tpu.memref_squeeze %dma_wait3A_363 : memref<1x128xi32, #tpu.memory_space<vmem>> -> memref<128xi32, #tpu.memory_space<vmem>>
      %dma_wait3A_365 = arith.constant 0 : i32
      %dma_wait3A_366 = arith.constant 0 : i32
      %dma_wait3A_367 = tpu.memref_slice %arg9[%dma_wait3A_365, %dma_wait3A_366] : memref<512x32xf32, #tpu.memory_space<vmem_shared>> -> memref<512x32xf32, #tpu.memory_space<vmem_shared>>
      tpu.wait_indirect_dma semaphore(%arg17 : memref<!tpu.dma_semaphore, #tpu.memory_space<semaphore_mem>>) src(%dma_wait3A_367 : memref<512x32xf32, #tpu.memory_space<vmem_shared>>) dst(%dma_wait3A_361 : memref<128x32xf32, #tpu.memory_space<vmem>>)
      %parallel_loop3A_368 = arith.constant 0 : i32
      %parallel_loop3A_369 = arith.constant 128 : i32
      %parallel_loop3A_370 = arith.constant 1 : i32
      scf.for %parallel_loop3A_553 = %parallel_loop3A_368 to %parallel_loop3A_369 step %parallel_loop3A_370  : i32 {
        %parallel_loop3A_554 = arith.constant 0 : i32
        %parallel_loop3A_555 = arith.addi %parallel_loop3A_554, %parallel_loop3A_553 : i32
        %parallel_loop3A_556 = arith.index_cast %parallel_loop3A_555 : i32 to index
        %parallel_loop3A_557 = arith.constant 0 : index
        %parallel_loop3A_558 = tpu.vector_load %arg13[%parallel_loop3A_556, %parallel_loop3A_557] {strides = array<i32>} : memref<384x32xbf16, #tpu.memory_space<vmem>>, vector<32xbf16>,
        %parallel_loop3A_559 = tpu.unpack_subelements %parallel_loop3A_558, 0 {pack_format = #tpu.pack_format<interleaved>} : vector<32xbf16> -> vector<16xf32>
        %parallel_loop3A_560 = tpu.unpack_subelements %parallel_loop3A_558, 1 {pack_format = #tpu.pack_format<interleaved>} : vector<32xbf16> -> vector<16xf32>
        %parallel_loop3A_561 = arith.constant 128 : i32
        %parallel_loop3A_562 = arith.addi %parallel_loop3A_561, %parallel_loop3A_553 : i32
        %parallel_loop3A_563 = arith.index_cast %parallel_loop3A_562 : i32 to index
        %parallel_loop3A_564 = arith.constant 0 : index
        %parallel_loop3A_565 = tpu.vector_load %arg14[%parallel_loop3A_563, %parallel_loop3A_564] {strides = array<i32>} : memref<256x32xf32, #tpu.memory_space<vmem>>, vector<16xf32>,
        %parallel_loop3A_566 = arith.mulf %parallel_loop3A_559, %parallel_loop3A_565 : vector<16xf32>
        %parallel_loop3A_567 = arith.constant 128 : i32
        %parallel_loop3A_568 = arith.addi %parallel_loop3A_567, %parallel_loop3A_553 : i32
        %parallel_loop3A_569 = arith.index_cast %parallel_loop3A_568 : i32 to index
        %parallel_loop3A_570 = arith.constant 0 : index
        %parallel_loop3A_571 = tpu.vector_load %arg15[%parallel_loop3A_569, %parallel_loop3A_570] {strides = array<i32>} : memref<256x32xf32, #tpu.memory_space<vmem>>, vector<16xf32>,
        tpu.vector_store %arg15[%parallel_loop3A_569, %parallel_loop3A_570], %parallel_loop3A_566 {strides = array<i32>} : memref<256x32xf32, #tpu.memory_space<vmem>>, vector<16xf32>,
        %parallel_loop3A_572 = arith.constant 128 : i32
        %parallel_loop3A_573 = arith.addi %parallel_loop3A_572, %parallel_loop3A_553 : i32
        %parallel_loop3A_574 = arith.index_cast %parallel_loop3A_573 : i32 to index
        %parallel_loop3A_575 = arith.constant 16 : index
        %parallel_loop3A_576 = tpu.vector_load %arg14[%parallel_loop3A_574, %parallel_loop3A_575] {strides = array<i32>} : memref<256x32xf32, #tpu.memory_space<vmem>>, vector<16xf32>,
        %parallel_loop3A_577 = arith.mulf %parallel_loop3A_560, %parallel_loop3A_576 : vector<16xf32>
        %parallel_loop3A_578 = arith.constant 128 : i32
        %parallel_loop3A_579 = arith.addi %parallel_loop3A_578, %parallel_loop3A_553 : i32
        %parallel_loop3A_580 = arith.index_cast %parallel_loop3A_579 : i32 to index
        %parallel_loop3A_581 = arith.constant 16 : index
        %parallel_loop3A_582 = tpu.vector_load %arg15[%parallel_loop3A_580, %parallel_loop3A_581] {strides = array<i32>} : memref<256x32xf32, #tpu.memory_space<vmem>>, vector<16xf32>,
        tpu.vector_store %arg15[%parallel_loop3A_580, %parallel_loop3A_581], %parallel_loop3A_577 {strides = array<i32>} : memref<256x32xf32, #tpu.memory_space<vmem>>, vector<16xf32>,
      } {sc.loop_unroll_factor = 4 : i64, sc.parallel_access}
      %add3A_371 = arith.constant 3 : i32
      %add3A_372 = arith.addi %mul3A_49, %add3A_371 : i32
      %dma_start3A_373 = arith.constant 128 : i32
      %dma_start3A_374 = arith.constant 0 : i32
      %dma_start3A_375 = tpu.memref_slice %arg15[%dma_start3A_373, %dma_start3A_374] : memref<256x32xf32, #tpu.memory_space<vmem>> -> memref<128x32xf32, #tpu.memory_space<vmem>>
      %dma_start3A_376 = arith.constant 0 : i32
      %dma_start3A_377 = tpu.memref_slice %arg12[%add3A_372, %dma_start3A_376] : memref<14x128xi32, #tpu.memory_space<vmem>> -> memref<1x128xi32, #tpu.memory_space<vmem>>
      %dma_start3A_378 = tpu.memref_squeeze %dma_start3A_377 : memref<1x128xi32, #tpu.memory_space<vmem>> -> memref<128xi32, #tpu.memory_space<vmem>>
      %dma_start3A_379 = arith.constant 0 : i32
      %dma_start3A_380 = arith.constant 0 : i32
      %dma_start3A_381 = tpu.memref_slice %arg8[%dma_start3A_379, %dma_start3A_380] : memref<50000x32xf32, #tpu.memory_space<vmem_shared>> -> memref<50000x32xf32, #tpu.memory_space<vmem_shared>>
      tpu.enqueue_indirect_dma source(%dma_start3A_375 : memref<128x32xf32, #tpu.memory_space<vmem>>) target(%dma_start3A_381 : memref<50000x32xf32, #tpu.memory_space<vmem_shared>>) offsets(%dma_start3A_378 : memref<128xi32, #tpu.memory_space<vmem>>) semaphore(%arg19 : memref<!tpu.dma_semaphore, #tpu.memory_space<semaphore_mem>>) {add = true}
      %dma_wait3A_382 = arith.constant 128 : i32
      %dma_wait3A_383 = arith.constant 0 : i32
      %dma_wait3A_384 = tpu.memref_slice %arg15[%dma_wait3A_382, %dma_wait3A_383] : memref<256x32xf32, #tpu.memory_space<vmem>> -> memref<128x32xf32, #tpu.memory_space<vmem>>
      %dma_wait3A_385 = arith.constant 0 : i32
      %dma_wait3A_386 = tpu.memref_slice %arg12[%add3A_372, %dma_wait3A_385] : memref<14x128xi32, #tpu.memory_space<vmem>> -> memref<1x128xi32, #tpu.memory_space<vmem>>
      %dma_wait3A_387 = tpu.memref_squeeze %dma_wait3A_386 : memref<1x128xi32, #tpu.memory_space<vmem>> -> memref<128xi32, #tpu.memory_space<vmem>>
      %dma_wait3A_388 = arith.constant 0 : i32
      %dma_wait3A_389 = arith.constant 0 : i32
      %dma_wait3A_390 = tpu.memref_slice %arg8[%dma_wait3A_388, %dma_wait3A_389] : memref<50000x32xf32, #tpu.memory_space<vmem_shared>> -> memref<50000x32xf32, #tpu.memory_space<vmem_shared>>
      tpu.wait_indirect_dma semaphore(%arg19 : memref<!tpu.dma_semaphore, #tpu.memory_space<semaphore_mem>>) src(%dma_wait3A_384 : memref<128x32xf32, #tpu.memory_space<vmem>>) dst(%dma_wait3A_390 : memref<50000x32xf32, #tpu.memory_space<vmem_shared>>)
      %add3A_391 = arith.constant 4 : i32
      %add3A_392 = arith.addi %mul3A_49, %add3A_391 : i32
      %add3A_393 = arith.constant 2 : i32
      %add3A_394 = arith.addi %add3A_392, %add3A_393 : i32
      %dma_start3A_395 = arith.constant 0 : i32
      %dma_start3A_396 = arith.constant 0 : i32
      %dma_start3A_397 = tpu.memref_slice %arg13[%dma_start3A_395, %dma_start3A_396] : memref<384x32xbf16, #tpu.memory_space<vmem>> -> memref<128x32xbf16, #tpu.memory_space<vmem>>
      %dma_start3A_398 = arith.constant 0 : i32
      %dma_start3A_399 = tpu.memref_slice %arg10[%add3A_394, %dma_start3A_398] : memref<14x128xi32, #tpu.memory_space<vmem>> -> memref<1x128xi32, #tpu.memory_space<vmem>>
      %dma_start3A_400 = tpu.memref_squeeze %dma_start3A_399 : memref<1x128xi32, #tpu.memory_space<vmem>> -> memref<128xi32, #tpu.memory_space<vmem>>
      %dma_start3A_401 = arith.constant 0 : i32
      %dma_start3A_402 = arith.constant 0 : i32
      %dma_start3A_403 = tpu.memref_slice %arg2[%dma_start3A_401, %dma_start3A_402] : memref<50000x32xbf16, #tpu.memory_space<hbm>> -> memref<50000x32xbf16, #tpu.memory_space<hbm>>
      tpu.enqueue_indirect_dma source(%dma_start3A_403 : memref<50000x32xbf16, #tpu.memory_space<hbm>>) target(%dma_start3A_397 : memref<128x32xbf16, #tpu.memory_space<vmem>>) offsets(%dma_start3A_400 : memref<128xi32, #tpu.memory_space<vmem>>) semaphore(%arg16 : memref<!tpu.dma_semaphore, #tpu.memory_space<semaphore_mem>>)
      %add3A_404 = arith.constant 4 : i32
      %add3A_405 = arith.addi %mul3A_49, %add3A_404 : i32
      %add3A_406 = arith.constant 1 : i32
      %add3A_407 = arith.addi %add3A_405, %add3A_406 : i32
      %dma_start3A_408 = arith.constant 128 : i32
      %dma_start3A_409 = arith.constant 0 : i32
      %dma_start3A_410 = tpu.memref_slice %arg14[%dma_start3A_408, %dma_start3A_409] : memref<256x32xf32, #tpu.memory_space<vmem>> -> memref<128x32xf32, #tpu.memory_space<vmem>>
      %dma_start3A_411 = arith.constant 0 : i32
      %dma_start3A_412 = tpu.memref_slice %arg11[%add3A_407, %dma_start3A_411] : memref<14x128xi32, #tpu.memory_space<vmem>> -> memref<1x128xi32, #tpu.memory_space<vmem>>
      %dma_start3A_413 = tpu.memref_squeeze %dma_start3A_412 : memref<1x128xi32, #tpu.memory_space<vmem>> -> memref<128xi32, #tpu.memory_space<vmem>>
      %dma_start3A_414 = arith.constant 0 : i32
      %dma_start3A_415 = arith.constant 0 : i32
      %dma_start3A_416 = tpu.memref_slice %arg9[%dma_start3A_414, %dma_start3A_415] : memref<512x32xf32, #tpu.memory_space<vmem_shared>> -> memref<512x32xf32, #tpu.memory_space<vmem_shared>>
      tpu.enqueue_indirect_dma source(%dma_start3A_416 : memref<512x32xf32, #tpu.memory_space<vmem_shared>>) target(%dma_start3A_410 : memref<128x32xf32, #tpu.memory_space<vmem>>) offsets(%dma_start3A_413 : memref<128xi32, #tpu.memory_space<vmem>>) semaphore(%arg17 : memref<!tpu.dma_semaphore, #tpu.memory_space<semaphore_mem>>)
      %dma_wait3A_417 = arith.constant 128 : i32
      %dma_wait3A_418 = arith.constant 0 : i32
      %dma_wait3A_419 = tpu.memref_slice %arg13[%dma_wait3A_417, %dma_wait3A_418] : memref<384x32xbf16, #tpu.memory_space<vmem>> -> memref<128x32xbf16, #tpu.memory_space<vmem>>
      %dma_wait3A_420 = arith.constant 0 : i32
      %dma_wait3A_421 = tpu.memref_slice %arg10[%add3A_260, %dma_wait3A_420] : memref<14x128xi32, #tpu.memory_space<vmem>> -> memref<1x128xi32, #tpu.memory_space<vmem>>
      %dma_wait3A_422 = tpu.memref_squeeze %dma_wait3A_421 : memref<1x128xi32, #tpu.memory_space<vmem>> -> memref<128xi32, #tpu.memory_space<vmem>>
      %dma_wait3A_423 = arith.constant 0 : i32
      %dma_wait3A_424 = arith.constant 0 : i32
      %dma_wait3A_425 = tpu.memref_slice %arg2[%dma_wait3A_423, %dma_wait3A_424] : memref<50000x32xbf16, #tpu.memory_space<hbm>> -> memref<50000x32xbf16, #tpu.memory_space<hbm>>
      tpu.wait_indirect_dma semaphore(%arg16 : memref<!tpu.dma_semaphore, #tpu.memory_space<semaphore_mem>>) src(%dma_wait3A_425 : memref<50000x32xbf16, #tpu.memory_space<hbm>>) dst(%dma_wait3A_419 : memref<128x32xbf16, #tpu.memory_space<vmem>>)
      %dma_wait3A_426 = arith.constant 0 : i32
      %dma_wait3A_427 = arith.constant 0 : i32
      %dma_wait3A_428 = tpu.memref_slice %arg14[%dma_wait3A_426, %dma_wait3A_427] : memref<256x32xf32, #tpu.memory_space<vmem>> -> memref<128x32xf32, #tpu.memory_space<vmem>>
      %dma_wait3A_429 = arith.constant 0 : i32
      %dma_wait3A_430 = tpu.memref_slice %arg11[%add3A_340, %dma_wait3A_429] : memref<14x128xi32, #tpu.memory_space<vmem>> -> memref<1x128xi32, #tpu.memory_space<vmem>>
      %dma_wait3A_431 = tpu.memref_squeeze %dma_wait3A_430 : memref<1x128xi32, #tpu.memory_space<vmem>> -> memref<128xi32, #tpu.memory_space<vmem>>
      %dma_wait3A_432 = arith.constant 0 : i32
      %dma_wait3A_433 = arith.constant 0 : i32
      %dma_wait3A_434 = tpu.memref_slice %arg9[%dma_wait3A_432, %dma_wait3A_433] : memref<512x32xf32, #tpu.memory_space<vmem_shared>> -> memref<512x32xf32, #tpu.memory_space<vmem_shared>>
      tpu.wait_indirect_dma semaphore(%arg17 : memref<!tpu.dma_semaphore, #tpu.memory_space<semaphore_mem>>) src(%dma_wait3A_434 : memref<512x32xf32, #tpu.memory_space<vmem_shared>>) dst(%dma_wait3A_428 : memref<128x32xf32, #tpu.memory_space<vmem>>)
      %parallel_loop3A_435 = arith.constant 0 : i32
      %parallel_loop3A_436 = arith.constant 128 : i32
      %parallel_loop3A_437 = arith.constant 1 : i32
      scf.for %parallel_loop3A_553 = %parallel_loop3A_435 to %parallel_loop3A_436 step %parallel_loop3A_437  : i32 {
        %parallel_loop3A_554 = arith.constant 128 : i32
        %parallel_loop3A_555 = arith.addi %parallel_loop3A_554, %parallel_loop3A_553 : i32
        %parallel_loop3A_556 = arith.index_cast %parallel_loop3A_555 : i32 to index
        %parallel_loop3A_557 = arith.constant 0 : index
        %parallel_loop3A_558 = tpu.vector_load %arg13[%parallel_loop3A_556, %parallel_loop3A_557] {strides = array<i32>} : memref<384x32xbf16, #tpu.memory_space<vmem>>, vector<32xbf16>,
        %parallel_loop3A_559 = tpu.unpack_subelements %parallel_loop3A_558, 0 {pack_format = #tpu.pack_format<interleaved>} : vector<32xbf16> -> vector<16xf32>
        %parallel_loop3A_560 = tpu.unpack_subelements %parallel_loop3A_558, 1 {pack_format = #tpu.pack_format<interleaved>} : vector<32xbf16> -> vector<16xf32>
        %parallel_loop3A_561 = arith.constant 0 : i32
        %parallel_loop3A_562 = arith.addi %parallel_loop3A_561, %parallel_loop3A_553 : i32
        %parallel_loop3A_563 = arith.index_cast %parallel_loop3A_562 : i32 to index
        %parallel_loop3A_564 = arith.constant 0 : index
        %parallel_loop3A_565 = tpu.vector_load %arg14[%parallel_loop3A_563, %parallel_loop3A_564] {strides = array<i32>} : memref<256x32xf32, #tpu.memory_space<vmem>>, vector<16xf32>,
        %parallel_loop3A_566 = arith.mulf %parallel_loop3A_559, %parallel_loop3A_565 : vector<16xf32>
        %parallel_loop3A_567 = arith.constant 0 : i32
        %parallel_loop3A_568 = arith.addi %parallel_loop3A_567, %parallel_loop3A_553 : i32
        %parallel_loop3A_569 = arith.index_cast %parallel_loop3A_568 : i32 to index
        %parallel_loop3A_570 = arith.constant 0 : index
        %parallel_loop3A_571 = tpu.vector_load %arg15[%parallel_loop3A_569, %parallel_loop3A_570] {strides = array<i32>} : memref<256x32xf32, #tpu.memory_space<vmem>>, vector<16xf32>,
        tpu.vector_store %arg15[%parallel_loop3A_569, %parallel_loop3A_570], %parallel_loop3A_566 {strides = array<i32>} : memref<256x32xf32, #tpu.memory_space<vmem>>, vector<16xf32>,
        %parallel_loop3A_572 = arith.constant 0 : i32
        %parallel_loop3A_573 = arith.addi %parallel_loop3A_572, %parallel_loop3A_553 : i32
        %parallel_loop3A_574 = arith.index_cast %parallel_loop3A_573 : i32 to index
        %parallel_loop3A_575 = arith.constant 16 : index
        %parallel_loop3A_576 = tpu.vector_load %arg14[%parallel_loop3A_574, %parallel_loop3A_575] {strides = array<i32>} : memref<256x32xf32, #tpu.memory_space<vmem>>, vector<16xf32>,
        %parallel_loop3A_577 = arith.mulf %parallel_loop3A_560, %parallel_loop3A_576 : vector<16xf32>
        %parallel_loop3A_578 = arith.constant 0 : i32
        %parallel_loop3A_579 = arith.addi %parallel_loop3A_578, %parallel_loop3A_553 : i32
        %parallel_loop3A_580 = arith.index_cast %parallel_loop3A_579 : i32 to index
        %parallel_loop3A_581 = arith.constant 16 : index
        %parallel_loop3A_582 = tpu.vector_load %arg15[%parallel_loop3A_580, %parallel_loop3A_581] {strides = array<i32>} : memref<256x32xf32, #tpu.memory_space<vmem>>, vector<16xf32>,
        tpu.vector_store %arg15[%parallel_loop3A_580, %parallel_loop3A_581], %parallel_loop3A_577 {strides = array<i32>} : memref<256x32xf32, #tpu.memory_space<vmem>>, vector<16xf32>,
      } {sc.loop_unroll_factor = 4 : i64, sc.parallel_access}
      %add3A_438 = arith.constant 4 : i32
      %add3A_439 = arith.addi %mul3A_49, %add3A_438 : i32
      %dma_start3A_440 = arith.constant 0 : i32
      %dma_start3A_441 = arith.constant 0 : i32
      %dma_start3A_442 = tpu.memref_slice %arg15[%dma_start3A_440, %dma_start3A_441] : memref<256x32xf32, #tpu.memory_space<vmem>> -> memref<128x32xf32, #tpu.memory_space<vmem>>
      %dma_start3A_443 = arith.constant 0 : i32
      %dma_start3A_444 = tpu.memref_slice %arg12[%add3A_439, %dma_start3A_443] : memref<14x128xi32, #tpu.memory_space<vmem>> -> memref<1x128xi32, #tpu.memory_space<vmem>>
      %dma_start3A_445 = tpu.memref_squeeze %dma_start3A_444 : memref<1x128xi32, #tpu.memory_space<vmem>> -> memref<128xi32, #tpu.memory_space<vmem>>
      %dma_start3A_446 = arith.constant 0 : i32
      %dma_start3A_447 = arith.constant 0 : i32
      %dma_start3A_448 = tpu.memref_slice %arg8[%dma_start3A_446, %dma_start3A_447] : memref<50000x32xf32, #tpu.memory_space<vmem_shared>> -> memref<50000x32xf32, #tpu.memory_space<vmem_shared>>
      tpu.enqueue_indirect_dma source(%dma_start3A_442 : memref<128x32xf32, #tpu.memory_space<vmem>>) target(%dma_start3A_448 : memref<50000x32xf32, #tpu.memory_space<vmem_shared>>) offsets(%dma_start3A_445 : memref<128xi32, #tpu.memory_space<vmem>>) semaphore(%arg19 : memref<!tpu.dma_semaphore, #tpu.memory_space<semaphore_mem>>) {add = true}
      %add3A_449 = arith.constant 5 : i32
      %add3A_450 = arith.addi %mul3A_49, %add3A_449 : i32
      %add3A_451 = arith.constant 1 : i32
      %add3A_452 = arith.addi %add3A_450, %add3A_451 : i32
      %dma_start3A_453 = arith.constant 0 : i32
      %dma_start3A_454 = arith.constant 0 : i32
      %dma_start3A_455 = tpu.memref_slice %arg14[%dma_start3A_453, %dma_start3A_454] : memref<256x32xf32, #tpu.memory_space<vmem>> -> memref<128x32xf32, #tpu.memory_space<vmem>>
      %dma_start3A_456 = arith.constant 0 : i32
      %dma_start3A_457 = tpu.memref_slice %arg11[%add3A_452, %dma_start3A_456] : memref<14x128xi32, #tpu.memory_space<vmem>> -> memref<1x128xi32, #tpu.memory_space<vmem>>
      %dma_start3A_458 = tpu.memref_squeeze %dma_start3A_457 : memref<1x128xi32, #tpu.memory_space<vmem>> -> memref<128xi32, #tpu.memory_space<vmem>>
      %dma_start3A_459 = arith.constant 0 : i32
      %dma_start3A_460 = arith.constant 0 : i32
      %dma_start3A_461 = tpu.memref_slice %arg9[%dma_start3A_459, %dma_start3A_460] : memref<512x32xf32, #tpu.memory_space<vmem_shared>> -> memref<512x32xf32, #tpu.memory_space<vmem_shared>>
      tpu.enqueue_indirect_dma source(%dma_start3A_461 : memref<512x32xf32, #tpu.memory_space<vmem_shared>>) target(%dma_start3A_455 : memref<128x32xf32, #tpu.memory_space<vmem>>) offsets(%dma_start3A_458 : memref<128xi32, #tpu.memory_space<vmem>>) semaphore(%arg17 : memref<!tpu.dma_semaphore, #tpu.memory_space<semaphore_mem>>)
      %dma_wait3A_462 = arith.constant 256 : i32
      %dma_wait3A_463 = arith.constant 0 : i32
      %dma_wait3A_464 = tpu.memref_slice %arg13[%dma_wait3A_462, %dma_wait3A_463] : memref<384x32xbf16, #tpu.memory_space<vmem>> -> memref<128x32xbf16, #tpu.memory_space<vmem>>
      %dma_wait3A_465 = arith.constant 0 : i32
      %dma_wait3A_466 = tpu.memref_slice %arg10[%add3A_327, %dma_wait3A_465] : memref<14x128xi32, #tpu.memory_space<vmem>> -> memref<1x128xi32, #tpu.memory_space<vmem>>
      %dma_wait3A_467 = tpu.memref_squeeze %dma_wait3A_466 : memref<1x128xi32, #tpu.memory_space<vmem>> -> memref<128xi32, #tpu.memory_space<vmem>>
      %dma_wait3A_468 = arith.constant 0 : i32
      %dma_wait3A_469 = arith.constant 0 : i32
      %dma_wait3A_470 = tpu.memref_slice %arg2[%dma_wait3A_468, %dma_wait3A_469] : memref<50000x32xbf16, #tpu.memory_space<hbm>> -> memref<50000x32xbf16, #tpu.memory_space<hbm>>
      tpu.wait_indirect_dma semaphore(%arg16 : memref<!tpu.dma_semaphore, #tpu.memory_space<semaphore_mem>>) src(%dma_wait3A_470 : memref<50000x32xbf16, #tpu.memory_space<hbm>>) dst(%dma_wait3A_464 : memref<128x32xbf16, #tpu.memory_space<vmem>>)
      %dma_wait3A_471 = arith.constant 128 : i32
      %dma_wait3A_472 = arith.constant 0 : i32
      %dma_wait3A_473 = tpu.memref_slice %arg14[%dma_wait3A_471, %dma_wait3A_472] : memref<256x32xf32, #tpu.memory_space<vmem>> -> memref<128x32xf32, #tpu.memory_space<vmem>>
      %dma_wait3A_474 = arith.constant 0 : i32
      %dma_wait3A_475 = tpu.memref_slice %arg11[%add3A_407, %dma_wait3A_474] : memref<14x128xi32, #tpu.memory_space<vmem>> -> memref<1x128xi32, #tpu.memory_space<vmem>>
      %dma_wait3A_476 = tpu.memref_squeeze %dma_wait3A_475 : memref<1x128xi32, #tpu.memory_space<vmem>> -> memref<128xi32, #tpu.memory_space<vmem>>
      %dma_wait3A_477 = arith.constant 0 : i32
      %dma_wait3A_478 = arith.constant 0 : i32
      %dma_wait3A_479 = tpu.memref_slice %arg9[%dma_wait3A_477, %dma_wait3A_478] : memref<512x32xf32, #tpu.memory_space<vmem_shared>> -> memref<512x32xf32, #tpu.memory_space<vmem_shared>>
      tpu.wait_indirect_dma semaphore(%arg17 : memref<!tpu.dma_semaphore, #tpu.memory_space<semaphore_mem>>) src(%dma_wait3A_479 : memref<512x32xf32, #tpu.memory_space<vmem_shared>>) dst(%dma_wait3A_473 : memref<128x32xf32, #tpu.memory_space<vmem>>)
      %parallel_loop3A_480 = arith.constant 0 : i32
      %parallel_loop3A_481 = arith.constant 128 : i32
      %parallel_loop3A_482 = arith.constant 1 : i32
      scf.for %parallel_loop3A_553 = %parallel_loop3A_480 to %parallel_loop3A_481 step %parallel_loop3A_482  : i32 {
        %parallel_loop3A_554 = arith.constant 256 : i32
        %parallel_loop3A_555 = arith.addi %parallel_loop3A_554, %parallel_loop3A_553 : i32
        %parallel_loop3A_556 = arith.index_cast %parallel_loop3A_555 : i32 to index
        %parallel_loop3A_557 = arith.constant 0 : index
        %parallel_loop3A_558 = tpu.vector_load %arg13[%parallel_loop3A_556, %parallel_loop3A_557] {strides = array<i32>} : memref<384x32xbf16, #tpu.memory_space<vmem>>, vector<32xbf16>,
        %parallel_loop3A_559 = tpu.unpack_subelements %parallel_loop3A_558, 0 {pack_format = #tpu.pack_format<interleaved>} : vector<32xbf16> -> vector<16xf32>
        %parallel_loop3A_560 = tpu.unpack_subelements %parallel_loop3A_558, 1 {pack_format = #tpu.pack_format<interleaved>} : vector<32xbf16> -> vector<16xf32>
        %parallel_loop3A_561 = arith.constant 128 : i32
        %parallel_loop3A_562 = arith.addi %parallel_loop3A_561, %parallel_loop3A_553 : i32
        %parallel_loop3A_563 = arith.index_cast %parallel_loop3A_562 : i32 to index
        %parallel_loop3A_564 = arith.constant 0 : index
        %parallel_loop3A_565 = tpu.vector_load %arg14[%parallel_loop3A_563, %parallel_loop3A_564] {strides = array<i32>} : memref<256x32xf32, #tpu.memory_space<vmem>>, vector<16xf32>,
        %parallel_loop3A_566 = arith.mulf %parallel_loop3A_559, %parallel_loop3A_565 : vector<16xf32>
        %parallel_loop3A_567 = arith.constant 128 : i32
        %parallel_loop3A_568 = arith.addi %parallel_loop3A_567, %parallel_loop3A_553 : i32
        %parallel_loop3A_569 = arith.index_cast %parallel_loop3A_568 : i32 to index
        %parallel_loop3A_570 = arith.constant 0 : index
        %parallel_loop3A_571 = tpu.vector_load %arg15[%parallel_loop3A_569, %parallel_loop3A_570] {strides = array<i32>} : memref<256x32xf32, #tpu.memory_space<vmem>>, vector<16xf32>,
        tpu.vector_store %arg15[%parallel_loop3A_569, %parallel_loop3A_570], %parallel_loop3A_566 {strides = array<i32>} : memref<256x32xf32, #tpu.memory_space<vmem>>, vector<16xf32>,
        %parallel_loop3A_572 = arith.constant 128 : i32
        %parallel_loop3A_573 = arith.addi %parallel_loop3A_572, %parallel_loop3A_553 : i32
        %parallel_loop3A_574 = arith.index_cast %parallel_loop3A_573 : i32 to index
        %parallel_loop3A_575 = arith.constant 16 : index
        %parallel_loop3A_576 = tpu.vector_load %arg14[%parallel_loop3A_574, %parallel_loop3A_575] {strides = array<i32>} : memref<256x32xf32, #tpu.memory_space<vmem>>, vector<16xf32>,
        %parallel_loop3A_577 = arith.mulf %parallel_loop3A_560, %parallel_loop3A_576 : vector<16xf32>
        %parallel_loop3A_578 = arith.constant 128 : i32
        %parallel_loop3A_579 = arith.addi %parallel_loop3A_578, %parallel_loop3A_553 : i32
        %parallel_loop3A_580 = arith.index_cast %parallel_loop3A_579 : i32 to index
        %parallel_loop3A_581 = arith.constant 16 : index
        %parallel_loop3A_582 = tpu.vector_load %arg15[%parallel_loop3A_580, %parallel_loop3A_581] {strides = array<i32>} : memref<256x32xf32, #tpu.memory_space<vmem>>, vector<16xf32>,
        tpu.vector_store %arg15[%parallel_loop3A_580, %parallel_loop3A_581], %parallel_loop3A_577 {strides = array<i32>} : memref<256x32xf32, #tpu.memory_space<vmem>>, vector<16xf32>,
      } {sc.loop_unroll_factor = 4 : i64, sc.parallel_access}
      %add3A_483 = arith.constant 5 : i32
      %add3A_484 = arith.addi %mul3A_49, %add3A_483 : i32
      %dma_start3A_485 = arith.constant 128 : i32
      %dma_start3A_486 = arith.constant 0 : i32
      %dma_start3A_487 = tpu.memref_slice %arg15[%dma_start3A_485, %dma_start3A_486] : memref<256x32xf32, #tpu.memory_space<vmem>> -> memref<128x32xf32, #tpu.memory_space<vmem>>
      %dma_start3A_488 = arith.constant 0 : i32
      %dma_start3A_489 = tpu.memref_slice %arg12[%add3A_484, %dma_start3A_488] : memref<14x128xi32, #tpu.memory_space<vmem>> -> memref<1x128xi32, #tpu.memory_space<vmem>>
      %dma_start3A_490 = tpu.memref_squeeze %dma_start3A_489 : memref<1x128xi32, #tpu.memory_space<vmem>> -> memref<128xi32, #tpu.memory_space<vmem>>
      %dma_start3A_491 = arith.constant 0 : i32
      %dma_start3A_492 = arith.constant 0 : i32
      %dma_start3A_493 = tpu.memref_slice %arg8[%dma_start3A_491, %dma_start3A_492] : memref<50000x32xf32, #tpu.memory_space<vmem_shared>> -> memref<50000x32xf32, #tpu.memory_space<vmem_shared>>
      tpu.enqueue_indirect_dma source(%dma_start3A_487 : memref<128x32xf32, #tpu.memory_space<vmem>>) target(%dma_start3A_493 : memref<50000x32xf32, #tpu.memory_space<vmem_shared>>) offsets(%dma_start3A_490 : memref<128xi32, #tpu.memory_space<vmem>>) semaphore(%arg19 : memref<!tpu.dma_semaphore, #tpu.memory_space<semaphore_mem>>) {add = true}
      %dma_wait3A_494 = arith.constant 0 : i32
      %dma_wait3A_495 = arith.constant 0 : i32
      %dma_wait3A_496 = tpu.memref_slice %arg13[%dma_wait3A_494, %dma_wait3A_495] : memref<384x32xbf16, #tpu.memory_space<vmem>> -> memref<128x32xbf16, #tpu.memory_space<vmem>>
      %dma_wait3A_497 = arith.constant 0 : i32
      %dma_wait3A_498 = tpu.memref_slice %arg10[%add3A_394, %dma_wait3A_497] : memref<14x128xi32, #tpu.memory_space<vmem>> -> memref<1x128xi32, #tpu.memory_space<vmem>>
      %dma_wait3A_499 = tpu.memref_squeeze %dma_wait3A_498 : memref<1x128xi32, #tpu.memory_space<vmem>> -> memref<128xi32, #tpu.memory_space<vmem>>
      %dma_wait3A_500 = arith.constant 0 : i32
      %dma_wait3A_501 = arith.constant 0 : i32
      %dma_wait3A_502 = tpu.memref_slice %arg2[%dma_wait3A_500, %dma_wait3A_501] : memref<50000x32xbf16, #tpu.memory_space<hbm>> -> memref<50000x32xbf16, #tpu.memory_space<hbm>>
      tpu.wait_indirect_dma semaphore(%arg16 : memref<!tpu.dma_semaphore, #tpu.memory_space<semaphore_mem>>) src(%dma_wait3A_502 : memref<50000x32xbf16, #tpu.memory_space<hbm>>) dst(%dma_wait3A_496 : memref<128x32xbf16, #tpu.memory_space<vmem>>)
      %dma_wait3A_503 = arith.constant 0 : i32
      %dma_wait3A_504 = arith.constant 0 : i32
      %dma_wait3A_505 = tpu.memref_slice %arg14[%dma_wait3A_503, %dma_wait3A_504] : memref<256x32xf32, #tpu.memory_space<vmem>> -> memref<128x32xf32, #tpu.memory_space<vmem>>
      %dma_wait3A_506 = arith.constant 0 : i32
      %dma_wait3A_507 = tpu.memref_slice %arg11[%add3A_452, %dma_wait3A_506] : memref<14x128xi32, #tpu.memory_space<vmem>> -> memref<1x128xi32, #tpu.memory_space<vmem>>
      %dma_wait3A_508 = tpu.memref_squeeze %dma_wait3A_507 : memref<1x128xi32, #tpu.memory_space<vmem>> -> memref<128xi32, #tpu.memory_space<vmem>>
      %dma_wait3A_509 = arith.constant 0 : i32
      %dma_wait3A_510 = arith.constant 0 : i32
      %dma_wait3A_511 = tpu.memref_slice %arg9[%dma_wait3A_509, %dma_wait3A_510] : memref<512x32xf32, #tpu.memory_space<vmem_shared>> -> memref<512x32xf32, #tpu.memory_space<vmem_shared>>
      tpu.wait_indirect_dma semaphore(%arg17 : memref<!tpu.dma_semaphore, #tpu.memory_space<semaphore_mem>>) src(%dma_wait3A_511 : memref<512x32xf32, #tpu.memory_space<vmem_shared>>) dst(%dma_wait3A_505 : memref<128x32xf32, #tpu.memory_space<vmem>>)
      %parallel_loop3A_512 = arith.constant 0 : i32
      %parallel_loop3A_513 = arith.constant 128 : i32
      %parallel_loop3A_514 = arith.constant 1 : i32
      scf.for %parallel_loop3A_553 = %parallel_loop3A_512 to %parallel_loop3A_513 step %parallel_loop3A_514  : i32 {
        %parallel_loop3A_554 = arith.constant 0 : i32
        %parallel_loop3A_555 = arith.addi %parallel_loop3A_554, %parallel_loop3A_553 : i32
        %parallel_loop3A_556 = arith.index_cast %parallel_loop3A_555 : i32 to index
        %parallel_loop3A_557 = arith.constant 0 : index
        %parallel_loop3A_558 = tpu.vector_load %arg13[%parallel_loop3A_556, %parallel_loop3A_557] {strides = array<i32>} : memref<384x32xbf16, #tpu.memory_space<vmem>>, vector<32xbf16>,
        %parallel_loop3A_559 = tpu.unpack_subelements %parallel_loop3A_558, 0 {pack_format = #tpu.pack_format<interleaved>} : vector<32xbf16> -> vector<16xf32>
        %parallel_loop3A_560 = tpu.unpack_subelements %parallel_loop3A_558, 1 {pack_format = #tpu.pack_format<interleaved>} : vector<32xbf16> -> vector<16xf32>
        %parallel_loop3A_561 = arith.constant 0 : i32
        %parallel_loop3A_562 = arith.addi %parallel_loop3A_561, %parallel_loop3A_553 : i32
        %parallel_loop3A_563 = arith.index_cast %parallel_loop3A_562 : i32 to index
        %parallel_loop3A_564 = arith.constant 0 : index
        %parallel_loop3A_565 = tpu.vector_load %arg14[%parallel_loop3A_563, %parallel_loop3A_564] {strides = array<i32>} : memref<256x32xf32, #tpu.memory_space<vmem>>, vector<16xf32>,
        %parallel_loop3A_566 = arith.mulf %parallel_loop3A_559, %parallel_loop3A_565 : vector<16xf32>
        %parallel_loop3A_567 = arith.constant 0 : i32
        %parallel_loop3A_568 = arith.addi %parallel_loop3A_567, %parallel_loop3A_553 : i32
        %parallel_loop3A_569 = arith.index_cast %parallel_loop3A_568 : i32 to index
        %parallel_loop3A_570 = arith.constant 0 : index
        %parallel_loop3A_571 = tpu.vector_load %arg15[%parallel_loop3A_569, %parallel_loop3A_570] {strides = array<i32>} : memref<256x32xf32, #tpu.memory_space<vmem>>, vector<16xf32>,
        tpu.vector_store %arg15[%parallel_loop3A_569, %parallel_loop3A_570], %parallel_loop3A_566 {strides = array<i32>} : memref<256x32xf32, #tpu.memory_space<vmem>>, vector<16xf32>,
        %parallel_loop3A_572 = arith.constant 0 : i32
        %parallel_loop3A_573 = arith.addi %parallel_loop3A_572, %parallel_loop3A_553 : i32
        %parallel_loop3A_574 = arith.index_cast %parallel_loop3A_573 : i32 to index
        %parallel_loop3A_575 = arith.constant 16 : index
        %parallel_loop3A_576 = tpu.vector_load %arg14[%parallel_loop3A_574, %parallel_loop3A_575] {strides = array<i32>} : memref<256x32xf32, #tpu.memory_space<vmem>>, vector<16xf32>,
        %parallel_loop3A_577 = arith.mulf %parallel_loop3A_560, %parallel_loop3A_576 : vector<16xf32>
        %parallel_loop3A_578 = arith.constant 0 : i32
        %parallel_loop3A_579 = arith.addi %parallel_loop3A_578, %parallel_loop3A_553 : i32
        %parallel_loop3A_580 = arith.index_cast %parallel_loop3A_579 : i32 to index
        %parallel_loop3A_581 = arith.constant 16 : index
        %parallel_loop3A_582 = tpu.vector_load %arg15[%parallel_loop3A_580, %parallel_loop3A_581] {strides = array<i32>} : memref<256x32xf32, #tpu.memory_space<vmem>>, vector<16xf32>,
        tpu.vector_store %arg15[%parallel_loop3A_580, %parallel_loop3A_581], %parallel_loop3A_577 {strides = array<i32>} : memref<256x32xf32, #tpu.memory_space<vmem>>, vector<16xf32>,
      } {sc.loop_unroll_factor = 4 : i64, sc.parallel_access}
      %add3A_515 = arith.constant 6 : i32
      %add3A_516 = arith.addi %mul3A_49, %add3A_515 : i32
      %dma_start3A_517 = arith.constant 0 : i32
      %dma_start3A_518 = arith.constant 0 : i32
      %dma_start3A_519 = tpu.memref_slice %arg15[%dma_start3A_517, %dma_start3A_518] : memref<256x32xf32, #tpu.memory_space<vmem>> -> memref<128x32xf32, #tpu.memory_space<vmem>>
      %dma_start3A_520 = arith.constant 0 : i32
      %dma_start3A_521 = tpu.memref_slice %arg12[%add3A_516, %dma_start3A_520] : memref<14x128xi32, #tpu.memory_space<vmem>> -> memref<1x128xi32, #tpu.memory_space<vmem>>
      %dma_start3A_522 = tpu.memref_squeeze %dma_start3A_521 : memref<1x128xi32, #tpu.memory_space<vmem>> -> memref<128xi32, #tpu.memory_space<vmem>>
      %dma_start3A_523 = arith.constant 0 : i32
      %dma_start3A_524 = arith.constant 0 : i32
      %dma_start3A_525 = tpu.memref_slice %arg8[%dma_start3A_523, %dma_start3A_524] : memref<50000x32xf32, #tpu.memory_space<vmem_shared>> -> memref<50000x32xf32, #tpu.memory_space<vmem_shared>>
      tpu.enqueue_indirect_dma source(%dma_start3A_519 : memref<128x32xf32, #tpu.memory_space<vmem>>) target(%dma_start3A_525 : memref<50000x32xf32, #tpu.memory_space<vmem_shared>>) offsets(%dma_start3A_522 : memref<128xi32, #tpu.memory_space<vmem>>) semaphore(%arg19 : memref<!tpu.dma_semaphore, #tpu.memory_space<semaphore_mem>>) {add = true}
      %dma_wait3A_526 = arith.constant 0 : i32
      %dma_wait3A_527 = arith.constant 0 : i32
      %dma_wait3A_528 = tpu.memref_slice %arg15[%dma_wait3A_526, %dma_wait3A_527] : memref<256x32xf32, #tpu.memory_space<vmem>> -> memref<128x32xf32, #tpu.memory_space<vmem>>
      %dma_wait3A_529 = arith.constant 0 : i32
      %dma_wait3A_530 = tpu.memref_slice %arg12[%add3A_439, %dma_wait3A_529] : memref<14x128xi32, #tpu.memory_space<vmem>> -> memref<1x128xi32, #tpu.memory_space<vmem>>
      %dma_wait3A_531 = tpu.memref_squeeze %dma_wait3A_530 : memref<1x128xi32, #tpu.memory_space<vmem>> -> memref<128xi32, #tpu.memory_space<vmem>>
      %dma_wait3A_532 = arith.constant 0 : i32
      %dma_wait3A_533 = arith.constant 0 : i32
      %dma_wait3A_534 = tpu.memref_slice %arg8[%dma_wait3A_532, %dma_wait3A_533] : memref<50000x32xf32, #tpu.memory_space<vmem_shared>> -> memref<50000x32xf32, #tpu.memory_space<vmem_shared>>
      tpu.wait_indirect_dma semaphore(%arg19 : memref<!tpu.dma_semaphore, #tpu.memory_space<semaphore_mem>>) src(%dma_wait3A_528 : memref<128x32xf32, #tpu.memory_space<vmem>>) dst(%dma_wait3A_534 : memref<50000x32xf32, #tpu.memory_space<vmem_shared>>)
      %dma_wait3A_535 = arith.constant 128 : i32
      %dma_wait3A_536 = arith.constant 0 : i32
      %dma_wait3A_537 = tpu.memref_slice %arg15[%dma_wait3A_535, %dma_wait3A_536] : memref<256x32xf32, #tpu.memory_space<vmem>> -> memref<128x32xf32, #tpu.memory_space<vmem>>
      %dma_wait3A_538 = arith.constant 0 : i32
      %dma_wait3A_539 = tpu.memref_slice %arg12[%add3A_484, %dma_wait3A_538] : memref<14x128xi32, #tpu.memory_space<vmem>> -> memref<1x128xi32, #tpu.memory_space<vmem>>
      %dma_wait3A_540 = tpu.memref_squeeze %dma_wait3A_539 : memref<1x128xi32, #tpu.memory_space<vmem>> -> memref<128xi32, #tpu.memory_space<vmem>>
      %dma_wait3A_541 = arith.constant 0 : i32
      %dma_wait3A_542 = arith.constant 0 : i32
      %dma_wait3A_543 = tpu.memref_slice %arg8[%dma_wait3A_541, %dma_wait3A_542] : memref<50000x32xf32, #tpu.memory_space<vmem_shared>> -> memref<50000x32xf32, #tpu.memory_space<vmem_shared>>
      tpu.wait_indirect_dma semaphore(%arg19 : memref<!tpu.dma_semaphore, #tpu.memory_space<semaphore_mem>>) src(%dma_wait3A_537 : memref<128x32xf32, #tpu.memory_space<vmem>>) dst(%dma_wait3A_543 : memref<50000x32xf32, #tpu.memory_space<vmem_shared>>)
      %dma_wait3A_544 = arith.constant 0 : i32
      %dma_wait3A_545 = arith.constant 0 : i32
      %dma_wait3A_546 = tpu.memref_slice %arg15[%dma_wait3A_544, %dma_wait3A_545] : memref<256x32xf32, #tpu.memory_space<vmem>> -> memref<128x32xf32, #tpu.memory_space<vmem>>
      %dma_wait3A_547 = arith.constant 0 : i32
      %dma_wait3A_548 = tpu.memref_slice %arg12[%add3A_516, %dma_wait3A_547] : memref<14x128xi32, #tpu.memory_space<vmem>> -> memref<1x128xi32, #tpu.memory_space<vmem>>
      %dma_wait3A_549 = tpu.memref_squeeze %dma_wait3A_548 : memref<1x128xi32, #tpu.memory_space<vmem>> -> memref<128xi32, #tpu.memory_space<vmem>>
      %dma_wait3A_550 = arith.constant 0 : i32
      %dma_wait3A_551 = arith.constant 0 : i32
      %dma_wait3A_552 = tpu.memref_slice %arg8[%dma_wait3A_550, %dma_wait3A_551] : memref<50000x32xf32, #tpu.memory_space<vmem_shared>> -> memref<50000x32xf32, #tpu.memory_space<vmem_shared>>
      tpu.wait_indirect_dma semaphore(%arg19 : memref<!tpu.dma_semaphore, #tpu.memory_space<semaphore_mem>>) src(%dma_wait3A_546 : memref<128x32xf32, #tpu.memory_space<vmem>>) dst(%dma_wait3A_552 : memref<50000x32xf32, #tpu.memory_space<vmem_shared>>)
    }
    %scan3A_41 = arith.constant 28 : i32
    %barrier3A_42 = arith.constant 0 : index
    tpu.barrier barrier_id(%barrier3A_42)
    %mul3A_43 = arith.constant 50000 : i32
    %mul3A_44 = arith.muli %arg0, %mul3A_43 : i32
    %add3A_45 = arith.addi %mul3A_44, %mul3A_2 : i32
    "tpu.region"() ({
      %run_scoped3A = tpu.sem_alloc : memref<!tpu.dma_semaphore, #tpu.memory_space<semaphore_mem>>
      %dma_start3A = arith.constant 0 : i32
      %dma_start3A_46 = tpu.memref_slice %arg7[%add3A_45, %dma_start3A] : memref<100000x32xf32, #tpu.memory_space<hbm>> -> memref<3125x32xf32, #tpu.memory_space<hbm>>
      %dma_start3A_47 = arith.constant 0 : i32
      %dma_start3A_48 = tpu.memref_slice %arg8[%mul3A_2, %dma_start3A_47] : memref<50000x32xf32, #tpu.memory_space<vmem_shared>> -> memref<3125x32xf32, #tpu.memory_space<vmem_shared>>
      tpu.enqueue_dma source(%dma_start3A_48 : memref<3125x32xf32, #tpu.memory_space<vmem_shared>>) target(%dma_start3A_46 : memref<3125x32xf32, #tpu.memory_space<hbm>>) target_semaphore(%run_scoped3A : memref<!tpu.dma_semaphore, #tpu.memory_space<semaphore_mem>>)
      %dma_wait3A = arith.constant 0 : i32
      %dma_wait3A_49 = tpu.memref_slice %arg7[%add3A_45, %dma_wait3A] : memref<100000x32xf32, #tpu.memory_space<hbm>> -> memref<3125x32xf32, #tpu.memory_space<hbm>>
      %dma_wait3A_50 = arith.constant 0 : i32
      %dma_wait3A_51 = tpu.memref_slice %arg8[%mul3A_2, %dma_wait3A_50] : memref<50000x32xf32, #tpu.memory_space<vmem_shared>> -> memref<3125x32xf32, #tpu.memory_space<vmem_shared>>
      tpu.wait_dma2 semaphore(%run_scoped3A : memref<!tpu.dma_semaphore, #tpu.memory_space<semaphore_mem>>) src(%dma_wait3A_51 : memref<3125x32xf32, #tpu.memory_space<vmem_shared>>) dst(%dma_wait3A_49 : memref<3125x32xf32, #tpu.memory_space<hbm>>)
      tpu.yield
    }) : () -> ()
    return
  }
}

module attributes {stable_mosaic.version = 14 : i64} {
  func.func @_heads_body(%arg0: i32, %arg1: memref<2000x32xf32, #tpu.memory_space<vmem>>, %arg2: memref<1x32xf32, #tpu.memory_space<vmem>>) attributes {dimension_semantics = [#tpu.dimension_semantics<arbitrary>], iteration_bounds = array<i64: 25>, scalar_prefetch = 0 : i64, scratch_operands = 0 : i64, tpu.core_type = #tpu.core_type<tc>, window_params = [{transform_indices = @transform_0, window_bounds = array<i64: 2000, 32>}, {pipeline_mode = #tpu.pipeline_mode<synchronous>, transform_indices = @transform_1, window_bounds = array<i64: 1, 32>}]} {
    %eq3A = arith.constant 0 : i32
    %eq3A_0 = arith.cmpi eq, %arg0, %eq3A : i32
    %convert_element_type3A = arith.extui %eq3A_0 : i1 to i32
    %cond3A = arith.constant 0 : i32
    %cond3A_1 = arith.cmpi ne, %convert_element_type3A, %cond3A : i32
    scf.if %cond3A_1 {
      %broadcast_in_dim3A_16 = arith.constant 0.000000e+00 : f32
      %broadcast_in_dim3A_17 = vector.broadcast %broadcast_in_dim3A_16 : f32 to vector<1x32xf32>
      %swap3A_18 = arith.constant 0 : index
      %swap3A_19 = arith.constant 0 : index
      %swap3A_20 = vector.load %arg2[%swap3A_18, %swap3A_19] : memref<1x32xf32, #tpu.memory_space<vmem>>, vector<1x32xf32>
      tpu.vector_store %arg2[%swap3A_18, %swap3A_19], %broadcast_in_dim3A_17 {strides = array<i32>} : memref<1x32xf32, #tpu.memory_space<vmem>>, vector<1x32xf32>,
    } else {
    }
    %mul3A = arith.constant 2000 : i32
    %mul3A_2 = arith.muli %arg0, %mul3A : i32
    %convert_element_type3A_3 = arith.sitofp %mul3A_2 : i32 to f32
    %iota3A = tpu.iota {dimensions = array<i32: 0>} : vector<2000x32xi32>
    %convert_element_type3A_4 = arith.sitofp %iota3A : vector<2000x32xi32> to vector<2000x32xf32>
    %add3A = vector.broadcast %convert_element_type3A_3 : f32 to vector<2000x32xf32>
    %add3A_5 = arith.addf %add3A, %convert_element_type3A_4 : vector<2000x32xf32>
    %get3A = arith.constant 0 : index
    %get3A_6 = arith.constant 0 : index
    %get3A_7 = vector.load %arg2[%get3A, %get3A_6] : memref<1x32xf32, #tpu.memory_space<vmem>>, vector<1x32xf32>
    %get3A_8 = arith.constant 0 : index
    %get3A_9 = arith.constant 0 : index
    %get3A_10 = vector.load %arg1[%get3A_8, %get3A_9] : memref<2000x32xf32, #tpu.memory_space<vmem>>, vector<2000x32xf32>
    %mul3A_11 = arith.mulf %add3A_5, %get3A_10 : vector<2000x32xf32>
    %reduce_sum3A = arith.constant dense<0.000000e+00> : vector<32xf32>
    %reduce_sum3A_12 = vector.multi_reduction <add>, %mul3A_11, %reduce_sum3A [0] : vector<2000x32xf32> to vector<32xf32>
    %broadcast_in_dim3A = vector.shape_cast %reduce_sum3A_12 : vector<32xf32> to vector<1x32xf32>
    %add3A_13 = arith.addf %get3A_7, %broadcast_in_dim3A : vector<1x32xf32>
    %swap3A = arith.constant 0 : index
    %swap3A_14 = arith.constant 0 : index
    %swap3A_15 = vector.load %arg2[%swap3A, %swap3A_14] : memref<1x32xf32, #tpu.memory_space<vmem>>, vector<1x32xf32>
    tpu.vector_store %arg2[%swap3A, %swap3A_14], %add3A_13 {strides = array<i32>} : memref<1x32xf32, #tpu.memory_space<vmem>>, vector<1x32xf32>,
    return
  }
  func.func @transform_0(%arg0: i32) -> (i32, i32) {
    %c0_i32 = arith.constant 0 : i32
    %c0_i32_0 = arith.constant 0 : i32
    return %arg0, %c0_i32 : i32, i32
  }
  func.func @transform_1(%arg0: i32) -> (i32, i32) {
    %c0_i32 = arith.constant 0 : i32
    %c0_i32_0 = arith.constant 0 : i32
    %c0_i32_1 = arith.constant 0 : i32
    return %c0_i32, %c0_i32_0 : i32, i32
  }
}

module attributes {stable_mosaic.version = 14 : i64} {
  func.func @_prep_body(%arg0: memref<32x1xi32, #tpu.memory_space<vmem>>, %arg1: memref<128x128xf32, #tpu.memory_space<vmem>>, %arg2: memref<128xf32, #tpu.memory_space<vmem>>, %arg3: memref<128x128xf32, #tpu.memory_space<vmem>>, %arg4: memref<128xf32, #tpu.memory_space<vmem>>, %arg5: memref<500x128xf32, #tpu.memory_space<vmem>>, %arg6: memref<512x32xf32, #tpu.memory_space<vmem>>, %arg7: memref<512x32xf32, #tpu.memory_space<vmem>>, %arg8: memref<1x32xf32, #tpu.memory_space<vmem>>, %arg9: memref<1x32xf32, #tpu.memory_space<vmem>>) attributes {dimension_semantics = [], scalar_prefetch = 0 : i64, scratch_operands = 0 : i64, tpu.core_type = #tpu.core_type<tc>} {
    %get3A = arith.constant 0 : index
    %get3A_0 = arith.constant 0 : index
    %get3A_1 = vector.load %arg5[%get3A, %get3A_0] : memref<500x128xf32, #tpu.memory_space<vmem>>, vector<500x128xf32>
    %iota3A = tpu.iota {dimensions = array<i32: 0>} : vector<500x32xi32>
    %get3A_2 = arith.constant 0 : index
    %get3A_3 = arith.constant 0 : index
    %get3A_4 = vector.load %arg0[%get3A_2, %get3A_3] : memref<32x1xi32, #tpu.memory_space<vmem>>, vector<32x1xi32>
    %squeeze3A = vector.shape_cast %get3A_4 : vector<32x1xi32> to vector<32xi32>
    %broadcast_in_dim3A = vector.shape_cast %squeeze3A : vector<32xi32> to vector<1x32xi32>
    %eq3A = vector.broadcast %broadcast_in_dim3A : vector<1x32xi32> to vector<500x32xi32>
    %eq3A_5 = arith.cmpi eq, %iota3A, %eq3A : vector<500x32xi32>
    %jit3A = arith.constant 1.000000e+00 : f32
    %jit3A_6 = arith.constant 0.000000e+00 : f32
    %broadcast_in_dim3A_7 = vector.broadcast %jit3A : f32 to vector<500x32xf32>
    %broadcast_in_dim3A_8 = vector.broadcast %jit3A_6 : f32 to vector<500x32xf32>
    %select_n3A = arith.select %eq3A_5, %broadcast_in_dim3A_7, %broadcast_in_dim3A_8 : vector<500x32xi1>, vector<500x32xf32>
    %dot_general3A = arith.constant dense<0.000000e+00> : vector<32x128xf32>
    %dot_general3A_9 = tpu.matmul %select_n3A, %get3A_1, %dot_general3A {dimension_numbers = #tpu.dot_dimension_numbers<[0], [0], [1], [1], [0, 1, 1, 1], [], []>, transpose_lhs_hint = false} : vector<500x32xf32>, vector<500x128xf32>, vector<32x128xf32> -> vector<32x128xf32>
    %get3A_10 = arith.constant 0 : index
    %get3A_11 = arith.constant 0 : index
    %get3A_12 = vector.load %arg1[%get3A_10, %get3A_11] : memref<128x128xf32, #tpu.memory_space<vmem>>, vector<128x128xf32>
    %dot_general3A_13 = arith.constant dense<0.000000e+00> : vector<32x128xf32>
    %dot_general3A_14 = tpu.matmul %dot_general3A_9, %get3A_12, %dot_general3A_13 {dimension_numbers = #tpu.dot_dimension_numbers<[1], [0], [0], [1], [0, 0, 1, 1], [], []>, transpose_lhs_hint = false} : vector<32x128xf32>, vector<128x128xf32>, vector<32x128xf32> -> vector<32x128xf32>
    %get3A_15 = arith.constant 0 : index
    %get3A_16 = vector.load %arg2[%get3A_15] : memref<128xf32, #tpu.memory_space<vmem>>, vector<128xf32>
    %broadcast_in_dim3A_17 = vector.shape_cast %get3A_16 : vector<128xf32> to vector<1x128xf32>
    %add3A = vector.broadcast %broadcast_in_dim3A_17 : vector<1x128xf32> to vector<32x128xf32>
    %add3A_18 = arith.addf %dot_general3A_14, %add3A : vector<32x128xf32>
    %tanh3A = math.tanh %add3A_18 : vector<32x128xf32>
    %dot_general3A_19 = arith.constant dense<0.000000e+00> : vector<500x32xf32>
    %dot_general3A_20 = tpu.matmul %get3A_1, %tanh3A, %dot_general3A_19 {dimension_numbers = #tpu.dot_dimension_numbers<[1], [1], [0], [0], [0, 0, 1, 0], [], []>, transpose_lhs_hint = false} : vector<500x128xf32>, vector<32x128xf32>, vector<500x32xf32> -> vector<500x32xf32>
    %reduce_max3A = arith.constant dense<0xFF800000> : vector<32xf32>
    %reduce_max3A_21 = vector.multi_reduction <maximumf>, %dot_general3A_20, %reduce_max3A [0] : vector<500x32xf32> to vector<32xf32>
    %broadcast_in_dim3A_22 = vector.shape_cast %reduce_max3A_21 : vector<32xf32> to vector<1x32xf32>
    %sub3A = vector.broadcast %broadcast_in_dim3A_22 : vector<1x32xf32> to vector<500x32xf32>
    %sub3A_23 = arith.subf %dot_general3A_20, %sub3A : vector<500x32xf32>
    %exp3A = math.exp %sub3A_23 : vector<500x32xf32>
    %reduce_sum3A = arith.constant dense<0.000000e+00> : vector<32xf32>
    %reduce_sum3A_24 = vector.multi_reduction <add>, %exp3A, %reduce_sum3A [0] : vector<500x32xf32> to vector<32xf32>
    %broadcast_in_dim3A_25 = vector.shape_cast %reduce_sum3A_24 : vector<32xf32> to vector<1x32xf32>
    %div3A = vector.broadcast %broadcast_in_dim3A_25 : vector<1x32xf32> to vector<500x32xf32>
    %div3A_26 = arith.divf %exp3A, %div3A : vector<500x32xf32>
    %get3A_27 = arith.constant 0 : index
    %get3A_28 = arith.constant 0 : index
    %get3A_29 = vector.load %arg3[%get3A_27, %get3A_28] : memref<128x128xf32, #tpu.memory_space<vmem>>, vector<128x128xf32>
    %dot_general3A_30 = arith.constant dense<0.000000e+00> : vector<32x128xf32>
    %dot_general3A_31 = tpu.matmul %dot_general3A_9, %get3A_29, %dot_general3A_30 {dimension_numbers = #tpu.dot_dimension_numbers<[1], [0], [0], [1], [0, 0, 1, 1], [], []>, transpose_lhs_hint = false} : vector<32x128xf32>, vector<128x128xf32>, vector<32x128xf32> -> vector<32x128xf32>
    %get3A_32 = arith.constant 0 : index
    %get3A_33 = vector.load %arg4[%get3A_32] : memref<128xf32, #tpu.memory_space<vmem>>, vector<128xf32>
    %broadcast_in_dim3A_34 = vector.shape_cast %get3A_33 : vector<128xf32> to vector<1x128xf32>
    %add3A_35 = vector.broadcast %broadcast_in_dim3A_34 : vector<1x128xf32> to vector<32x128xf32>
    %add3A_36 = arith.addf %dot_general3A_31, %add3A_35 : vector<32x128xf32>
    %tanh3A_37 = math.tanh %add3A_36 : vector<32x128xf32>
    %dot_general3A_38 = arith.constant dense<0.000000e+00> : vector<500x32xf32>
    %dot_general3A_39 = tpu.matmul %get3A_1, %tanh3A_37, %dot_general3A_38 {dimension_numbers = #tpu.dot_dimension_numbers<[1], [1], [0], [0], [0, 0, 1, 0], [], []>, transpose_lhs_hint = false} : vector<500x128xf32>, vector<32x128xf32>, vector<500x32xf32> -> vector<500x32xf32>
    %reduce_max3A_40 = arith.constant dense<0xFF800000> : vector<32xf32>
    %reduce_max3A_41 = vector.multi_reduction <maximumf>, %dot_general3A_39, %reduce_max3A_40 [0] : vector<500x32xf32> to vector<32xf32>
    %broadcast_in_dim3A_42 = vector.shape_cast %reduce_max3A_41 : vector<32xf32> to vector<1x32xf32>
    %sub3A_43 = vector.broadcast %broadcast_in_dim3A_42 : vector<1x32xf32> to vector<500x32xf32>
    %sub3A_44 = arith.subf %dot_general3A_39, %sub3A_43 : vector<500x32xf32>
    %exp3A_45 = math.exp %sub3A_44 : vector<500x32xf32>
    %reduce_sum3A_46 = arith.constant dense<0.000000e+00> : vector<32xf32>
    %reduce_sum3A_47 = vector.multi_reduction <add>, %exp3A_45, %reduce_sum3A_46 [0] : vector<500x32xf32> to vector<32xf32>
    %broadcast_in_dim3A_48 = vector.shape_cast %reduce_sum3A_47 : vector<32xf32> to vector<1x32xf32>
    %div3A_49 = vector.broadcast %broadcast_in_dim3A_48 : vector<1x32xf32> to vector<500x32xf32>
    %div3A_50 = arith.divf %exp3A_45, %div3A_49 : vector<500x32xf32>
    %broadcast_in_dim3A_51 = arith.constant 0.000000e+00 : f32
    %broadcast_in_dim3A_52 = vector.broadcast %broadcast_in_dim3A_51 : f32 to vector<12x32xf32>
    %concatenate3A = tpu.concatenate %div3A_26, %broadcast_in_dim3A_52 in 0 : vector<500x32xf32>, vector<12x32xf32> -> vector<512x32xf32>
    %swap3A = arith.constant 0 : index
    %swap3A_53 = arith.constant 0 : index
    %swap3A_54 = vector.load %arg6[%swap3A, %swap3A_53] : memref<512x32xf32, #tpu.memory_space<vmem>>, vector<512x32xf32>
    tpu.vector_store %arg6[%swap3A, %swap3A_53], %concatenate3A {strides = array<i32>} : memref<512x32xf32, #tpu.memory_space<vmem>>, vector<512x32xf32>,
    %concatenate3A_55 = tpu.concatenate %div3A_50, %broadcast_in_dim3A_52 in 0 : vector<500x32xf32>, vector<12x32xf32> -> vector<512x32xf32>
    %swap3A_56 = arith.constant 0 : index
    %swap3A_57 = arith.constant 0 : index
    %swap3A_58 = vector.load %arg7[%swap3A_56, %swap3A_57] : memref<512x32xf32, #tpu.memory_space<vmem>>, vector<512x32xf32>
    tpu.vector_store %arg7[%swap3A_56, %swap3A_57], %concatenate3A_55 {strides = array<i32>} : memref<512x32xf32, #tpu.memory_space<vmem>>, vector<512x32xf32>,
    %jit3A_59 = arith.constant 0.000000e+00 : f32
    %broadcast_in_dim3A_60 = vector.broadcast %jit3A_59 : f32 to vector<500x32xf32>
    %select_n3A_61 = arith.select %eq3A_5, %div3A_26, %broadcast_in_dim3A_60 : vector<500x32xi1>, vector<500x32xf32>
    %reduce_sum3A_62 = arith.constant dense<0.000000e+00> : vector<32xf32>
    %reduce_sum3A_63 = vector.multi_reduction <add>, %select_n3A_61, %reduce_sum3A_62 [0] : vector<500x32xf32> to vector<32xf32>
    %reshape3A = vector.shape_cast %reduce_sum3A_63 : vector<32xf32> to vector<1x32xf32>
    %swap3A_64 = arith.constant 0 : index
    %swap3A_65 = arith.constant 0 : index
    %swap3A_66 = vector.load %arg8[%swap3A_64, %swap3A_65] : memref<1x32xf32, #tpu.memory_space<vmem>>, vector<1x32xf32>
    tpu.vector_store %arg8[%swap3A_64, %swap3A_65], %reshape3A {strides = array<i32>} : memref<1x32xf32, #tpu.memory_space<vmem>>, vector<1x32xf32>,
    %reduce_max3A_67 = arith.constant dense<0xFF800000> : vector<32xf32>
    %reduce_max3A_68 = vector.multi_reduction <maximumf>, %div3A_26, %reduce_max3A_67 [0] : vector<500x32xf32> to vector<32xf32>
    %broadcast_in_dim3A_69 = vector.shape_cast %reduce_max3A_68 : vector<32xf32> to vector<1x32xf32>
    %eq3A_70 = vector.broadcast %broadcast_in_dim3A_69 : vector<1x32xf32> to vector<500x32xf32>
    %eq3A_71 = arith.cmpf oeq, %div3A_26, %eq3A_70 : vector<500x32xf32>
    %jit3A_72 = arith.constant 500 : i32
    %broadcast_in_dim3A_73 = vector.broadcast %jit3A_72 : i32 to vector<500x32xi32>
    %select_n3A_74 = arith.select %eq3A_71, %iota3A, %broadcast_in_dim3A_73 : vector<500x32xi1>, vector<500x32xi32>
    %reduce_min3A = arith.constant dense<2147483647> : vector<32xi32>
    %reduce_min3A_75 = vector.multi_reduction <minsi>, %select_n3A_74, %reduce_min3A [0] : vector<500x32xi32> to vector<32xi32>
    %reduce_max3A_76 = arith.constant dense<0xFF800000> : vector<32xf32>
    %reduce_max3A_77 = vector.multi_reduction <maximumf>, %div3A_50, %reduce_max3A_76 [0] : vector<500x32xf32> to vector<32xf32>
    %broadcast_in_dim3A_78 = vector.shape_cast %reduce_max3A_77 : vector<32xf32> to vector<1x32xf32>
    %eq3A_79 = vector.broadcast %broadcast_in_dim3A_78 : vector<1x32xf32> to vector<500x32xf32>
    %eq3A_80 = arith.cmpf oeq, %div3A_50, %eq3A_79 : vector<500x32xf32>
    %jit3A_81 = arith.constant 500 : i32
    %broadcast_in_dim3A_82 = vector.broadcast %jit3A_81 : i32 to vector<500x32xi32>
    %select_n3A_83 = arith.select %eq3A_80, %iota3A, %broadcast_in_dim3A_82 : vector<500x32xi1>, vector<500x32xi32>
    %reduce_min3A_84 = arith.constant dense<2147483647> : vector<32xi32>
    %reduce_min3A_85 = vector.multi_reduction <minsi>, %select_n3A_83, %reduce_min3A_84 [0] : vector<500x32xi32> to vector<32xi32>
    %sub3A_86 = arith.subi %reduce_min3A_75, %reduce_min3A_85 : vector<32xi32>
    %abs3A = math.absi %sub3A_86 : vector<32xi32>
    %eq3A_87 = arith.constant 1 : i32
    %eq3A_88 = vector.broadcast %eq3A_87 : i32 to vector<32xi32>
    %eq3A_89 = arith.cmpi eq, %abs3A, %eq3A_88 : vector<32xi32>
    %min3A = arith.minsi %reduce_min3A_75, %reduce_min3A_85 : vector<32xi32>
    %jit3A_90 = arith.constant 2 : i32
    %eq3A_91 = arith.constant 0 : i32
    %eq3A_92 = arith.cmpi eq, %jit3A_90, %eq3A_91 : i32
    %jit3A_93 = arith.constant 1 : i32
    %select_n3A_94 = arith.select %eq3A_92, %jit3A_93, %jit3A_90 : i32
    %rem3A = vector.broadcast %select_n3A_94 : i32 to vector<32xi32>
    %rem3A_95 = arith.remsi %min3A, %rem3A : vector<32xi32>
    %ne3A = arith.constant 0 : i32
    %ne3A_96 = vector.broadcast %ne3A : i32 to vector<32xi32>
    %ne3A_97 = arith.cmpi ne, %rem3A_95, %ne3A_96 : vector<32xi32>
    %lt3A = arith.constant 0 : i32
    %lt3A_98 = vector.broadcast %lt3A : i32 to vector<32xi32>
    %lt3A_99 = arith.cmpi slt, %rem3A_95, %lt3A_98 : vector<32xi32>
    %lt3A_100 = arith.constant 0 : i32
    %lt3A_101 = arith.cmpi slt, %select_n3A_94, %lt3A_100 : i32
    %ne3A_102 = vector.broadcast %lt3A_101 : i1 to vector<32xi1>
    %ne3A_103 = vector.broadcast %ne3A_102 : vector<32xi1> to vector<32xi1>
    %ne3A_104 = arith.xori %lt3A_99, %ne3A_103 : vector<32xi1>
    %and3A = arith.andi %ne3A_104, %ne3A_97 : vector<32xi1>
    %add3A_105 = vector.broadcast %select_n3A_94 : i32 to vector<32xi32>
    %add3A_106 = arith.addi %rem3A_95, %add3A_105 : vector<32xi32>
    %select_n3A_107 = arith.select %and3A, %add3A_106, %rem3A_95 : vector<32xi1>, vector<32xi32>
    %eq3A_108 = arith.constant 0 : i32
    %eq3A_109 = vector.broadcast %eq3A_108 : i32 to vector<32xi32>
    %eq3A_110 = arith.cmpi eq, %select_n3A_107, %eq3A_109 : vector<32xi32>
    %and3A_111 = arith.andi %eq3A_89, %eq3A_110 : vector<32xi1>
    %eq3A_112 = arith.constant 0 : i32
    %eq3A_113 = vector.broadcast %eq3A_112 : i32 to vector<32xi32>
    %eq3A_114 = arith.cmpi eq, %reduce_min3A_75, %eq3A_113 : vector<32xi32>
    %convert_element_type3A = arith.extui %eq3A_114 : vector<32xi1> to vector<32xi32>
    %eq3A_115 = arith.constant 0 : i32
    %eq3A_116 = vector.broadcast %eq3A_115 : i32 to vector<32xi32>
    %eq3A_117 = arith.cmpi eq, %reduce_min3A_85, %eq3A_116 : vector<32xi32>
    %convert_element_type3A_118 = arith.extui %eq3A_117 : vector<32xi1> to vector<32xi32>
    %add3A_119 = arith.addi %convert_element_type3A, %convert_element_type3A_118 : vector<32xi32>
    %eq3A_120 = arith.constant 1 : i32
    %eq3A_121 = vector.broadcast %eq3A_120 : i32 to vector<32xi32>
    %eq3A_122 = arith.cmpi eq, %add3A_119, %eq3A_121 : vector<32xi32>
    %convert_element_type3A_123 = arith.extui %and3A_111 : vector<32xi1> to vector<32xi32>
    %convert_element_type3A_124 = arith.sitofp %convert_element_type3A_123 : vector<32xi32> to vector<32xf32>
    %sub3A_125 = arith.constant 1.000000e+00 : f32
    %sub3A_126 = vector.broadcast %sub3A_125 : f32 to vector<32xf32>
    %sub3A_127 = arith.subf %sub3A_126, %convert_element_type3A_124 : vector<32xf32>
    %convert_element_type3A_128 = arith.extui %eq3A_122 : vector<32xi1> to vector<32xi32>
    %convert_element_type3A_129 = arith.sitofp %convert_element_type3A_128 : vector<32xi32> to vector<32xf32>
    %sub3A_130 = arith.constant 1.000000e+00 : f32
    %sub3A_131 = vector.broadcast %sub3A_130 : f32 to vector<32xf32>
    %sub3A_132 = arith.subf %sub3A_131, %convert_element_type3A_129 : vector<32xf32>
    %mul3A = arith.mulf %sub3A_127, %sub3A_132 : vector<32xf32>
    %reshape3A_133 = vector.shape_cast %mul3A : vector<32xf32> to vector<1x32xf32>
    %swap3A_134 = arith.constant 0 : index
    %swap3A_135 = arith.constant 0 : index
    %swap3A_136 = vector.load %arg9[%swap3A_134, %swap3A_135] : memref<1x32xf32, #tpu.memory_space<vmem>>, vector<1x32xf32>
    tpu.vector_store %arg9[%swap3A_134, %swap3A_135], %reshape3A_133 {strides = array<i32>} : memref<1x32xf32, #tpu.memory_space<vmem>>, vector<1x32xf32>,
    return
  }
}

module attributes {stable_mosaic.version = 14 : i64} {
  func.func @_hitmask_body(%arg0: i32, %arg1: memref<1x32xf32, #tpu.memory_space<vmem>>, %arg2: memref<784x128xi32, #tpu.memory_space<vmem>>, %arg3: memref<784x128xf32, #tpu.memory_space<vmem>>) attributes {dimension_semantics = [#tpu.dimension_semantics<arbitrary>], iteration_bounds = array<i64: 8>, scalar_prefetch = 0 : i64, scratch_operands = 0 : i64, tpu.core_type = #tpu.core_type<tc>, window_params = [{pipeline_mode = #tpu.pipeline_mode<synchronous>, transform_indices = @transform_0, window_bounds = array<i64: 1, 32>}, {transform_indices = @transform_1, window_bounds = array<i64: 784, 128>}, {transform_indices = @transform_2, window_bounds = array<i64: 784, 128>}]} {
    %get3A = arith.constant 0 : index
    %get3A_0 = arith.constant 0 : index
    %get3A_1 = vector.load %arg2[%get3A, %get3A_0] : memref<784x128xi32, #tpu.memory_space<vmem>>, vector<784x128xi32>
    %broadcast_in_dim3A = arith.constant 0 : i32
    %broadcast_in_dim3A_2 = vector.broadcast %broadcast_in_dim3A : i32 to vector<784x128xi32>
    %get3A_3 = arith.constant 0 : index
    %get3A_4 = arith.constant 0 : index
    %get3A_5 = vector.load %arg1[%get3A_3, %get3A_4] : memref<1x32xf32, #tpu.memory_space<vmem>>, vector<1x1xf32>
    %get3A_6 = vector.extract %get3A_5[0, 0] : f32 from vector<1x1xf32>
    %convert_element_type3A = arith.fptosi %get3A_6 : f32 to i32
    %eq3A = vector.broadcast %convert_element_type3A : i32 to vector<784x128xi32>
    %eq3A_7 = arith.cmpi eq, %get3A_1, %eq3A : vector<784x128xi32>
    %convert_element_type3A_8 = arith.extui %eq3A_7 : vector<784x128xi1> to vector<784x128xi32>
    %or3A = arith.ori %broadcast_in_dim3A_2, %convert_element_type3A_8 : vector<784x128xi32>
    %get3A_9 = arith.constant 0 : index
    %get3A_10 = arith.constant 1 : index
    %get3A_11 = vector.load %arg1[%get3A_9, %get3A_10] : memref<1x32xf32, #tpu.memory_space<vmem>>, vector<1x1xf32>
    %get3A_12 = vector.extract %get3A_11[0, 0] : f32 from vector<1x1xf32>
    %convert_element_type3A_13 = arith.fptosi %get3A_12 : f32 to i32
    %eq3A_14 = vector.broadcast %convert_element_type3A_13 : i32 to vector<784x128xi32>
    %eq3A_15 = arith.cmpi eq, %get3A_1, %eq3A_14 : vector<784x128xi32>
    %convert_element_type3A_16 = arith.extui %eq3A_15 : vector<784x128xi1> to vector<784x128xi32>
    %or3A_17 = arith.ori %or3A, %convert_element_type3A_16 : vector<784x128xi32>
    %get3A_18 = arith.constant 0 : index
    %get3A_19 = arith.constant 2 : index
    %get3A_20 = vector.load %arg1[%get3A_18, %get3A_19] : memref<1x32xf32, #tpu.memory_space<vmem>>, vector<1x1xf32>
    %get3A_21 = vector.extract %get3A_20[0, 0] : f32 from vector<1x1xf32>
    %convert_element_type3A_22 = arith.fptosi %get3A_21 : f32 to i32
    %eq3A_23 = vector.broadcast %convert_element_type3A_22 : i32 to vector<784x128xi32>
    %eq3A_24 = arith.cmpi eq, %get3A_1, %eq3A_23 : vector<784x128xi32>
    %convert_element_type3A_25 = arith.extui %eq3A_24 : vector<784x128xi1> to vector<784x128xi32>
    %or3A_26 = arith.ori %or3A_17, %convert_element_type3A_25 : vector<784x128xi32>
    %get3A_27 = arith.constant 0 : index
    %get3A_28 = arith.constant 3 : index
    %get3A_29 = vector.load %arg1[%get3A_27, %get3A_28] : memref<1x32xf32, #tpu.memory_space<vmem>>, vector<1x1xf32>
    %get3A_30 = vector.extract %get3A_29[0, 0] : f32 from vector<1x1xf32>
    %convert_element_type3A_31 = arith.fptosi %get3A_30 : f32 to i32
    %eq3A_32 = vector.broadcast %convert_element_type3A_31 : i32 to vector<784x128xi32>
    %eq3A_33 = arith.cmpi eq, %get3A_1, %eq3A_32 : vector<784x128xi32>
    %convert_element_type3A_34 = arith.extui %eq3A_33 : vector<784x128xi1> to vector<784x128xi32>
    %or3A_35 = arith.ori %or3A_26, %convert_element_type3A_34 : vector<784x128xi32>
    %get3A_36 = arith.constant 0 : index
    %get3A_37 = arith.constant 4 : index
    %get3A_38 = vector.load %arg1[%get3A_36, %get3A_37] : memref<1x32xf32, #tpu.memory_space<vmem>>, vector<1x1xf32>
    %get3A_39 = vector.extract %get3A_38[0, 0] : f32 from vector<1x1xf32>
    %convert_element_type3A_40 = arith.fptosi %get3A_39 : f32 to i32
    %eq3A_41 = vector.broadcast %convert_element_type3A_40 : i32 to vector<784x128xi32>
    %eq3A_42 = arith.cmpi eq, %get3A_1, %eq3A_41 : vector<784x128xi32>
    %convert_element_type3A_43 = arith.extui %eq3A_42 : vector<784x128xi1> to vector<784x128xi32>
    %or3A_44 = arith.ori %or3A_35, %convert_element_type3A_43 : vector<784x128xi32>
    %get3A_45 = arith.constant 0 : index
    %get3A_46 = arith.constant 5 : index
    %get3A_47 = vector.load %arg1[%get3A_45, %get3A_46] : memref<1x32xf32, #tpu.memory_space<vmem>>, vector<1x1xf32>
    %get3A_48 = vector.extract %get3A_47[0, 0] : f32 from vector<1x1xf32>
    %convert_element_type3A_49 = arith.fptosi %get3A_48 : f32 to i32
    %eq3A_50 = vector.broadcast %convert_element_type3A_49 : i32 to vector<784x128xi32>
    %eq3A_51 = arith.cmpi eq, %get3A_1, %eq3A_50 : vector<784x128xi32>
    %convert_element_type3A_52 = arith.extui %eq3A_51 : vector<784x128xi1> to vector<784x128xi32>
    %or3A_53 = arith.ori %or3A_44, %convert_element_type3A_52 : vector<784x128xi32>
    %get3A_54 = arith.constant 0 : index
    %get3A_55 = arith.constant 6 : index
    %get3A_56 = vector.load %arg1[%get3A_54, %get3A_55] : memref<1x32xf32, #tpu.memory_space<vmem>>, vector<1x1xf32>
    %get3A_57 = vector.extract %get3A_56[0, 0] : f32 from vector<1x1xf32>
    %convert_element_type3A_58 = arith.fptosi %get3A_57 : f32 to i32
    %eq3A_59 = vector.broadcast %convert_element_type3A_58 : i32 to vector<784x128xi32>
    %eq3A_60 = arith.cmpi eq, %get3A_1, %eq3A_59 : vector<784x128xi32>
    %convert_element_type3A_61 = arith.extui %eq3A_60 : vector<784x128xi1> to vector<784x128xi32>
    %or3A_62 = arith.ori %or3A_53, %convert_element_type3A_61 : vector<784x128xi32>
    %get3A_63 = arith.constant 0 : index
    %get3A_64 = arith.constant 7 : index
    %get3A_65 = vector.load %arg1[%get3A_63, %get3A_64] : memref<1x32xf32, #tpu.memory_space<vmem>>, vector<1x1xf32>
    %get3A_66 = vector.extract %get3A_65[0, 0] : f32 from vector<1x1xf32>
    %convert_element_type3A_67 = arith.fptosi %get3A_66 : f32 to i32
    %eq3A_68 = vector.broadcast %convert_element_type3A_67 : i32 to vector<784x128xi32>
    %eq3A_69 = arith.cmpi eq, %get3A_1, %eq3A_68 : vector<784x128xi32>
    %convert_element_type3A_70 = arith.extui %eq3A_69 : vector<784x128xi1> to vector<784x128xi32>
    %or3A_71 = arith.ori %or3A_62, %convert_element_type3A_70 : vector<784x128xi32>
    %get3A_72 = arith.constant 0 : index
    %get3A_73 = arith.constant 8 : index
    %get3A_74 = vector.load %arg1[%get3A_72, %get3A_73] : memref<1x32xf32, #tpu.memory_space<vmem>>, vector<1x1xf32>
    %get3A_75 = vector.extract %get3A_74[0, 0] : f32 from vector<1x1xf32>
    %convert_element_type3A_76 = arith.fptosi %get3A_75 : f32 to i32
    %eq3A_77 = vector.broadcast %convert_element_type3A_76 : i32 to vector<784x128xi32>
    %eq3A_78 = arith.cmpi eq, %get3A_1, %eq3A_77 : vector<784x128xi32>
    %convert_element_type3A_79 = arith.extui %eq3A_78 : vector<784x128xi1> to vector<784x128xi32>
    %or3A_80 = arith.ori %or3A_71, %convert_element_type3A_79 : vector<784x128xi32>
    %get3A_81 = arith.constant 0 : index
    %get3A_82 = arith.constant 9 : index
    %get3A_83 = vector.load %arg1[%get3A_81, %get3A_82] : memref<1x32xf32, #tpu.memory_space<vmem>>, vector<1x1xf32>
    %get3A_84 = vector.extract %get3A_83[0, 0] : f32 from vector<1x1xf32>
    %convert_element_type3A_85 = arith.fptosi %get3A_84 : f32 to i32
    %eq3A_86 = vector.broadcast %convert_element_type3A_85 : i32 to vector<784x128xi32>
    %eq3A_87 = arith.cmpi eq, %get3A_1, %eq3A_86 : vector<784x128xi32>
    %convert_element_type3A_88 = arith.extui %eq3A_87 : vector<784x128xi1> to vector<784x128xi32>
    %or3A_89 = arith.ori %or3A_80, %convert_element_type3A_88 : vector<784x128xi32>
    %get3A_90 = arith.constant 0 : index
    %get3A_91 = arith.constant 10 : index
    %get3A_92 = vector.load %arg1[%get3A_90, %get3A_91] : memref<1x32xf32, #tpu.memory_space<vmem>>, vector<1x1xf32>
    %get3A_93 = vector.extract %get3A_92[0, 0] : f32 from vector<1x1xf32>
    %convert_element_type3A_94 = arith.fptosi %get3A_93 : f32 to i32
    %eq3A_95 = vector.broadcast %convert_element_type3A_94 : i32 to vector<784x128xi32>
    %eq3A_96 = arith.cmpi eq, %get3A_1, %eq3A_95 : vector<784x128xi32>
    %convert_element_type3A_97 = arith.extui %eq3A_96 : vector<784x128xi1> to vector<784x128xi32>
    %or3A_98 = arith.ori %or3A_89, %convert_element_type3A_97 : vector<784x128xi32>
    %get3A_99 = arith.constant 0 : index
    %get3A_100 = arith.constant 11 : index
    %get3A_101 = vector.load %arg1[%get3A_99, %get3A_100] : memref<1x32xf32, #tpu.memory_space<vmem>>, vector<1x1xf32>
    %get3A_102 = vector.extract %get3A_101[0, 0] : f32 from vector<1x1xf32>
    %convert_element_type3A_103 = arith.fptosi %get3A_102 : f32 to i32
    %eq3A_104 = vector.broadcast %convert_element_type3A_103 : i32 to vector<784x128xi32>
    %eq3A_105 = arith.cmpi eq, %get3A_1, %eq3A_104 : vector<784x128xi32>
    %convert_element_type3A_106 = arith.extui %eq3A_105 : vector<784x128xi1> to vector<784x128xi32>
    %or3A_107 = arith.ori %or3A_98, %convert_element_type3A_106 : vector<784x128xi32>
    %get3A_108 = arith.constant 0 : index
    %get3A_109 = arith.constant 12 : index
    %get3A_110 = vector.load %arg1[%get3A_108, %get3A_109] : memref<1x32xf32, #tpu.memory_space<vmem>>, vector<1x1xf32>
    %get3A_111 = vector.extract %get3A_110[0, 0] : f32 from vector<1x1xf32>
    %convert_element_type3A_112 = arith.fptosi %get3A_111 : f32 to i32
    %eq3A_113 = vector.broadcast %convert_element_type3A_112 : i32 to vector<784x128xi32>
    %eq3A_114 = arith.cmpi eq, %get3A_1, %eq3A_113 : vector<784x128xi32>
    %convert_element_type3A_115 = arith.extui %eq3A_114 : vector<784x128xi1> to vector<784x128xi32>
    %or3A_116 = arith.ori %or3A_107, %convert_element_type3A_115 : vector<784x128xi32>
    %get3A_117 = arith.constant 0 : index
    %get3A_118 = arith.constant 13 : index
    %get3A_119 = vector.load %arg1[%get3A_117, %get3A_118] : memref<1x32xf32, #tpu.memory_space<vmem>>, vector<1x1xf32>
    %get3A_120 = vector.extract %get3A_119[0, 0] : f32 from vector<1x1xf32>
    %convert_element_type3A_121 = arith.fptosi %get3A_120 : f32 to i32
    %eq3A_122 = vector.broadcast %convert_element_type3A_121 : i32 to vector<784x128xi32>
    %eq3A_123 = arith.cmpi eq, %get3A_1, %eq3A_122 : vector<784x128xi32>
    %convert_element_type3A_124 = arith.extui %eq3A_123 : vector<784x128xi1> to vector<784x128xi32>
    %or3A_125 = arith.ori %or3A_116, %convert_element_type3A_124 : vector<784x128xi32>
    %get3A_126 = arith.constant 0 : index
    %get3A_127 = arith.constant 14 : index
    %get3A_128 = vector.load %arg1[%get3A_126, %get3A_127] : memref<1x32xf32, #tpu.memory_space<vmem>>, vector<1x1xf32>
    %get3A_129 = vector.extract %get3A_128[0, 0] : f32 from vector<1x1xf32>
    %convert_element_type3A_130 = arith.fptosi %get3A_129 : f32 to i32
    %eq3A_131 = vector.broadcast %convert_element_type3A_130 : i32 to vector<784x128xi32>
    %eq3A_132 = arith.cmpi eq, %get3A_1, %eq3A_131 : vector<784x128xi32>
    %convert_element_type3A_133 = arith.extui %eq3A_132 : vector<784x128xi1> to vector<784x128xi32>
    %or3A_134 = arith.ori %or3A_125, %convert_element_type3A_133 : vector<784x128xi32>
    %get3A_135 = arith.constant 0 : index
    %get3A_136 = arith.constant 15 : index
    %get3A_137 = vector.load %arg1[%get3A_135, %get3A_136] : memref<1x32xf32, #tpu.memory_space<vmem>>, vector<1x1xf32>
    %get3A_138 = vector.extract %get3A_137[0, 0] : f32 from vector<1x1xf32>
    %convert_element_type3A_139 = arith.fptosi %get3A_138 : f32 to i32
    %eq3A_140 = vector.broadcast %convert_element_type3A_139 : i32 to vector<784x128xi32>
    %eq3A_141 = arith.cmpi eq, %get3A_1, %eq3A_140 : vector<784x128xi32>
    %convert_element_type3A_142 = arith.extui %eq3A_141 : vector<784x128xi1> to vector<784x128xi32>
    %or3A_143 = arith.ori %or3A_134, %convert_element_type3A_142 : vector<784x128xi32>
    %get3A_144 = arith.constant 0 : index
    %get3A_145 = arith.constant 16 : index
    %get3A_146 = vector.load %arg1[%get3A_144, %get3A_145] : memref<1x32xf32, #tpu.memory_space<vmem>>, vector<1x1xf32>
    %get3A_147 = vector.extract %get3A_146[0, 0] : f32 from vector<1x1xf32>
    %convert_element_type3A_148 = arith.fptosi %get3A_147 : f32 to i32
    %eq3A_149 = vector.broadcast %convert_element_type3A_148 : i32 to vector<784x128xi32>
    %eq3A_150 = arith.cmpi eq, %get3A_1, %eq3A_149 : vector<784x128xi32>
    %convert_element_type3A_151 = arith.extui %eq3A_150 : vector<784x128xi1> to vector<784x128xi32>
    %or3A_152 = arith.ori %or3A_143, %convert_element_type3A_151 : vector<784x128xi32>
    %get3A_153 = arith.constant 0 : index
    %get3A_154 = arith.constant 17 : index
    %get3A_155 = vector.load %arg1[%get3A_153, %get3A_154] : memref<1x32xf32, #tpu.memory_space<vmem>>, vector<1x1xf32>
    %get3A_156 = vector.extract %get3A_155[0, 0] : f32 from vector<1x1xf32>
    %convert_element_type3A_157 = arith.fptosi %get3A_156 : f32 to i32
    %eq3A_158 = vector.broadcast %convert_element_type3A_157 : i32 to vector<784x128xi32>
    %eq3A_159 = arith.cmpi eq, %get3A_1, %eq3A_158 : vector<784x128xi32>
    %convert_element_type3A_160 = arith.extui %eq3A_159 : vector<784x128xi1> to vector<784x128xi32>
    %or3A_161 = arith.ori %or3A_152, %convert_element_type3A_160 : vector<784x128xi32>
    %get3A_162 = arith.constant 0 : index
    %get3A_163 = arith.constant 18 : index
    %get3A_164 = vector.load %arg1[%get3A_162, %get3A_163] : memref<1x32xf32, #tpu.memory_space<vmem>>, vector<1x1xf32>
    %get3A_165 = vector.extract %get3A_164[0, 0] : f32 from vector<1x1xf32>
    %convert_element_type3A_166 = arith.fptosi %get3A_165 : f32 to i32
    %eq3A_167 = vector.broadcast %convert_element_type3A_166 : i32 to vector<784x128xi32>
    %eq3A_168 = arith.cmpi eq, %get3A_1, %eq3A_167 : vector<784x128xi32>
    %convert_element_type3A_169 = arith.extui %eq3A_168 : vector<784x128xi1> to vector<784x128xi32>
    %or3A_170 = arith.ori %or3A_161, %convert_element_type3A_169 : vector<784x128xi32>
    %get3A_171 = arith.constant 0 : index
    %get3A_172 = arith.constant 19 : index
    %get3A_173 = vector.load %arg1[%get3A_171, %get3A_172] : memref<1x32xf32, #tpu.memory_space<vmem>>, vector<1x1xf32>
    %get3A_174 = vector.extract %get3A_173[0, 0] : f32 from vector<1x1xf32>
    %convert_element_type3A_175 = arith.fptosi %get3A_174 : f32 to i32
    %eq3A_176 = vector.broadcast %convert_element_type3A_175 : i32 to vector<784x128xi32>
    %eq3A_177 = arith.cmpi eq, %get3A_1, %eq3A_176 : vector<784x128xi32>
    %convert_element_type3A_178 = arith.extui %eq3A_177 : vector<784x128xi1> to vector<784x128xi32>
    %or3A_179 = arith.ori %or3A_170, %convert_element_type3A_178 : vector<784x128xi32>
    %get3A_180 = arith.constant 0 : index
    %get3A_181 = arith.constant 20 : index
    %get3A_182 = vector.load %arg1[%get3A_180, %get3A_181] : memref<1x32xf32, #tpu.memory_space<vmem>>, vector<1x1xf32>
    %get3A_183 = vector.extract %get3A_182[0, 0] : f32 from vector<1x1xf32>
    %convert_element_type3A_184 = arith.fptosi %get3A_183 : f32 to i32
    %eq3A_185 = vector.broadcast %convert_element_type3A_184 : i32 to vector<784x128xi32>
    %eq3A_186 = arith.cmpi eq, %get3A_1, %eq3A_185 : vector<784x128xi32>
    %convert_element_type3A_187 = arith.extui %eq3A_186 : vector<784x128xi1> to vector<784x128xi32>
    %or3A_188 = arith.ori %or3A_179, %convert_element_type3A_187 : vector<784x128xi32>
    %get3A_189 = arith.constant 0 : index
    %get3A_190 = arith.constant 21 : index
    %get3A_191 = vector.load %arg1[%get3A_189, %get3A_190] : memref<1x32xf32, #tpu.memory_space<vmem>>, vector<1x1xf32>
    %get3A_192 = vector.extract %get3A_191[0, 0] : f32 from vector<1x1xf32>
    %convert_element_type3A_193 = arith.fptosi %get3A_192 : f32 to i32
    %eq3A_194 = vector.broadcast %convert_element_type3A_193 : i32 to vector<784x128xi32>
    %eq3A_195 = arith.cmpi eq, %get3A_1, %eq3A_194 : vector<784x128xi32>
    %convert_element_type3A_196 = arith.extui %eq3A_195 : vector<784x128xi1> to vector<784x128xi32>
    %or3A_197 = arith.ori %or3A_188, %convert_element_type3A_196 : vector<784x128xi32>
    %get3A_198 = arith.constant 0 : index
    %get3A_199 = arith.constant 22 : index
    %get3A_200 = vector.load %arg1[%get3A_198, %get3A_199] : memref<1x32xf32, #tpu.memory_space<vmem>>, vector<1x1xf32>
    %get3A_201 = vector.extract %get3A_200[0, 0] : f32 from vector<1x1xf32>
    %convert_element_type3A_202 = arith.fptosi %get3A_201 : f32 to i32
    %eq3A_203 = vector.broadcast %convert_element_type3A_202 : i32 to vector<784x128xi32>
    %eq3A_204 = arith.cmpi eq, %get3A_1, %eq3A_203 : vector<784x128xi32>
    %convert_element_type3A_205 = arith.extui %eq3A_204 : vector<784x128xi1> to vector<784x128xi32>
    %or3A_206 = arith.ori %or3A_197, %convert_element_type3A_205 : vector<784x128xi32>
    %get3A_207 = arith.constant 0 : index
    %get3A_208 = arith.constant 23 : index
    %get3A_209 = vector.load %arg1[%get3A_207, %get3A_208] : memref<1x32xf32, #tpu.memory_space<vmem>>, vector<1x1xf32>
    %get3A_210 = vector.extract %get3A_209[0, 0] : f32 from vector<1x1xf32>
    %convert_element_type3A_211 = arith.fptosi %get3A_210 : f32 to i32
    %eq3A_212 = vector.broadcast %convert_element_type3A_211 : i32 to vector<784x128xi32>
    %eq3A_213 = arith.cmpi eq, %get3A_1, %eq3A_212 : vector<784x128xi32>
    %convert_element_type3A_214 = arith.extui %eq3A_213 : vector<784x128xi1> to vector<784x128xi32>
    %or3A_215 = arith.ori %or3A_206, %convert_element_type3A_214 : vector<784x128xi32>
    %get3A_216 = arith.constant 0 : index
    %get3A_217 = arith.constant 24 : index
    %get3A_218 = vector.load %arg1[%get3A_216, %get3A_217] : memref<1x32xf32, #tpu.memory_space<vmem>>, vector<1x1xf32>
    %get3A_219 = vector.extract %get3A_218[0, 0] : f32 from vector<1x1xf32>
    %convert_element_type3A_220 = arith.fptosi %get3A_219 : f32 to i32
    %eq3A_221 = vector.broadcast %convert_element_type3A_220 : i32 to vector<784x128xi32>
    %eq3A_222 = arith.cmpi eq, %get3A_1, %eq3A_221 : vector<784x128xi32>
    %convert_element_type3A_223 = arith.extui %eq3A_222 : vector<784x128xi1> to vector<784x128xi32>
    %or3A_224 = arith.ori %or3A_215, %convert_element_type3A_223 : vector<784x128xi32>
    %get3A_225 = arith.constant 0 : index
    %get3A_226 = arith.constant 25 : index
    %get3A_227 = vector.load %arg1[%get3A_225, %get3A_226] : memref<1x32xf32, #tpu.memory_space<vmem>>, vector<1x1xf32>
    %get3A_228 = vector.extract %get3A_227[0, 0] : f32 from vector<1x1xf32>
    %convert_element_type3A_229 = arith.fptosi %get3A_228 : f32 to i32
    %eq3A_230 = vector.broadcast %convert_element_type3A_229 : i32 to vector<784x128xi32>
    %eq3A_231 = arith.cmpi eq, %get3A_1, %eq3A_230 : vector<784x128xi32>
    %convert_element_type3A_232 = arith.extui %eq3A_231 : vector<784x128xi1> to vector<784x128xi32>
    %or3A_233 = arith.ori %or3A_224, %convert_element_type3A_232 : vector<784x128xi32>
    %get3A_234 = arith.constant 0 : index
    %get3A_235 = arith.constant 26 : index
    %get3A_236 = vector.load %arg1[%get3A_234, %get3A_235] : memref<1x32xf32, #tpu.memory_space<vmem>>, vector<1x1xf32>
    %get3A_237 = vector.extract %get3A_236[0, 0] : f32 from vector<1x1xf32>
    %convert_element_type3A_238 = arith.fptosi %get3A_237 : f32 to i32
    %eq3A_239 = vector.broadcast %convert_element_type3A_238 : i32 to vector<784x128xi32>
    %eq3A_240 = arith.cmpi eq, %get3A_1, %eq3A_239 : vector<784x128xi32>
    %convert_element_type3A_241 = arith.extui %eq3A_240 : vector<784x128xi1> to vector<784x128xi32>
    %or3A_242 = arith.ori %or3A_233, %convert_element_type3A_241 : vector<784x128xi32>
    %get3A_243 = arith.constant 0 : index
    %get3A_244 = arith.constant 27 : index
    %get3A_245 = vector.load %arg1[%get3A_243, %get3A_244] : memref<1x32xf32, #tpu.memory_space<vmem>>, vector<1x1xf32>
    %get3A_246 = vector.extract %get3A_245[0, 0] : f32 from vector<1x1xf32>
    %convert_element_type3A_247 = arith.fptosi %get3A_246 : f32 to i32
    %eq3A_248 = vector.broadcast %convert_element_type3A_247 : i32 to vector<784x128xi32>
    %eq3A_249 = arith.cmpi eq, %get3A_1, %eq3A_248 : vector<784x128xi32>
    %convert_element_type3A_250 = arith.extui %eq3A_249 : vector<784x128xi1> to vector<784x128xi32>
    %or3A_251 = arith.ori %or3A_242, %convert_element_type3A_250 : vector<784x128xi32>
    %get3A_252 = arith.constant 0 : index
    %get3A_253 = arith.constant 28 : index
    %get3A_254 = vector.load %arg1[%get3A_252, %get3A_253] : memref<1x32xf32, #tpu.memory_space<vmem>>, vector<1x1xf32>
    %get3A_255 = vector.extract %get3A_254[0, 0] : f32 from vector<1x1xf32>
    %convert_element_type3A_256 = arith.fptosi %get3A_255 : f32 to i32
    %eq3A_257 = vector.broadcast %convert_element_type3A_256 : i32 to vector<784x128xi32>
    %eq3A_258 = arith.cmpi eq, %get3A_1, %eq3A_257 : vector<784x128xi32>
    %convert_element_type3A_259 = arith.extui %eq3A_258 : vector<784x128xi1> to vector<784x128xi32>
    %or3A_260 = arith.ori %or3A_251, %convert_element_type3A_259 : vector<784x128xi32>
    %get3A_261 = arith.constant 0 : index
    %get3A_262 = arith.constant 29 : index
    %get3A_263 = vector.load %arg1[%get3A_261, %get3A_262] : memref<1x32xf32, #tpu.memory_space<vmem>>, vector<1x1xf32>
    %get3A_264 = vector.extract %get3A_263[0, 0] : f32 from vector<1x1xf32>
    %convert_element_type3A_265 = arith.fptosi %get3A_264 : f32 to i32
    %eq3A_266 = vector.broadcast %convert_element_type3A_265 : i32 to vector<784x128xi32>
    %eq3A_267 = arith.cmpi eq, %get3A_1, %eq3A_266 : vector<784x128xi32>
    %convert_element_type3A_268 = arith.extui %eq3A_267 : vector<784x128xi1> to vector<784x128xi32>
    %or3A_269 = arith.ori %or3A_260, %convert_element_type3A_268 : vector<784x128xi32>
    %get3A_270 = arith.constant 0 : index
    %get3A_271 = arith.constant 30 : index
    %get3A_272 = vector.load %arg1[%get3A_270, %get3A_271] : memref<1x32xf32, #tpu.memory_space<vmem>>, vector<1x1xf32>
    %get3A_273 = vector.extract %get3A_272[0, 0] : f32 from vector<1x1xf32>
    %convert_element_type3A_274 = arith.fptosi %get3A_273 : f32 to i32
    %eq3A_275 = vector.broadcast %convert_element_type3A_274 : i32 to vector<784x128xi32>
    %eq3A_276 = arith.cmpi eq, %get3A_1, %eq3A_275 : vector<784x128xi32>
    %convert_element_type3A_277 = arith.extui %eq3A_276 : vector<784x128xi1> to vector<784x128xi32>
    %or3A_278 = arith.ori %or3A_269, %convert_element_type3A_277 : vector<784x128xi32>
    %get3A_279 = arith.constant 0 : index
    %get3A_280 = arith.constant 31 : index
    %get3A_281 = vector.load %arg1[%get3A_279, %get3A_280] : memref<1x32xf32, #tpu.memory_space<vmem>>, vector<1x1xf32>
    %get3A_282 = vector.extract %get3A_281[0, 0] : f32 from vector<1x1xf32>
    %convert_element_type3A_283 = arith.fptosi %get3A_282 : f32 to i32
    %eq3A_284 = vector.broadcast %convert_element_type3A_283 : i32 to vector<784x128xi32>
    %eq3A_285 = arith.cmpi eq, %get3A_1, %eq3A_284 : vector<784x128xi32>
    %convert_element_type3A_286 = arith.extui %eq3A_285 : vector<784x128xi1> to vector<784x128xi32>
    %or3A_287 = arith.ori %or3A_278, %convert_element_type3A_286 : vector<784x128xi32>
    %convert_element_type3A_288 = arith.sitofp %or3A_287 : vector<784x128xi32> to vector<784x128xf32>
    %swap3A = arith.constant 0 : index
    %swap3A_289 = arith.constant 0 : index
    %swap3A_290 = vector.load %arg3[%swap3A, %swap3A_289] : memref<784x128xf32, #tpu.memory_space<vmem>>, vector<784x128xf32>
    tpu.vector_store %arg3[%swap3A, %swap3A_289], %convert_element_type3A_288 {strides = array<i32>} : memref<784x128xf32, #tpu.memory_space<vmem>>, vector<784x128xf32>,
    return
  }
  func.func @transform_0(%arg0: i32) -> (i32, i32) {
    %c0_i32 = arith.constant 0 : i32
    %c0_i32_0 = arith.constant 0 : i32
    %c0_i32_1 = arith.constant 0 : i32
    return %c0_i32, %c0_i32_0 : i32, i32
  }
  func.func @transform_1(%arg0: i32) -> (i32, i32) {
    %c0_i32 = arith.constant 0 : i32
    %c0_i32_0 = arith.constant 0 : i32
    return %arg0, %c0_i32 : i32, i32
  }
  func.func @transform_2(%arg0: i32) -> (i32, i32) {
    %c0_i32 = arith.constant 0 : i32
    %c0_i32_0 = arith.constant 0 : i32
    return %arg0, %c0_i32 : i32, i32
  }
}

module attributes {stable_mosaic.version = 14 : i64} {
  func.func @_combine0_body(%arg0: i32, %arg1: memref<1x32xf32, #tpu.memory_space<vmem>>, %arg2: memref<1x2000x32xf32, #tpu.memory_space<vmem>>, %arg3: memref<1x2000x32xf32, #tpu.memory_space<vmem>>, %arg4: memref<2000x32xf32, #tpu.memory_space<vmem>>, %arg5: memref<2000x32xbf16, #tpu.memory_space<vmem>>) attributes {dimension_semantics = [#tpu.dimension_semantics<arbitrary>], iteration_bounds = array<i64: 25>, scalar_prefetch = 0 : i64, scratch_operands = 0 : i64, tpu.core_type = #tpu.core_type<tc>, window_params = [{pipeline_mode = #tpu.pipeline_mode<synchronous>, transform_indices = @transform_0, window_bounds = array<i64: 1, 32>}, {transform_indices = @transform_1, window_bounds = array<i64: 1, 2000, 32>}, {transform_indices = @transform_2, window_bounds = array<i64: 1, 2000, 32>}, {transform_indices = @transform_3, window_bounds = array<i64: 2000, 32>}, {transform_indices = @transform_4, window_bounds = array<i64: 2000, 32>}]} {
    %get3A = arith.constant 0 : index
    %get3A_0 = arith.constant 0 : index
    %get3A_1 = arith.constant 0 : index
    %get3A_2 = vector.load %arg2[%get3A, %get3A_0, %get3A_1] : memref<1x2000x32xf32, #tpu.memory_space<vmem>>, vector<1x2000x32xf32>
    %get3A_3 = vector.shape_cast %get3A_2 : vector<1x2000x32xf32> to vector<2000x32xf32>
    %get3A_4 = arith.constant 0 : index
    %get3A_5 = arith.constant 0 : index
    %get3A_6 = arith.constant 0 : index
    %get3A_7 = vector.load %arg3[%get3A_4, %get3A_5, %get3A_6] : memref<1x2000x32xf32, #tpu.memory_space<vmem>>, vector<1x2000x32xf32>
    %get3A_8 = vector.shape_cast %get3A_7 : vector<1x2000x32xf32> to vector<2000x32xf32>
    %add3A = arith.addf %get3A_3, %get3A_8 : vector<2000x32xf32>
    %get3A_9 = arith.constant 0 : index
    %get3A_10 = arith.constant 0 : index
    %get3A_11 = vector.load %arg4[%get3A_9, %get3A_10] : memref<2000x32xf32, #tpu.memory_space<vmem>>, vector<2000x32xf32>
    %get3A_12 = arith.constant 0 : index
    %get3A_13 = arith.constant 0 : index
    %get3A_14 = vector.load %arg1[%get3A_12, %get3A_13] : memref<1x32xf32, #tpu.memory_space<vmem>>, vector<1x32xf32>
    %mul3A = vector.broadcast %get3A_14 : vector<1x32xf32> to vector<2000x32xf32>
    %mul3A_15 = arith.mulf %get3A_11, %mul3A : vector<2000x32xf32>
    %sub3A = arith.subf %add3A, %mul3A_15 : vector<2000x32xf32>
    %gt3A = arith.constant 1.000000e+00 : f32
    %gt3A_16 = vector.broadcast %gt3A : f32 to vector<2000x32xf32>
    %gt3A_17 = arith.cmpf ogt, %sub3A, %gt3A_16 : vector<2000x32xf32>
    %jit3A = arith.constant 1.000000e+00 : f32
    %broadcast_in_dim3A = vector.broadcast %jit3A : f32 to vector<2000x32xf32>
    %select_n3A = arith.select %gt3A_17, %broadcast_in_dim3A, %sub3A : vector<2000x32xi1>, vector<2000x32xf32>
    %convert_element_type3A = arith.truncf %select_n3A : vector<2000x32xf32> to vector<2000x32xbf16>
    %swap3A = arith.constant 0 : index
    %swap3A_18 = arith.constant 0 : index
    %swap3A_19 = vector.load %arg5[%swap3A, %swap3A_18] : memref<2000x32xbf16, #tpu.memory_space<vmem>>, vector<2000x32xbf16>
    tpu.vector_store %arg5[%swap3A, %swap3A_18], %convert_element_type3A {strides = array<i32>} : memref<2000x32xbf16, #tpu.memory_space<vmem>>, vector<2000x32xbf16>,
    return
  }
  func.func @transform_0(%arg0: i32) -> (i32, i32) {
    %c0_i32 = arith.constant 0 : i32
    %c0_i32_0 = arith.constant 0 : i32
    %c0_i32_1 = arith.constant 0 : i32
    return %c0_i32, %c0_i32_0 : i32, i32
  }
  func.func @transform_1(%arg0: i32) -> (i32, i32, i32) {
    %c0_i32 = arith.constant 0 : i32
    %c0_i32_0 = arith.constant 0 : i32
    %c0_i32_1 = arith.constant 0 : i32
    return %c0_i32, %arg0, %c0_i32_0 : i32, i32, i32
  }
  func.func @transform_2(%arg0: i32) -> (i32, i32, i32) {
    %c1_i32 = arith.constant 1 : i32
    %c0_i32 = arith.constant 0 : i32
    %c0_i32_0 = arith.constant 0 : i32
    return %c1_i32, %arg0, %c0_i32 : i32, i32, i32
  }
  func.func @transform_3(%arg0: i32) -> (i32, i32) {
    %c0_i32 = arith.constant 0 : i32
    %c0_i32_0 = arith.constant 0 : i32
    return %arg0, %c0_i32 : i32, i32
  }
  func.func @transform_4(%arg0: i32) -> (i32, i32) {
    %c0_i32 = arith.constant 0 : i32
    %c0_i32_0 = arith.constant 0 : i32
    return %arg0, %c0_i32 : i32, i32
  }
}

module attributes {stable_mosaic.version = 14 : i64} {
  func.func @_pass1_body(%arg0: i32, %arg1: memref<1x32xf32, #tpu.memory_space<vmem>>, %arg2: memref<1x2000x32xf32, #tpu.memory_space<vmem>>, %arg3: memref<1x2000x32xf32, #tpu.memory_space<vmem>>, %arg4: memref<2000x32xf32, #tpu.memory_space<vmem>>, %arg5: memref<2000x32xf32, #tpu.memory_space<vmem>>, %arg6: memref<2000x128xf32, #tpu.memory_space<vmem>>, %arg7: memref<128x32xf32, #tpu.memory_space<vmem>>, %arg8: memref<1x32xf32, #tpu.memory_space<vmem>>, %arg9: memref<1x32xf32, #tpu.memory_space<vmem>>, %arg10: memref<1x32xf32, #tpu.memory_space<vmem>>) attributes {dimension_semantics = [#tpu.dimension_semantics<arbitrary>], iteration_bounds = array<i64: 25>, scalar_prefetch = 0 : i64, scratch_operands = 0 : i64, tpu.core_type = #tpu.core_type<tc>, window_params = [{pipeline_mode = #tpu.pipeline_mode<synchronous>, transform_indices = @transform_0, window_bounds = array<i64: 1, 32>}, {transform_indices = @transform_1, window_bounds = array<i64: 1, 2000, 32>}, {transform_indices = @transform_2, window_bounds = array<i64: 1, 2000, 32>}, {transform_indices = @transform_3, window_bounds = array<i64: 2000, 32>}, {transform_indices = @transform_4, window_bounds = array<i64: 2000, 32>}, {transform_indices = @transform_5, window_bounds = array<i64: 2000, 128>}, {pipeline_mode = #tpu.pipeline_mode<synchronous>, transform_indices = @transform_6, window_bounds = array<i64: 128, 32>}, {pipeline_mode = #tpu.pipeline_mode<synchronous>, transform_indices = @transform_7, window_bounds = array<i64: 1, 32>}, {pipeline_mode = #tpu.pipeline_mode<synchronous>, transform_indices = @transform_8, window_bounds = array<i64: 1, 32>}, {pipeline_mode = #tpu.pipeline_mode<synchronous>, transform_indices = @transform_9, window_bounds = array<i64: 1, 32>}]} {
    %get3A = arith.constant 0 : index
    %get3A_0 = arith.constant 0 : index
    %get3A_1 = arith.constant 0 : index
    %get3A_2 = vector.load %arg2[%get3A, %get3A_0, %get3A_1] : memref<1x2000x32xf32, #tpu.memory_space<vmem>>, vector<1x2000x32xf32>
    %get3A_3 = vector.shape_cast %get3A_2 : vector<1x2000x32xf32> to vector<2000x32xf32>
    %get3A_4 = arith.constant 0 : index
    %get3A_5 = arith.constant 0 : index
    %get3A_6 = arith.constant 0 : index
    %get3A_7 = vector.load %arg3[%get3A_4, %get3A_5, %get3A_6] : memref<1x2000x32xf32, #tpu.memory_space<vmem>>, vector<1x2000x32xf32>
    %get3A_8 = vector.shape_cast %get3A_7 : vector<1x2000x32xf32> to vector<2000x32xf32>
    %add3A = arith.addf %get3A_3, %get3A_8 : vector<2000x32xf32>
    %gt3A = arith.constant 1.000000e+00 : f32
    %gt3A_9 = vector.broadcast %gt3A : f32 to vector<2000x32xf32>
    %gt3A_10 = arith.cmpf ogt, %add3A, %gt3A_9 : vector<2000x32xf32>
    %jit3A = arith.constant 1.000000e+00 : f32
    %broadcast_in_dim3A = vector.broadcast %jit3A : f32 to vector<2000x32xf32>
    %select_n3A = arith.select %gt3A_10, %broadcast_in_dim3A, %add3A : vector<2000x32xi1>, vector<2000x32xf32>
    %get3A_11 = arith.constant 0 : index
    %get3A_12 = arith.constant 0 : index
    %get3A_13 = vector.load %arg4[%get3A_11, %get3A_12] : memref<2000x32xf32, #tpu.memory_space<vmem>>, vector<2000x32xf32>
    %get3A_14 = arith.constant 0 : index
    %get3A_15 = arith.constant 0 : index
    %get3A_16 = vector.load %arg1[%get3A_14, %get3A_15] : memref<1x32xf32, #tpu.memory_space<vmem>>, vector<1x32xf32>
    %sub3A = arith.constant 1.000000e+00 : f32
    %sub3A_17 = vector.broadcast %sub3A : f32 to vector<1x32xf32>
    %sub3A_18 = arith.subf %sub3A_17, %get3A_16 : vector<1x32xf32>
    %mul3A = vector.broadcast %sub3A_18 : vector<1x32xf32> to vector<2000x32xf32>
    %mul3A_19 = arith.mulf %get3A_13, %mul3A : vector<2000x32xf32>
    %sub3A_20 = arith.constant 1.000000e+00 : f32
    %sub3A_21 = vector.broadcast %sub3A_20 : f32 to vector<2000x32xf32>
    %sub3A_22 = arith.subf %sub3A_21, %mul3A_19 : vector<2000x32xf32>
    %mul3A_23 = arith.mulf %select_n3A, %sub3A_22 : vector<2000x32xf32>
    %eq3A = arith.constant 0 : i32
    %eq3A_24 = arith.cmpi eq, %arg0, %eq3A : i32
    %convert_element_type3A = arith.extui %eq3A_24 : i1 to i32
    %cond3A = arith.constant 0 : i32
    %cond3A_25 = arith.cmpi ne, %convert_element_type3A, %cond3A : i32
    scf.if %cond3A_25 {
      %broadcast_in_dim3A_70 = arith.constant 0.000000e+00 : f32
      %broadcast_in_dim3A_71 = vector.broadcast %broadcast_in_dim3A_70 : f32 to vector<128x32xf32>
      %swap3A_72 = arith.constant 0 : index
      %swap3A_73 = arith.constant 0 : index
      %swap3A_74 = vector.load %arg7[%swap3A_72, %swap3A_73] : memref<128x32xf32, #tpu.memory_space<vmem>>, vector<128x32xf32>
      tpu.vector_store %arg7[%swap3A_72, %swap3A_73], %broadcast_in_dim3A_71 {strides = array<i32>} : memref<128x32xf32, #tpu.memory_space<vmem>>, vector<128x32xf32>,
      %broadcast_in_dim3A_75 = arith.constant 0.000000e+00 : f32
      %broadcast_in_dim3A_76 = vector.broadcast %broadcast_in_dim3A_75 : f32 to vector<1x32xf32>
      %swap3A_77 = arith.constant 0 : index
      %swap3A_78 = arith.constant 0 : index
      %swap3A_79 = vector.load %arg8[%swap3A_77, %swap3A_78] : memref<1x32xf32, #tpu.memory_space<vmem>>, vector<1x32xf32>
      tpu.vector_store %arg8[%swap3A_77, %swap3A_78], %broadcast_in_dim3A_76 {strides = array<i32>} : memref<1x32xf32, #tpu.memory_space<vmem>>, vector<1x32xf32>,
      %broadcast_in_dim3A_80 = arith.constant 0.000000e+00 : f32
      %broadcast_in_dim3A_81 = vector.broadcast %broadcast_in_dim3A_80 : f32 to vector<1x32xf32>
      %swap3A_82 = arith.constant 0 : index
      %swap3A_83 = arith.constant 0 : index
      %swap3A_84 = vector.load %arg9[%swap3A_82, %swap3A_83] : memref<1x32xf32, #tpu.memory_space<vmem>>, vector<1x32xf32>
      tpu.vector_store %arg9[%swap3A_82, %swap3A_83], %broadcast_in_dim3A_81 {strides = array<i32>} : memref<1x32xf32, #tpu.memory_space<vmem>>, vector<1x32xf32>,
      %broadcast_in_dim3A_85 = arith.constant 0.000000e+00 : f32
      %broadcast_in_dim3A_86 = vector.broadcast %broadcast_in_dim3A_85 : f32 to vector<1x32xf32>
      %swap3A_87 = arith.constant 0 : index
      %swap3A_88 = arith.constant 0 : index
      %swap3A_89 = vector.load %arg10[%swap3A_87, %swap3A_88] : memref<1x32xf32, #tpu.memory_space<vmem>>, vector<1x32xf32>
      tpu.vector_store %arg10[%swap3A_87, %swap3A_88], %broadcast_in_dim3A_86 {strides = array<i32>} : memref<1x32xf32, #tpu.memory_space<vmem>>, vector<1x32xf32>,
    } else {
    }
    %get3A_26 = arith.constant 0 : index
    %get3A_27 = arith.constant 0 : index
    %get3A_28 = vector.load %arg7[%get3A_26, %get3A_27] : memref<128x32xf32, #tpu.memory_space<vmem>>, vector<128x32xf32>
    %get3A_29 = arith.constant 0 : index
    %get3A_30 = arith.constant 0 : index
    %get3A_31 = vector.load %arg6[%get3A_29, %get3A_30] : memref<2000x128xf32, #tpu.memory_space<vmem>>, vector<2000x128xf32>
    %dot_general3A = arith.constant dense<0.000000e+00> : vector<128x32xf32>
    %dot_general3A_32 = tpu.matmul %get3A_31, %mul3A_23, %dot_general3A {dimension_numbers = #tpu.dot_dimension_numbers<[0], [0], [1], [1], [0, 1, 1, 1], [], []>, transpose_lhs_hint = false} : vector<2000x128xf32>, vector<2000x32xf32>, vector<128x32xf32> -> vector<128x32xf32>
    %add3A_33 = arith.addf %get3A_28, %dot_general3A_32 : vector<128x32xf32>
    %swap3A = arith.constant 0 : index
    %swap3A_34 = arith.constant 0 : index
    %swap3A_35 = vector.load %arg7[%swap3A, %swap3A_34] : memref<128x32xf32, #tpu.memory_space<vmem>>, vector<128x32xf32>
    tpu.vector_store %arg7[%swap3A, %swap3A_34], %add3A_33 {strides = array<i32>} : memref<128x32xf32, #tpu.memory_space<vmem>>, vector<128x32xf32>,
    %get3A_36 = arith.constant 0 : index
    %get3A_37 = arith.constant 0 : index
    %get3A_38 = vector.load %arg8[%get3A_36, %get3A_37] : memref<1x32xf32, #tpu.memory_space<vmem>>, vector<1x32xf32>
    %reduce_sum3A = arith.constant dense<0.000000e+00> : vector<32xf32>
    %reduce_sum3A_39 = vector.multi_reduction <add>, %mul3A_23, %reduce_sum3A [0] : vector<2000x32xf32> to vector<32xf32>
    %broadcast_in_dim3A_40 = vector.shape_cast %reduce_sum3A_39 : vector<32xf32> to vector<1x32xf32>
    %add3A_41 = arith.addf %get3A_38, %broadcast_in_dim3A_40 : vector<1x32xf32>
    %swap3A_42 = arith.constant 0 : index
    %swap3A_43 = arith.constant 0 : index
    %swap3A_44 = vector.load %arg8[%swap3A_42, %swap3A_43] : memref<1x32xf32, #tpu.memory_space<vmem>>, vector<1x32xf32>
    tpu.vector_store %arg8[%swap3A_42, %swap3A_43], %add3A_41 {strides = array<i32>} : memref<1x32xf32, #tpu.memory_space<vmem>>, vector<1x32xf32>,
    %get3A_45 = arith.constant 0 : index
    %get3A_46 = arith.constant 0 : index
    %get3A_47 = vector.load %arg9[%get3A_45, %get3A_46] : memref<1x32xf32, #tpu.memory_space<vmem>>, vector<1x32xf32>
    %mul3A_48 = arith.mulf %mul3A_23, %mul3A_23 : vector<2000x32xf32>
    %reduce_sum3A_49 = arith.constant dense<0.000000e+00> : vector<32xf32>
    %reduce_sum3A_50 = vector.multi_reduction <add>, %mul3A_48, %reduce_sum3A_49 [0] : vector<2000x32xf32> to vector<32xf32>
    %broadcast_in_dim3A_51 = vector.shape_cast %reduce_sum3A_50 : vector<32xf32> to vector<1x32xf32>
    %add3A_52 = arith.addf %get3A_47, %broadcast_in_dim3A_51 : vector<1x32xf32>
    %swap3A_53 = arith.constant 0 : index
    %swap3A_54 = arith.constant 0 : index
    %swap3A_55 = vector.load %arg9[%swap3A_53, %swap3A_54] : memref<1x32xf32, #tpu.memory_space<vmem>>, vector<1x32xf32>
    tpu.vector_store %arg9[%swap3A_53, %swap3A_54], %add3A_52 {strides = array<i32>} : memref<1x32xf32, #tpu.memory_space<vmem>>, vector<1x32xf32>,
    %get3A_56 = arith.constant 0 : index
    %get3A_57 = arith.constant 0 : index
    %get3A_58 = vector.load %arg10[%get3A_56, %get3A_57] : memref<1x32xf32, #tpu.memory_space<vmem>>, vector<1x32xf32>
    %get3A_59 = arith.constant 0 : index
    %get3A_60 = arith.constant 0 : index
    %get3A_61 = vector.load %arg5[%get3A_59, %get3A_60] : memref<2000x32xf32, #tpu.memory_space<vmem>>, vector<2000x32xf32>
    %mul3A_62 = arith.mulf %get3A_61, %mul3A_23 : vector<2000x32xf32>
    %reduce_sum3A_63 = arith.constant dense<0.000000e+00> : vector<32xf32>
    %reduce_sum3A_64 = vector.multi_reduction <add>, %mul3A_62, %reduce_sum3A_63 [0] : vector<2000x32xf32> to vector<32xf32>
    %broadcast_in_dim3A_65 = vector.shape_cast %reduce_sum3A_64 : vector<32xf32> to vector<1x32xf32>
    %add3A_66 = arith.addf %get3A_58, %broadcast_in_dim3A_65 : vector<1x32xf32>
    %swap3A_67 = arith.constant 0 : index
    %swap3A_68 = arith.constant 0 : index
    %swap3A_69 = vector.load %arg10[%swap3A_67, %swap3A_68] : memref<1x32xf32, #tpu.memory_space<vmem>>, vector<1x32xf32>
    tpu.vector_store %arg10[%swap3A_67, %swap3A_68], %add3A_66 {strides = array<i32>} : memref<1x32xf32, #tpu.memory_space<vmem>>, vector<1x32xf32>,
    return
  }
  func.func @transform_0(%arg0: i32) -> (i32, i32) {
    %c0_i32 = arith.constant 0 : i32
    %c0_i32_0 = arith.constant 0 : i32
    %c0_i32_1 = arith.constant 0 : i32
    return %c0_i32, %c0_i32_0 : i32, i32
  }
  func.func @transform_1(%arg0: i32) -> (i32, i32, i32) {
    %c0_i32 = arith.constant 0 : i32
    %c0_i32_0 = arith.constant 0 : i32
    %c0_i32_1 = arith.constant 0 : i32
    return %c0_i32, %arg0, %c0_i32_0 : i32, i32, i32
  }
  func.func @transform_2(%arg0: i32) -> (i32, i32, i32) {
    %c1_i32 = arith.constant 1 : i32
    %c0_i32 = arith.constant 0 : i32
    %c0_i32_0 = arith.constant 0 : i32
    return %c1_i32, %arg0, %c0_i32 : i32, i32, i32
  }
  func.func @transform_3(%arg0: i32) -> (i32, i32) {
    %c0_i32 = arith.constant 0 : i32
    %c0_i32_0 = arith.constant 0 : i32
    return %arg0, %c0_i32 : i32, i32
  }
  func.func @transform_4(%arg0: i32) -> (i32, i32) {
    %c0_i32 = arith.constant 0 : i32
    %c0_i32_0 = arith.constant 0 : i32
    return %arg0, %c0_i32 : i32, i32
  }
  func.func @transform_5(%arg0: i32) -> (i32, i32) {
    %c0_i32 = arith.constant 0 : i32
    %c0_i32_0 = arith.constant 0 : i32
    return %arg0, %c0_i32 : i32, i32
  }
  func.func @transform_6(%arg0: i32) -> (i32, i32) {
    %c0_i32 = arith.constant 0 : i32
    %c0_i32_0 = arith.constant 0 : i32
    %c0_i32_1 = arith.constant 0 : i32
    return %c0_i32, %c0_i32_0 : i32, i32
  }
  func.func @transform_7(%arg0: i32) -> (i32, i32) {
    %c0_i32 = arith.constant 0 : i32
    %c0_i32_0 = arith.constant 0 : i32
    %c0_i32_1 = arith.constant 0 : i32
    return %c0_i32, %c0_i32_0 : i32, i32
  }
  func.func @transform_8(%arg0: i32) -> (i32, i32) {
    %c0_i32 = arith.constant 0 : i32
    %c0_i32_0 = arith.constant 0 : i32
    %c0_i32_1 = arith.constant 0 : i32
    return %c0_i32, %c0_i32_0 : i32, i32
  }
  func.func @transform_9(%arg0: i32) -> (i32, i32) {
    %c0_i32 = arith.constant 0 : i32
    %c0_i32_0 = arith.constant 0 : i32
    %c0_i32_1 = arith.constant 0 : i32
    return %c0_i32, %c0_i32_0 : i32, i32
  }
}

module attributes {stable_mosaic.version = 14 : i64} {
  func.func @_pass2_body(%arg0: i32, %arg1: memref<128x32xf32, #tpu.memory_space<vmem>>, %arg2: memref<1x32xf32, #tpu.memory_space<vmem>>, %arg3: memref<1x32xf32, #tpu.memory_space<vmem>>, %arg4: memref<1x32xf32, #tpu.memory_space<vmem>>, %arg5: memref<6272x128xf32, #tpu.memory_space<vmem>>, %arg6: memref<6272x32xf32, #tpu.memory_space<vmem>>, %arg7: memref<6272x1xf32, #tpu.memory_space<vmem>>, %arg8: memref<1x32xf32, #tpu.memory_space<vmem>>, %arg9: memref<1x32xf32, #tpu.memory_space<vmem>>, %arg10: memref<1x32xf32, #tpu.memory_space<vmem>>, %arg11: memref<1x1xf32, #tpu.memory_space<vmem>>, %arg12: memref<1x1xf32, #tpu.memory_space<vmem>>) attributes {dimension_semantics = [#tpu.dimension_semantics<arbitrary>], iteration_bounds = array<i64: 8>, scalar_prefetch = 0 : i64, scratch_operands = 0 : i64, tpu.core_type = #tpu.core_type<tc>, window_params = [{pipeline_mode = #tpu.pipeline_mode<synchronous>, transform_indices = @transform_0, window_bounds = array<i64: 128, 32>}, {pipeline_mode = #tpu.pipeline_mode<synchronous>, transform_indices = @transform_1, window_bounds = array<i64: 1, 32>}, {pipeline_mode = #tpu.pipeline_mode<synchronous>, transform_indices = @transform_2, window_bounds = array<i64: 1, 32>}, {pipeline_mode = #tpu.pipeline_mode<synchronous>, transform_indices = @transform_3, window_bounds = array<i64: 1, 32>}, {transform_indices = @transform_4, window_bounds = array<i64: 6272, 128>}, {transform_indices = @transform_5, window_bounds = array<i64: 6272, 32>}, {transform_indices = @transform_6, window_bounds = array<i64: 6272, 1>}, {pipeline_mode = #tpu.pipeline_mode<synchronous>, transform_indices = @transform_7, window_bounds = array<i64: 1, 32>}, {pipeline_mode = #tpu.pipeline_mode<synchronous>, transform_indices = @transform_8, window_bounds = array<i64: 1, 32>}, {pipeline_mode = #tpu.pipeline_mode<synchronous>, transform_indices = @transform_9, window_bounds = array<i64: 1, 32>}, {pipeline_mode = #tpu.pipeline_mode<synchronous>, transform_indices = @transform_10, window_bounds = array<i64: 1, 1>}, {pipeline_mode = #tpu.pipeline_mode<synchronous>, transform_indices = @transform_11, window_bounds = array<i64: 1, 1>}]} {
    %get3A = arith.constant 0 : index
    %get3A_0 = arith.constant 0 : index
    %get3A_1 = vector.load %arg1[%get3A, %get3A_0] : memref<128x32xf32, #tpu.memory_space<vmem>>, vector<128x32xf32>
    %get3A_2 = arith.constant 0 : index
    %get3A_3 = arith.constant 0 : index
    %get3A_4 = vector.load %arg2[%get3A_2, %get3A_3] : memref<1x32xf32, #tpu.memory_space<vmem>>, vector<1x32xf32>
    %add3A = arith.constant 9.99999997E-7 : f32
    %add3A_5 = vector.broadcast %add3A : f32 to vector<1x32xf32>
    %add3A_6 = arith.addf %get3A_4, %add3A_5 : vector<1x32xf32>
    %div3A = vector.broadcast %add3A_6 : vector<1x32xf32> to vector<128x32xf32>
    %div3A_7 = arith.divf %get3A_1, %div3A : vector<128x32xf32>
    %get3A_8 = arith.constant 0 : index
    %get3A_9 = arith.constant 0 : index
    %get3A_10 = vector.load %arg5[%get3A_8, %get3A_9] : memref<6272x128xf32, #tpu.memory_space<vmem>>, vector<6272x128xf32>
    %dot_general3A = arith.constant dense<0.000000e+00> : vector<6272x32xf32>
    %dot_general3A_11 = tpu.matmul %get3A_10, %div3A_7, %dot_general3A {dimension_numbers = #tpu.dot_dimension_numbers<[1], [0], [0], [1], [0, 0, 1, 1], [], []>, transpose_lhs_hint = false} : vector<6272x128xf32>, vector<128x32xf32>, vector<6272x32xf32> -> vector<6272x32xf32>
    %get3A_12 = arith.constant 0 : index
    %get3A_13 = arith.constant 0 : index
    %get3A_14 = vector.load %arg7[%get3A_12, %get3A_13] : memref<6272x1xf32, #tpu.memory_space<vmem>>, vector<6272x1xf32>
    %add3A_15 = vector.broadcast %get3A_14 : vector<6272x1xf32> to vector<6272x32xf32>
    %add3A_16 = arith.addf %dot_general3A_11, %add3A_15 : vector<6272x32xf32>
    %reduce_max3A = arith.constant dense<0xFF800000> : vector<32xf32>
    %reduce_max3A_17 = vector.multi_reduction <maximumf>, %add3A_16, %reduce_max3A [0] : vector<6272x32xf32> to vector<32xf32>
    %broadcast_in_dim3A = vector.shape_cast %reduce_max3A_17 : vector<32xf32> to vector<1x32xf32>
    %get3A_18 = arith.constant 0 : index
    %get3A_19 = arith.constant 0 : index
    %get3A_20 = vector.load %arg6[%get3A_18, %get3A_19] : memref<6272x32xf32, #tpu.memory_space<vmem>>, vector<6272x32xf32>
    %mul3A = arith.mulf %get3A_20, %add3A_16 : vector<6272x32xf32>
    %reduce_sum3A = arith.constant dense<0.000000e+00> : vector<32xf32>
    %reduce_sum3A_21 = vector.multi_reduction <add>, %mul3A, %reduce_sum3A [0] : vector<6272x32xf32> to vector<32xf32>
    %broadcast_in_dim3A_22 = vector.shape_cast %reduce_sum3A_21 : vector<32xf32> to vector<1x32xf32>
    %eq3A = arith.constant 0 : i32
    %eq3A_23 = arith.cmpi eq, %arg0, %eq3A : i32
    %convert_element_type3A = arith.extui %eq3A_23 : i1 to i32
    %cond3A = arith.constant 0 : i32
    %cond3A_24 = arith.cmpi ne, %convert_element_type3A, %cond3A : i32
    scf.if %cond3A_24 {
      %swap3A = arith.constant 0 : index
      %swap3A_34 = arith.constant 0 : index
      %swap3A_35 = vector.load %arg8[%swap3A, %swap3A_34] : memref<1x32xf32, #tpu.memory_space<vmem>>, vector<1x32xf32>
      tpu.vector_store %arg8[%swap3A, %swap3A_34], %broadcast_in_dim3A {strides = array<i32>} : memref<1x32xf32, #tpu.memory_space<vmem>>, vector<1x32xf32>,
      %sub3A = vector.broadcast %broadcast_in_dim3A : vector<1x32xf32> to vector<6272x32xf32>
      %sub3A_36 = arith.subf %add3A_16, %sub3A : vector<6272x32xf32>
      %exp3A = math.exp %sub3A_36 : vector<6272x32xf32>
      %reduce_sum3A_37 = arith.constant dense<0.000000e+00> : vector<32xf32>
      %reduce_sum3A_38 = vector.multi_reduction <add>, %exp3A, %reduce_sum3A_37 [0] : vector<6272x32xf32> to vector<32xf32>
      %broadcast_in_dim3A_39 = vector.shape_cast %reduce_sum3A_38 : vector<32xf32> to vector<1x32xf32>
      %swap3A_40 = arith.constant 0 : index
      %swap3A_41 = arith.constant 0 : index
      %swap3A_42 = vector.load %arg9[%swap3A_40, %swap3A_41] : memref<1x32xf32, #tpu.memory_space<vmem>>, vector<1x32xf32>
      tpu.vector_store %arg9[%swap3A_40, %swap3A_41], %broadcast_in_dim3A_39 {strides = array<i32>} : memref<1x32xf32, #tpu.memory_space<vmem>>, vector<1x32xf32>,
      %swap3A_43 = arith.constant 0 : index
      %swap3A_44 = arith.constant 0 : index
      %swap3A_45 = vector.load %arg10[%swap3A_43, %swap3A_44] : memref<1x32xf32, #tpu.memory_space<vmem>>, vector<1x32xf32>
      tpu.vector_store %arg10[%swap3A_43, %swap3A_44], %broadcast_in_dim3A_22 {strides = array<i32>} : memref<1x32xf32, #tpu.memory_space<vmem>>, vector<1x32xf32>,
    } else {
    }
    %gt3A = arith.constant 0 : i32
    %gt3A_25 = arith.cmpi sgt, %arg0, %gt3A : i32
    %convert_element_type3A_26 = arith.extui %gt3A_25 : i1 to i32
    %cond3A_27 = arith.constant 0 : i32
    %cond3A_28 = arith.cmpi ne, %convert_element_type3A_26, %cond3A_27 : i32
    scf.if %cond3A_28 {
      %get3A_34 = arith.constant 0 : index
      %get3A_35 = arith.constant 0 : index
      %get3A_36 = vector.load %arg8[%get3A_34, %get3A_35] : memref<1x32xf32, #tpu.memory_space<vmem>>, vector<1x32xf32>
      %max3A = arith.maximumf %get3A_36, %broadcast_in_dim3A : vector<1x32xf32>
      %get3A_37 = arith.constant 0 : index
      %get3A_38 = arith.constant 0 : index
      %get3A_39 = vector.load %arg9[%get3A_37, %get3A_38] : memref<1x32xf32, #tpu.memory_space<vmem>>, vector<1x32xf32>
      %get3A_40 = arith.constant 0 : index
      %get3A_41 = arith.constant 0 : index
      %get3A_42 = vector.load %arg8[%get3A_40, %get3A_41] : memref<1x32xf32, #tpu.memory_space<vmem>>, vector<1x32xf32>
      %sub3A = arith.subf %get3A_42, %max3A : vector<1x32xf32>
      %exp3A = math.exp %sub3A : vector<1x32xf32>
      %mul3A_43 = arith.mulf %get3A_39, %exp3A : vector<1x32xf32>
      %sub3A_44 = vector.broadcast %max3A : vector<1x32xf32> to vector<6272x32xf32>
      %sub3A_45 = arith.subf %add3A_16, %sub3A_44 : vector<6272x32xf32>
      %exp3A_46 = math.exp %sub3A_45 : vector<6272x32xf32>
      %reduce_sum3A_47 = arith.constant dense<0.000000e+00> : vector<32xf32>
      %reduce_sum3A_48 = vector.multi_reduction <add>, %exp3A_46, %reduce_sum3A_47 [0] : vector<6272x32xf32> to vector<32xf32>
      %broadcast_in_dim3A_49 = vector.shape_cast %reduce_sum3A_48 : vector<32xf32> to vector<1x32xf32>
      %add3A_50 = arith.addf %mul3A_43, %broadcast_in_dim3A_49 : vector<1x32xf32>
      %swap3A = arith.constant 0 : index
      %swap3A_51 = arith.constant 0 : index
      %swap3A_52 = vector.load %arg9[%swap3A, %swap3A_51] : memref<1x32xf32, #tpu.memory_space<vmem>>, vector<1x32xf32>
      tpu.vector_store %arg9[%swap3A, %swap3A_51], %add3A_50 {strides = array<i32>} : memref<1x32xf32, #tpu.memory_space<vmem>>, vector<1x32xf32>,
      %swap3A_53 = arith.constant 0 : index
      %swap3A_54 = arith.constant 0 : index
      %swap3A_55 = vector.load %arg8[%swap3A_53, %swap3A_54] : memref<1x32xf32, #tpu.memory_space<vmem>>, vector<1x32xf32>
      tpu.vector_store %arg8[%swap3A_53, %swap3A_54], %max3A {strides = array<i32>} : memref<1x32xf32, #tpu.memory_space<vmem>>, vector<1x32xf32>,
      %get3A_56 = arith.constant 0 : index
      %get3A_57 = arith.constant 0 : index
      %get3A_58 = vector.load %arg10[%get3A_56, %get3A_57] : memref<1x32xf32, #tpu.memory_space<vmem>>, vector<1x32xf32>
      %add3A_59 = arith.addf %get3A_58, %broadcast_in_dim3A_22 : vector<1x32xf32>
      %swap3A_60 = arith.constant 0 : index
      %swap3A_61 = arith.constant 0 : index
      %swap3A_62 = vector.load %arg10[%swap3A_60, %swap3A_61] : memref<1x32xf32, #tpu.memory_space<vmem>>, vector<1x32xf32>
      tpu.vector_store %arg10[%swap3A_60, %swap3A_61], %add3A_59 {strides = array<i32>} : memref<1x32xf32, #tpu.memory_space<vmem>>, vector<1x32xf32>,
    } else {
    }
    %eq3A_29 = arith.constant 7 : i32
    %eq3A_30 = arith.cmpi eq, %arg0, %eq3A_29 : i32
    %convert_element_type3A_31 = arith.extui %eq3A_30 : i1 to i32
    %cond3A_32 = arith.constant 0 : i32
    %cond3A_33 = arith.cmpi ne, %convert_element_type3A_31, %cond3A_32 : i32
    scf.if %cond3A_33 {
      %get3A_34 = arith.constant 0 : index
      %get3A_35 = arith.constant 0 : index
      %get3A_36 = vector.load %arg9[%get3A_34, %get3A_35] : memref<1x32xf32, #tpu.memory_space<vmem>>, vector<1x32xf32>
      %log3A = math.log %get3A_36 : vector<1x32xf32>
      %get3A_37 = arith.constant 0 : index
      %get3A_38 = arith.constant 0 : index
      %get3A_39 = vector.load %arg8[%get3A_37, %get3A_38] : memref<1x32xf32, #tpu.memory_space<vmem>>, vector<1x32xf32>
      %add3A_40 = arith.addf %log3A, %get3A_39 : vector<1x32xf32>
      %get3A_41 = arith.constant 0 : index
      %get3A_42 = arith.constant 0 : index
      %get3A_43 = vector.load %arg10[%get3A_41, %get3A_42] : memref<1x32xf32, #tpu.memory_space<vmem>>, vector<1x32xf32>
      %sub3A = arith.subf %get3A_43, %add3A_40 : vector<1x32xf32>
      %reduce_sum3A_44 = vector.shape_cast %sub3A : vector<1x32xf32> to vector<1x1x32xf32>
      %reduce_sum3A_45 = arith.constant dense<0.000000e+00> : vector<1xf32>
      %reduce_sum3A_46 = vector.multi_reduction <add>, %reduce_sum3A_44, %reduce_sum3A_45 [1, 2] : vector<1x1x32xf32> to vector<1xf32>
      %reduce_sum3A_47 = vector.shape_cast %reduce_sum3A_46 : vector<1xf32> to vector<1x1x1xf32>
      %reduce_sum3A_48 = vector.extract %reduce_sum3A_47[0, 0, 0] : f32 from vector<1x1x1xf32>
      %neg3A = arith.constant 0.000000e+00 : f32
      %neg3A_49 = arith.subf %neg3A, %reduce_sum3A_48 : f32
      %div3A_50 = arith.constant 3.200000e+01 : f32
      %div3A_51 = arith.divf %neg3A_49, %div3A_50 : f32
      %reshape3A = vector.broadcast %div3A_51 : f32 to vector<1x1xf32>
      %swap3A = arith.constant 0 : index
      %swap3A_52 = arith.constant 0 : index
      %swap3A_53 = vector.load %arg12[%swap3A, %swap3A_52] : memref<1x1xf32, #tpu.memory_space<vmem>>, vector<1x1xf32>
      tpu.vector_store %arg12[%swap3A, %swap3A_52], %reshape3A {strides = array<i32>} : memref<1x1xf32, #tpu.memory_space<vmem>>, vector<1x1xf32>,
      %get3A_54 = arith.constant 0 : index
      %get3A_55 = arith.constant 0 : index
      %get3A_56 = vector.load %arg4[%get3A_54, %get3A_55] : memref<1x32xf32, #tpu.memory_space<vmem>>, vector<1x32xf32>
      %get3A_57 = arith.constant 0 : index
      %get3A_58 = arith.constant 0 : index
      %get3A_59 = vector.load %arg3[%get3A_57, %get3A_58] : memref<1x32xf32, #tpu.memory_space<vmem>>, vector<1x32xf32>
      %reduce_sum3A_60 = vector.shape_cast %get3A_59 : vector<1x32xf32> to vector<1x1x32xf32>
      %reduce_sum3A_61 = arith.constant dense<0.000000e+00> : vector<1xf32>
      %reduce_sum3A_62 = vector.multi_reduction <add>, %reduce_sum3A_60, %reduce_sum3A_61 [1, 2] : vector<1x1x32xf32> to vector<1xf32>
      %reduce_sum3A_63 = vector.shape_cast %reduce_sum3A_62 : vector<1xf32> to vector<1x1x1xf32>
      %reduce_sum3A_64 = vector.extract %reduce_sum3A_63[0, 0, 0] : f32 from vector<1x1x1xf32>
      %mul3A_65 = arith.mulf %get3A_56, %get3A_56 : vector<1x32xf32>
      %reduce_sum3A_66 = vector.shape_cast %mul3A_65 : vector<1x32xf32> to vector<1x1x32xf32>
      %reduce_sum3A_67 = arith.constant dense<0.000000e+00> : vector<1xf32>
      %reduce_sum3A_68 = vector.multi_reduction <add>, %reduce_sum3A_66, %reduce_sum3A_67 [1, 2] : vector<1x1x32xf32> to vector<1xf32>
      %reduce_sum3A_69 = vector.shape_cast %reduce_sum3A_68 : vector<1xf32> to vector<1x1x1xf32>
      %reduce_sum3A_70 = vector.extract %reduce_sum3A_69[0, 0, 0] : f32 from vector<1x1x1xf32>
      %sub3A_71 = arith.subf %reduce_sum3A_64, %reduce_sum3A_70 : f32
      %sub3A_72 = arith.constant 1.000000e+00 : f32
      %sub3A_73 = vector.broadcast %sub3A_72 : f32 to vector<1x32xf32>
      %sub3A_74 = arith.subf %get3A_56, %sub3A_73 : vector<1x32xf32>
      %integer_pow3A = arith.mulf %sub3A_74, %sub3A_74 : vector<1x32xf32>
      %mul3A_75 = arith.constant 1.000000e+01 : f32
      %mul3A_76 = vector.broadcast %mul3A_75 : f32 to vector<1x32xf32>
      %mul3A_77 = arith.mulf %mul3A_76, %integer_pow3A : vector<1x32xf32>
      %reduce_sum3A_78 = vector.shape_cast %mul3A_77 : vector<1x32xf32> to vector<1x1x32xf32>
      %reduce_sum3A_79 = arith.constant dense<0.000000e+00> : vector<1xf32>
      %reduce_sum3A_80 = vector.multi_reduction <add>, %reduce_sum3A_78, %reduce_sum3A_79 [1, 2] : vector<1x1x32xf32> to vector<1xf32>
      %reduce_sum3A_81 = vector.shape_cast %reduce_sum3A_80 : vector<1xf32> to vector<1x1x1xf32>
      %reduce_sum3A_82 = vector.extract %reduce_sum3A_81[0, 0, 0] : f32 from vector<1x1x1xf32>
      %add3A_83 = arith.addf %sub3A_71, %reduce_sum3A_82 : f32
      %div3A_84 = arith.constant 1.600000e+06 : f32
      %div3A_85 = arith.divf %add3A_83, %div3A_84 : f32
      %reshape3A_86 = vector.broadcast %div3A_85 : f32 to vector<1x1xf32>
      %swap3A_87 = arith.constant 0 : index
      %swap3A_88 = arith.constant 0 : index
      %swap3A_89 = vector.load %arg11[%swap3A_87, %swap3A_88] : memref<1x1xf32, #tpu.memory_space<vmem>>, vector<1x1xf32>
      tpu.vector_store %arg11[%swap3A_87, %swap3A_88], %reshape3A_86 {strides = array<i32>} : memref<1x1xf32, #tpu.memory_space<vmem>>, vector<1x1xf32>,
    } else {
    }
    return
  }
  func.func @transform_0(%arg0: i32) -> (i32, i32) {
    %c0_i32 = arith.constant 0 : i32
    %c0_i32_0 = arith.constant 0 : i32
    %c0_i32_1 = arith.constant 0 : i32
    return %c0_i32, %c0_i32_0 : i32, i32
  }
  func.func @transform_1(%arg0: i32) -> (i32, i32) {
    %c0_i32 = arith.constant 0 : i32
    %c0_i32_0 = arith.constant 0 : i32
    %c0_i32_1 = arith.constant 0 : i32
    return %c0_i32, %c0_i32_0 : i32, i32
  }
  func.func @transform_2(%arg0: i32) -> (i32, i32) {
    %c0_i32 = arith.constant 0 : i32
    %c0_i32_0 = arith.constant 0 : i32
    %c0_i32_1 = arith.constant 0 : i32
    return %c0_i32, %c0_i32_0 : i32, i32
  }
  func.func @transform_3(%arg0: i32) -> (i32, i32) {
    %c0_i32 = arith.constant 0 : i32
    %c0_i32_0 = arith.constant 0 : i32
    %c0_i32_1 = arith.constant 0 : i32
    return %c0_i32, %c0_i32_0 : i32, i32
  }
  func.func @transform_4(%arg0: i32) -> (i32, i32) {
    %c0_i32 = arith.constant 0 : i32
    %c0_i32_0 = arith.constant 0 : i32
    return %arg0, %c0_i32 : i32, i32
  }
  func.func @transform_5(%arg0: i32) -> (i32, i32) {
    %c0_i32 = arith.constant 0 : i32
    %c0_i32_0 = arith.constant 0 : i32
    return %arg0, %c0_i32 : i32, i32
  }
  func.func @transform_6(%arg0: i32) -> (i32, i32) {
    %c0_i32 = arith.constant 0 : i32
    %c0_i32_0 = arith.constant 0 : i32
    return %arg0, %c0_i32 : i32, i32
  }
  func.func @transform_7(%arg0: i32) -> (i32, i32) {
    %c0_i32 = arith.constant 0 : i32
    %c0_i32_0 = arith.constant 0 : i32
    %c0_i32_1 = arith.constant 0 : i32
    return %c0_i32, %c0_i32_0 : i32, i32
  }
  func.func @transform_8(%arg0: i32) -> (i32, i32) {
    %c0_i32 = arith.constant 0 : i32
    %c0_i32_0 = arith.constant 0 : i32
    %c0_i32_1 = arith.constant 0 : i32
    return %c0_i32, %c0_i32_0 : i32, i32
  }
  func.func @transform_9(%arg0: i32) -> (i32, i32) {
    %c0_i32 = arith.constant 0 : i32
    %c0_i32_0 = arith.constant 0 : i32
    %c0_i32_1 = arith.constant 0 : i32
    return %c0_i32, %c0_i32_0 : i32, i32
  }
  func.func @transform_10(%arg0: i32) -> (i32, i32) {
    %c0_i32 = arith.constant 0 : i32
    %c0_i32_0 = arith.constant 0 : i32
    %c0_i32_1 = arith.constant 0 : i32
    return %c0_i32, %c0_i32_0 : i32, i32
  }
  func.func @transform_11(%arg0: i32) -> (i32, i32) {
    %c0_i32 = arith.constant 0 : i32
    %c0_i32_0 = arith.constant 0 : i32
    %c0_i32_1 = arith.constant 0 : i32
    return %c0_i32, %c0_i32_0 : i32, i32
  }
}

</mosaic_0001>

<sc_bundles>
// kernel: kernel.10.cloned.1.call-start
scs
__scs_entry_jumppad:
0x0: {  	(pc) =	sbr.rel $0x88, $3  }
0x1: {  	(tag) =	ssettag $0x0;
	lr =	simm.s32 $0x1  }
0x2: {  	[smem:$0x3F94] =	sst lr;
	_ =	strace $0xD0000000  }
0x3: {  	_ = 	snop  }
0x4: {  	_ = 	snop  }
0x5: {  	_ = 	snop  }
0x6: {  	_ = 	snop  }
0x7: {  	_ = 	snop  }
__scs_overlays_trampoline_lowered:
0x8: {  	[smem:$0x3FA3] =	sst s0  }
0x9: {  	[smem:$0x3FA4] =	sst s1  }
0xa: {  	[smem:$0x3FA5] =	sst s2  }
0xb: {  	[smem:$0x3FA6] =	sst s3  }
0xc: {  	[smem:$0x3FA7] =	sst s4  }
0xd: {  	[smem:$0x3FA8] =	sst s5  }
0xe: {  	[smem:$0x3FA9] =	sst s6  }
0xf: {  	[smem:$0x3FAA] =	sst s7  }
0x10: {  	[smem:$0x3FAB] =	sst s8  }
0x11: {  	[smem:$0x3FAC] =	sst s9;
	s0 =	simm.s32 @!p0 $0x0  }
0x12: {  	s1 =	sld [smem:$0x3F92];
	s0 =	simm.s32 @p0 $0x1  }
0x13: {  	[smem:$0x3FAD] =	sst s0;
	s0 =	simm.s32 @!p1 $0x0  }
0x14: {  	s2 =	sld [smem:$0x3F91];
	s0 =	simm.s32 @p1 $0x1  }
0x15: {  	[smem:$0x3FAE] =	sst s0;
	s0 =	simm.s32 @!p2 $0x0  }
0x16: {  	s3 =	sld [smem:$0x3FDB];
	s0 =	simm.s32 @p2 $0x1  }
0x17: {  	s4 =	simm.s32 $0x1BF5;
	[smem:$0x3FB0] =	sst s0  }
0x18: {  	s0 =	sld [smem:$0x3F93];
	_ =	swait.ge [sflag:s4], $0x0  }
0x19: {  	s7 =	sld [smem:$0x3F94]  }
0x1a: {  	s8 =	sadd.s32 $0xFFFFE003, lr  }
0x1b: {  	s9 =	sadd.s32 $0xFFFFFEF7, lr;
	s5 =	simm.s32 $0xFFFFFFFF;
	p2 =	slt.u32 s8, $0xFFFFF086  }
0x1c: {  	p1 =	slt.u32 s9, $0xF7A;
	s5 =	simm.s32 @!p2 $0x0  }
0x1d: {  	s5 =	simm.s32 @p1 $0x1;
	p0 =	seq.s32 s7, s2  }
0x1e: {  	s7 =	smul.u32 @!p0 $0xF7A, s2;
	p2 =	seq.s32 @!p0 s5, $0x0  }
0x1f: {  	s9 =	smul.u32 $0xF7A, s1;
	s8 =	simm.s32 @!p0 $0x1BF5;
	p2 =	por !p2, p0  }
0x20: {  	[sflag:s8] =	ssyncset.s32 @!p0 $0xFFFFF086;
	s6 =	sadd.s32 @!p0 s3, s7;
	s7 =	simm.s32 @!p0 $0x108  }
0x21: {  	s3 =	sadd.s32 s3, s9;
	s6 =	sadd.s32 @!p0 $0x88, s6;
	s7 =	simm.s32 @p2 $0x1082  }
0x22: {  	[simem:s7], [sflag:s8] =	dma.local @!p0 [hbm:s6], $0xF7A  }
0x23: {  	s9 =	sor.u32 $0xD0000000, s2;
	s6 =	simm.s32 $0x108;
	_ =	swait.ge @!p0 [sflag:s8], $0x0  }
0x24: {  	s3 =	sadd.s32 $0x88, s3;
	s6 =	simm.s32 @!p1 $0x1082;
	[sflag:s4] =	ssyncset.s32 $0xFFFFF086  }
0x25: {  	[simem:s6], [sflag:s4] =	dma.local [hbm:s3], $0xF7A  }
0x26: {  	[smem:$0x3F94] =	sst s1;
	(tag) =	ssettag s2;
	_ =	strace s9  }
0x27: {  	s1 =	sld [smem:$0x3FA4]  }
0x28: {  	s2 =	sld [smem:$0x3FA5]  }
0x29: {  	s4 =	sld [smem:$0x3FA7]  }
0x2a: {  	p0 =	seq.s32 s5, $0x0;
	s5 =	sld [smem:$0x3FA8]  }
0x2b: {  	s6 =	sld [smem:$0x3FA9]  }
0x2c: {  	s7 =	sld [smem:$0x3FAA]  }
0x2d: {  	s3 =	simm.s32 $0x108;
	s8 =	sld [smem:$0x3FAB]  }
0x2e: {  	s3 =	simm.s32 @!p0 $0x1082;
	s9 =	sld [smem:$0x3FAC]  }
0x2f: {  	lr =	sadd.s32 s0, s3;
	s0 =	sld [smem:$0x3FA3]  }
0x30: {  	s3 =	sld [smem:$0x3FA6]  }
0x31: {  	[smem:$0x3FAF] =	sst s10  }
0x32: {  	s10 =	sld [smem:$0x3FAD];
	_ =	sdelay $0x3  }
0x33: {  	p0 =	seq.s32 s10, $0x1;
	s10 =	sld [smem:$0x3FAF];
	_ =	sdelay $0x3  }
0x34: {  	[smem:$0x3FAF] =	sst s10  }
0x35: {  	s10 =	sld [smem:$0x3FAE];
	_ =	sdelay $0x3  }
0x36: {  	p1 =	seq.s32 s10, $0x1;
	s10 =	sld [smem:$0x3FAF];
	_ =	sdelay $0x3  }
0x37: {  	[smem:$0x3FAF] =	sst s10  }
0x38: {  	s10 =	sld [smem:$0x3FB0]  }
0x39: {  	_ = 	snop;
	(pc) =	sbr.ind lr, $3  }
0x3a: {  	_ = 	snop  }
0x3b: {  	_ = 	snop  }
0x3c: {  	p2 =	seq.s32 s10, $0x1;
	s10 =	sld [smem:$0x3FAF]  }
0x3d: {  	_ =	shalt  }
0x3e: {  	_ =	shalt  }
0x3f: {  	_ =	shalt  }
0x40: {  	_ =	shalt  }
0x41: {  	_ =	shalt  }
0x42: {  	_ =	shalt  }
0x43: {  	_ =	shalt  }
0x44: {  	_ =	shalt  }
0x45: {  	_ =	shalt  }
0x46: {  	_ =	shalt  }
0x47: {  	_ =	shalt  }
0x48: {  	_ =	shalt  }
0x49: {  	_ =	shalt  }
0x4a: {  	_ =	shalt  }
0x4b: {  	_ =	shalt  }
0x4c: {  	_ =	shalt  }
0x4d: {  	_ =	shalt  }
0x4e: {  	_ =	shalt  }
0x4f: {  	_ =	shalt  }
0x50: {  	_ =	shalt  }
0x51: {  	_ =	shalt  }
0x52: {  	_ =	shalt  }
0x53: {  	_ =	shalt  }
0x54: {  	_ =	shalt  }
0x55: {  	_ =	shalt  }
0x56: {  	_ =	shalt  }
0x57: {  	_ =	shalt  }
0x58: {  	_ =	shalt  }
0x59: {  	_ =	shalt  }
0x5a: {  	_ =	shalt  }
0x5b: {  	_ =	shalt  }
0x5c: {  	_ =	shalt  }
0x5d: {  	_ =	shalt  }
0x5e: {  	_ =	shalt  }
0x5f: {  	_ =	shalt  }
0x60: {  	_ =	shalt  }
0x61: {  	_ =	shalt  }
0x62: {  	_ =	shalt  }
0x63: {  	_ =	shalt  }
0x64: {  	_ =	shalt  }
0x65: {  	_ =	shalt  }
0x66: {  	_ =	shalt  }
0x67: {  	_ =	shalt  }
0x68: {  	_ =	shalt  }
0x69: {  	_ =	shalt  }
0x6a: {  	_ =	shalt  }
0x6b: {  	_ =	shalt  }
0x6c: {  	_ =	shalt  }
0x6d: {  	_ =	shalt  }
0x6e: {  	_ =	shalt  }
0x6f: {  	_ =	shalt  }
0x70: {  	_ =	shalt  }
0x71: {  	_ =	shalt  }
0x72: {  	_ =	shalt  }
0x73: {  	_ =	shalt  }
0x74: {  	_ =	shalt  }
0x75: {  	_ =	shalt  }
0x76: {  	_ =	shalt  }
0x77: {  	_ =	shalt  }
0x78: {  	_ =	shalt  }
0x79: {  	_ =	shalt  }
0x7a: {  	_ =	shalt  }
0x7b: {  	_ =	shalt  }
0x7c: {  	_ =	shalt  }
0x7d: {  	_ =	shalt  }
0x7e: {  	_ =	shalt  }
0x7f: {  	_ =	shalt  }
0x80: {  	_ =	shalt  }
0x81: {  	_ =	shalt  }
0x82: {  	_ =	shalt  }
0x83: {  	_ =	shalt  }
0x84: {  	_ =	shalt  }
0x85: {  	_ =	shalt  }
0x86: {  	_ =	shalt  }
0x87: {  	_ =	shalt  }
.Lfunc_end0:
.L_simem_size_0:
called_computation_lowered:
.L_overlay_start_0:
0x88: {  	s2 =	sld [smem:$0x3FD9]  }
0x89: {  	s3 =	sld [smem:$0x3FFE];
	_ =	sdelay $0x1  }
0x8a: {  	s1 =	srdreg.scid  }
0x8b: {  	s0 =	sand.u32 $0x1, s1  }
0x8c: {  	s16 =	sshll.u32 s0, $0xA;
	s2 =	sadd.s32 s3, s2  }
0x8d: {  	s2 =	sadd.s32 s2, s16  }
0x8e: {  	[smem:$0x3FBB] =	sst s2  }
0x8f: {  	_ = 	snop  }
0x90: {  	(tm) =	ssettm $0x1  }
0x91: {  	s17 =	sld [smem:$0x3FFB];
	_ =	sdelay $0x3  }
0x92: {  	_ =	strace s17  }
0x93: {  	s2 =	sld [smem:$0x3FFC];
	_ =	sdelay $0x3  }
0x94: {  	_ =	strace s2  }
0x95: {  	s2 =	sld [smem:$0x3FFD];
	_ =	sdelay $0x3  }
0x96: {  	_ =	strace s2  }
0x97: {  	_ =	strace $0x8FFFFFFF  }
0x98: {  	s18 =	sld [smem:$0x3FDB];
	_ =	sdelay $0x1  }
0x99: {  	s19 =	simm.s32 $_scs_section_size  }
0x9a: {  	s4 =	simm.s32 $_size__tile_overlayer_lowered;
	s5 =	simm.s32 $_tile_overlayer_lowered  }
0x9b: {  	s22 =	simm.s32 $0x1BFF;
	s21 =	sshll.u32 s5, $0x1;
	s2 =	sadd.s32 s19, s18  }
0x9c: {  	s6 =	simm.s32 $0x0;
	s20 =	sshll.u32 s4, $0x1;
	s4 =	sadd.s32 s21, s2  }
0x9d: {  	[timem:s6], [sflag:s22] =	dma.local [hbm:s4], s20  }
0x9e: {  	_ =	swait.ge [sflag:s22], s20  }
0x9f: {  	s3 =	ssub.s32 $0x0, s20;
	[sflag:s22] =	ssyncset.done $0x0  }
0xa0: {  	[sflag:s22] =	ssyncadd.s32 s3;
	_ =	sdelay $0x1  }
0xa1: {  	s23 =	simm.s32 $0x1B8B  }
0xa2: {  	_ =	swait.ge [sflag:s23], $0x1  }
0xa3: {  	[sflag:s23] =	ssyncset.done $0x0  }
0xa4: {  	s25 =	simm.s32 $0x1B8E;
	s24 =	sld [smem:$0x3FFE];
	[sflag:s23] =	ssyncadd.s32 $0xFFFFFFFF  }
0xa5: {  	s26 =	simm.s32 $execute0_lowered;
	[smem:$0x3FD2] =	sst s25  }
0xa6: {  	s4 =	sshll.u32 s26, $0x1;
	_ =	strace $0x80000046;
	[dreg:$0x1] =	wrdreg $0xFFFFFFFF  }
0xa7: {  	s28 =	simm.s32 $_size_execute0_lowered;
	s2 =	sadd.s32 s2, s4;
	[dreg:$0x0] =	wrdreg $0x0  }
0xa8: {  	s4 =	sshll.u32 s28, $0x1;
	[dreg:$0x2] =	wrdreg s2  }
0xa9: {  	[dreg:$0x3] =	wrdreg s4  }
0xaa: {  	[dreg:$0x4] =	wrdreg $0xC0  }
0xab: {  	_ =	task [dreg:s6], $0x5FFFF  }
0xac: {  	[dreg:$0x1] =	wrdreg $0xFFFFFFFF  }
0xad: {  	[dreg:$0x0] =	wrdreg $0x60  }
0xae: {  	[dreg:$0x2] =	wrdreg s24  }
0xaf: {  	[dreg:$0x3] =	wrdreg $0x186A00  }
0xb0: {  	[dreg:$0x4] =	wrdreg $0x0  }
0xb1: {  	[dreg:$0x5] =	wrdreg $0x9  }
0xb2: {  	_ =	task.clear_ibuf [dreg:s6], $0x6FFFF;
	_ =	strace $0x90000046  }
0xb3: {  	s29 =	simm.s32 $0x9;
	_ =	strace $0x80000048  }
0xb4: {  	_ =	swait.ge [sflag:s29], $0x1  }
0xb5: {  	[sflag:s29] =	ssyncadd.s32 $0xFFFFFFFF  }
0xb6: {  	_ =	strace $0x90000048  }
0xb7: {  	_ =	sfence  }
0xb8: {  	s30 =	sld [smem:$0x0];
	_ =	sdelay $0x2  }
0xb9: {  	s31 =	sshll.u32 s1, $0xD;
	s1 =	sshrl.u32 s1, $0x2  }
0xba: {  	s3 =	sand.u32 $0x4000, s31;
	s1 =	sadd.s32 s1, s30  }
0xbb: {  	s0 =	sor.u32 s3, s0;
	s1 =	sshll.u32 s1, $0x11  }
0xbc: {  	s0 =	sor.u32 s1, s0  }
0xbd: {  	s0 =	sadd.s32 $0x8F2B, s0  }
0xbe: {  	[sflag:s0] =	ssyncadd.remote.s32 $0x1  }
0xbf: {  	_ =	sfence.sel $0xFFFF  }
0xc0: {  	[dreg:$0x0] =	wrdreg $0xFFFFFFFF;
	(pc) =	sbr.abs _section_cstart, $3  }
0xc1: {  	[dreg:$0x1] =	wrdreg $0xFFFFFFFF  }
0xc2: {  	_ =	task.clear_ibuf [dreg:s6], $0x2FFFF;
	_ =	strace $0x9FFFFFFF  }
0xc3: {  	(tm) =	ssettm $0x7FFFFFFF  }
tec
execute0_lowered:
.L_overlay_start_1:
0x0: {  	(tag) =	ssettag $0x1  }
0x1: {  	s0 =	rddreg [dreg:$0x0]  }
0x2: {  	s1 =	rddreg [dreg:$0x1]  }
0x3: {  	s2 =	rddreg [dreg:$0x2];
	s3 =	simm.s32 $0x0;
	s4 =	srdreg.scid  }
0x4: {  	s14 =	stileid.u32;
	s15 =	simm.s32 $0x1;
	[smem:$0x7FF] =	sst s3  }
0x5: {  	s4 =	sand.u32 $0x1, s4;
	s6 =	smul.u32 $0x30D4, s14;
	s5 =	sadd.s32 $0xC9C00, s0  }
0x6: {  	s7 =	sadd.s32 $0x144000, s0;
	s8 =	sadd.s32 $0x144800, s0;
	s9 =	sadd.s32 $0xFAC00, s0  }
0x7: {  	s11 =	smul.u32 $0x61A80, s14;
	s13 =	sshll.u32 s14, $0x1;
	p0 =	sne.s32 s14, $0x0  }
0x8: {  	s14 =	simm.s32 $0x1BEA0;
	_ =	strace $0x80000047;
	[dreg:$0x4] =	wrdreg s7  }
0x9: {  	s10 =	smul.u32 $0x30D40, s4;
	s7 =	sadd.s32 $0x12B800, s0;
	s16 =	ssub.s32 $0x2, s4  }
0xa: {  	s4 =	sor.u32 s4, s13;
	s13 =	simm.s32 $0x1A6A0;
	s11 =	sshrl.u32 s11, $0x2  }
0xb: {  	s12 =	sshrl.u32 s16, $0x1;
	s18 =	smul.u32 $0xC40, s4;
	s25 =	sadd.s32 s11, s2  }
0xc: {  	s6 =	sadd.s32 s6, s10;
	s11 =	sadd.s32 $0x2000, s25;
	[dreg:$0x5] =	wrdreg s25  }
0xd: {  	s10 =	sadd.s32 $0xE2400, s0;
	s17 =	sadd.s32 $0x4000, s25;
	[dreg:$0x6] =	wrdreg s11  }
0xe: {  	s0 =	sadd.s32 s6, s0;
	s19 =	sadd.s32 $0x6000, s25;
	[dreg:$0x7] =	wrdreg s17  }
0xf: {  	s6 =	ssub.s32 s16, s12;
	s20 =	sadd.s32 $0x8000, s25;
	[dreg:$0x8] =	wrdreg s19  }
0x10: {  	s21 =	sadd.s32 $0xA000, s25;
	s22 =	sadd.s32 $0xC000, s25;
	[dreg:$0x9] =	wrdreg s20  }
0x11: {  	s23 =	sadd.s32 $0xE000, s25;
	s26 =	sadd.s32 $0x10000, s25;
	[dreg:$0xa] =	wrdreg s21  }
0x12: {  	s28 =	sadd.s32 $0x12000, s25;
	s29 =	sadd.s32 $0x14000, s25;
	[dreg:$0xb] =	wrdreg s22  }
0x13: {  	s30 =	sadd.s32 $0x16000, s25;
	s31 =	sadd.s32 $0x18000, s25;
	[dreg:$0xc] =	wrdreg s23  }
0x14: {  	s12 =	simm.s32 $0x80;
	s16 =	simm.s32 $0x2;
	[dreg:$0xf] =	wrdreg s26  }
0x15: {  	s19 =	sadd.s32 s7, s18;
	s20 =	sadd.s32 s8, s18;
	[dreg:$0x10] =	wrdreg s28  }
.Ltmp0:
0x16: {  	s21 =	sadd.s32 s9, s18;
	[dreg:$0x11] =	wrdreg s29;
	(pc) =	sbr.rel .LBB2_1-.Ltmp0, $4  }
0x17: {  	s22 =	sadd.s32 s10, s18;
	s23 =	smul.u32 $0xC4, s4;
	[dreg:$0x12] =	wrdreg s30  }
0x18: {  	s0 =	sadd.s32 $0x15D000, s0;
	s24 =	smax.u32 s6, $0x1;
	[dreg:$0x13] =	wrdreg s31  }
0x19: {  	s4 =	simm.s32 $0x4;
	s6 =	simm.s32 $0x3;
	[dreg:$0xd] =	wrdreg s0  }
0x1a: {  	v0 =	vimm.f32 $0.0e+00;
	s17 =	simm.s32 $0x5;
	[dreg:$0xe] =	wrdreg s24;
	s0 =	simm.s32 $0x1DEA0  }
.LBB2_33:
0x1b: {  	s11 =	stileid.u32;
	[bflag:$0x0] =	sbarrier.arrive $0xFFFF  }
0x1c: {  	s11 =	sshll.u32 s11, $0x6;
	s25 =	rddreg [dreg:$0x5]  }
0x1d: {  	s24 =	rddreg [dreg:$0xd];
	s11 =	sor.u32 $0x1C04, s11;
	s18 =	sshrl.u32 s25, $0x3  }
0x1e: {  	[hbm:s24], [sflag:s11] =	dma.local [spmem:s18], $0x30D4  }
0x1f: {  	_ =	swait.ge [sflag:s4], $0x30D4  }
0x20: {  	s3 =	sadd.s32 $0x1, s3;
	s31 =	rddreg [dreg:$0xe]  }
0x21: {  	p1 =	sne.s32 s3, s31  }
.Ltmp1:
0x22: {  	_ = 	snop;
	(pc) =	sbr.rel @!p1 .LBB2_34-.Ltmp1, $3  }
0x23: {  	_ =	sdelay $0x1  }
0x24: {  	[sflag:s4] =	ssyncset.done $0x0  }
0x25: {  	[sflag:s4] =	ssyncadd.s32 $0xFFFFCF2C  }
.LBB2_1:
0x26: {  	s11 =	sshrl.u32 @!p0 s1, $0x3;
	s18 =	simm.s32 @!p0 $0x1C04;
	s24 =	rddreg [dreg:$0x4]  }
0x27: {  	[spmem:s11], [sflag:s18] =	dma.local @!p0 [hbm:s24], $0x800  }
0x28: {  	s11 =	simm.s32 @!p0 $0x4  }
0x29: {  	_ =	swait.ge @!p0 [sflag:s11], $0x800  }
0x2a: {  	[sflag:s11] =	ssyncset.done @!p0 $0x0  }
0x2b: {  	s18 =	simm.s32 $0x0;
	[sflag:s11] =	ssyncadd.s32 @!p0 $0xFFFFF800;
	s11 =	simm.s32 $0x80  }
.LBB2_2:
0x2c: {  	p1 =	sne.s32 s11, $0x7F80;
	[tilespmem:s18+$0x1DEA0] =	vst v0;
	s24 =	smov.u32 s11;
	s11 =	sadd.s32 $0x80, s11  }
.Ltmp2:
0x2d: {  	[tilespmem:s18+$0x1DEB0] =	vst v0;
	(pc) =	sbr.rel @p1 .LBB2_2-.Ltmp2, $2  }
0x2e: {  	_ =	sdelay $0x2  }
0x2f: {  	s18 =	sshra.s32 s24, $0x2  }
0x30: {  	[tilespmem:s18+$0x1DEA0] =	vst v0  }
0x31: {  	[tilespmem:s18+$0x1DEB0] =	vst v0  }
0x32: {  	[spmem:s25] =	stream.linear.scatter [tilespmem:s0], [sflag:$0x4], $0x2000, $0x38;
	[tilespmem:$0x1FEA0] =	vst v63  }
0x33: {  	_ =	swait.ge [sflag:s4], $0x2000  }
0x34: {  	[sflag:s4] =	ssyncset.done $0x0  }
0x35: {  	s11 =	rddreg [dreg:$0x6];
	[sflag:s4] =	ssyncadd.s32 $0xFFFFE000  }
0x36: {  	[spmem:s11] =	stream.linear.scatter [tilespmem:s0], [sflag:$0x4], $0x2000, $0x38;
	[tilespmem:$0x1FEA0] =	vst v63  }
0x37: {  	_ =	swait.ge [sflag:s4], $0x2000  }
0x38: {  	[sflag:s4] =	ssyncset.done $0x0  }
0x39: {  	s29 =	rddreg [dreg:$0x7];
	[sflag:s4] =	ssyncadd.s32 $0xFFFFE000  }
0x3a: {  	[spmem:s29] =	stream.linear.scatter [tilespmem:s0], [sflag:$0x4], $0x2000, $0x38;
	[tilespmem:$0x1FEA0] =	vst v63  }
0x3b: {  	_ =	swait.ge [sflag:s4], $0x2000  }
0x3c: {  	[sflag:s4] =	ssyncset.done $0x0  }
0x3d: {  	s30 =	rddreg [dreg:$0x8];
	[sflag:s4] =	ssyncadd.s32 $0xFFFFE000  }
0x3e: {  	[spmem:s30] =	stream.linear.scatter [tilespmem:s0], [sflag:$0x4], $0x2000, $0x38;
	[tilespmem:$0x1FEA0] =	vst v63  }
0x3f: {  	_ =	swait.ge [sflag:s4], $0x2000  }
0x40: {  	[sflag:s4] =	ssyncset.done $0x0  }
0x41: {  	s31 =	rddreg [dreg:$0x9];
	[sflag:s4] =	ssyncadd.s32 $0xFFFFE000  }
0x42: {  	[spmem:s31] =	stream.linear.scatter [tilespmem:s0], [sflag:$0x4], $0x2000, $0x38;
	[tilespmem:$0x1FEA0] =	vst v63  }
0x43: {  	_ =	swait.ge [sflag:s4], $0x2000  }
0x44: {  	[sflag:s4] =	ssyncset.done $0x0  }
0x45: {  	s18 =	rddreg [dreg:$0xa];
	[sflag:s4] =	ssyncadd.s32 $0xFFFFE000  }
0x46: {  	[spmem:s18] =	stream.linear.scatter [tilespmem:s0], [sflag:$0x4], $0x2000, $0x38;
	[tilespmem:$0x1FEA0] =	vst v63  }
0x47: {  	_ =	swait.ge [sflag:s4], $0x2000  }
0x48: {  	[sflag:s4] =	ssyncset.done $0x0  }
0x49: {  	s24 =	rddreg [dreg:$0xb];
	[sflag:s4] =	ssyncadd.s32 $0xFFFFE000  }
0x4a: {  	[spmem:s24] =	stream.linear.scatter [tilespmem:s0], [sflag:$0x4], $0x2000, $0x38;
	[tilespmem:$0x1FEA0] =	vst v63  }
0x4b: {  	_ =	swait.ge [sflag:s4], $0x2000  }
0x4c: {  	[sflag:s4] =	ssyncset.done $0x0  }
0x4d: {  	s25 =	rddreg [dreg:$0xc];
	[sflag:s4] =	ssyncadd.s32 $0xFFFFE000  }
0x4e: {  	[spmem:s25] =	stream.linear.scatter [tilespmem:s0], [sflag:$0x4], $0x2000, $0x38;
	[tilespmem:$0x1FEA0] =	vst v63  }
0x4f: {  	_ =	swait.ge [sflag:s4], $0x2000  }
0x50: {  	[sflag:s4] =	ssyncset.done $0x0  }
0x51: {  	s26 =	rddreg [dreg:$0xf];
	[sflag:s4] =	ssyncadd.s32 $0xFFFFE000  }
0x52: {  	[spmem:s26] =	stream.linear.scatter [tilespmem:s0], [sflag:$0x4], $0x2000, $0x38;
	[tilespmem:$0x1FEA0] =	vst v63  }
0x53: {  	_ =	swait.ge [sflag:s4], $0x2000  }
0x54: {  	[sflag:s4] =	ssyncset.done $0x0  }
0x55: {  	s28 =	rddreg [dreg:$0x10];
	[sflag:s4] =	ssyncadd.s32 $0xFFFFE000  }
0x56: {  	[spmem:s28] =	stream.linear.scatter [tilespmem:s0], [sflag:$0x4], $0x2000, $0x38;
	[tilespmem:$0x1FEA0] =	vst v63  }
0x57: {  	_ =	swait.ge [sflag:s4], $0x2000  }
0x58: {  	[sflag:s4] =	ssyncset.done $0x0  }
0x59: {  	s29 =	rddreg [dreg:$0x11];
	[sflag:s4] =	ssyncadd.s32 $0xFFFFE000  }
0x5a: {  	[spmem:s29] =	stream.linear.scatter [tilespmem:s0], [sflag:$0x4], $0x2000, $0x38;
	[tilespmem:$0x1FEA0] =	vst v63  }
0x5b: {  	_ =	swait.ge [sflag:s4], $0x2000  }
0x5c: {  	[sflag:s4] =	ssyncset.done $0x0  }
0x5d: {  	s30 =	rddreg [dreg:$0x12];
	[sflag:s4] =	ssyncadd.s32 $0xFFFFE000  }
0x5e: {  	[spmem:s30] =	stream.linear.scatter [tilespmem:s0], [sflag:$0x4], $0x2000, $0x38;
	[tilespmem:$0x1FEA0] =	vst v63  }
0x5f: {  	_ =	swait.ge [sflag:s4], $0x2000  }
0x60: {  	[sflag:s4] =	ssyncset.done $0x0  }
0x61: {  	s31 =	rddreg [dreg:$0x13];
	[sflag:s4] =	ssyncadd.s32 $0xFFFFE000  }
0x62: {  	[spmem:s31] =	stream.linear.scatter [tilespmem:s0], [sflag:$0x4], $0x6A0, $0x38;
	[tilespmem:$0x1FEA0] =	vst v63  }
.Ltmp3:
0x63: {  	_ =	swait.ge [sflag:s4], $0x6A0;
	(pc) =	sbr.rel .LBB2_4-.Ltmp3, $4  }
0x64: {  	[sflag:s4] =	ssyncset.done $0x0  }
0x65: {  	[sflag:s4] =	ssyncadd.s32 $0xFFFFF960  }
0x66: {  	[bflag:$0x0] =	sbarrier.arrive $0xFFFF  }
0x67: {  	s18 =	simm.s32 $0x0  }
.LBB2_32:
0x68: {  	p1 =	sne.s32 s18, $0x1C  }
.Ltmp4:
0x69: {  	_ = 	snop;
	(pc) =	sbr.rel @!p1 .LBB2_33-.Ltmp4, $1  }
0x6a: {  	_ =	sdelay $0x3  }
.LBB2_4:
0x6b: {  	p1 =	sne.s32 s18, $0x0  }
0x6c: {  	s11 =	smov.u32 s18;
	s18 =	simm.s32 @!p1 $0x0;
	s24 =	simm.s32 @!p1 $0x18AA0  }
0x6d: {  	[tilespmem:s24], [sflag:$0x3] =	stream.linear.gather @!p1 [hbm4b:s19+s18], $0x380, $0x38;
	[tilespmem:$0x1FEA0] =	vst v63  }
0x6e: {  	s24 =	simm.s32 @!p1 $0x191A0  }
0x6f: {  	[tilespmem:s24], [sflag:$0x3] =	stream.linear.gather @!p1 [hbm4b:s20+s18], $0x380, $0x38;
	[tilespmem:$0x1FEA0] =	vst v63  }
0x70: {  	s24 =	simm.s32 @!p1 $0x198A0  }
0x71: {  	[tilespmem:s24], [sflag:$0x3] =	stream.linear.gather @!p1 [hbm4b:s21+s18], $0x380, $0x38;
	[tilespmem:$0x1FEA0] =	vst v63  }
0x72: {  	s24 =	simm.s32 @!p1 $0x19FA0  }
0x73: {  	[tilespmem:s24], [sflag:$0x3] =	stream.linear.gather @!p1 [hbm4b:s22+s18], $0x380, $0x38;
	[tilespmem:$0x1FEA0] =	vst v63  }
0x74: {  	_ =	swait.ge [sflag:s6], $0x380  }
0x75: {  	[sflag:s6] =	ssyncset.done $0x0  }
0x76: {  	[sflag:s6] =	ssyncadd.s32 $0xFFFFFC80  }
0x77: {  	_ =	swait.ge [sflag:s6], $0x380  }
0x78: {  	[sflag:s6] =	ssyncset.done $0x0  }
0x79: {  	s18 =	sadd.s32 $0x1, s11;
	p1 =	seq.s32 s11, $0x1B;
	[sflag:s6] =	ssyncadd.s32 $0xFFFFFC80  }
0x7a: {  	s24 =	smul.u32 @!p1 $0x7, s18;
	_ =	swait.ge [sflag:s6], $0x380  }
0x7b: {  	[sflag:s6] =	ssyncset.done $0x0  }
0x7c: {  	s11 =	sand.u32 $0x1, s11;
	s24 =	sadd.s32 @!p1 s23, s24;
	[sflag:s6] =	ssyncadd.s32 $0xFFFFFC80  }
0x7d: {  	s25 =	smul.u32 @!p1 $0xFFFFFC80, s11;
	s24 =	sshll.u32 @!p1 s24, $0x4;
	_ =	swait.ge [sflag:s6], $0x380  }
0x7e: {  	s29 =	simm.s32 @!p1 $0x0;
	s24 =	sand.u32 @!p1 $0x1FFFFFF0, s24;
	[sflag:s6] =	ssyncset.done $0x0  }
0x7f: {  	s26 =	sadd.s32 @!p1 $0x18E20, s25;
	s28 =	sadd.s32 @!p1 s7, s24;
	[sflag:s6] =	ssyncadd.s32 $0xFFFFFC80  }
0x80: {  	[tilespmem:s26], [sflag:$0x3] =	stream.linear.gather @!p1 [hbm4b:s28+s29], $0x380, $0x38;
	[tilespmem:$0x1FEA0] =	vst v63  }
0x81: {  	s26 =	sadd.s32 @!p1 $0x19520, s25;
	s28 =	sadd.s32 @!p1 s8, s24  }
0x82: {  	[tilespmem:s26], [sflag:$0x3] =	stream.linear.gather @!p1 [hbm4b:s28+s29], $0x380, $0x38;
	[tilespmem:$0x1FEA0] =	vst v63  }
0x83: {  	s26 =	sadd.s32 @!p1 $0x19C20, s25;
	s28 =	sadd.s32 @!p1 s9, s24  }
0x84: {  	[tilespmem:s26], [sflag:$0x3] =	stream.linear.gather @!p1 [hbm4b:s28+s29], $0x380, $0x38;
	[tilespmem:$0x1FEA0] =	vst v63  }
0x85: {  	s25 =	sadd.s32 @!p1 $0x1A320, s25;
	s26 =	sadd.s32 @!p1 s10, s24;
	s24 =	smul.u32 $0x380, s11  }
0x86: {  	[tilespmem:s25], [sflag:$0x3] =	stream.linear.gather @!p1 [hbm4b:s26+s29], $0x380, $0x38;
	[tilespmem:$0x1FEA0] =	vst v63  }
0x87: {  	v1 =	vld [tilespmem:s24+$0x19FA0]  }
0x88: {  	v2 =	vld [tilespmem:s24+$0x19FB0];
	_ =	sdelay $0x1  }
0x89: {  	v3 =	vld [tilespmem:s24+$0x19FC0];
	_ =	sdelay $0x1  }
0x8a: {  	v4 =	vld [tilespmem:s24+$0x19FD0]  }
0x8b: {  	v1 =	vadd.f32 v2, v1  }
0x8c: {  	v2 =	vld [tilespmem:s24+$0x19FE0]  }
0x8d: {  	v1 =	vadd.f32 v3, v1  }
0x8e: {  	v3 =	vld [tilespmem:s24+$0x19FF0]  }
0x8f: {  	v1 =	vadd.f32 v4, v1  }
0x90: {  	v63 =	vld [tilespmem:s24+$0x1A000]  }
0x91: {  	v1 =	vadd.f32 v2, v1  }
0x92: {  	v2 =	vld [tilespmem:s24+$0x1A010]  }
0x93: {  	v1 =	vadd.f32 v3, v1;
	_ =	sdelay $0x1  }
0x94: {  	v1 =	vadd.f32 v63, v1;
	_ =	sdelay $0x1  }
0x95: {  	v1 =	vadd.f32 v2, v1;
	_ =	sdelay $0x1  }
0x96: {  	(xrf2) =	vadd.scan.msk.f32 $0xffff, v1;
	_ =	sdelay $0x9  }
0x97: {  	v1, _, _ =	vpop (xrf2)  }
0x98: {  	(v2sf) =	vpush v1, $0xF;
	_ =	sdelay $0xe  }
0x99: {  	s31 =	spop (v2sf)  }
0x9a: {  	p1 =	sgt.f32 s31, $0.0e+00  }
.Ltmp5:
0x9b: {  	_ = 	snop;
	(pc) =	sbr.rel @!p1 .LBB2_8-.Ltmp5, $1  }
0x9c: {  	_ =	sdelay $0x3  }
0x9d: {  	s11 =	sadd.s32 $0x18AA0, s24  }
0x9e: {  	[tilespmem:s13], [sflag:$0x1] =	stream.indirect.gather [hbm4b:s5+s12], $0x10, s11, s12, $0xb8;
	[tilespmem:$0x1FEA0] =	vst v63  }
0x9f: {  	s26 =	sadd.s32 $0x191A0, s24  }
0xa0: {  	[tilespmem:s14], [sflag:$0x2] =	stream.indirect.gather [spmem:s1], $0x20, s26, s12, $0xb8;
	[tilespmem:$0x1FEA0] =	vst v63  }
0xa1: {  	_ =	swait.ge [sflag:s15], $0x800  }
0xa2: {  	[sflag:s15] =	ssyncset.done $0x0  }
0xa3: {  	[sflag:s15] =	ssyncadd.s32 $0xFFFFF800  }
0xa4: {  	_ =	swait.ge [sflag:s16], $0x1000  }
0xa5: {  	[sflag:s16] =	ssyncset.done $0x0  }
0xa6: {  	s25 =	simm.s32 $0x1A6C0;
	[sflag:s16] =	ssyncadd.s32 $0xFFFFF000  }
0xa7: {  	s29 =	simm.s32 $0x1BEE0;
	v5 =	vld [tilespmem:s25+$0x10]  }
0xa8: {  	v1 =	vld [tilespmem:s29+$0x20]  }
0xa9: {  	v2 =	vld [tilespmem:s25+$0xFFFFFFF0]  }
0xaa: {  	v3 =	vld [tilespmem:s25+$0x0]  }
0xab: {  	v6 =	vld [tilespmem:s25+$0xFFFFFFE0]  }
0xac: {  	v7 =	vld [tilespmem:s29+$0xFFFFFFC0]  }
0xad: {  	v8 =	vld [tilespmem:s29+$0xFFFFFFE0]  }
0xae: {  	s28 =	simm.s32 $0x1BF60;
	v9 =	vld [tilespmem:s29+$0x0]  }
0xaf: {  	s26 =	simm.s32 $0x1A700;
	v11 =	vld [tilespmem:s28+$0x20];
	v4 =	vunpack.i.l.bf16.f32 v5  }
0xb0: {  	v1 =	vmul.f32 v1, v4;
	v4 =	vld [tilespmem:s26+$0x10]  }
0xb1: {  	v12 =	vld [tilespmem:s26+$0xFFFFFFF0]  }
0xb2: {  	s25 =	simm.s32 $0x1DEE0;
	v13 =	vld [tilespmem:s26+$0x0]  }
0xb3: {  	v15 =	vld [tilespmem:s26+$0xFFFFFFE0];
	[tilespmem:s25+$0x20] =	vst v1;
	v1 =	vunpack.i.l.bf16.f32 v6  }
0xb4: {  	v10 =	vld [tilespmem:s29+$0x30];
	v7 =	vmul.f32 v7, v1;
	v1 =	vunpack.i.u.bf16.f32 v2;
	v2 =	vunpack.i.l.bf16.f32 v2  }
0xb5: {  	v14 =	vld [tilespmem:s28+$0xFFFFFFC0];
	v17 =	vmul.f32 v8, v2;
	v16 =	vunpack.i.l.bf16.f32 v4  }
0xb6: {  	v8 =	vunpack.i.l.bf16.f32 v3;
	[tilespmem:s25+$0xFFFFFFC0] =	vst v7;
	v11 =	vmul.f32 v11, v16;
	v16 =	vld [tilespmem:s28+$0xFFFFFFE0]  }
0xb7: {  	s26 =	simm.s32 $0x1DF60;
	v2 =	vunpack.i.u.bf16.f32 v3;
	v3 =	vunpack.i.u.bf16.f32 v6;
	v7 =	vld [tilespmem:s28+$0x0];
	v6 =	vmul.f32 v9, v8;
	[tilespmem:s25+$0xFFFFFFE0] =	vst v17  }
0xb8: {  	v5 =	vunpack.i.u.bf16.f32 v5;
	v8 =	vld [tilespmem:s29+$0xFFFFFFD0];
	[tilespmem:s26+$0x20] =	vst v11  }
0xb9: {  	[tilespmem:s25+$0x0] =	vst v6;
	v6 =	vunpack.i.u.bf16.f32 v13;
	v11 =	vmul.f32 v10, v5;
	v10 =	vunpack.i.l.bf16.f32 v15;
	v9 =	vld [tilespmem:s28+$0x30]  }
0xba: {  	v5 =	vunpack.i.u.bf16.f32 v12;
	v12 =	vunpack.i.l.bf16.f32 v12;
	v14 =	vmul.f32 v14, v10;
	v10 =	vld [tilespmem:s29+$0xFFFFFFF0]  }
0xbb: {  	s30 =	simm.s32 $0x4;
	s31 =	simm.s32 $0x1A740;
	v13 =	vunpack.i.l.bf16.f32 v13;
	[tilespmem:s25+$0x30] =	vst v11;
	v11 =	vunpack.i.u.bf16.f32 v15;
	v15 =	vmul.f32 v16, v12;
	v12 =	vld [tilespmem:s29+$0x10];
	s29 =	simm.s32 $0x1BF60  }
.LBB2_6:
0xbc: {  	v16 =	vld [tilespmem:s31+$0x10];
	s30 =	sadd.s32 $0x4, s30;
	[tilespmem:s26+$0xFFFFFFC0] =	vst v14;
	v7 =	vmul.f32 v7, v13;
	s28 =	sadd.s32 $0x80, s28  }
0xbd: {  	v4 =	vunpack.i.u.bf16.f32 v4;
	v13 =	vld [tilespmem:s28+$0x20];
	p1 =	slt.u32 s30, $0x7C;
	[tilespmem:s26+$0xFFFFFFE0] =	vst v15;
	v8 =	vmul.f32 v8, v3;
	v3 =	vmov v11  }
0xbe: {  	v11 =	vld [tilespmem:s31+$0xFFFFFFF0];
	[tilespmem:s26+$0x0] =	vst v7;
	v14 =	vmul.f32 v9, v4  }
0xbf: {  	v9 =	vld [tilespmem:s31+$0x0];
	[tilespmem:s25+$0xFFFFFFD0] =	vst v8;
	v7 =	vmul.f32 v10, v1;
	v1 =	vmov v5  }
0xc0: {  	v10 =	vld [tilespmem:s31+$0xFFFFFFE0];
	[tilespmem:s26+$0x30] =	vst v14;
	v5 =	vmul.f32 v12, v2;
	v2 =	vmov v6  }
0xc1: {  	v12 =	vld [tilespmem:s28+$0xFFFFFFC0];
	v6 =	vunpack.i.l.bf16.f32 v16;
	[tilespmem:s25+$0xFFFFFFF0] =	vst v7;
	v4 =	vmov v16  }
0xc2: {  	v15 =	vld [tilespmem:s28+$0xFFFFFFE0];
	v8 =	vmul.f32 v13, v6;
	[tilespmem:s25+$0x10] =	vst v5;
	s25 =	smov.u32 s26  }
.Ltmp6:
0xc3: {  	s26 =	sadd.s32 $0x80, s26;
	v5 =	vunpack.i.u.bf16.f32 v11;
	v16 =	vunpack.i.l.bf16.f32 v11;
	v7 =	vld [tilespmem:s28+$0x0];
	(pc) =	sbr.rel @p1 .LBB2_6-.Ltmp6, $4  }
0xc4: {  	v6 =	vunpack.i.u.bf16.f32 v9;
	v13 =	vunpack.i.l.bf16.f32 v9;
	[tilespmem:s26+$0x20] =	vst v8;
	v8 =	vld [tilespmem:s29+$0xFFFFFFD0]  }
0xc5: {  	v11 =	vunpack.i.u.bf16.f32 v10;
	v10 =	vunpack.i.l.bf16.f32 v10;
	v9 =	vld [tilespmem:s28+$0x30]  }
0xc6: {  	v14 =	vmul.f32 v12, v10;
	v10 =	vld [tilespmem:s29+$0xFFFFFFF0]  }
0xc7: {  	s31 =	sadd.s32 $0x40, s31;
	v15 =	vmul.f32 v15, v16;
	v12 =	vld [tilespmem:s29+$0x10];
	s29 =	smov.u32 s28  }
0xc8: {  	[tilespmem:s26+$0xFFFFFFC0] =	vst v14;
	v7 =	vmul.f32 v7, v13  }
0xc9: {  	[tilespmem:s26+$0xFFFFFFE0] =	vst v15;
	v61 =	vld [tilespmem:s29+$0xFFFFFFD0]  }
0xca: {  	v4 =	vunpack.i.u.bf16.f32 v4;
	v3 =	vmul.f32 v8, v3;
	[tilespmem:s26+$0x0] =	vst v7;
	v62 =	vld [tilespmem:s29+$0xFFFFFFF0]  }
0xcb: {  	v4 =	vmul.f32 v9, v4;
	v63 =	vld [tilespmem:s29+$0x10]  }
0xcc: {  	[tilespmem:s25+$0xFFFFFFD0] =	vst v3;
	v1 =	vmul.f32 v10, v1  }
0xcd: {  	[tilespmem:s26+$0x30] =	vst v4;
	v2 =	vmul.f32 v12, v2  }
0xce: {  	[tilespmem:s25+$0xFFFFFFF0] =	vst v1;
	v1 =	vmul.f32 v61, v11  }
0xcf: {  	[tilespmem:s25+$0x10] =	vst v2;
	v2 =	vmul.f32 v62, v5  }
0xd0: {  	[tilespmem:s26+$0xFFFFFFD0] =	vst v1;
	v1 =	vmul.f32 v63, v6  }
0xd1: {  	[tilespmem:s26+$0xFFFFFFF0] =	vst v2  }
0xd2: {  	s11 =	sadd.s32 $0x198A0, s24;
	[tilespmem:s26+$0x10] =	vst v1  }
0xd3: {  	[spmem:s2] =	stream.indirect.scatter.add.f32 [tilespmem:s0], [sflag:$0x5], $0x20, s11, s12, $0xb8;
	[tilespmem:$0x1FEA0] =	vst v63  }
0xd4: {  	_ =	swait.ge [sflag:s17], $0x1000  }
0xd5: {  	[sflag:s17] =	ssyncset.done $0x0  }
0xd6: {  	[sflag:s17] =	ssyncadd.s32 $0xFFFFF000  }
.LBB2_8:
0xd7: {  	v1 =	vld [tilespmem:s24+$0x1A020]  }
0xd8: {  	v2 =	vld [tilespmem:s24+$0x1A030];
	_ =	sdelay $0x1  }
0xd9: {  	v3 =	vld [tilespmem:s24+$0x1A040];
	_ =	sdelay $0x1  }
0xda: {  	v4 =	vld [tilespmem:s24+$0x1A050]  }
0xdb: {  	v1 =	vadd.f32 v2, v1  }
0xdc: {  	v2 =	vld [tilespmem:s24+$0x1A060]  }
0xdd: {  	v1 =	vadd.f32 v3, v1  }
0xde: {  	v3 =	vld [tilespmem:s24+$0x1A070]  }
0xdf: {  	v1 =	vadd.f32 v4, v1  }
0xe0: {  	v63 =	vld [tilespmem:s24+$0x1A080]  }
0xe1: {  	v1 =	vadd.f32 v2, v1  }
0xe2: {  	v2 =	vld [tilespmem:s24+$0x1A090]  }
0xe3: {  	v1 =	vadd.f32 v3, v1;
	_ =	sdelay $0x1  }
0xe4: {  	v1 =	vadd.f32 v63, v1;
	_ =	sdelay $0x1  }
0xe5: {  	v1 =	vadd.f32 v2, v1;
	_ =	sdelay $0x1  }
0xe6: {  	(xrf2) =	vadd.scan.msk.f32 $0xffff, v1;
	_ =	sdelay $0x9  }
0xe7: {  	v1, _, _ =	vpop (xrf2)  }
0xe8: {  	(v2sf) =	vpush v1, $0xF;
	_ =	sdelay $0xe  }
0xe9: {  	s11 =	spop (v2sf)  }
0xea: {  	p1 =	sgt.f32 s11, $0.0e+00  }
.Ltmp7:
0xeb: {  	_ = 	snop;
	(pc) =	sbr.rel @!p1 .LBB2_12-.Ltmp7, $1  }
0xec: {  	_ =	sdelay $0x3  }
0xed: {  	s25 =	sadd.s32 $0x80, s24  }
0xee: {  	s11 =	sadd.s32 $0x18AA0, s25  }
0xef: {  	[tilespmem:s13], [sflag:$0x1] =	stream.indirect.gather [hbm4b:s5+s12], $0x10, s11, s12, $0xb8;
	[tilespmem:$0x1FEA0] =	vst v63  }
0xf0: {  	s26 =	sadd.s32 $0x191A0, s25  }
0xf1: {  	[tilespmem:s14], [sflag:$0x2] =	stream.indirect.gather [spmem:s1], $0x20, s26, s12, $0xb8;
	[tilespmem:$0x1FEA0] =	vst v63  }
0xf2: {  	_ =	swait.ge [sflag:s15], $0x800  }
0xf3: {  	[sflag:s15] =	ssyncset.done $0x0  }
0xf4: {  	[sflag:s15] =	ssyncadd.s32 $0xFFFFF800  }
0xf5: {  	_ =	swait.ge [sflag:s16], $0x1000  }
0xf6: {  	[sflag:s16] =	ssyncset.done $0x0  }
0xf7: {  	s26 =	simm.s32 $0x1A6C0;
	[sflag:s16] =	ssyncadd.s32 $0xFFFFF000  }
0xf8: {  	s30 =	simm.s32 $0x1BEE0;
	v5 =	vld [tilespmem:s26+$0x10]  }
0xf9: {  	v1 =	vld [tilespmem:s30+$0x20]  }
0xfa: {  	v2 =	vld [tilespmem:s26+$0xFFFFFFF0]  }
0xfb: {  	v3 =	vld [tilespmem:s26+$0x0]  }
0xfc: {  	v6 =	vld [tilespmem:s26+$0xFFFFFFE0]  }
0xfd: {  	v7 =	vld [tilespmem:s30+$0xFFFFFFC0]  }
0xfe: {  	v8 =	vld [tilespmem:s30+$0xFFFFFFE0]  }
0xff: {  	s29 =	simm.s32 $0x1BF60;
	v9 =	vld [tilespmem:s30+$0x0]  }
0x100: {  	s11 =	simm.s32 $0x1A700;
	v11 =	vld [tilespmem:s29+$0x20];
	v4 =	vunpack.i.l.bf16.f32 v5  }
0x101: {  	v1 =	vmul.f32 v1, v4;
	v4 =	vld [tilespmem:s11+$0x10]  }
0x102: {  	v12 =	vld [tilespmem:s11+$0xFFFFFFF0]  }
0x103: {  	s26 =	simm.s32 $0x1DEE0;
	v13 =	vld [tilespmem:s11+$0x0]  }
0x104: {  	v15 =	vld [tilespmem:s11+$0xFFFFFFE0];
	[tilespmem:s26+$0x20] =	vst v1;
	v1 =	vunpack.i.l.bf16.f32 v6  }
0x105: {  	v10 =	vld [tilespmem:s30+$0x30];
	v7 =	vmul.f32 v7, v1;
	v1 =	vunpack.i.u.bf16.f32 v2;
	v2 =	vunpack.i.l.bf16.f32 v2  }
0x106: {  	v14 =	vld [tilespmem:s29+$0xFFFFFFC0];
	v17 =	vmul.f32 v8, v2;
	v16 =	vunpack.i.l.bf16.f32 v4  }
0x107: {  	v8 =	vunpack.i.l.bf16.f32 v3;
	[tilespmem:s26+$0xFFFFFFC0] =	vst v7;
	v11 =	vmul.f32 v11, v16;
	v16 =	vld [tilespmem:s29+$0xFFFFFFE0]  }
0x108: {  	s28 =	simm.s32 $0x1DF60;
	v2 =	vunpack.i.u.bf16.f32 v3;
	v3 =	vunpack.i.u.bf16.f32 v6;
	v7 =	vld [tilespmem:s29+$0x0];
	v6 =	vmul.f32 v9, v8;
	[tilespmem:s26+$0xFFFFFFE0] =	vst v17  }
0x109: {  	v5 =	vunpack.i.u.bf16.f32 v5;
	v8 =	vld [tilespmem:s30+$0xFFFFFFD0];
	[tilespmem:s28+$0x20] =	vst v11  }
0x10a: {  	[tilespmem:s26+$0x0] =	vst v6;
	v6 =	vunpack.i.u.bf16.f32 v13;
	v11 =	vmul.f32 v10, v5;
	v10 =	vunpack.i.l.bf16.f32 v15;
	v9 =	vld [tilespmem:s29+$0x30]  }
0x10b: {  	v5 =	vunpack.i.u.bf16.f32 v12;
	v12 =	vunpack.i.l.bf16.f32 v12;
	v14 =	vmul.f32 v14, v10;
	v10 =	vld [tilespmem:s30+$0xFFFFFFF0]  }
0x10c: {  	s31 =	simm.s32 $0x4;
	s11 =	simm.s32 $0x1A740;
	v13 =	vunpack.i.l.bf16.f32 v13;
	[tilespmem:s26+$0x30] =	vst v11;
	v11 =	vunpack.i.u.bf16.f32 v15;
	v15 =	vmul.f32 v16, v12;
	v12 =	vld [tilespmem:s30+$0x10];
	s30 =	simm.s32 $0x1BF60  }
.LBB2_10:
0x10d: {  	v16 =	vld [tilespmem:s11+$0x10];
	s31 =	sadd.s32 $0x4, s31;
	[tilespmem:s28+$0xFFFFFFC0] =	vst v14;
	v7 =	vmul.f32 v7, v13;
	s29 =	sadd.s32 $0x80, s29  }
0x10e: {  	v4 =	vunpack.i.u.bf16.f32 v4;
	v13 =	vld [tilespmem:s29+$0x20];
	p1 =	slt.u32 s31, $0x7C;
	[tilespmem:s28+$0xFFFFFFE0] =	vst v15;
	v8 =	vmul.f32 v8, v3;
	v3 =	vmov v11  }
0x10f: {  	v11 =	vld [tilespmem:s11+$0xFFFFFFF0];
	[tilespmem:s28+$0x0] =	vst v7;
	v14 =	vmul.f32 v9, v4  }
0x110: {  	v9 =	vld [tilespmem:s11+$0x0];
	[tilespmem:s26+$0xFFFFFFD0] =	vst v8;
	v7 =	vmul.f32 v10, v1;
	v1 =	vmov v5  }
0x111: {  	v10 =	vld [tilespmem:s11+$0xFFFFFFE0];
	[tilespmem:s28+$0x30] =	vst v14;
	v5 =	vmul.f32 v12, v2;
	v2 =	vmov v6  }
0x112: {  	v12 =	vld [tilespmem:s29+$0xFFFFFFC0];
	v6 =	vunpack.i.l.bf16.f32 v16;
	[tilespmem:s26+$0xFFFFFFF0] =	vst v7;
	v4 =	vmov v16  }
0x113: {  	v15 =	vld [tilespmem:s29+$0xFFFFFFE0];
	v8 =	vmul.f32 v13, v6;
	[tilespmem:s26+$0x10] =	vst v5;
	s26 =	smov.u32 s28  }
.Ltmp8:
0x114: {  	s28 =	sadd.s32 $0x80, s28;
	v5 =	vunpack.i.u.bf16.f32 v11;
	v16 =	vunpack.i.l.bf16.f32 v11;
	v7 =	vld [tilespmem:s29+$0x0];
	(pc) =	sbr.rel @p1 .LBB2_10-.Ltmp8, $4  }
0x115: {  	v6 =	vunpack.i.u.bf16.f32 v9;
	v13 =	vunpack.i.l.bf16.f32 v9;
	[tilespmem:s28+$0x20] =	vst v8;
	v8 =	vld [tilespmem:s30+$0xFFFFFFD0]  }
0x116: {  	v11 =	vunpack.i.u.bf16.f32 v10;
	v10 =	vunpack.i.l.bf16.f32 v10;
	v9 =	vld [tilespmem:s29+$0x30]  }
0x117: {  	v14 =	vmul.f32 v12, v10;
	v10 =	vld [tilespmem:s30+$0xFFFFFFF0]  }
0x118: {  	s11 =	sadd.s32 $0x40, s11;
	v15 =	vmul.f32 v15, v16;
	v12 =	vld [tilespmem:s30+$0x10];
	s30 =	smov.u32 s29  }
0x119: {  	[tilespmem:s28+$0xFFFFFFC0] =	vst v14;
	v7 =	vmul.f32 v7, v13  }
0x11a: {  	[tilespmem:s28+$0xFFFFFFE0] =	vst v15;
	v61 =	vld [tilespmem:s30+$0xFFFFFFD0]  }
0x11b: {  	v4 =	vunpack.i.u.bf16.f32 v4;
	v3 =	vmul.f32 v8, v3;
	[tilespmem:s28+$0x0] =	vst v7;
	v62 =	vld [tilespmem:s30+$0xFFFFFFF0]  }
0x11c: {  	v4 =	vmul.f32 v9, v4;
	v63 =	vld [tilespmem:s30+$0x10]  }
0x11d: {  	[tilespmem:s26+$0xFFFFFFD0] =	vst v3;
	v1 =	vmul.f32 v10, v1  }
0x11e: {  	[tilespmem:s28+$0x30] =	vst v4;
	v2 =	vmul.f32 v12, v2  }
0x11f: {  	[tilespmem:s26+$0xFFFFFFF0] =	vst v1;
	v1 =	vmul.f32 v61, v11  }
0x120: {  	[tilespmem:s26+$0x10] =	vst v2;
	v2 =	vmul.f32 v62, v5  }
0x121: {  	[tilespmem:s28+$0xFFFFFFD0] =	vst v1;
	v1 =	vmul.f32 v63, v6  }
0x122: {  	[tilespmem:s28+$0xFFFFFFF0] =	vst v2  }
0x123: {  	s11 =	sadd.s32 $0x198A0, s25;
	[tilespmem:s28+$0x10] =	vst v1  }
0x124: {  	[spmem:s2] =	stream.indirect.scatter.add.f32 [tilespmem:s0], [sflag:$0x5], $0x20, s11, s12, $0xb8;
	[tilespmem:$0x1FEA0] =	vst v63  }
0x125: {  	_ =	swait.ge [sflag:s17], $0x1000  }
0x126: {  	[sflag:s17] =	ssyncset.done $0x0  }
0x127: {  	[sflag:s17] =	ssyncadd.s32 $0xFFFFF000  }
.LBB2_12:
0x128: {  	v1 =	vld [tilespmem:s24+$0x1A0A0]  }
0x129: {  	v2 =	vld [tilespmem:s24+$0x1A0B0];
	_ =	sdelay $0x1  }
0x12a: {  	v3 =	vld [tilespmem:s24+$0x1A0C0];
	_ =	sdelay $0x1  }
0x12b: {  	v4 =	vld [tilespmem:s24+$0x1A0D0]  }
0x12c: {  	v1 =	vadd.f32 v2, v1  }
0x12d: {  	v2 =	vld [tilespmem:s24+$0x1A0E0]  }
0x12e: {  	v1 =	vadd.f32 v3, v1  }
0x12f: {  	v3 =	vld [tilespmem:s24+$0x1A0F0]  }
0x130: {  	v1 =	vadd.f32 v4, v1  }
0x131: {  	v63 =	vld [tilespmem:s24+$0x1A100]  }
0x132: {  	v1 =	vadd.f32 v2, v1  }
0x133: {  	v2 =	vld [tilespmem:s24+$0x1A110]  }
0x134: {  	v1 =	vadd.f32 v3, v1;
	_ =	sdelay $0x1  }
0x135: {  	v1 =	vadd.f32 v63, v1;
	_ =	sdelay $0x1  }
0x136: {  	v1 =	vadd.f32 v2, v1;
	_ =	sdelay $0x1  }
0x137: {  	(xrf2) =	vadd.scan.msk.f32 $0xffff, v1;
	_ =	sdelay $0x9  }
0x138: {  	v1, _, _ =	vpop (xrf2)  }
0x139: {  	(v2sf) =	vpush v1, $0xF;
	_ =	sdelay $0xe  }
0x13a: {  	s11 =	spop (v2sf)  }
0x13b: {  	p1 =	sgt.f32 s11, $0.0e+00  }
.Ltmp9:
0x13c: {  	_ = 	snop;
	(pc) =	sbr.rel @!p1 .LBB2_16-.Ltmp9, $1  }
0x13d: {  	_ =	sdelay $0x3  }
0x13e: {  	s25 =	sadd.s32 $0x100, s24  }
0x13f: {  	s11 =	sadd.s32 $0x18AA0, s25  }
0x140: {  	[tilespmem:s13], [sflag:$0x1] =	stream.indirect.gather [hbm4b:s5+s12], $0x10, s11, s12, $0xb8;
	[tilespmem:$0x1FEA0] =	vst v63  }
0x141: {  	s26 =	sadd.s32 $0x191A0, s25  }
0x142: {  	[tilespmem:s14], [sflag:$0x2] =	stream.indirect.gather [spmem:s1], $0x20, s26, s12, $0xb8;
	[tilespmem:$0x1FEA0] =	vst v63  }
0x143: {  	_ =	swait.ge [sflag:s15], $0x800  }
0x144: {  	[sflag:s15] =	ssyncset.done $0x0  }
0x145: {  	[sflag:s15] =	ssyncadd.s32 $0xFFFFF800  }
0x146: {  	_ =	swait.ge [sflag:s16], $0x1000  }
0x147: {  	[sflag:s16] =	ssyncset.done $0x0  }
0x148: {  	s26 =	simm.s32 $0x1A6C0;
	[sflag:s16] =	ssyncadd.s32 $0xFFFFF000  }
0x149: {  	s30 =	simm.s32 $0x1BEE0;
	v5 =	vld [tilespmem:s26+$0x10]  }
0x14a: {  	v1 =	vld [tilespmem:s30+$0x20]  }
0x14b: {  	v2 =	vld [tilespmem:s26+$0xFFFFFFF0]  }
0x14c: {  	v3 =	vld [tilespmem:s26+$0x0]  }
0x14d: {  	v6 =	vld [tilespmem:s26+$0xFFFFFFE0]  }
0x14e: {  	v7 =	vld [tilespmem:s30+$0xFFFFFFC0]  }
0x14f: {  	v8 =	vld [tilespmem:s30+$0xFFFFFFE0]  }
0x150: {  	s29 =	simm.s32 $0x1BF60;
	v9 =	vld [tilespmem:s30+$0x0]  }
0x151: {  	s11 =	simm.s32 $0x1A700;
	v11 =	vld [tilespmem:s29+$0x20];
	v4 =	vunpack.i.l.bf16.f32 v5  }
0x152: {  	v1 =	vmul.f32 v1, v4;
	v4 =	vld [tilespmem:s11+$0x10]  }
0x153: {  	v12 =	vld [tilespmem:s11+$0xFFFFFFF0]  }
0x154: {  	s26 =	simm.s32 $0x1DEE0;
	v13 =	vld [tilespmem:s11+$0x0]  }
0x155: {  	v15 =	vld [tilespmem:s11+$0xFFFFFFE0];
	[tilespmem:s26+$0x20] =	vst v1;
	v1 =	vunpack.i.l.bf16.f32 v6  }
0x156: {  	v10 =	vld [tilespmem:s30+$0x30];
	v7 =	vmul.f32 v7, v1;
	v1 =	vunpack.i.u.bf16.f32 v2;
	v2 =	vunpack.i.l.bf16.f32 v2  }
0x157: {  	v14 =	vld [tilespmem:s29+$0xFFFFFFC0];
	v17 =	vmul.f32 v8, v2;
	v16 =	vunpack.i.l.bf16.f32 v4  }
0x158: {  	v8 =	vunpack.i.l.bf16.f32 v3;
	[tilespmem:s26+$0xFFFFFFC0] =	vst v7;
	v11 =	vmul.f32 v11, v16;
	v16 =	vld [tilespmem:s29+$0xFFFFFFE0]  }
0x159: {  	s28 =	simm.s32 $0x1DF60;
	v2 =	vunpack.i.u.bf16.f32 v3;
	v3 =	vunpack.i.u.bf16.f32 v6;
	v7 =	vld [tilespmem:s29+$0x0];
	v6 =	vmul.f32 v9, v8;
	[tilespmem:s26+$0xFFFFFFE0] =	vst v17  }
0x15a: {  	v5 =	vunpack.i.u.bf16.f32 v5;
	v8 =	vld [tilespmem:s30+$0xFFFFFFD0];
	[tilespmem:s28+$0x20] =	vst v11  }
0x15b: {  	[tilespmem:s26+$0x0] =	vst v6;
	v6 =	vunpack.i.u.bf16.f32 v13;
	v11 =	vmul.f32 v10, v5;
	v10 =	vunpack.i.l.bf16.f32 v15;
	v9 =	vld [tilespmem:s29+$0x30]  }
0x15c: {  	v5 =	vunpack.i.u.bf16.f32 v12;
	v12 =	vunpack.i.l.bf16.f32 v12;
	v14 =	vmul.f32 v14, v10;
	v10 =	vld [tilespmem:s30+$0xFFFFFFF0]  }
0x15d: {  	s31 =	simm.s32 $0x4;
	s11 =	simm.s32 $0x1A740;
	v13 =	vunpack.i.l.bf16.f32 v13;
	[tilespmem:s26+$0x30] =	vst v11;
	v11 =	vunpack.i.u.bf16.f32 v15;
	v15 =	vmul.f32 v16, v12;
	v12 =	vld [tilespmem:s30+$0x10];
	s30 =	simm.s32 $0x1BF60  }
.LBB2_14:
0x15e: {  	v16 =	vld [tilespmem:s11+$0x10];
	s31 =	sadd.s32 $0x4, s31;
	[tilespmem:s28+$0xFFFFFFC0] =	vst v14;
	v7 =	vmul.f32 v7, v13;
	s29 =	sadd.s32 $0x80, s29  }
0x15f: {  	v4 =	vunpack.i.u.bf16.f32 v4;
	v13 =	vld [tilespmem:s29+$0x20];
	p1 =	slt.u32 s31, $0x7C;
	[tilespmem:s28+$0xFFFFFFE0] =	vst v15;
	v8 =	vmul.f32 v8, v3;
	v3 =	vmov v11  }
0x160: {  	v11 =	vld [tilespmem:s11+$0xFFFFFFF0];
	[tilespmem:s28+$0x0] =	vst v7;
	v14 =	vmul.f32 v9, v4  }
0x161: {  	v9 =	vld [tilespmem:s11+$0x0];
	[tilespmem:s26+$0xFFFFFFD0] =	vst v8;
	v7 =	vmul.f32 v10, v1;
	v1 =	vmov v5  }
0x162: {  	v10 =	vld [tilespmem:s11+$0xFFFFFFE0];
	[tilespmem:s28+$0x30] =	vst v14;
	v5 =	vmul.f32 v12, v2;
	v2 =	vmov v6  }
0x163: {  	v12 =	vld [tilespmem:s29+$0xFFFFFFC0];
	v6 =	vunpack.i.l.bf16.f32 v16;
	[tilespmem:s26+$0xFFFFFFF0] =	vst v7;
	v4 =	vmov v16  }
0x164: {  	v15 =	vld [tilespmem:s29+$0xFFFFFFE0];
	v8 =	vmul.f32 v13, v6;
	[tilespmem:s26+$0x10] =	vst v5;
	s26 =	smov.u32 s28  }
.Ltmp10:
0x165: {  	s28 =	sadd.s32 $0x80, s28;
	v5 =	vunpack.i.u.bf16.f32 v11;
	v16 =	vunpack.i.l.bf16.f32 v11;
	v7 =	vld [tilespmem:s29+$0x0];
	(pc) =	sbr.rel @p1 .LBB2_14-.Ltmp10, $4  }
0x166: {  	v6 =	vunpack.i.u.bf16.f32 v9;
	v13 =	vunpack.i.l.bf16.f32 v9;
	[tilespmem:s28+$0x20] =	vst v8;
	v8 =	vld [tilespmem:s30+$0xFFFFFFD0]  }
0x167: {  	v11 =	vunpack.i.u.bf16.f32 v10;
	v10 =	vunpack.i.l.bf16.f32 v10;
	v9 =	vld [tilespmem:s29+$0x30]  }
0x168: {  	v14 =	vmul.f32 v12, v10;
	v10 =	vld [tilespmem:s30+$0xFFFFFFF0]  }
0x169: {  	s11 =	sadd.s32 $0x40, s11;
	v15 =	vmul.f32 v15, v16;
	v12 =	vld [tilespmem:s30+$0x10];
	s30 =	smov.u32 s29  }
0x16a: {  	[tilespmem:s28+$0xFFFFFFC0] =	vst v14;
	v7 =	vmul.f32 v7, v13  }
0x16b: {  	[tilespmem:s28+$0xFFFFFFE0] =	vst v15;
	v61 =	vld [tilespmem:s30+$0xFFFFFFD0]  }
0x16c: {  	v4 =	vunpack.i.u.bf16.f32 v4;
	v3 =	vmul.f32 v8, v3;
	[tilespmem:s28+$0x0] =	vst v7;
	v62 =	vld [tilespmem:s30+$0xFFFFFFF0]  }
0x16d: {  	v4 =	vmul.f32 v9, v4;
	v63 =	vld [tilespmem:s30+$0x10]  }
0x16e: {  	[tilespmem:s26+$0xFFFFFFD0] =	vst v3;
	v1 =	vmul.f32 v10, v1  }
0x16f: {  	[tilespmem:s28+$0x30] =	vst v4;
	v2 =	vmul.f32 v12, v2  }
0x170: {  	[tilespmem:s26+$0xFFFFFFF0] =	vst v1;
	v1 =	vmul.f32 v61, v11  }
0x171: {  	[tilespmem:s26+$0x10] =	vst v2;
	v2 =	vmul.f32 v62, v5  }
0x172: {  	[tilespmem:s28+$0xFFFFFFD0] =	vst v1;
	v1 =	vmul.f32 v63, v6  }
0x173: {  	[tilespmem:s28+$0xFFFFFFF0] =	vst v2  }
0x174: {  	s11 =	sadd.s32 $0x198A0, s25;
	[tilespmem:s28+$0x10] =	vst v1  }
0x175: {  	[spmem:s2] =	stream.indirect.scatter.add.f32 [tilespmem:s0], [sflag:$0x5], $0x20, s11, s12, $0xb8;
	[tilespmem:$0x1FEA0] =	vst v63  }
0x176: {  	_ =	swait.ge [sflag:s17], $0x1000  }
0x177: {  	[sflag:s17] =	ssyncset.done $0x0  }
0x178: {  	[sflag:s17] =	ssyncadd.s32 $0xFFFFF000  }
.LBB2_16:
0x179: {  	v1 =	vld [tilespmem:s24+$0x1A120]  }
0x17a: {  	v2 =	vld [tilespmem:s24+$0x1A130];
	_ =	sdelay $0x1  }
0x17b: {  	v3 =	vld [tilespmem:s24+$0x1A140];
	_ =	sdelay $0x1  }
0x17c: {  	v4 =	vld [tilespmem:s24+$0x1A150]  }
0x17d: {  	v1 =	vadd.f32 v2, v1  }
0x17e: {  	v2 =	vld [tilespmem:s24+$0x1A160]  }
0x17f: {  	v1 =	vadd.f32 v3, v1  }
0x180: {  	v3 =	vld [tilespmem:s24+$0x1A170]  }
0x181: {  	v1 =	vadd.f32 v4, v1  }
0x182: {  	v63 =	vld [tilespmem:s24+$0x1A180]  }
0x183: {  	v1 =	vadd.f32 v2, v1  }
0x184: {  	v2 =	vld [tilespmem:s24+$0x1A190]  }
0x185: {  	v1 =	vadd.f32 v3, v1;
	_ =	sdelay $0x1  }
0x186: {  	v1 =	vadd.f32 v63, v1;
	_ =	sdelay $0x1  }
0x187: {  	v1 =	vadd.f32 v2, v1;
	_ =	sdelay $0x1  }
0x188: {  	(xrf2) =	vadd.scan.msk.f32 $0xffff, v1;
	_ =	sdelay $0x9  }
0x189: {  	v1, _, _ =	vpop (xrf2)  }
0x18a: {  	(v2sf) =	vpush v1, $0xF;
	_ =	sdelay $0xe  }
0x18b: {  	s11 =	spop (v2sf)  }
0x18c: {  	p1 =	sgt.f32 s11, $0.0e+00  }
.Ltmp11:
0x18d: {  	_ = 	snop;
	(pc) =	sbr.rel @!p1 .LBB2_20-.Ltmp11, $1  }
0x18e: {  	_ =	sdelay $0x3  }
0x18f: {  	s25 =	sadd.s32 $0x180, s24  }
0x190: {  	s11 =	sadd.s32 $0x18AA0, s25  }
0x191: {  	[tilespmem:s13], [sflag:$0x1] =	stream.indirect.gather [hbm4b:s5+s12], $0x10, s11, s12, $0xb8;
	[tilespmem:$0x1FEA0] =	vst v63  }
0x192: {  	s26 =	sadd.s32 $0x191A0, s25  }
0x193: {  	[tilespmem:s14], [sflag:$0x2] =	stream.indirect.gather [spmem:s1], $0x20, s26, s12, $0xb8;
	[tilespmem:$0x1FEA0] =	vst v63  }
0x194: {  	_ =	swait.ge [sflag:s15], $0x800  }
0x195: {  	[sflag:s15] =	ssyncset.done $0x0  }
0x196: {  	[sflag:s15] =	ssyncadd.s32 $0xFFFFF800  }
0x197: {  	_ =	swait.ge [sflag:s16], $0x1000  }
0x198: {  	[sflag:s16] =	ssyncset.done $0x0  }
0x199: {  	s26 =	simm.s32 $0x1A6C0;
	[sflag:s16] =	ssyncadd.s32 $0xFFFFF000  }
0x19a: {  	s30 =	simm.s32 $0x1BEE0;
	v5 =	vld [tilespmem:s26+$0x10]  }
0x19b: {  	v1 =	vld [tilespmem:s30+$0x20]  }
0x19c: {  	v2 =	vld [tilespmem:s26+$0xFFFFFFF0]  }
0x19d: {  	v3 =	vld [tilespmem:s26+$0x0]  }
0x19e: {  	v6 =	vld [tilespmem:s26+$0xFFFFFFE0]  }
0x19f: {  	v7 =	vld [tilespmem:s30+$0xFFFFFFC0]  }
0x1a0: {  	v8 =	vld [tilespmem:s30+$0xFFFFFFE0]  }
0x1a1: {  	s29 =	simm.s32 $0x1BF60;
	v9 =	vld [tilespmem:s30+$0x0]  }
0x1a2: {  	s11 =	simm.s32 $0x1A700;
	v11 =	vld [tilespmem:s29+$0x20];
	v4 =	vunpack.i.l.bf16.f32 v5  }
0x1a3: {  	v1 =	vmul.f32 v1, v4;
	v4 =	vld [tilespmem:s11+$0x10]  }
0x1a4: {  	v12 =	vld [tilespmem:s11+$0xFFFFFFF0]  }
0x1a5: {  	s26 =	simm.s32 $0x1DEE0;
	v13 =	vld [tilespmem:s11+$0x0]  }
0x1a6: {  	v15 =	vld [tilespmem:s11+$0xFFFFFFE0];
	[tilespmem:s26+$0x20] =	vst v1;
	v1 =	vunpack.i.l.bf16.f32 v6  }
0x1a7: {  	v10 =	vld [tilespmem:s30+$0x30];
	v7 =	vmul.f32 v7, v1;
	v1 =	vunpack.i.u.bf16.f32 v2;
	v2 =	vunpack.i.l.bf16.f32 v2  }
0x1a8: {  	v14 =	vld [tilespmem:s29+$0xFFFFFFC0];
	v17 =	vmul.f32 v8, v2;
	v16 =	vunpack.i.l.bf16.f32 v4  }
0x1a9: {  	v8 =	vunpack.i.l.bf16.f32 v3;
	[tilespmem:s26+$0xFFFFFFC0] =	vst v7;
	v11 =	vmul.f32 v11, v16;
	v16 =	vld [tilespmem:s29+$0xFFFFFFE0]  }
0x1aa: {  	s28 =	simm.s32 $0x1DF60;
	v2 =	vunpack.i.u.bf16.f32 v3;
	v3 =	vunpack.i.u.bf16.f32 v6;
	v7 =	vld [tilespmem:s29+$0x0];
	v6 =	vmul.f32 v9, v8;
	[tilespmem:s26+$0xFFFFFFE0] =	vst v17  }
0x1ab: {  	v5 =	vunpack.i.u.bf16.f32 v5;
	v8 =	vld [tilespmem:s30+$0xFFFFFFD0];
	[tilespmem:s28+$0x20] =	vst v11  }
0x1ac: {  	[tilespmem:s26+$0x0] =	vst v6;
	v6 =	vunpack.i.u.bf16.f32 v13;
	v11 =	vmul.f32 v10, v5;
	v10 =	vunpack.i.l.bf16.f32 v15;
	v9 =	vld [tilespmem:s29+$0x30]  }
0x1ad: {  	v5 =	vunpack.i.u.bf16.f32 v12;
	v12 =	vunpack.i.l.bf16.f32 v12;
	v14 =	vmul.f32 v14, v10;
	v10 =	vld [tilespmem:s30+$0xFFFFFFF0]  }
0x1ae: {  	s31 =	simm.s32 $0x4;
	s11 =	simm.s32 $0x1A740;
	v13 =	vunpack.i.l.bf16.f32 v13;
	[tilespmem:s26+$0x30] =	vst v11;
	v11 =	vunpack.i.u.bf16.f32 v15;
	v15 =	vmul.f32 v16, v12;
	v12 =	vld [tilespmem:s30+$0x10];
	s30 =	simm.s32 $0x1BF60  }
.LBB2_18:
0x1af: {  	v16 =	vld [tilespmem:s11+$0x10];
	s31 =	sadd.s32 $0x4, s31;
	[tilespmem:s28+$0xFFFFFFC0] =	vst v14;
	v7 =	vmul.f32 v7, v13;
	s29 =	sadd.s32 $0x80, s29  }
0x1b0: {  	v4 =	vunpack.i.u.bf16.f32 v4;
	v13 =	vld [tilespmem:s29+$0x20];
	p1 =	slt.u32 s31, $0x7C;
	[tilespmem:s28+$0xFFFFFFE0] =	vst v15;
	v8 =	vmul.f32 v8, v3;
	v3 =	vmov v11  }
0x1b1: {  	v11 =	vld [tilespmem:s11+$0xFFFFFFF0];
	[tilespmem:s28+$0x0] =	vst v7;
	v14 =	vmul.f32 v9, v4  }
0x1b2: {  	v9 =	vld [tilespmem:s11+$0x0];
	[tilespmem:s26+$0xFFFFFFD0] =	vst v8;
	v7 =	vmul.f32 v10, v1;
	v1 =	vmov v5  }
0x1b3: {  	v10 =	vld [tilespmem:s11+$0xFFFFFFE0];
	[tilespmem:s28+$0x30] =	vst v14;
	v5 =	vmul.f32 v12, v2;
	v2 =	vmov v6  }
0x1b4: {  	v12 =	vld [tilespmem:s29+$0xFFFFFFC0];
	v6 =	vunpack.i.l.bf16.f32 v16;
	[tilespmem:s26+$0xFFFFFFF0] =	vst v7;
	v4 =	vmov v16  }
0x1b5: {  	v15 =	vld [tilespmem:s29+$0xFFFFFFE0];
	v8 =	vmul.f32 v13, v6;
	[tilespmem:s26+$0x10] =	vst v5;
	s26 =	smov.u32 s28  }
.Ltmp12:
0x1b6: {  	s28 =	sadd.s32 $0x80, s28;
	v5 =	vunpack.i.u.bf16.f32 v11;
	v16 =	vunpack.i.l.bf16.f32 v11;
	v7 =	vld [tilespmem:s29+$0x0];
	(pc) =	sbr.rel @p1 .LBB2_18-.Ltmp12, $4  }
0x1b7: {  	v6 =	vunpack.i.u.bf16.f32 v9;
	v13 =	vunpack.i.l.bf16.f32 v9;
	[tilespmem:s28+$0x20] =	vst v8;
	v8 =	vld [tilespmem:s30+$0xFFFFFFD0]  }
0x1b8: {  	v11 =	vunpack.i.u.bf16.f32 v10;
	v10 =	vunpack.i.l.bf16.f32 v10;
	v9 =	vld [tilespmem:s29+$0x30]  }
0x1b9: {  	v14 =	vmul.f32 v12, v10;
	v10 =	vld [tilespmem:s30+$0xFFFFFFF0]  }
0x1ba: {  	s11 =	sadd.s32 $0x40, s11;
	v15 =	vmul.f32 v15, v16;
	v12 =	vld [tilespmem:s30+$0x10];
	s30 =	smov.u32 s29  }
0x1bb: {  	[tilespmem:s28+$0xFFFFFFC0] =	vst v14;
	v7 =	vmul.f32 v7, v13  }
0x1bc: {  	[tilespmem:s28+$0xFFFFFFE0] =	vst v15;
	v61 =	vld [tilespmem:s30+$0xFFFFFFD0]  }
0x1bd: {  	v4 =	vunpack.i.u.bf16.f32 v4;
	v3 =	vmul.f32 v8, v3;
	[tilespmem:s28+$0x0] =	vst v7;
	v62 =	vld [tilespmem:s30+$0xFFFFFFF0]  }
0x1be: {  	v4 =	vmul.f32 v9, v4;
	v63 =	vld [tilespmem:s30+$0x10]  }
0x1bf: {  	[tilespmem:s26+$0xFFFFFFD0] =	vst v3;
	v1 =	vmul.f32 v10, v1  }
0x1c0: {  	[tilespmem:s28+$0x30] =	vst v4;
	v2 =	vmul.f32 v12, v2  }
0x1c1: {  	[tilespmem:s26+$0xFFFFFFF0] =	vst v1;
	v1 =	vmul.f32 v61, v11  }
0x1c2: {  	[tilespmem:s26+$0x10] =	vst v2;
	v2 =	vmul.f32 v62, v5  }
0x1c3: {  	[tilespmem:s28+$0xFFFFFFD0] =	vst v1;
	v1 =	vmul.f32 v63, v6  }
0x1c4: {  	[tilespmem:s28+$0xFFFFFFF0] =	vst v2  }
0x1c5: {  	s11 =	sadd.s32 $0x198A0, s25;
	[tilespmem:s28+$0x10] =	vst v1  }
0x1c6: {  	[spmem:s2] =	stream.indirect.scatter.add.f32 [tilespmem:s0], [sflag:$0x5], $0x20, s11, s12, $0xb8;
	[tilespmem:$0x1FEA0] =	vst v63  }
0x1c7: {  	_ =	swait.ge [sflag:s17], $0x1000  }
0x1c8: {  	[sflag:s17] =	ssyncset.done $0x0  }
0x1c9: {  	[sflag:s17] =	ssyncadd.s32 $0xFFFFF000  }
.LBB2_20:
0x1ca: {  	v1 =	vld [tilespmem:s24+$0x1A1A0]  }
0x1cb: {  	v2 =	vld [tilespmem:s24+$0x1A1B0];
	_ =	sdelay $0x1  }
0x1cc: {  	v3 =	vld [tilespmem:s24+$0x1A1C0];
	_ =	sdelay $0x1  }
0x1cd: {  	v4 =	vld [tilespmem:s24+$0x1A1D0]  }
0x1ce: {  	v1 =	vadd.f32 v2, v1  }
0x1cf: {  	v2 =	vld [tilespmem:s24+$0x1A1E0]  }
0x1d0: {  	v1 =	vadd.f32 v3, v1  }
0x1d1: {  	v3 =	vld [tilespmem:s24+$0x1A1F0]  }
0x1d2: {  	v1 =	vadd.f32 v4, v1  }
0x1d3: {  	v63 =	vld [tilespmem:s24+$0x1A200]  }
0x1d4: {  	v1 =	vadd.f32 v2, v1  }
0x1d5: {  	v2 =	vld [tilespmem:s24+$0x1A210]  }
0x1d6: {  	v1 =	vadd.f32 v3, v1;
	_ =	sdelay $0x1  }
0x1d7: {  	v1 =	vadd.f32 v63, v1;
	_ =	sdelay $0x1  }
0x1d8: {  	v1 =	vadd.f32 v2, v1;
	_ =	sdelay $0x1  }
0x1d9: {  	(xrf2) =	vadd.scan.msk.f32 $0xffff, v1;
	_ =	sdelay $0x9  }
0x1da: {  	v1, _, _ =	vpop (xrf2)  }
0x1db: {  	(v2sf) =	vpush v1, $0xF;
	_ =	sdelay $0xe  }
0x1dc: {  	s11 =	spop (v2sf)  }
0x1dd: {  	p1 =	sgt.f32 s11, $0.0e+00  }
.Ltmp13:
0x1de: {  	_ = 	snop;
	(pc) =	sbr.rel @!p1 .LBB2_24-.Ltmp13, $1  }
0x1df: {  	_ =	sdelay $0x3  }
0x1e0: {  	s25 =	sadd.s32 $0x200, s24  }
0x1e1: {  	s11 =	sadd.s32 $0x18AA0, s25  }
0x1e2: {  	[tilespmem:s13], [sflag:$0x1] =	stream.indirect.gather [hbm4b:s5+s12], $0x10, s11, s12, $0xb8;
	[tilespmem:$0x1FEA0] =	vst v63  }
0x1e3: {  	s26 =	sadd.s32 $0x191A0, s25  }
0x1e4: {  	[tilespmem:s14], [sflag:$0x2] =	stream.indirect.gather [spmem:s1], $0x20, s26, s12, $0xb8;
	[tilespmem:$0x1FEA0] =	vst v63  }
0x1e5: {  	_ =	swait.ge [sflag:s15], $0x800  }
0x1e6: {  	[sflag:s15] =	ssyncset.done $0x0  }
0x1e7: {  	[sflag:s15] =	ssyncadd.s32 $0xFFFFF800  }
0x1e8: {  	_ =	swait.ge [sflag:s16], $0x1000  }
0x1e9: {  	[sflag:s16] =	ssyncset.done $0x0  }
0x1ea: {  	s26 =	simm.s32 $0x1A6C0;
	[sflag:s16] =	ssyncadd.s32 $0xFFFFF000  }
0x1eb: {  	s30 =	simm.s32 $0x1BEE0;
	v5 =	vld [tilespmem:s26+$0x10]  }
0x1ec: {  	v1 =	vld [tilespmem:s30+$0x20]  }
0x1ed: {  	v2 =	vld [tilespmem:s26+$0xFFFFFFF0]  }
0x1ee: {  	v3 =	vld [tilespmem:s26+$0x0]  }
0x1ef: {  	v6 =	vld [tilespmem:s26+$0xFFFFFFE0]  }
0x1f0: {  	v7 =	vld [tilespmem:s30+$0xFFFFFFC0]  }
0x1f1: {  	v8 =	vld [tilespmem:s30+$0xFFFFFFE0]  }
0x1f2: {  	s29 =	simm.s32 $0x1BF60;
	v9 =	vld [tilespmem:s30+$0x0]  }
0x1f3: {  	s11 =	simm.s32 $0x1A700;
	v11 =	vld [tilespmem:s29+$0x20];
	v4 =	vunpack.i.l.bf16.f32 v5  }
0x1f4: {  	v1 =	vmul.f32 v1, v4;
	v4 =	vld [tilespmem:s11+$0x10]  }
0x1f5: {  	v12 =	vld [tilespmem:s11+$0xFFFFFFF0]  }
0x1f6: {  	s26 =	simm.s32 $0x1DEE0;
	v13 =	vld [tilespmem:s11+$0x0]  }
0x1f7: {  	v15 =	vld [tilespmem:s11+$0xFFFFFFE0];
	[tilespmem:s26+$0x20] =	vst v1;
	v1 =	vunpack.i.l.bf16.f32 v6  }
0x1f8: {  	v10 =	vld [tilespmem:s30+$0x30];
	v7 =	vmul.f32 v7, v1;
	v1 =	vunpack.i.u.bf16.f32 v2;
	v2 =	vunpack.i.l.bf16.f32 v2  }
0x1f9: {  	v14 =	vld [tilespmem:s29+$0xFFFFFFC0];
	v17 =	vmul.f32 v8, v2;
	v16 =	vunpack.i.l.bf16.f32 v4  }
0x1fa: {  	v8 =	vunpack.i.l.bf16.f32 v3;
	[tilespmem:s26+$0xFFFFFFC0] =	vst v7;
	v11 =	vmul.f32 v11, v16;
	v16 =	vld [tilespmem:s29+$0xFFFFFFE0]  }
0x1fb: {  	s28 =	simm.s32 $0x1DF60;
	v2 =	vunpack.i.u.bf16.f32 v3;
	v3 =	vunpack.i.u.bf16.f32 v6;
	v7 =	vld [tilespmem:s29+$0x0];
	v6 =	vmul.f32 v9, v8;
	[tilespmem:s26+$0xFFFFFFE0] =	vst v17  }
0x1fc: {  	v5 =	vunpack.i.u.bf16.f32 v5;
	v8 =	vld [tilespmem:s30+$0xFFFFFFD0];
	[tilespmem:s28+$0x20] =	vst v11  }
0x1fd: {  	[tilespmem:s26+$0x0] =	vst v6;
	v6 =	vunpack.i.u.bf16.f32 v13;
	v11 =	vmul.f32 v10, v5;
	v10 =	vunpack.i.l.bf16.f32 v15;
	v9 =	vld [tilespmem:s29+$0x30]  }
0x1fe: {  	v5 =	vunpack.i.u.bf16.f32 v12;
	v12 =	vunpack.i.l.bf16.f32 v12;
	v14 =	vmul.f32 v14, v10;
	v10 =	vld [tilespmem:s30+$0xFFFFFFF0]  }
0x1ff: {  	s31 =	simm.s32 $0x4;
	s11 =	simm.s32 $0x1A740;
	v13 =	vunpack.i.l.bf16.f32 v13;
	[tilespmem:s26+$0x30] =	vst v11;
	v11 =	vunpack.i.u.bf16.f32 v15;
	v15 =	vmul.f32 v16, v12;
	v12 =	vld [tilespmem:s30+$0x10];
	s30 =	simm.s32 $0x1BF60  }
.LBB2_22:
0x200: {  	v16 =	vld [tilespmem:s11+$0x10];
	s31 =	sadd.s32 $0x4, s31;
	[tilespmem:s28+$0xFFFFFFC0] =	vst v14;
	v7 =	vmul.f32 v7, v13;
	s29 =	sadd.s32 $0x80, s29  }
0x201: {  	v4 =	vunpack.i.u.bf16.f32 v4;
	v13 =	vld [tilespmem:s29+$0x20];
	p1 =	slt.u32 s31, $0x7C;
	[tilespmem:s28+$0xFFFFFFE0] =	vst v15;
	v8 =	vmul.f32 v8, v3;
	v3 =	vmov v11  }
0x202: {  	v11 =	vld [tilespmem:s11+$0xFFFFFFF0];
	[tilespmem:s28+$0x0] =	vst v7;
	v14 =	vmul.f32 v9, v4  }
0x203: {  	v9 =	vld [tilespmem:s11+$0x0];
	[tilespmem:s26+$0xFFFFFFD0] =	vst v8;
	v7 =	vmul.f32 v10, v1;
	v1 =	vmov v5  }
0x204: {  	v10 =	vld [tilespmem:s11+$0xFFFFFFE0];
	[tilespmem:s28+$0x30] =	vst v14;
	v5 =	vmul.f32 v12, v2;
	v2 =	vmov v6  }
0x205: {  	v12 =	vld [tilespmem:s29+$0xFFFFFFC0];
	v6 =	vunpack.i.l.bf16.f32 v16;
	[tilespmem:s26+$0xFFFFFFF0] =	vst v7;
	v4 =	vmov v16  }
0x206: {  	v15 =	vld [tilespmem:s29+$0xFFFFFFE0];
	v8 =	vmul.f32 v13, v6;
	[tilespmem:s26+$0x10] =	vst v5;
	s26 =	smov.u32 s28  }
.Ltmp14:
0x207: {  	s28 =	sadd.s32 $0x80, s28;
	v5 =	vunpack.i.u.bf16.f32 v11;
	v16 =	vunpack.i.l.bf16.f32 v11;
	v7 =	vld [tilespmem:s29+$0x0];
	(pc) =	sbr.rel @p1 .LBB2_22-.Ltmp14, $4  }
0x208: {  	v6 =	vunpack.i.u.bf16.f32 v9;
	v13 =	vunpack.i.l.bf16.f32 v9;
	[tilespmem:s28+$0x20] =	vst v8;
	v8 =	vld [tilespmem:s30+$0xFFFFFFD0]  }
0x209: {  	v11 =	vunpack.i.u.bf16.f32 v10;
	v10 =	vunpack.i.l.bf16.f32 v10;
	v9 =	vld [tilespmem:s29+$0x30]  }
0x20a: {  	v14 =	vmul.f32 v12, v10;
	v10 =	vld [tilespmem:s30+$0xFFFFFFF0]  }
0x20b: {  	s11 =	sadd.s32 $0x40, s11;
	v15 =	vmul.f32 v15, v16;
	v12 =	vld [tilespmem:s30+$0x10];
	s30 =	smov.u32 s29  }
0x20c: {  	[tilespmem:s28+$0xFFFFFFC0] =	vst v14;
	v7 =	vmul.f32 v7, v13  }
0x20d: {  	[tilespmem:s28+$0xFFFFFFE0] =	vst v15;
	v61 =	vld [tilespmem:s30+$0xFFFFFFD0]  }
0x20e: {  	v4 =	vunpack.i.u.bf16.f32 v4;
	v3 =	vmul.f32 v8, v3;
	[tilespmem:s28+$0x0] =	vst v7;
	v62 =	vld [tilespmem:s30+$0xFFFFFFF0]  }
0x20f: {  	v4 =	vmul.f32 v9, v4;
	v63 =	vld [tilespmem:s30+$0x10]  }
0x210: {  	[tilespmem:s26+$0xFFFFFFD0] =	vst v3;
	v1 =	vmul.f32 v10, v1  }
0x211: {  	[tilespmem:s28+$0x30] =	vst v4;
	v2 =	vmul.f32 v12, v2  }
0x212: {  	[tilespmem:s26+$0xFFFFFFF0] =	vst v1;
	v1 =	vmul.f32 v61, v11  }
0x213: {  	[tilespmem:s26+$0x10] =	vst v2;
	v2 =	vmul.f32 v62, v5  }
0x214: {  	[tilespmem:s28+$0xFFFFFFD0] =	vst v1;
	v1 =	vmul.f32 v63, v6  }
0x215: {  	[tilespmem:s28+$0xFFFFFFF0] =	vst v2  }
0x216: {  	s11 =	sadd.s32 $0x198A0, s25;
	[tilespmem:s28+$0x10] =	vst v1  }
0x217: {  	[spmem:s2] =	stream.indirect.scatter.add.f32 [tilespmem:s0], [sflag:$0x5], $0x20, s11, s12, $0xb8;
	[tilespmem:$0x1FEA0] =	vst v63  }
0x218: {  	_ =	swait.ge [sflag:s17], $0x1000  }
0x219: {  	[sflag:s17] =	ssyncset.done $0x0  }
0x21a: {  	[sflag:s17] =	ssyncadd.s32 $0xFFFFF000  }
.LBB2_24:
0x21b: {  	v1 =	vld [tilespmem:s24+$0x1A220]  }
0x21c: {  	v2 =	vld [tilespmem:s24+$0x1A230];
	_ =	sdelay $0x1  }
0x21d: {  	v3 =	vld [tilespmem:s24+$0x1A240];
	_ =	sdelay $0x1  }
0x21e: {  	v4 =	vld [tilespmem:s24+$0x1A250]  }
0x21f: {  	v1 =	vadd.f32 v2, v1  }
0x220: {  	v2 =	vld [tilespmem:s24+$0x1A260]  }
0x221: {  	v1 =	vadd.f32 v3, v1  }
0x222: {  	v3 =	vld [tilespmem:s24+$0x1A270]  }
0x223: {  	v1 =	vadd.f32 v4, v1  }
0x224: {  	v63 =	vld [tilespmem:s24+$0x1A280]  }
0x225: {  	v1 =	vadd.f32 v2, v1  }
0x226: {  	v2 =	vld [tilespmem:s24+$0x1A290]  }
0x227: {  	v1 =	vadd.f32 v3, v1;
	_ =	sdelay $0x1  }
0x228: {  	v1 =	vadd.f32 v63, v1;
	_ =	sdelay $0x1  }
0x229: {  	v1 =	vadd.f32 v2, v1;
	_ =	sdelay $0x1  }
0x22a: {  	(xrf2) =	vadd.scan.msk.f32 $0xffff, v1;
	_ =	sdelay $0x9  }
0x22b: {  	v1, _, _ =	vpop (xrf2)  }
0x22c: {  	(v2sf) =	vpush v1, $0xF;
	_ =	sdelay $0xe  }
0x22d: {  	s11 =	spop (v2sf)  }
0x22e: {  	p1 =	sgt.f32 s11, $0.0e+00  }
.Ltmp15:
0x22f: {  	_ = 	snop;
	(pc) =	sbr.rel @!p1 .LBB2_28-.Ltmp15, $1  }
0x230: {  	_ =	sdelay $0x3  }
0x231: {  	s25 =	sadd.s32 $0x280, s24  }
0x232: {  	s11 =	sadd.s32 $0x18AA0, s25  }
0x233: {  	[tilespmem:s13], [sflag:$0x1] =	stream.indirect.gather [hbm4b:s5+s12], $0x10, s11, s12, $0xb8;
	[tilespmem:$0x1FEA0] =	vst v63  }
0x234: {  	s26 =	sadd.s32 $0x191A0, s25  }
0x235: {  	[tilespmem:s14], [sflag:$0x2] =	stream.indirect.gather [spmem:s1], $0x20, s26, s12, $0xb8;
	[tilespmem:$0x1FEA0] =	vst v63  }
0x236: {  	_ =	swait.ge [sflag:s15], $0x800  }
0x237: {  	[sflag:s15] =	ssyncset.done $0x0  }
0x238: {  	[sflag:s15] =	ssyncadd.s32 $0xFFFFF800  }
0x239: {  	_ =	swait.ge [sflag:s16], $0x1000  }
0x23a: {  	[sflag:s16] =	ssyncset.done $0x0  }
0x23b: {  	s26 =	simm.s32 $0x1A6C0;
	[sflag:s16] =	ssyncadd.s32 $0xFFFFF000  }
0x23c: {  	s30 =	simm.s32 $0x1BEE0;
	v5 =	vld [tilespmem:s26+$0x10]  }
0x23d: {  	v1 =	vld [tilespmem:s30+$0x20]  }
0x23e: {  	v2 =	vld [tilespmem:s26+$0xFFFFFFF0]  }
0x23f: {  	v3 =	vld [tilespmem:s26+$0x0]  }
0x240: {  	v6 =	vld [tilespmem:s26+$0xFFFFFFE0]  }
0x241: {  	v7 =	vld [tilespmem:s30+$0xFFFFFFC0]  }
0x242: {  	v8 =	vld [tilespmem:s30+$0xFFFFFFE0]  }
0x243: {  	s29 =	simm.s32 $0x1BF60;
	v9 =	vld [tilespmem:s30+$0x0]  }
0x244: {  	s11 =	simm.s32 $0x1A700;
	v11 =	vld [tilespmem:s29+$0x20];
	v4 =	vunpack.i.l.bf16.f32 v5  }
0x245: {  	v1 =	vmul.f32 v1, v4;
	v4 =	vld [tilespmem:s11+$0x10]  }
0x246: {  	v12 =	vld [tilespmem:s11+$0xFFFFFFF0]  }
0x247: {  	s26 =	simm.s32 $0x1DEE0;
	v13 =	vld [tilespmem:s11+$0x0]  }
0x248: {  	v15 =	vld [tilespmem:s11+$0xFFFFFFE0];
	[tilespmem:s26+$0x20] =	vst v1;
	v1 =	vunpack.i.l.bf16.f32 v6  }
0x249: {  	v10 =	vld [tilespmem:s30+$0x30];
	v7 =	vmul.f32 v7, v1;
	v1 =	vunpack.i.u.bf16.f32 v2;
	v2 =	vunpack.i.l.bf16.f32 v2  }
0x24a: {  	v14 =	vld [tilespmem:s29+$0xFFFFFFC0];
	v17 =	vmul.f32 v8, v2;
	v16 =	vunpack.i.l.bf16.f32 v4  }
0x24b: {  	v8 =	vunpack.i.l.bf16.f32 v3;
	[tilespmem:s26+$0xFFFFFFC0] =	vst v7;
	v11 =	vmul.f32 v11, v16;
	v16 =	vld [tilespmem:s29+$0xFFFFFFE0]  }
0x24c: {  	s28 =	simm.s32 $0x1DF60;
	v2 =	vunpack.i.u.bf16.f32 v3;
	v3 =	vunpack.i.u.bf16.f32 v6;
	v7 =	vld [tilespmem:s29+$0x0];
	v6 =	vmul.f32 v9, v8;
	[tilespmem:s26+$0xFFFFFFE0] =	vst v17  }
0x24d: {  	v5 =	vunpack.i.u.bf16.f32 v5;
	v8 =	vld [tilespmem:s30+$0xFFFFFFD0];
	[tilespmem:s28+$0x20] =	vst v11  }
0x24e: {  	[tilespmem:s26+$0x0] =	vst v6;
	v6 =	vunpack.i.u.bf16.f32 v13;
	v11 =	vmul.f32 v10, v5;
	v10 =	vunpack.i.l.bf16.f32 v15;
	v9 =	vld [tilespmem:s29+$0x30]  }
0x24f: {  	v5 =	vunpack.i.u.bf16.f32 v12;
	v12 =	vunpack.i.l.bf16.f32 v12;
	v14 =	vmul.f32 v14, v10;
	v10 =	vld [tilespmem:s30+$0xFFFFFFF0]  }
0x250: {  	s31 =	simm.s32 $0x4;
	s11 =	simm.s32 $0x1A740;
	v13 =	vunpack.i.l.bf16.f32 v13;
	[tilespmem:s26+$0x30] =	vst v11;
	v11 =	vunpack.i.u.bf16.f32 v15;
	v15 =	vmul.f32 v16, v12;
	v12 =	vld [tilespmem:s30+$0x10];
	s30 =	simm.s32 $0x1BF60  }
.LBB2_26:
0x251: {  	v16 =	vld [tilespmem:s11+$0x10];
	s31 =	sadd.s32 $0x4, s31;
	[tilespmem:s28+$0xFFFFFFC0] =	vst v14;
	v7 =	vmul.f32 v7, v13;
	s29 =	sadd.s32 $0x80, s29  }
0x252: {  	v4 =	vunpack.i.u.bf16.f32 v4;
	v13 =	vld [tilespmem:s29+$0x20];
	p1 =	slt.u32 s31, $0x7C;
	[tilespmem:s28+$0xFFFFFFE0] =	vst v15;
	v8 =	vmul.f32 v8, v3;
	v3 =	vmov v11  }
0x253: {  	v11 =	vld [tilespmem:s11+$0xFFFFFFF0];
	[tilespmem:s28+$0x0] =	vst v7;
	v14 =	vmul.f32 v9, v4  }
0x254: {  	v9 =	vld [tilespmem:s11+$0x0];
	[tilespmem:s26+$0xFFFFFFD0] =	vst v8;
	v7 =	vmul.f32 v10, v1;
	v1 =	vmov v5  }
0x255: {  	v10 =	vld [tilespmem:s11+$0xFFFFFFE0];
	[tilespmem:s28+$0x30] =	vst v14;
	v5 =	vmul.f32 v12, v2;
	v2 =	vmov v6  }
0x256: {  	v12 =	vld [tilespmem:s29+$0xFFFFFFC0];
	v6 =	vunpack.i.l.bf16.f32 v16;
	[tilespmem:s26+$0xFFFFFFF0] =	vst v7;
	v4 =	vmov v16  }
0x257: {  	v15 =	vld [tilespmem:s29+$0xFFFFFFE0];
	v8 =	vmul.f32 v13, v6;
	[tilespmem:s26+$0x10] =	vst v5;
	s26 =	smov.u32 s28  }
.Ltmp16:
0x258: {  	s28 =	sadd.s32 $0x80, s28;
	v5 =	vunpack.i.u.bf16.f32 v11;
	v16 =	vunpack.i.l.bf16.f32 v11;
	v7 =	vld [tilespmem:s29+$0x0];
	(pc) =	sbr.rel @p1 .LBB2_26-.Ltmp16, $4  }
0x259: {  	v6 =	vunpack.i.u.bf16.f32 v9;
	v13 =	vunpack.i.l.bf16.f32 v9;
	[tilespmem:s28+$0x20] =	vst v8;
	v8 =	vld [tilespmem:s30+$0xFFFFFFD0]  }
0x25a: {  	v11 =	vunpack.i.u.bf16.f32 v10;
	v10 =	vunpack.i.l.bf16.f32 v10;
	v9 =	vld [tilespmem:s29+$0x30]  }
0x25b: {  	v14 =	vmul.f32 v12, v10;
	v10 =	vld [tilespmem:s30+$0xFFFFFFF0]  }
0x25c: {  	s11 =	sadd.s32 $0x40, s11;
	v15 =	vmul.f32 v15, v16;
	v12 =	vld [tilespmem:s30+$0x10];
	s30 =	smov.u32 s29  }
0x25d: {  	[tilespmem:s28+$0xFFFFFFC0] =	vst v14;
	v7 =	vmul.f32 v7, v13  }
0x25e: {  	[tilespmem:s28+$0xFFFFFFE0] =	vst v15;
	v61 =	vld [tilespmem:s30+$0xFFFFFFD0]  }
0x25f: {  	v4 =	vunpack.i.u.bf16.f32 v4;
	v3 =	vmul.f32 v8, v3;
	[tilespmem:s28+$0x0] =	vst v7;
	v62 =	vld [tilespmem:s30+$0xFFFFFFF0]  }
0x260: {  	v4 =	vmul.f32 v9, v4;
	v63 =	vld [tilespmem:s30+$0x10]  }
0x261: {  	[tilespmem:s26+$0xFFFFFFD0] =	vst v3;
	v1 =	vmul.f32 v10, v1  }
0x262: {  	[tilespmem:s28+$0x30] =	vst v4;
	v2 =	vmul.f32 v12, v2  }
0x263: {  	[tilespmem:s26+$0xFFFFFFF0] =	vst v1;
	v1 =	vmul.f32 v61, v11  }
0x264: {  	[tilespmem:s26+$0x10] =	vst v2;
	v2 =	vmul.f32 v62, v5  }
0x265: {  	[tilespmem:s28+$0xFFFFFFD0] =	vst v1;
	v1 =	vmul.f32 v63, v6  }
0x266: {  	[tilespmem:s28+$0xFFFFFFF0] =	vst v2  }
0x267: {  	s11 =	sadd.s32 $0x198A0, s25;
	[tilespmem:s28+$0x10] =	vst v1  }
0x268: {  	[spmem:s2] =	stream.indirect.scatter.add.f32 [tilespmem:s0], [sflag:$0x5], $0x20, s11, s12, $0xb8;
	[tilespmem:$0x1FEA0] =	vst v63  }
0x269: {  	_ =	swait.ge [sflag:s17], $0x1000  }
0x26a: {  	[sflag:s17] =	ssyncset.done $0x0  }
0x26b: {  	[sflag:s17] =	ssyncadd.s32 $0xFFFFF000  }
.LBB2_28:
0x26c: {  	v1 =	vld [tilespmem:s24+$0x1A2A0]  }
0x26d: {  	v2 =	vld [tilespmem:s24+$0x1A2B0];
	_ =	sdelay $0x1  }
0x26e: {  	v3 =	vld [tilespmem:s24+$0x1A2C0];
	_ =	sdelay $0x1  }
0x26f: {  	v4 =	vld [tilespmem:s24+$0x1A2D0]  }
0x270: {  	v1 =	vadd.f32 v2, v1  }
0x271: {  	v2 =	vld [tilespmem:s24+$0x1A2E0]  }
0x272: {  	v1 =	vadd.f32 v3, v1  }
0x273: {  	v3 =	vld [tilespmem:s24+$0x1A2F0]  }
0x274: {  	v1 =	vadd.f32 v4, v1  }
0x275: {  	v63 =	vld [tilespmem:s24+$0x1A300]  }
0x276: {  	v1 =	vadd.f32 v2, v1  }
0x277: {  	v2 =	vld [tilespmem:s24+$0x1A310]  }
0x278: {  	v1 =	vadd.f32 v3, v1;
	_ =	sdelay $0x1  }
0x279: {  	v1 =	vadd.f32 v63, v1;
	_ =	sdelay $0x1  }
0x27a: {  	v1 =	vadd.f32 v2, v1;
	_ =	sdelay $0x1  }
0x27b: {  	(xrf2) =	vadd.scan.msk.f32 $0xffff, v1;
	_ =	sdelay $0x9  }
0x27c: {  	v1, _, _ =	vpop (xrf2)  }
0x27d: {  	(v2sf) =	vpush v1, $0xF;
	_ =	sdelay $0xe  }
0x27e: {  	s11 =	spop (v2sf)  }
0x27f: {  	p1 =	sgt.f32 s11, $0.0e+00  }
.Ltmp17:
0x280: {  	_ = 	snop;
	(pc) =	sbr.rel @!p1 .LBB2_32-.Ltmp17, $1  }
0x281: {  	_ =	sdelay $0x3  }
0x282: {  	s24 =	sadd.s32 $0x300, s24  }
0x283: {  	s11 =	sadd.s32 $0x18AA0, s24  }
0x284: {  	[tilespmem:s13], [sflag:$0x1] =	stream.indirect.gather [hbm4b:s5+s12], $0x10, s11, s12, $0xb8;
	[tilespmem:$0x1FEA0] =	vst v63  }
0x285: {  	s25 =	sadd.s32 $0x191A0, s24  }
0x286: {  	[tilespmem:s14], [sflag:$0x2] =	stream.indirect.gather [spmem:s1], $0x20, s25, s12, $0xb8;
	[tilespmem:$0x1FEA0] =	vst v63  }
0x287: {  	_ =	swait.ge [sflag:s15], $0x800  }
0x288: {  	[sflag:s15] =	ssyncset.done $0x0  }
0x289: {  	[sflag:s15] =	ssyncadd.s32 $0xFFFFF800  }
0x28a: {  	_ =	swait.ge [sflag:s16], $0x1000  }
0x28b: {  	[sflag:s16] =	ssyncset.done $0x0  }
0x28c: {  	s26 =	simm.s32 $0x1A6C0;
	[sflag:s16] =	ssyncadd.s32 $0xFFFFF000  }
0x28d: {  	s29 =	simm.s32 $0x1BEE0;
	v5 =	vld [tilespmem:s26+$0x10]  }
0x28e: {  	v1 =	vld [tilespmem:s29+$0x20]  }
0x28f: {  	v2 =	vld [tilespmem:s26+$0xFFFFFFF0]  }
0x290: {  	v3 =	vld [tilespmem:s26+$0x0]  }
0x291: {  	v6 =	vld [tilespmem:s26+$0xFFFFFFE0]  }
0x292: {  	v7 =	vld [tilespmem:s29+$0xFFFFFFC0]  }
0x293: {  	v8 =	vld [tilespmem:s29+$0xFFFFFFE0]  }
0x294: {  	s28 =	simm.s32 $0x1BF60;
	v9 =	vld [tilespmem:s29+$0x0]  }
0x295: {  	s31 =	simm.s32 $0x1A700;
	v11 =	vld [tilespmem:s28+$0x20];
	v4 =	vunpack.i.l.bf16.f32 v5  }
0x296: {  	v1 =	vmul.f32 v1, v4;
	v4 =	vld [tilespmem:s31+$0x10]  }
0x297: {  	v12 =	vld [tilespmem:s31+$0xFFFFFFF0]  }
0x298: {  	s25 =	simm.s32 $0x1DEE0;
	v13 =	vld [tilespmem:s31+$0x0]  }
0x299: {  	v15 =	vld [tilespmem:s31+$0xFFFFFFE0];
	[tilespmem:s25+$0x20] =	vst v1;
	v1 =	vunpack.i.l.bf16.f32 v6  }
0x29a: {  	v10 =	vld [tilespmem:s29+$0x30];
	v7 =	vmul.f32 v7, v1;
	v1 =	vunpack.i.u.bf16.f32 v2;
	v2 =	vunpack.i.l.bf16.f32 v2  }
0x29b: {  	v14 =	vld [tilespmem:s28+$0xFFFFFFC0];
	v17 =	vmul.f32 v8, v2;
	v16 =	vunpack.i.l.bf16.f32 v4  }
0x29c: {  	v8 =	vunpack.i.l.bf16.f32 v3;
	[tilespmem:s25+$0xFFFFFFC0] =	vst v7;
	v11 =	vmul.f32 v11, v16;
	v16 =	vld [tilespmem:s28+$0xFFFFFFE0]  }
0x29d: {  	s26 =	simm.s32 $0x1DF60;
	v2 =	vunpack.i.u.bf16.f32 v3;
	v3 =	vunpack.i.u.bf16.f32 v6;
	v7 =	vld [tilespmem:s28+$0x0];
	v6 =	vmul.f32 v9, v8;
	[tilespmem:s25+$0xFFFFFFE0] =	vst v17  }
0x29e: {  	v5 =	vunpack.i.u.bf16.f32 v5;
	v8 =	vld [tilespmem:s29+$0xFFFFFFD0];
	[tilespmem:s26+$0x20] =	vst v11  }
0x29f: {  	[tilespmem:s25+$0x0] =	vst v6;
	v6 =	vunpack.i.u.bf16.f32 v13;
	v11 =	vmul.f32 v10, v5;
	v10 =	vunpack.i.l.bf16.f32 v15;
	v9 =	vld [tilespmem:s28+$0x30]  }
0x2a0: {  	v5 =	vunpack.i.u.bf16.f32 v12;
	v12 =	vunpack.i.l.bf16.f32 v12;
	v14 =	vmul.f32 v14, v10;
	v10 =	vld [tilespmem:s29+$0xFFFFFFF0]  }
0x2a1: {  	s30 =	simm.s32 $0x4;
	s11 =	simm.s32 $0x1A740;
	v13 =	vunpack.i.l.bf16.f32 v13;
	[tilespmem:s25+$0x30] =	vst v11;
	v11 =	vunpack.i.u.bf16.f32 v15;
	v15 =	vmul.f32 v16, v12;
	v12 =	vld [tilespmem:s29+$0x10];
	s29 =	simm.s32 $0x1BF60  }
.LBB2_30:
0x2a2: {  	v16 =	vld [tilespmem:s11+$0x10];
	s30 =	sadd.s32 $0x4, s30;
	[tilespmem:s26+$0xFFFFFFC0] =	vst v14;
	v7 =	vmul.f32 v7, v13;
	s28 =	sadd.s32 $0x80, s28  }
0x2a3: {  	v4 =	vunpack.i.u.bf16.f32 v4;
	v13 =	vld [tilespmem:s28+$0x20];
	p1 =	slt.u32 s30, $0x7C;
	[tilespmem:s26+$0xFFFFFFE0] =	vst v15;
	v8 =	vmul.f32 v8, v3;
	v3 =	vmov v11  }
0x2a4: {  	v11 =	vld [tilespmem:s11+$0xFFFFFFF0];
	[tilespmem:s26+$0x0] =	vst v7;
	v14 =	vmul.f32 v9, v4  }
0x2a5: {  	v9 =	vld [tilespmem:s11+$0x0];
	[tilespmem:s25+$0xFFFFFFD0] =	vst v8;
	v7 =	vmul.f32 v10, v1;
	v1 =	vmov v5  }
0x2a6: {  	v10 =	vld [tilespmem:s11+$0xFFFFFFE0];
	[tilespmem:s26+$0x30] =	vst v14;
	v5 =	vmul.f32 v12, v2;
	v2 =	vmov v6  }
0x2a7: {  	v12 =	vld [tilespmem:s28+$0xFFFFFFC0];
	v6 =	vunpack.i.l.bf16.f32 v16;
	[tilespmem:s25+$0xFFFFFFF0] =	vst v7;
	v4 =	vmov v16  }
0x2a8: {  	v15 =	vld [tilespmem:s28+$0xFFFFFFE0];
	v8 =	vmul.f32 v13, v6;
	[tilespmem:s25+$0x10] =	vst v5;
	s25 =	smov.u32 s26  }
.Ltmp18:
0x2a9: {  	s26 =	sadd.s32 $0x80, s26;
	v5 =	vunpack.i.u.bf16.f32 v11;
	v16 =	vunpack.i.l.bf16.f32 v11;
	v7 =	vld [tilespmem:s28+$0x0];
	(pc) =	sbr.rel @p1 .LBB2_30-.Ltmp18, $4  }
0x2aa: {  	v6 =	vunpack.i.u.bf16.f32 v9;
	v13 =	vunpack.i.l.bf16.f32 v9;
	[tilespmem:s26+$0x20] =	vst v8;
	v8 =	vld [tilespmem:s29+$0xFFFFFFD0]  }
0x2ab: {  	v11 =	vunpack.i.u.bf16.f32 v10;
	v10 =	vunpack.i.l.bf16.f32 v10;
	v9 =	vld [tilespmem:s28+$0x30]  }
0x2ac: {  	v14 =	vmul.f32 v12, v10;
	v10 =	vld [tilespmem:s29+$0xFFFFFFF0]  }
0x2ad: {  	s11 =	sadd.s32 $0x40, s11;
	v15 =	vmul.f32 v15, v16;
	v12 =	vld [tilespmem:s29+$0x10];
	s29 =	smov.u32 s28  }
0x2ae: {  	[tilespmem:s26+$0xFFFFFFC0] =	vst v14;
	v7 =	vmul.f32 v7, v13  }
0x2af: {  	[tilespmem:s26+$0xFFFFFFE0] =	vst v15;
	v61 =	vld [tilespmem:s29+$0xFFFFFFD0]  }
0x2b0: {  	v4 =	vunpack.i.u.bf16.f32 v4;
	v3 =	vmul.f32 v8, v3;
	[tilespmem:s26+$0x0] =	vst v7;
	v62 =	vld [tilespmem:s29+$0xFFFFFFF0]  }
0x2b1: {  	v4 =	vmul.f32 v9, v4;
	v63 =	vld [tilespmem:s29+$0x10]  }
0x2b2: {  	[tilespmem:s25+$0xFFFFFFD0] =	vst v3;
	v1 =	vmul.f32 v10, v1  }
0x2b3: {  	[tilespmem:s26+$0x30] =	vst v4;
	v2 =	vmul.f32 v12, v2  }
0x2b4: {  	[tilespmem:s25+$0xFFFFFFF0] =	vst v1;
	v1 =	vmul.f32 v61, v11  }
0x2b5: {  	[tilespmem:s25+$0x10] =	vst v2;
	v2 =	vmul.f32 v62, v5  }
0x2b6: {  	[tilespmem:s26+$0xFFFFFFD0] =	vst v1;
	v1 =	vmul.f32 v63, v6  }
0x2b7: {  	[tilespmem:s26+$0xFFFFFFF0] =	vst v2  }
.Ltmp19:
0x2b8: {  	s11 =	sadd.s32 $0x198A0, s24;
	[tilespmem:s26+$0x10] =	vst v1;
	(pc) =	sbr.rel .LBB2_32-.Ltmp19, $4  }
0x2b9: {  	[spmem:s2] =	stream.indirect.scatter.add.f32 [tilespmem:s0], [sflag:$0x4], $0x20, s11, s12, $0xb8;
	[tilespmem:$0x1FEA0] =	vst v63  }
0x2ba: {  	_ =	swait.ge [sflag:s4], $0x1000  }
0x2bb: {  	[sflag:s4] =	ssyncset.done $0x0  }
0x2bc: {  	[sflag:s4] =	ssyncadd.s32 $0xFFFFF000  }
.LBB2_34:
0x2bd: {  	_ =	sfence.sel $0x180000  }
0x2be: {  	[bflag:$0x0] =	sbarrier.arrive $0xFFFF  }
0x2bf: {  	_ =	strace $0x90000047  }
0x2c0: {  	[bflag:$0x2] =	sbarrier.arrive $0xFFFF  }
0x2c1: {  	s0 =	rddreg [dreg:$0x3]  }
0x2c2: {  	s0 =	sadd.s32 @!p0 $0x100000, s0  }
0x2c3: {  	[sflag:s0] =	ssyncadd.tile.s32 @!p0 $0x1;
	_ =	shalt  }
.Lfunc_end2:
_tile_overlayer_lowered:
.L_overlay_start_2:
0x2c4: {  	(tag) =	ssettag $0x2  }
0x2c5: {  	s0 =	rddreg [dreg:$0x0];
	s2 =	stileid.u32  }
0x2c6: {  	s1 =	rddreg [dreg:$0x1];
	p0 =	sne.s32 s2, $0x0  }
0x2c7: {  	s3 =	rddreg [dreg:$0x2];
	[bflag:$0x3] =	sbarrier.arrive $0xFFFF;
	s2 =	simm.s32 @!p0 $0x1C04  }
0x2c8: {  	[timem:s3], [sflag:s2] =	dma.local @!p0 [hbm:s0], s1  }
0x2c9: {  	s0 =	simm.s32 @!p0 $0x4  }
0x2ca: {  	_ =	swait.ge @!p0 [sflag:s0], s1  }
0x2cb: {  	s1 =	ssub.s32 @!p0 $0x0, s1;
	[sflag:s0] =	ssyncset.done @!p0 $0x0  }
0x2cc: {  	[sflag:s0] =	ssyncadd.s32 @!p0 s1  }
0x2cd: {  	[bflag:$0x3] =	sbarrier.arrive $0xFFFF  }
0x2ce: {  	_ =	shalt  }

// kernel: kernel.13.cloned.1.call-start
scs
__scs_entry_jumppad:
0x0: {  	(pc) =	sbr.rel $0x88, $3  }
0x1: {  	(tag) =	ssettag $0x0;
	lr =	simm.s32 $0x1  }
0x2: {  	[smem:$0x3F94] =	sst lr;
	_ =	strace $0xD0000000  }
0x3: {  	_ = 	snop  }
0x4: {  	_ = 	snop  }
0x5: {  	_ = 	snop  }
0x6: {  	_ = 	snop  }
0x7: {  	_ = 	snop  }
__scs_overlays_trampoline_lowered:
0x8: {  	[smem:$0x3FA3] =	sst s0  }
0x9: {  	[smem:$0x3FA4] =	sst s1  }
0xa: {  	[smem:$0x3FA5] =	sst s2  }
0xb: {  	[smem:$0x3FA6] =	sst s3  }
0xc: {  	[smem:$0x3FA7] =	sst s4  }
0xd: {  	[smem:$0x3FA8] =	sst s5  }
0xe: {  	[smem:$0x3FA9] =	sst s6  }
0xf: {  	[smem:$0x3FAA] =	sst s7  }
0x10: {  	[smem:$0x3FAB] =	sst s8  }
0x11: {  	[smem:$0x3FAC] =	sst s9;
	s0 =	simm.s32 @!p0 $0x0  }
0x12: {  	s1 =	sld [smem:$0x3F92];
	s0 =	simm.s32 @p0 $0x1  }
0x13: {  	[smem:$0x3FAD] =	sst s0;
	s0 =	simm.s32 @!p1 $0x0  }
0x14: {  	s2 =	sld [smem:$0x3F91];
	s0 =	simm.s32 @p1 $0x1  }
0x15: {  	[smem:$0x3FAE] =	sst s0;
	s0 =	simm.s32 @!p2 $0x0  }
0x16: {  	s3 =	sld [smem:$0x3FDB];
	s0 =	simm.s32 @p2 $0x1  }
0x17: {  	s4 =	simm.s32 $0x1BF5;
	[smem:$0x3FB0] =	sst s0  }
0x18: {  	s0 =	sld [smem:$0x3F93];
	_ =	swait.ge [sflag:s4], $0x0  }
0x19: {  	s7 =	sld [smem:$0x3F94]  }
0x1a: {  	s8 =	sadd.s32 $0xFFFFE003, lr  }
0x1b: {  	s9 =	sadd.s32 $0xFFFFFEF7, lr;
	s5 =	simm.s32 $0xFFFFFFFF;
	p2 =	slt.u32 s8, $0xFFFFF086  }
0x1c: {  	p1 =	slt.u32 s9, $0xF7A;
	s5 =	simm.s32 @!p2 $0x0  }
0x1d: {  	s5 =	simm.s32 @p1 $0x1;
	p0 =	seq.s32 s7, s2  }
0x1e: {  	s7 =	smul.u32 @!p0 $0xF7A, s2;
	p2 =	seq.s32 @!p0 s5, $0x0  }
0x1f: {  	s9 =	smul.u32 $0xF7A, s1;
	s8 =	simm.s32 @!p0 $0x1BF5;
	p2 =	por !p2, p0  }
0x20: {  	[sflag:s8] =	ssyncset.s32 @!p0 $0xFFFFF086;
	s6 =	sadd.s32 @!p0 s3, s7;
	s7 =	simm.s32 @!p0 $0x108  }
0x21: {  	s3 =	sadd.s32 s3, s9;
	s6 =	sadd.s32 @!p0 $0x88, s6;
	s7 =	simm.s32 @p2 $0x1082  }
0x22: {  	[simem:s7], [sflag:s8] =	dma.local @!p0 [hbm:s6], $0xF7A  }
0x23: {  	s9 =	sor.u32 $0xD0000000, s2;
	s6 =	simm.s32 $0x108;
	_ =	swait.ge @!p0 [sflag:s8], $0x0  }
0x24: {  	s3 =	sadd.s32 $0x88, s3;
	s6 =	simm.s32 @!p1 $0x1082;
	[sflag:s4] =	ssyncset.s32 $0xFFFFF086  }
0x25: {  	[simem:s6], [sflag:s4] =	dma.local [hbm:s3], $0xF7A  }
0x26: {  	[smem:$0x3F94] =	sst s1;
	(tag) =	ssettag s2;
	_ =	strace s9  }
0x27: {  	s1 =	sld [smem:$0x3FA4]  }
0x28: {  	s2 =	sld [smem:$0x3FA5]  }
0x29: {  	s4 =	sld [smem:$0x3FA7]  }
0x2a: {  	p0 =	seq.s32 s5, $0x0;
	s5 =	sld [smem:$0x3FA8]  }
0x2b: {  	s6 =	sld [smem:$0x3FA9]  }
0x2c: {  	s7 =	sld [smem:$0x3FAA]  }
0x2d: {  	s3 =	simm.s32 $0x108;
	s8 =	sld [smem:$0x3FAB]  }
0x2e: {  	s3 =	simm.s32 @!p0 $0x1082;
	s9 =	sld [smem:$0x3FAC]  }
0x2f: {  	lr =	sadd.s32 s0, s3;
	s0 =	sld [smem:$0x3FA3]  }
0x30: {  	s3 =	sld [smem:$0x3FA6]  }
0x31: {  	[smem:$0x3FAF] =	sst s10  }
0x32: {  	s10 =	sld [smem:$0x3FAD];
	_ =	sdelay $0x3  }
0x33: {  	p0 =	seq.s32 s10, $0x1;
	s10 =	sld [smem:$0x3FAF];
	_ =	sdelay $0x3  }
0x34: {  	[smem:$0x3FAF] =	sst s10  }
0x35: {  	s10 =	sld [smem:$0x3FAE];
	_ =	sdelay $0x3  }
0x36: {  	p1 =	seq.s32 s10, $0x1;
	s10 =	sld [smem:$0x3FAF];
	_ =	sdelay $0x3  }
0x37: {  	[smem:$0x3FAF] =	sst s10  }
0x38: {  	s10 =	sld [smem:$0x3FB0]  }
0x39: {  	_ = 	snop;
	(pc) =	sbr.ind lr, $3  }
0x3a: {  	_ = 	snop  }
0x3b: {  	_ = 	snop  }
0x3c: {  	p2 =	seq.s32 s10, $0x1;
	s10 =	sld [smem:$0x3FAF]  }
0x3d: {  	_ =	shalt  }
0x3e: {  	_ =	shalt  }
0x3f: {  	_ =	shalt  }
0x40: {  	_ =	shalt  }
0x41: {  	_ =	shalt  }
0x42: {  	_ =	shalt  }
0x43: {  	_ =	shalt  }
0x44: {  	_ =	shalt  }
0x45: {  	_ =	shalt  }
0x46: {  	_ =	shalt  }
0x47: {  	_ =	shalt  }
0x48: {  	_ =	shalt  }
0x49: {  	_ =	shalt  }
0x4a: {  	_ =	shalt  }
0x4b: {  	_ =	shalt  }
0x4c: {  	_ =	shalt  }
0x4d: {  	_ =	shalt  }
0x4e: {  	_ =	shalt  }
0x4f: {  	_ =	shalt  }
0x50: {  	_ =	shalt  }
0x51: {  	_ =	shalt  }
0x52: {  	_ =	shalt  }
0x53: {  	_ =	shalt  }
0x54: {  	_ =	shalt  }
0x55: {  	_ =	shalt  }
0x56: {  	_ =	shalt  }
0x57: {  	_ =	shalt  }
0x58: {  	_ =	shalt  }
0x59: {  	_ =	shalt  }
0x5a: {  	_ =	shalt  }
0x5b: {  	_ =	shalt  }
0x5c: {  	_ =	shalt  }
0x5d: {  	_ =	shalt  }
0x5e: {  	_ =	shalt  }
0x5f: {  	_ =	shalt  }
0x60: {  	_ =	shalt  }
0x61: {  	_ =	shalt  }
0x62: {  	_ =	shalt  }
0x63: {  	_ =	shalt  }
0x64: {  	_ =	shalt  }
0x65: {  	_ =	shalt  }
0x66: {  	_ =	shalt  }
0x67: {  	_ =	shalt  }
0x68: {  	_ =	shalt  }
0x69: {  	_ =	shalt  }
0x6a: {  	_ =	shalt  }
0x6b: {  	_ =	shalt  }
0x6c: {  	_ =	shalt  }
0x6d: {  	_ =	shalt  }
0x6e: {  	_ =	shalt  }
0x6f: {  	_ =	shalt  }
0x70: {  	_ =	shalt  }
0x71: {  	_ =	shalt  }
0x72: {  	_ =	shalt  }
0x73: {  	_ =	shalt  }
0x74: {  	_ =	shalt  }
0x75: {  	_ =	shalt  }
0x76: {  	_ =	shalt  }
0x77: {  	_ =	shalt  }
0x78: {  	_ =	shalt  }
0x79: {  	_ =	shalt  }
0x7a: {  	_ =	shalt  }
0x7b: {  	_ =	shalt  }
0x7c: {  	_ =	shalt  }
0x7d: {  	_ =	shalt  }
0x7e: {  	_ =	shalt  }
0x7f: {  	_ =	shalt  }
0x80: {  	_ =	shalt  }
0x81: {  	_ =	shalt  }
0x82: {  	_ =	shalt  }
0x83: {  	_ =	shalt  }
0x84: {  	_ =	shalt  }
0x85: {  	_ =	shalt  }
0x86: {  	_ =	shalt  }
0x87: {  	_ =	shalt  }
.Lfunc_end0:
.L_simem_size_0:
called_computation.1_lowered:
.L_overlay_start_0:
0x88: {  	s2 =	sld [smem:$0x3FD9]  }
0x89: {  	s3 =	sld [smem:$0x3FFE];
	_ =	sdelay $0x1  }
0x8a: {  	s1 =	srdreg.scid  }
0x8b: {  	s0 =	sand.u32 $0x1, s1  }
0x8c: {  	s16 =	sshll.u32 s0, $0xA;
	s2 =	sadd.s32 s3, s2  }
0x8d: {  	s2 =	sadd.s32 s2, s16  }
0x8e: {  	[smem:$0x3FBB] =	sst s2  }
0x8f: {  	_ = 	snop  }
0x90: {  	(tm) =	ssettm $0x1  }
0x91: {  	s17 =	sld [smem:$0x3FFB];
	_ =	sdelay $0x3  }
0x92: {  	_ =	strace s17  }
0x93: {  	s2 =	sld [smem:$0x3FFC];
	_ =	sdelay $0x3  }
0x94: {  	_ =	strace s2  }
0x95: {  	s2 =	sld [smem:$0x3FFD];
	_ =	sdelay $0x3  }
0x96: {  	_ =	strace s2  }
0x97: {  	_ =	strace $0x8FFFFFFF  }
0x98: {  	s18 =	sld [smem:$0x3FDB];
	_ =	sdelay $0x1  }
0x99: {  	s19 =	simm.s32 $_scs_section_size  }
0x9a: {  	s4 =	simm.s32 $_size__tile_overlayer_lowered;
	s5 =	simm.s32 $_tile_overlayer_lowered  }
0x9b: {  	s22 =	simm.s32 $0x1BFF;
	s21 =	sshll.u32 s5, $0x1;
	s2 =	sadd.s32 s19, s18  }
0x9c: {  	s6 =	simm.s32 $0x0;
	s20 =	sshll.u32 s4, $0x1;
	s4 =	sadd.s32 s21, s2  }
0x9d: {  	[timem:s6], [sflag:s22] =	dma.local [hbm:s4], s20  }
0x9e: {  	_ =	swait.ge [sflag:s22], s20  }
0x9f: {  	s3 =	ssub.s32 $0x0, s20;
	[sflag:s22] =	ssyncset.done $0x0  }
0xa0: {  	[sflag:s22] =	ssyncadd.s32 s3;
	_ =	sdelay $0x1  }
0xa1: {  	s23 =	simm.s32 $0x1B8B  }
0xa2: {  	_ =	swait.ge [sflag:s23], $0x1  }
0xa3: {  	[sflag:s23] =	ssyncset.done $0x0  }
0xa4: {  	s25 =	simm.s32 $0x1B8E;
	s24 =	sld [smem:$0x3FFE];
	[sflag:s23] =	ssyncadd.s32 $0xFFFFFFFF  }
0xa5: {  	s26 =	simm.s32 $execute0_lowered;
	[smem:$0x3FD2] =	sst s25  }
0xa6: {  	s4 =	sshll.u32 s26, $0x1;
	_ =	strace $0x80000049;
	[dreg:$0x1] =	wrdreg $0xFFFFFFFF  }
0xa7: {  	s28 =	simm.s32 $_size_execute0_lowered;
	s2 =	sadd.s32 s2, s4;
	[dreg:$0x0] =	wrdreg $0x0  }
0xa8: {  	s4 =	sshll.u32 s28, $0x1;
	[dreg:$0x2] =	wrdreg s2  }
0xa9: {  	[dreg:$0x3] =	wrdreg s4  }
0xaa: {  	[dreg:$0x4] =	wrdreg $0xC0  }
0xab: {  	_ =	task [dreg:s6], $0x5FFFF  }
0xac: {  	[dreg:$0x1] =	wrdreg $0xFFFFFFFF  }
0xad: {  	[dreg:$0x0] =	wrdreg $0x60  }
0xae: {  	[dreg:$0x2] =	wrdreg s24  }
0xaf: {  	[dreg:$0x3] =	wrdreg $0x186A00  }
0xb0: {  	[dreg:$0x4] =	wrdreg $0x0  }
0xb1: {  	[dreg:$0x5] =	wrdreg $0x9  }
0xb2: {  	_ =	task.clear_ibuf [dreg:s6], $0x6FFFF;
	_ =	strace $0x90000049  }
0xb3: {  	s29 =	simm.s32 $0x9;
	_ =	strace $0x8000004B  }
0xb4: {  	_ =	swait.ge [sflag:s29], $0x1  }
0xb5: {  	[sflag:s29] =	ssyncadd.s32 $0xFFFFFFFF  }
0xb6: {  	_ =	strace $0x9000004B  }
0xb7: {  	_ =	sfence  }
0xb8: {  	s30 =	sld [smem:$0x0];
	_ =	sdelay $0x2  }
0xb9: {  	s31 =	sshll.u32 s1, $0xD;
	s1 =	sshrl.u32 s1, $0x2  }
0xba: {  	s3 =	sand.u32 $0x4000, s31;
	s1 =	sadd.s32 s1, s30  }
0xbb: {  	s0 =	sor.u32 s3, s0;
	s1 =	sshll.u32 s1, $0x11  }
0xbc: {  	s0 =	sor.u32 s1, s0  }
0xbd: {  	s0 =	sadd.s32 $0x8F2B, s0  }
0xbe: {  	[sflag:s0] =	ssyncadd.remote.s32 $0x1  }
0xbf: {  	_ =	sfence.sel $0xFFFF  }
0xc0: {  	[dreg:$0x0] =	wrdreg $0xFFFFFFFF;
	(pc) =	sbr.abs _section_cstart, $3  }
0xc1: {  	[dreg:$0x1] =	wrdreg $0xFFFFFFFF  }
0xc2: {  	_ =	task.clear_ibuf [dreg:s6], $0x2FFFF;
	_ =	strace $0x9FFFFFFF  }
0xc3: {  	(tm) =	ssettm $0x7FFFFFFF  }
tec
execute0_lowered:
.L_overlay_start_1:
0x0: {  	(tag) =	ssettag $0x1  }
0x1: {  	s0 =	rddreg [dreg:$0x0]  }
0x2: {  	s1 =	rddreg [dreg:$0x1]  }
0x3: {  	s3 =	srdreg.scid;
	s11 =	stileid.u32  }
0x4: {  	s10 =	simm.s32 $0x0;
	s3 =	sand.u32 $0x1, s3;
	s4 =	smul.u32 $0x30D4, s11  }
0x5: {  	s7 =	sadd.s32 $0x113400, s0;
	s12 =	sadd.s32 $0x12B800, s0;
	s8 =	sshll.u32 s11, $0x1  }
0x6: {  	s6 =	smul.u32 $0x30D40, s3;
	s29 =	ssub.s32 $0x2, s3;
	s3 =	sor.u32 s3, s8  }
0x7: {  	[smem:$0x7FF] =	sst s10;
	s13 =	sadd.s32 $0x144800, s0;
	s18 =	smul.u32 $0xC40, s3  }
0x8: {  	s2 =	rddreg [dreg:$0x2];
	s28 =	smul.u32 $0x61A80, s11;
	_ =	strace $0x8000004A  }
0x9: {  	[dreg:$0x5] =	wrdreg s7;
	s4 =	sadd.s32 s4, s6;
	s24 =	sadd.s32 s12, s18  }
0xa: {  	s6 =	sshrl.u32 s28, $0x2;
	s25 =	sadd.s32 s13, s18;
	[dreg:$0x10] =	wrdreg s24  }
0xb: {  	s19 =	sadd.s32 s6, s2;
	[dreg:$0x11] =	wrdreg s25  }
0xc: {  	s6 =	sadd.s32 $0x2000, s19;
	[dreg:$0x6] =	wrdreg s19  }
0xd: {  	s30 =	simm.s32 $0x1D7A0;
	s9 =	sadd.s32 $0x4000, s19;
	[dreg:$0x7] =	wrdreg s6  }
0xe: {  	s5 =	sadd.s32 $0xC9C00, s0;
	s15 =	sadd.s32 $0x6000, s19;
	[dreg:$0x8] =	wrdreg s9  }
0xf: {  	s14 =	sadd.s32 $0xFAC00, s0;
	s16 =	sadd.s32 $0x8000, s19;
	[dreg:$0x9] =	wrdreg s15  }
0x10: {  	p0 =	sne.s32 s11, $0x0;
	s17 =	sadd.s32 $0xA000, s19;
	[dreg:$0xa] =	wrdreg s16  }
0x11: {  	s11 =	simm.s32 $0x1A7A0;
	s20 =	sadd.s32 $0xC000, s19;
	[dreg:$0xb] =	wrdreg s17  }
0x12: {  	s31 =	sshrl.u32 s29, $0x1;
	s21 =	sadd.s32 $0xE000, s19;
	[dreg:$0xc] =	wrdreg s20  }
0x13: {  	s0 =	sadd.s32 s4, s0;
	s22 =	sadd.s32 $0x10000, s19;
	[dreg:$0xd] =	wrdreg s21  }
0x14: {  	s4 =	ssub.s32 s29, s31;
	s23 =	sadd.s32 $0x12000, s19;
	[dreg:$0xe] =	wrdreg s22  }
0x15: {  	s0 =	sadd.s32 $0x15D000, s0;
	s26 =	smax.u32 s4, $0x1;
	[dreg:$0xf] =	wrdreg s23  }
0x16: {  	s28 =	sadd.s32 $0x14000, s19;
	s29 =	sadd.s32 $0x16000, s19;
	[dreg:$0x12] =	wrdreg s0  }
0x17: {  	s31 =	sadd.s32 $0x18000, s19;
	s24 =	simm.s32 $0x5;
	[dreg:$0x13] =	wrdreg s26  }
0x18: {  	s4 =	simm.s32 $0x80;
	s9 =	smov.u32 s12;
	[dreg:$0x14] =	wrdreg s28  }
0x19: {  	s20 =	smov.u32 s13;
	s21 =	smov.u32 s14;
	[dreg:$0x15] =	wrdreg s29  }
0x1a: {  	s22 =	sadd.s32 s14, s18;
	s23 =	smul.u32 $0xC4, s3;
	[dreg:$0x16] =	wrdreg s31  }
0x1b: {  	s0 =	simm.s32 $0x3;
	s6 =	simm.s32 $0x19FA0;
	s12 =	simm.s32 $0x1B7A0  }
0x1c: {  	s13 =	simm.s32 $0x1AFA0;
	s14 =	simm.s32 $0x1C7A0;
	s15 =	simm.s32 $0x1  }
0x1d: {  	v0 =	vimm.f32 $0.0e+00;
	s16 =	simm.s32 $0x2;
	s17 =	simm.s32 $0x4;
	s18 =	simm.s32 $0x1E7A0  }
.LBB2_1:
0x1e: {  	[dreg:$0x4] =	wrdreg s10  }
0x1f: {  	s3 =	sshrl.u32 @!p0 s1, $0x3;
	s7 =	simm.s32 @!p0 $0x1C05;
	s8 =	rddreg [dreg:$0x5]  }
0x20: {  	[spmem:s3], [sflag:s7] =	dma.local @!p0 [hbm:s8], $0x800  }
0x21: {  	s3 =	simm.s32 @!p0 $0x5  }
0x22: {  	_ =	swait.ge @!p0 [sflag:s3], $0x800  }
0x23: {  	[sflag:s3] =	ssyncset.done @!p0 $0x0  }
0x24: {  	s7 =	simm.s32 $0x0;
	[sflag:s3] =	ssyncadd.s32 @!p0 $0xFFFFF800;
	s3 =	simm.s32 $0x80  }
.LBB2_2:
0x25: {  	p1 =	sne.s32 s3, $0x7F80;
	[tilespmem:s7+$0x1D7A0] =	vst v0;
	s8 =	smov.u32 s3;
	s3 =	sadd.s32 $0x80, s3  }
.Ltmp0:
0x26: {  	[tilespmem:s7+$0x1D7B0] =	vst v0;
	(pc) =	sbr.rel @p1 .LBB2_2-.Ltmp0, $2  }
0x27: {  	_ =	sdelay $0x2  }
0x28: {  	s7 =	sshra.s32 s8, $0x2  }
0x29: {  	[tilespmem:s7+$0x1D7A0] =	vst v0  }
0x2a: {  	[tilespmem:s7+$0x1D7B0] =	vst v0  }
0x2b: {  	[spmem:s19] =	stream.linear.scatter [tilespmem:s30], [sflag:$0x5], $0x2000, $0x38;
	[tilespmem:$0x1F7A0] =	vst v63  }
0x2c: {  	_ =	swait.ge [sflag:s24], $0x2000  }
0x2d: {  	[sflag:s24] =	ssyncset.done $0x0  }
0x2e: {  	s3 =	rddreg [dreg:$0x7];
	[sflag:s24] =	ssyncadd.s32 $0xFFFFE000  }
0x2f: {  	[spmem:s3] =	stream.linear.scatter [tilespmem:s30], [sflag:$0x5], $0x2000, $0x38;
	[tilespmem:$0x1F7A0] =	vst v63  }
0x30: {  	_ =	swait.ge [sflag:s24], $0x2000  }
0x31: {  	[sflag:s24] =	ssyncset.done $0x0  }
0x32: {  	s29 =	rddreg [dreg:$0x8];
	[sflag:s24] =	ssyncadd.s32 $0xFFFFE000  }
0x33: {  	[spmem:s29] =	stream.linear.scatter [tilespmem:s30], [sflag:$0x5], $0x2000, $0x38;
	[tilespmem:$0x1F7A0] =	vst v63  }
0x34: {  	_ =	swait.ge [sflag:s24], $0x2000  }
0x35: {  	[sflag:s24] =	ssyncset.done $0x0  }
0x36: {  	s31 =	rddreg [dreg:$0x9];
	[sflag:s24] =	ssyncadd.s32 $0xFFFFE000  }
0x37: {  	[spmem:s31] =	stream.linear.scatter [tilespmem:s30], [sflag:$0x5], $0x2000, $0x38;
	[tilespmem:$0x1F7A0] =	vst v63  }
0x38: {  	_ =	swait.ge [sflag:s24], $0x2000  }
0x39: {  	[sflag:s24] =	ssyncset.done $0x0  }
0x3a: {  	s7 =	rddreg [dreg:$0xa];
	[sflag:s24] =	ssyncadd.s32 $0xFFFFE000  }
0x3b: {  	[spmem:s7] =	stream.linear.scatter [tilespmem:s30], [sflag:$0x5], $0x2000, $0x38;
	[tilespmem:$0x1F7A0] =	vst v63  }
0x3c: {  	_ =	swait.ge [sflag:s24], $0x2000  }
0x3d: {  	[sflag:s24] =	ssyncset.done $0x0  }
0x3e: {  	s8 =	rddreg [dreg:$0xb];
	[sflag:s24] =	ssyncadd.s32 $0xFFFFE000  }
0x3f: {  	[spmem:s8] =	stream.linear.scatter [tilespmem:s30], [sflag:$0x5], $0x2000, $0x38;
	[tilespmem:$0x1F7A0] =	vst v63  }
0x40: {  	_ =	swait.ge [sflag:s24], $0x2000  }
0x41: {  	[sflag:s24] =	ssyncset.done $0x0  }
0x42: {  	s10 =	rddreg [dreg:$0xc];
	[sflag:s24] =	ssyncadd.s32 $0xFFFFE000  }
0x43: {  	[spmem:s10] =	stream.linear.scatter [tilespmem:s30], [sflag:$0x5], $0x2000, $0x38;
	[tilespmem:$0x1F7A0] =	vst v63  }
0x44: {  	_ =	swait.ge [sflag:s24], $0x2000  }
0x45: {  	[sflag:s24] =	ssyncset.done $0x0  }
0x46: {  	s19 =	rddreg [dreg:$0xd];
	[sflag:s24] =	ssyncadd.s32 $0xFFFFE000  }
0x47: {  	[spmem:s19] =	stream.linear.scatter [tilespmem:s30], [sflag:$0x5], $0x2000, $0x38;
	[tilespmem:$0x1F7A0] =	vst v63  }
0x48: {  	_ =	swait.ge [sflag:s24], $0x2000  }
0x49: {  	[sflag:s24] =	ssyncset.done $0x0  }
0x4a: {  	s25 =	rddreg [dreg:$0xe];
	[sflag:s24] =	ssyncadd.s32 $0xFFFFE000  }
0x4b: {  	[spmem:s25] =	stream.linear.scatter [tilespmem:s30], [sflag:$0x5], $0x2000, $0x38;
	[tilespmem:$0x1F7A0] =	vst v63  }
0x4c: {  	_ =	swait.ge [sflag:s24], $0x2000  }
0x4d: {  	[sflag:s24] =	ssyncset.done $0x0  }
0x4e: {  	s26 =	rddreg [dreg:$0xf];
	[sflag:s24] =	ssyncadd.s32 $0xFFFFE000  }
0x4f: {  	[spmem:s26] =	stream.linear.scatter [tilespmem:s30], [sflag:$0x5], $0x2000, $0x38;
	[tilespmem:$0x1F7A0] =	vst v63  }
0x50: {  	_ =	swait.ge [sflag:s24], $0x2000  }
0x51: {  	[sflag:s24] =	ssyncset.done $0x0  }
0x52: {  	s28 =	rddreg [dreg:$0x14];
	[sflag:s24] =	ssyncadd.s32 $0xFFFFE000  }
0x53: {  	[spmem:s28] =	stream.linear.scatter [tilespmem:s30], [sflag:$0x5], $0x2000, $0x38;
	[tilespmem:$0x1F7A0] =	vst v63  }
0x54: {  	_ =	swait.ge [sflag:s24], $0x2000  }
0x55: {  	[sflag:s24] =	ssyncset.done $0x0  }
0x56: {  	s29 =	rddreg [dreg:$0x15];
	[sflag:s24] =	ssyncadd.s32 $0xFFFFE000  }
0x57: {  	[spmem:s29] =	stream.linear.scatter [tilespmem:s30], [sflag:$0x5], $0x2000, $0x38;
	[tilespmem:$0x1F7A0] =	vst v63  }
0x58: {  	_ =	swait.ge [sflag:s24], $0x2000  }
0x59: {  	[sflag:s24] =	ssyncset.done $0x0  }
0x5a: {  	s31 =	rddreg [dreg:$0x16];
	[sflag:s24] =	ssyncadd.s32 $0xFFFFE000  }
0x5b: {  	[spmem:s31] =	stream.linear.scatter [tilespmem:s30], [sflag:$0x5], $0x6A0, $0x38;
	[tilespmem:$0x1F7A0] =	vst v63  }
0x5c: {  	_ =	swait.ge [sflag:s24], $0x6A0  }
0x5d: {  	[sflag:s24] =	ssyncset.done $0x0  }
0x5e: {  	[sflag:s24] =	ssyncadd.s32 $0xFFFFF960  }
0x5f: {  	s19 =	simm.s32 $0x0;
	[bflag:$0x0] =	sbarrier.arrive $0xFFFF  }
.LBB2_4:
0x60: {  	p1 =	sne.s32 s19, $0x0  }
0x61: {  	s10 =	rddreg [dreg:$0x10];
	s7 =	simm.s32 @!p1 $0x0;
	s8 =	simm.s32 @!p1 $0x18AA0  }
0x62: {  	[tilespmem:s8], [sflag:$0x3] =	stream.linear.gather @!p1 [hbm4b:s10+s7], $0x380, $0x38;
	[tilespmem:$0x1F7A0] =	vst v63  }
0x63: {  	s8 =	simm.s32 @!p1 $0x191A0;
	s10 =	rddreg [dreg:$0x11]  }
0x64: {  	[tilespmem:s8], [sflag:$0x3] =	stream.linear.gather @!p1 [hbm4b:s10+s7], $0x380, $0x38;
	[tilespmem:$0x1F7A0] =	vst v63  }
0x65: {  	s8 =	simm.s32 @!p1 $0x198A0  }
0x66: {  	[tilespmem:s8], [sflag:$0x3] =	stream.linear.gather @!p1 [hbm4b:s22+s7], $0x380, $0x38;
	[tilespmem:$0x1F7A0] =	vst v63  }
0x67: {  	_ =	swait.ge [sflag:s0], $0x380  }
0x68: {  	s3 =	smov.u32 s19;
	[sflag:s0] =	ssyncset.done $0x0  }
0x69: {  	s19 =	sadd.s32 $0x1, s19;
	p1 =	seq.s32 s3, $0x1B;
	[sflag:s0] =	ssyncadd.s32 $0xFFFFFC80  }
0x6a: {  	s7 =	smul.u32 @!p1 $0x7, s19;
	_ =	swait.ge [sflag:s0], $0x380  }
0x6b: {  	[sflag:s0] =	ssyncset.done $0x0  }
0x6c: {  	s3 =	sand.u32 $0x1, s3;
	s7 =	sadd.s32 @!p1 s23, s7;
	[sflag:s0] =	ssyncadd.s32 $0xFFFFFC80  }
0x6d: {  	s8 =	smul.u32 @!p1 $0xFFFFFC80, s3;
	s7 =	sshll.u32 @!p1 s7, $0x4;
	_ =	swait.ge [sflag:s0], $0x380  }
0x6e: {  	s25 =	simm.s32 @!p1 $0x0;
	s7 =	sand.u32 @!p1 $0x1FFFFFF0, s7;
	[sflag:s0] =	ssyncset.done $0x0  }
0x6f: {  	s10 =	sadd.s32 @!p1 $0x18E20, s8;
	s24 =	sadd.s32 @!p1 s9, s7;
	[sflag:s0] =	ssyncadd.s32 $0xFFFFFC80  }
0x70: {  	[tilespmem:s10], [sflag:$0x3] =	stream.linear.gather @!p1 [hbm4b:s24+s25], $0x380, $0x38;
	[tilespmem:$0x1F7A0] =	vst v63  }
0x71: {  	s10 =	sadd.s32 @!p1 $0x19520, s8;
	s24 =	sadd.s32 @!p1 s20, s7  }
0x72: {  	[tilespmem:s10], [sflag:$0x3] =	stream.linear.gather @!p1 [hbm4b:s24+s25], $0x380, $0x38;
	[tilespmem:$0x1F7A0] =	vst v63  }
0x73: {  	s8 =	sadd.s32 @!p1 $0x19C20, s8;
	s7 =	sadd.s32 @!p1 s21, s7;
	s24 =	smul.u32 $0x380, s3  }
0x74: {  	[tilespmem:s8], [sflag:$0x3] =	stream.linear.gather @!p1 [hbm4b:s7+s25], $0x380, $0x38;
	[tilespmem:$0x1F7A0] =	vst v63  }
0x75: {  	s3 =	sadd.s32 $0x18AA0, s24  }
0x76: {  	[tilespmem:s6], [sflag:$0x1] =	stream.indirect.gather [hbm4b:s5+s4], $0x10, s3, s4, $0xb8;
	[tilespmem:$0x1F7A0] =	vst v63  }
0x77: {  	s25 =	sadd.s32 $0x18B20, s24  }
0x78: {  	[tilespmem:s11], [sflag:$0x1] =	stream.indirect.gather [hbm4b:s5+s4], $0x10, s25, s4, $0xb8;
	[tilespmem:$0x1F7A0] =	vst v63  }
0x79: {  	s26 =	sadd.s32 $0x191A0, s24  }
0x7a: {  	[tilespmem:s12], [sflag:$0x2] =	stream.indirect.gather [spmem:s1], $0x20, s26, s4, $0xb8;
	[tilespmem:$0x1F7A0] =	vst v63  }
0x7b: {  	s7 =	sadd.s32 $0x18BA0, s24  }
0x7c: {  	[tilespmem:s13], [sflag:$0x1] =	stream.indirect.gather [hbm4b:s5+s4], $0x10, s7, s4, $0xb8;
	[tilespmem:$0x1F7A0] =	vst v63  }
0x7d: {  	s8 =	sadd.s32 $0x19220, s24  }
0x7e: {  	[tilespmem:s14], [sflag:$0x2] =	stream.indirect.gather [spmem:s1], $0x20, s8, s4, $0xb8;
	[tilespmem:$0x1F7A0] =	vst v63  }
0x7f: {  	_ =	swait.ge [sflag:s15], $0x800  }
0x80: {  	[sflag:s15] =	ssyncset.done $0x0  }
0x81: {  	[sflag:s15] =	ssyncadd.s32 $0xFFFFF800  }
0x82: {  	_ =	swait.ge [sflag:s16], $0x1000  }
0x83: {  	[sflag:s16] =	ssyncset.done $0x0  }
0x84: {  	s10 =	simm.s32 $0x19FC0;
	[sflag:s16] =	ssyncadd.s32 $0xFFFFF000  }
0x85: {  	s8 =	simm.s32 $0x1B7E0;
	v5 =	vld [tilespmem:s10+$0x10]  }
0x86: {  	v1 =	vld [tilespmem:s8+$0x20]  }
0x87: {  	v2 =	vld [tilespmem:s10+$0xFFFFFFF0]  }
0x88: {  	v3 =	vld [tilespmem:s10+$0x0]  }
0x89: {  	v6 =	vld [tilespmem:s10+$0xFFFFFFE0]  }
0x8a: {  	v7 =	vld [tilespmem:s8+$0xFFFFFFC0]  }
0x8b: {  	v8 =	vld [tilespmem:s8+$0xFFFFFFE0]  }
0x8c: {  	s25 =	simm.s32 $0x1A000;
	v9 =	vld [tilespmem:s8+$0x0]  }
0x8d: {  	v12 =	vld [tilespmem:s25+$0xFFFFFFF0];
	v4 =	vunpack.i.l.bf16.f32 v5  }
0x8e: {  	s10 =	simm.s32 $0x1B860;
	v1 =	vmul.f32 v1, v4;
	v4 =	vld [tilespmem:s25+$0x10]  }
0x8f: {  	v11 =	vld [tilespmem:s10+$0x20]  }
0x90: {  	s26 =	simm.s32 $0x1D7E0;
	v13 =	vld [tilespmem:s25+$0x0]  }
0x91: {  	v15 =	vld [tilespmem:s25+$0xFFFFFFE0];
	[tilespmem:s26+$0x20] =	vst v1;
	v1 =	vunpack.i.l.bf16.f32 v6  }
0x92: {  	v10 =	vld [tilespmem:s8+$0x30];
	v7 =	vmul.f32 v7, v1;
	v1 =	vunpack.i.u.bf16.f32 v2;
	v2 =	vunpack.i.l.bf16.f32 v2  }
0x93: {  	v14 =	vld [tilespmem:s10+$0xFFFFFFC0];
	v17 =	vmul.f32 v8, v2;
	v16 =	vunpack.i.l.bf16.f32 v4  }
0x94: {  	v8 =	vunpack.i.l.bf16.f32 v3;
	[tilespmem:s26+$0xFFFFFFC0] =	vst v7;
	v11 =	vmul.f32 v11, v16;
	v16 =	vld [tilespmem:s10+$0xFFFFFFE0]  }
0x95: {  	s29 =	simm.s32 $0x1D860;
	v2 =	vunpack.i.u.bf16.f32 v3;
	v3 =	vunpack.i.u.bf16.f32 v6;
	v7 =	vld [tilespmem:s10+$0x0];
	v6 =	vmul.f32 v9, v8;
	[tilespmem:s26+$0xFFFFFFE0] =	vst v17  }
0x96: {  	v5 =	vunpack.i.u.bf16.f32 v5;
	v8 =	vld [tilespmem:s8+$0xFFFFFFD0];
	[tilespmem:s29+$0x20] =	vst v11  }
0x97: {  	[tilespmem:s26+$0x0] =	vst v6;
	v6 =	vunpack.i.u.bf16.f32 v13;
	v11 =	vmul.f32 v10, v5;
	v10 =	vunpack.i.l.bf16.f32 v15;
	v9 =	vld [tilespmem:s10+$0x30]  }
0x98: {  	s31 =	simm.s32 $0x4;
	s28 =	sadd.s32 $0x80, s24;
	v5 =	vunpack.i.u.bf16.f32 v12;
	v12 =	vunpack.i.l.bf16.f32 v12;
	v14 =	vmul.f32 v14, v10;
	v10 =	vld [tilespmem:s8+$0xFFFFFFF0]  }
0x99: {  	s3 =	simm.s32 $0x1B860;
	s7 =	simm.s32 $0x1A040;
	s25 =	sadd.s32 $0x100, s24;
	v13 =	vunpack.i.l.bf16.f32 v13;
	[tilespmem:s26+$0x30] =	vst v11;
	v11 =	vunpack.i.u.bf16.f32 v15;
	v15 =	vmul.f32 v16, v12;
	v12 =	vld [tilespmem:s8+$0x10]  }
.LBB2_5:
0x9a: {  	v16 =	vld [tilespmem:s7+$0x10];
	s31 =	sadd.s32 $0x4, s31;
	[tilespmem:s29+$0xFFFFFFC0] =	vst v14;
	v7 =	vmul.f32 v7, v13;
	s10 =	sadd.s32 $0x80, s10  }
0x9b: {  	v4 =	vunpack.i.u.bf16.f32 v4;
	v13 =	vld [tilespmem:s10+$0x20];
	p1 =	slt.u32 s31, $0x7C;
	[tilespmem:s29+$0xFFFFFFE0] =	vst v15;
	v8 =	vmul.f32 v8, v3;
	v3 =	vmov v11  }
0x9c: {  	v11 =	vld [tilespmem:s7+$0xFFFFFFF0];
	[tilespmem:s29+$0x0] =	vst v7;
	v14 =	vmul.f32 v9, v4  }
0x9d: {  	v9 =	vld [tilespmem:s7+$0x0];
	[tilespmem:s26+$0xFFFFFFD0] =	vst v8;
	v7 =	vmul.f32 v10, v1;
	v1 =	vmov v5  }
0x9e: {  	v10 =	vld [tilespmem:s7+$0xFFFFFFE0];
	[tilespmem:s29+$0x30] =	vst v14;
	v5 =	vmul.f32 v12, v2;
	v2 =	vmov v6  }
0x9f: {  	v12 =	vld [tilespmem:s10+$0xFFFFFFC0];
	v6 =	vunpack.i.l.bf16.f32 v16;
	[tilespmem:s26+$0xFFFFFFF0] =	vst v7;
	v4 =	vmov v16  }
0xa0: {  	v15 =	vld [tilespmem:s10+$0xFFFFFFE0];
	v8 =	vmul.f32 v13, v6;
	[tilespmem:s26+$0x10] =	vst v5;
	s26 =	smov.u32 s29  }
.Ltmp1:
0xa1: {  	s29 =	sadd.s32 $0x80, s29;
	v5 =	vunpack.i.u.bf16.f32 v11;
	v16 =	vunpack.i.l.bf16.f32 v11;
	v7 =	vld [tilespmem:s10+$0x0];
	(pc) =	sbr.rel @p1 .LBB2_5-.Ltmp1, $4  }
0xa2: {  	v6 =	vunpack.i.u.bf16.f32 v9;
	v13 =	vunpack.i.l.bf16.f32 v9;
	[tilespmem:s29+$0x20] =	vst v8;
	v8 =	vld [tilespmem:s3+$0xFFFFFFD0]  }
0xa3: {  	v11 =	vunpack.i.u.bf16.f32 v10;
	v10 =	vunpack.i.l.bf16.f32 v10;
	v9 =	vld [tilespmem:s10+$0x30]  }
0xa4: {  	v14 =	vmul.f32 v12, v10;
	v10 =	vld [tilespmem:s3+$0xFFFFFFF0]  }
0xa5: {  	s7 =	sadd.s32 $0x40, s7;
	v15 =	vmul.f32 v15, v16;
	v12 =	vld [tilespmem:s3+$0x10];
	s3 =	smov.u32 s10  }
0xa6: {  	[tilespmem:s29+$0xFFFFFFC0] =	vst v14;
	v7 =	vmul.f32 v7, v13  }
0xa7: {  	[tilespmem:s29+$0xFFFFFFE0] =	vst v15;
	v13 =	vld [tilespmem:s3+$0xFFFFFFD0]  }
0xa8: {  	v4 =	vunpack.i.u.bf16.f32 v4;
	v3 =	vmul.f32 v8, v3;
	[tilespmem:s29+$0x0] =	vst v7;
	v7 =	vld [tilespmem:s3+$0xFFFFFFF0]  }
0xa9: {  	v4 =	vmul.f32 v9, v4;
	v8 =	vld [tilespmem:s3+$0x10]  }
0xaa: {  	[tilespmem:s26+$0xFFFFFFD0] =	vst v3;
	v1 =	vmul.f32 v10, v1  }
0xab: {  	[tilespmem:s29+$0x30] =	vst v4;
	v2 =	vmul.f32 v12, v2  }
0xac: {  	[tilespmem:s26+$0xFFFFFFF0] =	vst v1;
	v1 =	vmul.f32 v13, v11  }
0xad: {  	[tilespmem:s26+$0x10] =	vst v2;
	v2 =	vmul.f32 v7, v5  }
0xae: {  	[tilespmem:s29+$0xFFFFFFD0] =	vst v1;
	v1 =	vmul.f32 v8, v6  }
0xaf: {  	[tilespmem:s29+$0xFFFFFFF0] =	vst v2  }
0xb0: {  	s7 =	sadd.s32 $0x198A0, s24;
	[tilespmem:s29+$0x10] =	vst v1  }
0xb1: {  	[spmem:s2] =	stream.indirect.scatter.add.f32 [tilespmem:s30], [sflag:$0x4], $0x20, s7, s4, $0xb8;
	[tilespmem:$0x1F7A0] =	vst v63  }
0xb2: {  	_ =	swait.ge [sflag:s17], $0x1000  }
0xb3: {  	[sflag:s17] =	ssyncset.done $0x0  }
0xb4: {  	s8 =	sadd.s32 $0x18C20, s24;
	[sflag:s17] =	ssyncadd.s32 $0xFFFFF000  }
0xb5: {  	[tilespmem:s6], [sflag:$0x1] =	stream.indirect.gather [hbm4b:s5+s4], $0x10, s8, s4, $0xb8;
	[tilespmem:$0x1F7A0] =	vst v63  }
0xb6: {  	s10 =	sadd.s32 $0x191A0, s25  }
0xb7: {  	[tilespmem:s12], [sflag:$0x2] =	stream.indirect.gather [spmem:s1], $0x20, s10, s4, $0xb8;
	[tilespmem:$0x1F7A0] =	vst v63  }
0xb8: {  	_ =	swait.ge [sflag:s15], $0x800  }
0xb9: {  	[sflag:s15] =	ssyncset.done $0x0  }
0xba: {  	[sflag:s15] =	ssyncadd.s32 $0xFFFFF800  }
0xbb: {  	_ =	swait.ge [sflag:s16], $0x1000  }
0xbc: {  	[sflag:s16] =	ssyncset.done $0x0  }
0xbd: {  	s26 =	simm.s32 $0x1A7D0;
	[sflag:s16] =	ssyncadd.s32 $0xFFFFF000  }
0xbe: {  	s31 =	simm.s32 $0x1C810;
	v5 =	vld [tilespmem:s26+$0x0]  }
0xbf: {  	v1 =	vld [tilespmem:s31+$0xFFFFFFF0]  }
0xc0: {  	v2 =	vld [tilespmem:s26+$0xFFFFFFE0]  }
0xc1: {  	v3 =	vld [tilespmem:s26+$0xFFFFFFF0]  }
0xc2: {  	v6 =	vld [tilespmem:s26+$0xFFFFFFD0]  }
0xc3: {  	v7 =	vld [tilespmem:s31+$0xFFFFFF90]  }
0xc4: {  	v8 =	vld [tilespmem:s31+$0xFFFFFFB0]  }
0xc5: {  	s3 =	simm.s32 $0x1C890;
	v9 =	vld [tilespmem:s31+$0xFFFFFFD0]  }
0xc6: {  	s7 =	simm.s32 $0x1A810;
	v11 =	vld [tilespmem:s3+$0xFFFFFFF0];
	v4 =	vunpack.i.l.bf16.f32 v5  }
0xc7: {  	v1 =	vmul.f32 v1, v4;
	v4 =	vld [tilespmem:s7+$0x0]  }
0xc8: {  	v12 =	vld [tilespmem:s7+$0xFFFFFFE0]  }
0xc9: {  	s29 =	simm.s32 $0x1E810;
	v13 =	vld [tilespmem:s7+$0xFFFFFFF0]  }
0xca: {  	v15 =	vld [tilespmem:s7+$0xFFFFFFD0];
	[tilespmem:s29+$0xFFFFFFF0] =	vst v1;
	v1 =	vunpack.i.l.bf16.f32 v6  }
0xcb: {  	v10 =	vld [tilespmem:s31+$0x0];
	v7 =	vmul.f32 v7, v1;
	v1 =	vunpack.i.u.bf16.f32 v2;
	v2 =	vunpack.i.l.bf16.f32 v2  }
0xcc: {  	v14 =	vld [tilespmem:s3+$0xFFFFFF90];
	v17 =	vmul.f32 v8, v2;
	v16 =	vunpack.i.l.bf16.f32 v4  }
0xcd: {  	v8 =	vunpack.i.l.bf16.f32 v3;
	[tilespmem:s29+$0xFFFFFF90] =	vst v7;
	v11 =	vmul.f32 v11, v16;
	v16 =	vld [tilespmem:s3+$0xFFFFFFB0]  }
0xce: {  	s10 =	simm.s32 $0x1E890;
	v2 =	vunpack.i.u.bf16.f32 v3;
	v3 =	vunpack.i.u.bf16.f32 v6;
	v7 =	vld [tilespmem:s3+$0xFFFFFFD0];
	v6 =	vmul.f32 v9, v8;
	[tilespmem:s29+$0xFFFFFFB0] =	vst v17  }
0xcf: {  	v5 =	vunpack.i.u.bf16.f32 v5;
	v8 =	vld [tilespmem:s31+$0xFFFFFFA0];
	[tilespmem:s10+$0xFFFFFFF0] =	vst v11  }
0xd0: {  	[tilespmem:s29+$0xFFFFFFD0] =	vst v6;
	v6 =	vunpack.i.u.bf16.f32 v13;
	v11 =	vmul.f32 v10, v5;
	v10 =	vunpack.i.l.bf16.f32 v15;
	v9 =	vld [tilespmem:s3+$0x0]  }
0xd1: {  	s8 =	simm.s32 $0x1A850;
	v5 =	vunpack.i.u.bf16.f32 v12;
	v12 =	vunpack.i.l.bf16.f32 v12;
	v14 =	vmul.f32 v14, v10;
	v10 =	vld [tilespmem:s31+$0xFFFFFFC0]  }
0xd2: {  	s26 =	sadd.s32 $0x180, s24;
	s7 =	simm.s32 $0x4;
	v13 =	vunpack.i.l.bf16.f32 v13;
	[tilespmem:s29+$0x0] =	vst v11;
	v11 =	vunpack.i.u.bf16.f32 v15;
	v15 =	vmul.f32 v16, v12;
	v12 =	vld [tilespmem:s31+$0xFFFFFFE0];
	s31 =	simm.s32 $0x1C890  }
.LBB2_7:
0xd3: {  	v16 =	vld [tilespmem:s8+$0x0];
	s7 =	sadd.s32 $0x4, s7;
	[tilespmem:s10+$0xFFFFFF90] =	vst v14;
	v7 =	vmul.f32 v7, v13;
	s3 =	sadd.s32 $0x80, s3  }
0xd4: {  	v4 =	vunpack.i.u.bf16.f32 v4;
	v13 =	vld [tilespmem:s3+$0xFFFFFFF0];
	p1 =	slt.u32 s7, $0x7C;
	[tilespmem:s10+$0xFFFFFFB0] =	vst v15;
	v8 =	vmul.f32 v8, v3;
	v3 =	vmov v11  }
0xd5: {  	v11 =	vld [tilespmem:s8+$0xFFFFFFE0];
	[tilespmem:s10+$0xFFFFFFD0] =	vst v7;
	v14 =	vmul.f32 v9, v4  }
0xd6: {  	v9 =	vld [tilespmem:s8+$0xFFFFFFF0];
	[tilespmem:s29+$0xFFFFFFA0] =	vst v8;
	v7 =	vmul.f32 v10, v1;
	v1 =	vmov v5  }
0xd7: {  	v10 =	vld [tilespmem:s8+$0xFFFFFFD0];
	[tilespmem:s10+$0x0] =	vst v14;
	v5 =	vmul.f32 v12, v2;
	v2 =	vmov v6  }
0xd8: {  	v12 =	vld [tilespmem:s3+$0xFFFFFF90];
	v6 =	vunpack.i.l.bf16.f32 v16;
	[tilespmem:s29+$0xFFFFFFC0] =	vst v7;
	v4 =	vmov v16  }
0xd9: {  	v15 =	vld [tilespmem:s3+$0xFFFFFFB0];
	v8 =	vmul.f32 v13, v6;
	[tilespmem:s29+$0xFFFFFFE0] =	vst v5;
	s29 =	smov.u32 s10  }
.Ltmp2:
0xda: {  	s10 =	sadd.s32 $0x80, s10;
	v5 =	vunpack.i.u.bf16.f32 v11;
	v16 =	vunpack.i.l.bf16.f32 v11;
	v7 =	vld [tilespmem:s3+$0xFFFFFFD0];
	(pc) =	sbr.rel @p1 .LBB2_7-.Ltmp2, $4  }
0xdb: {  	v6 =	vunpack.i.u.bf16.f32 v9;
	v13 =	vunpack.i.l.bf16.f32 v9;
	[tilespmem:s10+$0xFFFFFFF0] =	vst v8;
	v8 =	vld [tilespmem:s31+$0xFFFFFFA0]  }
0xdc: {  	v11 =	vunpack.i.u.bf16.f32 v10;
	v10 =	vunpack.i.l.bf16.f32 v10;
	v9 =	vld [tilespmem:s3+$0x0]  }
0xdd: {  	v14 =	vmul.f32 v12, v10;
	v10 =	vld [tilespmem:s31+$0xFFFFFFC0]  }
0xde: {  	s8 =	sadd.s32 $0x40, s8;
	v15 =	vmul.f32 v15, v16;
	v12 =	vld [tilespmem:s31+$0xFFFFFFE0];
	s31 =	smov.u32 s3  }
0xdf: {  	[tilespmem:s10+$0xFFFFFF90] =	vst v14;
	v7 =	vmul.f32 v7, v13  }
0xe0: {  	[tilespmem:s10+$0xFFFFFFB0] =	vst v15;
	v13 =	vld [tilespmem:s31+$0xFFFFFFA0]  }
0xe1: {  	v4 =	vunpack.i.u.bf16.f32 v4;
	v3 =	vmul.f32 v8, v3;
	[tilespmem:s10+$0xFFFFFFD0] =	vst v7;
	v7 =	vld [tilespmem:s31+$0xFFFFFFC0]  }
0xe2: {  	v4 =	vmul.f32 v9, v4;
	v8 =	vld [tilespmem:s31+$0xFFFFFFE0]  }
0xe3: {  	[tilespmem:s29+$0xFFFFFFA0] =	vst v3;
	v1 =	vmul.f32 v10, v1  }
0xe4: {  	[tilespmem:s10+$0x0] =	vst v4;
	v2 =	vmul.f32 v12, v2  }
0xe5: {  	[tilespmem:s29+$0xFFFFFFC0] =	vst v1;
	v1 =	vmul.f32 v13, v11  }
0xe6: {  	[tilespmem:s29+$0xFFFFFFE0] =	vst v2;
	v2 =	vmul.f32 v7, v5  }
0xe7: {  	[tilespmem:s10+$0xFFFFFFA0] =	vst v1;
	v1 =	vmul.f32 v8, v6  }
0xe8: {  	[tilespmem:s10+$0xFFFFFFC0] =	vst v2  }
0xe9: {  	s3 =	sadd.s32 $0x198A0, s28;
	[tilespmem:s10+$0xFFFFFFE0] =	vst v1  }
0xea: {  	[spmem:s2] =	stream.indirect.scatter.add.f32 [tilespmem:s18], [sflag:$0x4], $0x20, s3, s4, $0xb8;
	[tilespmem:$0x1F7A0] =	vst v63  }
0xeb: {  	_ =	swait.ge [sflag:s17], $0x1000  }
0xec: {  	[sflag:s17] =	ssyncset.done $0x0  }
0xed: {  	s7 =	sadd.s32 $0x18CA0, s24;
	[sflag:s17] =	ssyncadd.s32 $0xFFFFF000  }
0xee: {  	[tilespmem:s11], [sflag:$0x1] =	stream.indirect.gather [hbm4b:s5+s4], $0x10, s7, s4, $0xb8;
	[tilespmem:$0x1F7A0] =	vst v63  }
0xef: {  	s8 =	sadd.s32 $0x191A0, s26  }
0xf0: {  	[tilespmem:s14], [sflag:$0x2] =	stream.indirect.gather [spmem:s1], $0x20, s8, s4, $0xb8;
	[tilespmem:$0x1F7A0] =	vst v63  }
0xf1: {  	_ =	swait.ge [sflag:s15], $0x800  }
0xf2: {  	[sflag:s15] =	ssyncset.done $0x0  }
0xf3: {  	[sflag:s15] =	ssyncadd.s32 $0xFFFFF800  }
0xf4: {  	_ =	swait.ge [sflag:s16], $0x1000  }
0xf5: {  	[sflag:s16] =	ssyncset.done $0x0  }
0xf6: {  	s10 =	simm.s32 $0x1AFD0;
	[sflag:s16] =	ssyncadd.s32 $0xFFFFF000  }
0xf7: {  	s31 =	simm.s32 $0x1B7E0;
	v5 =	vld [tilespmem:s10+$0x0]  }
0xf8: {  	v1 =	vld [tilespmem:s31+$0x20]  }
0xf9: {  	v2 =	vld [tilespmem:s10+$0xFFFFFFE0]  }
0xfa: {  	v3 =	vld [tilespmem:s10+$0xFFFFFFF0]  }
0xfb: {  	v6 =	vld [tilespmem:s10+$0xFFFFFFD0]  }
0xfc: {  	v7 =	vld [tilespmem:s31+$0xFFFFFFC0]  }
0xfd: {  	v8 =	vld [tilespmem:s31+$0xFFFFFFE0]  }
0xfe: {  	s3 =	simm.s32 $0x1B860;
	v9 =	vld [tilespmem:s31+$0x0]  }
0xff: {  	s7 =	simm.s32 $0x1B010;
	v11 =	vld [tilespmem:s3+$0x20];
	v4 =	vunpack.i.l.bf16.f32 v5  }
0x100: {  	v1 =	vmul.f32 v1, v4;
	v4 =	vld [tilespmem:s7+$0x0]  }
0x101: {  	v12 =	vld [tilespmem:s7+$0xFFFFFFE0]  }
0x102: {  	s29 =	simm.s32 $0x1D7E0;
	v13 =	vld [tilespmem:s7+$0xFFFFFFF0]  }
0x103: {  	v15 =	vld [tilespmem:s7+$0xFFFFFFD0];
	[tilespmem:s29+$0x20] =	vst v1;
	v1 =	vunpack.i.l.bf16.f32 v6  }
0x104: {  	v10 =	vld [tilespmem:s31+$0x30];
	v7 =	vmul.f32 v7, v1;
	v1 =	vunpack.i.u.bf16.f32 v2;
	v2 =	vunpack.i.l.bf16.f32 v2  }
0x105: {  	v14 =	vld [tilespmem:s3+$0xFFFFFFC0];
	v17 =	vmul.f32 v8, v2;
	v16 =	vunpack.i.l.bf16.f32 v4  }
0x106: {  	v8 =	vunpack.i.l.bf16.f32 v3;
	[tilespmem:s29+$0xFFFFFFC0] =	vst v7;
	v11 =	vmul.f32 v11, v16;
	v16 =	vld [tilespmem:s3+$0xFFFFFFE0]  }
0x107: {  	s10 =	simm.s32 $0x1D860;
	v2 =	vunpack.i.u.bf16.f32 v3;
	v3 =	vunpack.i.u.bf16.f32 v6;
	v7 =	vld [tilespmem:s3+$0x0];
	v6 =	vmul.f32 v9, v8;
	[tilespmem:s29+$0xFFFFFFE0] =	vst v17  }
0x108: {  	v5 =	vunpack.i.u.bf16.f32 v5;
	v8 =	vld [tilespmem:s31+$0xFFFFFFD0];
	[tilespmem:s10+$0x20] =	vst v11  }
0x109: {  	[tilespmem:s29+$0x0] =	vst v6;
	v6 =	vunpack.i.u.bf16.f32 v13;
	v11 =	vmul.f32 v10, v5;
	v10 =	vunpack.i.l.bf16.f32 v15;
	v9 =	vld [tilespmem:s3+$0x30]  }
0x10a: {  	s28 =	sadd.s32 $0x200, s24;
	v5 =	vunpack.i.u.bf16.f32 v12;
	v12 =	vunpack.i.l.bf16.f32 v12;
	v14 =	vmul.f32 v14, v10;
	v10 =	vld [tilespmem:s31+$0xFFFFFFF0]  }
0x10b: {  	s8 =	simm.s32 $0x1B050;
	s7 =	simm.s32 $0x4;
	v13 =	vunpack.i.l.bf16.f32 v13;
	[tilespmem:s29+$0x30] =	vst v11;
	v11 =	vunpack.i.u.bf16.f32 v15;
	v15 =	vmul.f32 v16, v12;
	v12 =	vld [tilespmem:s31+$0x10];
	s31 =	simm.s32 $0x1B860  }
.LBB2_9:
0x10c: {  	v16 =	vld [tilespmem:s8+$0x0];
	s7 =	sadd.s32 $0x4, s7;
	[tilespmem:s10+$0xFFFFFFC0] =	vst v14;
	v7 =	vmul.f32 v7, v13;
	s3 =	sadd.s32 $0x80, s3  }
0x10d: {  	v4 =	vunpack.i.u.bf16.f32 v4;
	v13 =	vld [tilespmem:s3+$0x20];
	p1 =	slt.u32 s7, $0x7C;
	[tilespmem:s10+$0xFFFFFFE0] =	vst v15;
	v8 =	vmul.f32 v8, v3;
	v3 =	vmov v11  }
0x10e: {  	v11 =	vld [tilespmem:s8+$0xFFFFFFE0];
	[tilespmem:s10+$0x0] =	vst v7;
	v14 =	vmul.f32 v9, v4  }
0x10f: {  	v9 =	vld [tilespmem:s8+$0xFFFFFFF0];
	[tilespmem:s29+$0xFFFFFFD0] =	vst v8;
	v7 =	vmul.f32 v10, v1;
	v1 =	vmov v5  }
0x110: {  	v10 =	vld [tilespmem:s8+$0xFFFFFFD0];
	[tilespmem:s10+$0x30] =	vst v14;
	v5 =	vmul.f32 v12, v2;
	v2 =	vmov v6  }
0x111: {  	v12 =	vld [tilespmem:s3+$0xFFFFFFC0];
	v6 =	vunpack.i.l.bf16.f32 v16;
	[tilespmem:s29+$0xFFFFFFF0] =	vst v7;
	v4 =	vmov v16  }
0x112: {  	v15 =	vld [tilespmem:s3+$0xFFFFFFE0];
	v8 =	vmul.f32 v13, v6;
	[tilespmem:s29+$0x10] =	vst v5;
	s29 =	smov.u32 s10  }
.Ltmp3:
0x113: {  	s10 =	sadd.s32 $0x80, s10;
	v5 =	vunpack.i.u.bf16.f32 v11;
	v16 =	vunpack.i.l.bf16.f32 v11;
	v7 =	vld [tilespmem:s3+$0x0];
	(pc) =	sbr.rel @p1 .LBB2_9-.Ltmp3, $4  }
0x114: {  	v6 =	vunpack.i.u.bf16.f32 v9;
	v13 =	vunpack.i.l.bf16.f32 v9;
	[tilespmem:s10+$0x20] =	vst v8;
	v8 =	vld [tilespmem:s31+$0xFFFFFFD0]  }
0x115: {  	v11 =	vunpack.i.u.bf16.f32 v10;
	v10 =	vunpack.i.l.bf16.f32 v10;
	v9 =	vld [tilespmem:s3+$0x30]  }
0x116: {  	v14 =	vmul.f32 v12, v10;
	v10 =	vld [tilespmem:s31+$0xFFFFFFF0]  }
0x117: {  	s8 =	sadd.s32 $0x40, s8;
	v15 =	vmul.f32 v15, v16;
	v12 =	vld [tilespmem:s31+$0x10];
	s31 =	smov.u32 s3  }
0x118: {  	[tilespmem:s10+$0xFFFFFFC0] =	vst v14;
	v7 =	vmul.f32 v7, v13  }
0x119: {  	[tilespmem:s10+$0xFFFFFFE0] =	vst v15;
	v13 =	vld [tilespmem:s31+$0xFFFFFFD0]  }
0x11a: {  	v4 =	vunpack.i.u.bf16.f32 v4;
	v3 =	vmul.f32 v8, v3;
	[tilespmem:s10+$0x0] =	vst v7;
	v7 =	vld [tilespmem:s31+$0xFFFFFFF0]  }
0x11b: {  	v4 =	vmul.f32 v9, v4;
	v8 =	vld [tilespmem:s31+$0x10]  }
0x11c: {  	[tilespmem:s29+$0xFFFFFFD0] =	vst v3;
	v1 =	vmul.f32 v10, v1  }
0x11d: {  	[tilespmem:s10+$0x30] =	vst v4;
	v2 =	vmul.f32 v12, v2  }
0x11e: {  	[tilespmem:s29+$0xFFFFFFF0] =	vst v1;
	v1 =	vmul.f32 v13, v11  }
0x11f: {  	[tilespmem:s29+$0x10] =	vst v2;
	v2 =	vmul.f32 v7, v5  }
0x120: {  	[tilespmem:s10+$0xFFFFFFD0] =	vst v1;
	v1 =	vmul.f32 v8, v6  }
0x121: {  	[tilespmem:s10+$0xFFFFFFF0] =	vst v2  }
0x122: {  	s3 =	sadd.s32 $0x198A0, s25;
	[tilespmem:s10+$0x10] =	vst v1  }
0x123: {  	[spmem:s2] =	stream.indirect.scatter.add.f32 [tilespmem:s30], [sflag:$0x4], $0x20, s3, s4, $0xb8;
	[tilespmem:$0x1F7A0] =	vst v63  }
0x124: {  	_ =	swait.ge [sflag:s17], $0x1000  }
0x125: {  	[sflag:s17] =	ssyncset.done $0x0  }
0x126: {  	s8 =	sadd.s32 $0x18D20, s24;
	[sflag:s17] =	ssyncadd.s32 $0xFFFFF000  }
0x127: {  	[tilespmem:s13], [sflag:$0x1] =	stream.indirect.gather [hbm4b:s5+s4], $0x10, s8, s4, $0xb8;
	[tilespmem:$0x1F7A0] =	vst v63  }
0x128: {  	s10 =	sadd.s32 $0x191A0, s28  }
0x129: {  	[tilespmem:s12], [sflag:$0x2] =	stream.indirect.gather [spmem:s1], $0x20, s10, s4, $0xb8;
	[tilespmem:$0x1F7A0] =	vst v63  }
0x12a: {  	_ =	swait.ge [sflag:s15], $0x800  }
0x12b: {  	[sflag:s15] =	ssyncset.done $0x0  }
0x12c: {  	[sflag:s15] =	ssyncadd.s32 $0xFFFFF800  }
0x12d: {  	_ =	swait.ge [sflag:s16], $0x1000  }
0x12e: {  	[sflag:s16] =	ssyncset.done $0x0  }
0x12f: {  	s25 =	simm.s32 $0x19FC0;
	[sflag:s16] =	ssyncadd.s32 $0xFFFFF000  }
0x130: {  	s31 =	simm.s32 $0x1C810;
	v5 =	vld [tilespmem:s25+$0x10]  }
0x131: {  	v1 =	vld [tilespmem:s31+$0xFFFFFFF0]  }
0x132: {  	v2 =	vld [tilespmem:s25+$0xFFFFFFF0]  }
0x133: {  	v3 =	vld [tilespmem:s25+$0x0]  }
0x134: {  	v6 =	vld [tilespmem:s25+$0xFFFFFFE0]  }
0x135: {  	v7 =	vld [tilespmem:s31+$0xFFFFFF90]  }
0x136: {  	v8 =	vld [tilespmem:s31+$0xFFFFFFB0]  }
0x137: {  	s3 =	simm.s32 $0x1C890;
	v9 =	vld [tilespmem:s31+$0xFFFFFFD0]  }
0x138: {  	s7 =	simm.s32 $0x1A000;
	v11 =	vld [tilespmem:s3+$0xFFFFFFF0];
	v4 =	vunpack.i.l.bf16.f32 v5  }
0x139: {  	v1 =	vmul.f32 v1, v4;
	v4 =	vld [tilespmem:s7+$0x10]  }
0x13a: {  	v12 =	vld [tilespmem:s7+$0xFFFFFFF0]  }
0x13b: {  	s29 =	simm.s32 $0x1E810;
	v13 =	vld [tilespmem:s7+$0x0]  }
0x13c: {  	v15 =	vld [tilespmem:s7+$0xFFFFFFE0];
	[tilespmem:s29+$0xFFFFFFF0] =	vst v1;
	v1 =	vunpack.i.l.bf16.f32 v6  }
0x13d: {  	v10 =	vld [tilespmem:s31+$0x0];
	v7 =	vmul.f32 v7, v1;
	v1 =	vunpack.i.u.bf16.f32 v2;
	v2 =	vunpack.i.l.bf16.f32 v2  }
0x13e: {  	v14 =	vld [tilespmem:s3+$0xFFFFFF90];
	v17 =	vmul.f32 v8, v2;
	v16 =	vunpack.i.l.bf16.f32 v4  }
0x13f: {  	v8 =	vunpack.i.l.bf16.f32 v3;
	[tilespmem:s29+$0xFFFFFF90] =	vst v7;
	v11 =	vmul.f32 v11, v16;
	v16 =	vld [tilespmem:s3+$0xFFFFFFB0]  }
0x140: {  	s10 =	simm.s32 $0x1E890;
	v2 =	vunpack.i.u.bf16.f32 v3;
	v3 =	vunpack.i.u.bf16.f32 v6;
	v7 =	vld [tilespmem:s3+$0xFFFFFFD0];
	v6 =	vmul.f32 v9, v8;
	[tilespmem:s29+$0xFFFFFFB0] =	vst v17  }
0x141: {  	v5 =	vunpack.i.u.bf16.f32 v5;
	v8 =	vld [tilespmem:s31+$0xFFFFFFA0];
	[tilespmem:s10+$0xFFFFFFF0] =	vst v11  }
0x142: {  	[tilespmem:s29+$0xFFFFFFD0] =	vst v6;
	v6 =	vunpack.i.u.bf16.f32 v13;
	v11 =	vmul.f32 v10, v5;
	v10 =	vunpack.i.l.bf16.f32 v15;
	v9 =	vld [tilespmem:s3+$0x0]  }
0x143: {  	s8 =	simm.s32 $0x1A040;
	v5 =	vunpack.i.u.bf16.f32 v12;
	v12 =	vunpack.i.l.bf16.f32 v12;
	v14 =	vmul.f32 v14, v10;
	v10 =	vld [tilespmem:s31+$0xFFFFFFC0]  }
0x144: {  	s25 =	sadd.s32 $0x280, s24;
	s7 =	simm.s32 $0x4;
	v13 =	vunpack.i.l.bf16.f32 v13;
	[tilespmem:s29+$0x0] =	vst v11;
	v11 =	vunpack.i.u.bf16.f32 v15;
	v15 =	vmul.f32 v16, v12;
	v12 =	vld [tilespmem:s31+$0xFFFFFFE0];
	s31 =	simm.s32 $0x1C890  }
.LBB2_11:
0x145: {  	v16 =	vld [tilespmem:s8+$0x10];
	s7 =	sadd.s32 $0x4, s7;
	[tilespmem:s10+$0xFFFFFF90] =	vst v14;
	v7 =	vmul.f32 v7, v13;
	s3 =	sadd.s32 $0x80, s3  }
0x146: {  	v4 =	vunpack.i.u.bf16.f32 v4;
	v13 =	vld [tilespmem:s3+$0xFFFFFFF0];
	p1 =	slt.u32 s7, $0x7C;
	[tilespmem:s10+$0xFFFFFFB0] =	vst v15;
	v8 =	vmul.f32 v8, v3;
	v3 =	vmov v11  }
0x147: {  	v11 =	vld [tilespmem:s8+$0xFFFFFFF0];
	[tilespmem:s10+$0xFFFFFFD0] =	vst v7;
	v14 =	vmul.f32 v9, v4  }
0x148: {  	v9 =	vld [tilespmem:s8+$0x0];
	[tilespmem:s29+$0xFFFFFFA0] =	vst v8;
	v7 =	vmul.f32 v10, v1;
	v1 =	vmov v5  }
0x149: {  	v10 =	vld [tilespmem:s8+$0xFFFFFFE0];
	[tilespmem:s10+$0x0] =	vst v14;
	v5 =	vmul.f32 v12, v2;
	v2 =	vmov v6  }
0x14a: {  	v12 =	vld [tilespmem:s3+$0xFFFFFF90];
	v6 =	vunpack.i.l.bf16.f32 v16;
	[tilespmem:s29+$0xFFFFFFC0] =	vst v7;
	v4 =	vmov v16  }
0x14b: {  	v15 =	vld [tilespmem:s3+$0xFFFFFFB0];
	v8 =	vmul.f32 v13, v6;
	[tilespmem:s29+$0xFFFFFFE0] =	vst v5;
	s29 =	smov.u32 s10  }
.Ltmp4:
0x14c: {  	s10 =	sadd.s32 $0x80, s10;
	v5 =	vunpack.i.u.bf16.f32 v11;
	v16 =	vunpack.i.l.bf16.f32 v11;
	v7 =	vld [tilespmem:s3+$0xFFFFFFD0];
	(pc) =	sbr.rel @p1 .LBB2_11-.Ltmp4, $4  }
0x14d: {  	v6 =	vunpack.i.u.bf16.f32 v9;
	v13 =	vunpack.i.l.bf16.f32 v9;
	[tilespmem:s10+$0xFFFFFFF0] =	vst v8;
	v8 =	vld [tilespmem:s31+$0xFFFFFFA0]  }
0x14e: {  	v11 =	vunpack.i.u.bf16.f32 v10;
	v10 =	vunpack.i.l.bf16.f32 v10;
	v9 =	vld [tilespmem:s3+$0x0]  }
0x14f: {  	v14 =	vmul.f32 v12, v10;
	v10 =	vld [tilespmem:s31+$0xFFFFFFC0]  }
0x150: {  	s8 =	sadd.s32 $0x40, s8;
	v15 =	vmul.f32 v15, v16;
	v12 =	vld [tilespmem:s31+$0xFFFFFFE0];
	s31 =	smov.u32 s3  }
0x151: {  	[tilespmem:s10+$0xFFFFFF90] =	vst v14;
	v7 =	vmul.f32 v7, v13  }
0x152: {  	[tilespmem:s10+$0xFFFFFFB0] =	vst v15;
	v13 =	vld [tilespmem:s31+$0xFFFFFFA0]  }
0x153: {  	v4 =	vunpack.i.u.bf16.f32 v4;
	v3 =	vmul.f32 v8, v3;
	[tilespmem:s10+$0xFFFFFFD0] =	vst v7;
	v7 =	vld [tilespmem:s31+$0xFFFFFFC0]  }
0x154: {  	v4 =	vmul.f32 v9, v4;
	v8 =	vld [tilespmem:s31+$0xFFFFFFE0]  }
0x155: {  	[tilespmem:s29+$0xFFFFFFA0] =	vst v3;
	v1 =	vmul.f32 v10, v1  }
0x156: {  	[tilespmem:s10+$0x0] =	vst v4;
	v2 =	vmul.f32 v12, v2  }
0x157: {  	[tilespmem:s29+$0xFFFFFFC0] =	vst v1;
	v1 =	vmul.f32 v13, v11  }
0x158: {  	[tilespmem:s29+$0xFFFFFFE0] =	vst v2;
	v2 =	vmul.f32 v7, v5  }
0x159: {  	[tilespmem:s10+$0xFFFFFFA0] =	vst v1;
	v1 =	vmul.f32 v8, v6  }
0x15a: {  	[tilespmem:s10+$0xFFFFFFC0] =	vst v2  }
0x15b: {  	s3 =	sadd.s32 $0x198A0, s26;
	[tilespmem:s10+$0xFFFFFFE0] =	vst v1  }
0x15c: {  	[spmem:s2] =	stream.indirect.scatter.add.f32 [tilespmem:s18], [sflag:$0x4], $0x20, s3, s4, $0xb8;
	[tilespmem:$0x1F7A0] =	vst v63  }
0x15d: {  	_ =	swait.ge [sflag:s17], $0x1000  }
0x15e: {  	[sflag:s17] =	ssyncset.done $0x0  }
0x15f: {  	s10 =	sadd.s32 $0x18DA0, s24;
	[sflag:s17] =	ssyncadd.s32 $0xFFFFF000  }
0x160: {  	[tilespmem:s6], [sflag:$0x1] =	stream.indirect.gather [hbm4b:s5+s4], $0x10, s10, s4, $0xb8;
	[tilespmem:$0x1F7A0] =	vst v63  }
0x161: {  	s26 =	sadd.s32 $0x191A0, s25  }
0x162: {  	[tilespmem:s14], [sflag:$0x2] =	stream.indirect.gather [spmem:s1], $0x20, s26, s4, $0xb8;
	[tilespmem:$0x1F7A0] =	vst v63  }
0x163: {  	_ =	swait.ge [sflag:s15], $0x800  }
0x164: {  	[sflag:s15] =	ssyncset.done $0x0  }
0x165: {  	[sflag:s15] =	ssyncadd.s32 $0xFFFFF800  }
0x166: {  	_ =	swait.ge [sflag:s16], $0x1000  }
0x167: {  	[sflag:s16] =	ssyncset.done $0x0  }
0x168: {  	s31 =	simm.s32 $0x1A7D0;
	[sflag:s16] =	ssyncadd.s32 $0xFFFFF000  }
0x169: {  	s29 =	simm.s32 $0x1B7E0;
	v5 =	vld [tilespmem:s31+$0x0]  }
0x16a: {  	v1 =	vld [tilespmem:s29+$0x20]  }
0x16b: {  	v2 =	vld [tilespmem:s31+$0xFFFFFFE0]  }
0x16c: {  	v3 =	vld [tilespmem:s31+$0xFFFFFFF0]  }
0x16d: {  	v6 =	vld [tilespmem:s31+$0xFFFFFFD0]  }
0x16e: {  	v7 =	vld [tilespmem:s29+$0xFFFFFFC0]  }
0x16f: {  	v8 =	vld [tilespmem:s29+$0xFFFFFFE0]  }
0x170: {  	s3 =	simm.s32 $0x1B860;
	v9 =	vld [tilespmem:s29+$0x0]  }
0x171: {  	s7 =	simm.s32 $0x1A810;
	v11 =	vld [tilespmem:s3+$0x20];
	v4 =	vunpack.i.l.bf16.f32 v5  }
0x172: {  	v1 =	vmul.f32 v1, v4;
	v4 =	vld [tilespmem:s7+$0x0]  }
0x173: {  	v12 =	vld [tilespmem:s7+$0xFFFFFFE0]  }
0x174: {  	s26 =	simm.s32 $0x1D7E0;
	v13 =	vld [tilespmem:s7+$0xFFFFFFF0]  }
0x175: {  	v15 =	vld [tilespmem:s7+$0xFFFFFFD0];
	[tilespmem:s26+$0x20] =	vst v1;
	v1 =	vunpack.i.l.bf16.f32 v6  }
0x176: {  	v10 =	vld [tilespmem:s29+$0x30];
	v7 =	vmul.f32 v7, v1;
	v1 =	vunpack.i.u.bf16.f32 v2;
	v2 =	vunpack.i.l.bf16.f32 v2  }
0x177: {  	v14 =	vld [tilespmem:s3+$0xFFFFFFC0];
	v17 =	vmul.f32 v8, v2;
	v16 =	vunpack.i.l.bf16.f32 v4  }
0x178: {  	v8 =	vunpack.i.l.bf16.f32 v3;
	[tilespmem:s26+$0xFFFFFFC0] =	vst v7;
	v11 =	vmul.f32 v11, v16;
	v16 =	vld [tilespmem:s3+$0xFFFFFFE0]  }
0x179: {  	s10 =	simm.s32 $0x1D860;
	v2 =	vunpack.i.u.bf16.f32 v3;
	v3 =	vunpack.i.u.bf16.f32 v6;
	v7 =	vld [tilespmem:s3+$0x0];
	v6 =	vmul.f32 v9, v8;
	[tilespmem:s26+$0xFFFFFFE0] =	vst v17  }
0x17a: {  	v5 =	vunpack.i.u.bf16.f32 v5;
	v8 =	vld [tilespmem:s29+$0xFFFFFFD0];
	[tilespmem:s10+$0x20] =	vst v11  }
0x17b: {  	[tilespmem:s26+$0x0] =	vst v6;
	v6 =	vunpack.i.u.bf16.f32 v13;
	v11 =	vmul.f32 v10, v5;
	v10 =	vunpack.i.l.bf16.f32 v15;
	v9 =	vld [tilespmem:s3+$0x30]  }
0x17c: {  	s8 =	simm.s32 $0x1A850;
	v5 =	vunpack.i.u.bf16.f32 v12;
	v12 =	vunpack.i.l.bf16.f32 v12;
	v14 =	vmul.f32 v14, v10;
	v10 =	vld [tilespmem:s29+$0xFFFFFFF0]  }
0x17d: {  	s24 =	sadd.s32 $0x300, s24;
	s7 =	simm.s32 $0x4;
	v13 =	vunpack.i.l.bf16.f32 v13;
	[tilespmem:s26+$0x30] =	vst v11;
	v11 =	vunpack.i.u.bf16.f32 v15;
	v15 =	vmul.f32 v16, v12;
	v12 =	vld [tilespmem:s29+$0x10];
	s29 =	simm.s32 $0x1B860  }
.LBB2_13:
0x17e: {  	v16 =	vld [tilespmem:s8+$0x0];
	s7 =	sadd.s32 $0x4, s7;
	[tilespmem:s10+$0xFFFFFFC0] =	vst v14;
	v7 =	vmul.f32 v7, v13;
	s3 =	sadd.s32 $0x80, s3  }
0x17f: {  	v4 =	vunpack.i.u.bf16.f32 v4;
	v13 =	vld [tilespmem:s3+$0x20];
	p1 =	slt.u32 s7, $0x7C;
	[tilespmem:s10+$0xFFFFFFE0] =	vst v15;
	v8 =	vmul.f32 v8, v3;
	v3 =	vmov v11  }
0x180: {  	v11 =	vld [tilespmem:s8+$0xFFFFFFE0];
	[tilespmem:s10+$0x0] =	vst v7;
	v14 =	vmul.f32 v9, v4  }
0x181: {  	v9 =	vld [tilespmem:s8+$0xFFFFFFF0];
	[tilespmem:s26+$0xFFFFFFD0] =	vst v8;
	v7 =	vmul.f32 v10, v1;
	v1 =	vmov v5  }
0x182: {  	v10 =	vld [tilespmem:s8+$0xFFFFFFD0];
	[tilespmem:s10+$0x30] =	vst v14;
	v5 =	vmul.f32 v12, v2;
	v2 =	vmov v6  }
0x183: {  	v12 =	vld [tilespmem:s3+$0xFFFFFFC0];
	v6 =	vunpack.i.l.bf16.f32 v16;
	[tilespmem:s26+$0xFFFFFFF0] =	vst v7;
	v4 =	vmov v16  }
0x184: {  	v15 =	vld [tilespmem:s3+$0xFFFFFFE0];
	v8 =	vmul.f32 v13, v6;
	[tilespmem:s26+$0x10] =	vst v5;
	s26 =	smov.u32 s10  }
.Ltmp5:
0x185: {  	s10 =	sadd.s32 $0x80, s10;
	v5 =	vunpack.i.u.bf16.f32 v11;
	v16 =	vunpack.i.l.bf16.f32 v11;
	v7 =	vld [tilespmem:s3+$0x0];
	(pc) =	sbr.rel @p1 .LBB2_13-.Ltmp5, $4  }
0x186: {  	v6 =	vunpack.i.u.bf16.f32 v9;
	v13 =	vunpack.i.l.bf16.f32 v9;
	[tilespmem:s10+$0x20] =	vst v8;
	v8 =	vld [tilespmem:s29+$0xFFFFFFD0]  }
0x187: {  	v11 =	vunpack.i.u.bf16.f32 v10;
	v10 =	vunpack.i.l.bf16.f32 v10;
	v9 =	vld [tilespmem:s3+$0x30]  }
0x188: {  	v14 =	vmul.f32 v12, v10;
	v10 =	vld [tilespmem:s29+$0xFFFFFFF0]  }
0x189: {  	s8 =	sadd.s32 $0x40, s8;
	v15 =	vmul.f32 v15, v16;
	v12 =	vld [tilespmem:s29+$0x10];
	s29 =	smov.u32 s3  }
0x18a: {  	[tilespmem:s10+$0xFFFFFFC0] =	vst v14;
	v7 =	vmul.f32 v7, v13  }
0x18b: {  	[tilespmem:s10+$0xFFFFFFE0] =	vst v15;
	v13 =	vld [tilespmem:s29+$0xFFFFFFD0]  }
0x18c: {  	v4 =	vunpack.i.u.bf16.f32 v4;
	v3 =	vmul.f32 v8, v3;
	[tilespmem:s10+$0x0] =	vst v7;
	v7 =	vld [tilespmem:s29+$0xFFFFFFF0]  }
0x18d: {  	v4 =	vmul.f32 v9, v4;
	v8 =	vld [tilespmem:s29+$0x10]  }
0x18e: {  	[tilespmem:s26+$0xFFFFFFD0] =	vst v3;
	v1 =	vmul.f32 v10, v1  }
0x18f: {  	[tilespmem:s10+$0x30] =	vst v4;
	v2 =	vmul.f32 v12, v2  }
0x190: {  	[tilespmem:s26+$0xFFFFFFF0] =	vst v1;
	v1 =	vmul.f32 v13, v11  }
0x191: {  	[tilespmem:s26+$0x10] =	vst v2;
	v2 =	vmul.f32 v7, v5  }
0x192: {  	[tilespmem:s10+$0xFFFFFFD0] =	vst v1;
	v1 =	vmul.f32 v8, v6  }
0x193: {  	[tilespmem:s10+$0xFFFFFFF0] =	vst v2  }
0x194: {  	s3 =	sadd.s32 $0x198A0, s28;
	[tilespmem:s10+$0x10] =	vst v1  }
0x195: {  	[spmem:s2] =	stream.indirect.scatter.add.f32 [tilespmem:s30], [sflag:$0x4], $0x20, s3, s4, $0xb8;
	[tilespmem:$0x1F7A0] =	vst v63  }
0x196: {  	s29 =	sadd.s32 $0x191A0, s24  }
0x197: {  	[tilespmem:s12], [sflag:$0x2] =	stream.indirect.gather [spmem:s1], $0x20, s29, s4, $0xb8;
	[tilespmem:$0x1F7A0] =	vst v63  }
0x198: {  	_ =	swait.ge [sflag:s15], $0x800  }
0x199: {  	[sflag:s15] =	ssyncset.done $0x0  }
0x19a: {  	[sflag:s15] =	ssyncadd.s32 $0xFFFFF800  }
0x19b: {  	_ =	swait.ge [sflag:s16], $0x1000  }
0x19c: {  	[sflag:s16] =	ssyncset.done $0x0  }
0x19d: {  	s31 =	simm.s32 $0x1AFD0;
	[sflag:s16] =	ssyncadd.s32 $0xFFFFF000  }
0x19e: {  	s28 =	simm.s32 $0x1C810;
	v5 =	vld [tilespmem:s31+$0x0]  }
0x19f: {  	v1 =	vld [tilespmem:s28+$0xFFFFFFF0]  }
0x1a0: {  	v2 =	vld [tilespmem:s31+$0xFFFFFFE0]  }
0x1a1: {  	v3 =	vld [tilespmem:s31+$0xFFFFFFF0]  }
0x1a2: {  	v6 =	vld [tilespmem:s31+$0xFFFFFFD0]  }
0x1a3: {  	v7 =	vld [tilespmem:s28+$0xFFFFFF90]  }
0x1a4: {  	v8 =	vld [tilespmem:s28+$0xFFFFFFB0]  }
0x1a5: {  	s3 =	simm.s32 $0x1C890;
	v9 =	vld [tilespmem:s28+$0xFFFFFFD0]  }
0x1a6: {  	s7 =	simm.s32 $0x1B010;
	v11 =	vld [tilespmem:s3+$0xFFFFFFF0];
	v4 =	vunpack.i.l.bf16.f32 v5  }
0x1a7: {  	v1 =	vmul.f32 v1, v4;
	v4 =	vld [tilespmem:s7+$0x0]  }
0x1a8: {  	v12 =	vld [tilespmem:s7+$0xFFFFFFE0]  }
0x1a9: {  	s26 =	simm.s32 $0x1E810;
	v13 =	vld [tilespmem:s7+$0xFFFFFFF0]  }
0x1aa: {  	v15 =	vld [tilespmem:s7+$0xFFFFFFD0];
	[tilespmem:s26+$0xFFFFFFF0] =	vst v1;
	v1 =	vunpack.i.l.bf16.f32 v6  }
0x1ab: {  	v10 =	vld [tilespmem:s28+$0x0];
	v7 =	vmul.f32 v7, v1;
	v1 =	vunpack.i.u.bf16.f32 v2;
	v2 =	vunpack.i.l.bf16.f32 v2  }
0x1ac: {  	v14 =	vld [tilespmem:s3+$0xFFFFFF90];
	v17 =	vmul.f32 v8, v2;
	v16 =	vunpack.i.l.bf16.f32 v4  }
0x1ad: {  	v8 =	vunpack.i.l.bf16.f32 v3;
	[tilespmem:s26+$0xFFFFFF90] =	vst v7;
	v11 =	vmul.f32 v11, v16;
	v16 =	vld [tilespmem:s3+$0xFFFFFFB0]  }
0x1ae: {  	s10 =	simm.s32 $0x1E890;
	v2 =	vunpack.i.u.bf16.f32 v3;
	v3 =	vunpack.i.u.bf16.f32 v6;
	v7 =	vld [tilespmem:s3+$0xFFFFFFD0];
	v6 =	vmul.f32 v9, v8;
	[tilespmem:s26+$0xFFFFFFB0] =	vst v17  }
0x1af: {  	v5 =	vunpack.i.u.bf16.f32 v5;
	v8 =	vld [tilespmem:s28+$0xFFFFFFA0];
	[tilespmem:s10+$0xFFFFFFF0] =	vst v11  }
0x1b0: {  	[tilespmem:s26+$0xFFFFFFD0] =	vst v6;
	v6 =	vunpack.i.u.bf16.f32 v13;
	v11 =	vmul.f32 v10, v5;
	v10 =	vunpack.i.l.bf16.f32 v15;
	v9 =	vld [tilespmem:s3+$0x0]  }
0x1b1: {  	v5 =	vunpack.i.u.bf16.f32 v12;
	v12 =	vunpack.i.l.bf16.f32 v12;
	v14 =	vmul.f32 v14, v10;
	v10 =	vld [tilespmem:s28+$0xFFFFFFC0]  }
0x1b2: {  	s8 =	simm.s32 $0x1B050;
	s7 =	simm.s32 $0x4;
	v13 =	vunpack.i.l.bf16.f32 v13;
	[tilespmem:s26+$0x0] =	vst v11;
	v11 =	vunpack.i.u.bf16.f32 v15;
	v15 =	vmul.f32 v16, v12;
	v12 =	vld [tilespmem:s28+$0xFFFFFFE0];
	s28 =	simm.s32 $0x1C890  }
.LBB2_15:
0x1b3: {  	v16 =	vld [tilespmem:s8+$0x0];
	s7 =	sadd.s32 $0x4, s7;
	[tilespmem:s10+$0xFFFFFF90] =	vst v14;
	v7 =	vmul.f32 v7, v13;
	s3 =	sadd.s32 $0x80, s3  }
0x1b4: {  	v4 =	vunpack.i.u.bf16.f32 v4;
	v13 =	vld [tilespmem:s3+$0xFFFFFFF0];
	p1 =	slt.u32 s7, $0x7C;
	[tilespmem:s10+$0xFFFFFFB0] =	vst v15;
	v8 =	vmul.f32 v8, v3;
	v3 =	vmov v11  }
0x1b5: {  	v11 =	vld [tilespmem:s8+$0xFFFFFFE0];
	[tilespmem:s10+$0xFFFFFFD0] =	vst v7;
	v14 =	vmul.f32 v9, v4  }
0x1b6: {  	v9 =	vld [tilespmem:s8+$0xFFFFFFF0];
	[tilespmem:s26+$0xFFFFFFA0] =	vst v8;
	v7 =	vmul.f32 v10, v1;
	v1 =	vmov v5  }
0x1b7: {  	v10 =	vld [tilespmem:s8+$0xFFFFFFD0];
	[tilespmem:s10+$0x0] =	vst v14;
	v5 =	vmul.f32 v12, v2;
	v2 =	vmov v6  }
0x1b8: {  	v12 =	vld [tilespmem:s3+$0xFFFFFF90];
	v6 =	vunpack.i.l.bf16.f32 v16;
	[tilespmem:s26+$0xFFFFFFC0] =	vst v7;
	v4 =	vmov v16  }
0x1b9: {  	v15 =	vld [tilespmem:s3+$0xFFFFFFB0];
	v8 =	vmul.f32 v13, v6;
	[tilespmem:s26+$0xFFFFFFE0] =	vst v5;
	s26 =	smov.u32 s10  }
.Ltmp6:
0x1ba: {  	s10 =	sadd.s32 $0x80, s10;
	v5 =	vunpack.i.u.bf16.f32 v11;
	v16 =	vunpack.i.l.bf16.f32 v11;
	v7 =	vld [tilespmem:s3+$0xFFFFFFD0];
	(pc) =	sbr.rel @p1 .LBB2_15-.Ltmp6, $4  }
0x1bb: {  	v6 =	vunpack.i.u.bf16.f32 v9;
	v13 =	vunpack.i.l.bf16.f32 v9;
	[tilespmem:s10+$0xFFFFFFF0] =	vst v8;
	v8 =	vld [tilespmem:s28+$0xFFFFFFA0]  }
0x1bc: {  	v11 =	vunpack.i.u.bf16.f32 v10;
	v10 =	vunpack.i.l.bf16.f32 v10;
	v9 =	vld [tilespmem:s3+$0x0]  }
0x1bd: {  	v14 =	vmul.f32 v12, v10;
	v10 =	vld [tilespmem:s28+$0xFFFFFFC0]  }
0x1be: {  	s8 =	sadd.s32 $0x40, s8;
	v15 =	vmul.f32 v15, v16;
	v12 =	vld [tilespmem:s28+$0xFFFFFFE0];
	s28 =	smov.u32 s3  }
0x1bf: {  	[tilespmem:s10+$0xFFFFFF90] =	vst v14;
	v7 =	vmul.f32 v7, v13  }
0x1c0: {  	[tilespmem:s10+$0xFFFFFFB0] =	vst v15;
	v13 =	vld [tilespmem:s28+$0xFFFFFFA0]  }
0x1c1: {  	v4 =	vunpack.i.u.bf16.f32 v4;
	v3 =	vmul.f32 v8, v3;
	[tilespmem:s10+$0xFFFFFFD0] =	vst v7;
	v7 =	vld [tilespmem:s28+$0xFFFFFFC0]  }
0x1c2: {  	v4 =	vmul.f32 v9, v4;
	v8 =	vld [tilespmem:s28+$0xFFFFFFE0]  }
0x1c3: {  	[tilespmem:s26+$0xFFFFFFA0] =	vst v3;
	v1 =	vmul.f32 v10, v1  }
0x1c4: {  	[tilespmem:s10+$0x0] =	vst v4;
	v2 =	vmul.f32 v12, v2  }
0x1c5: {  	[tilespmem:s26+$0xFFFFFFC0] =	vst v1;
	v1 =	vmul.f32 v13, v11  }
0x1c6: {  	[tilespmem:s26+$0xFFFFFFE0] =	vst v2;
	v2 =	vmul.f32 v7, v5  }
0x1c7: {  	[tilespmem:s10+$0xFFFFFFA0] =	vst v1;
	v1 =	vmul.f32 v8, v6  }
0x1c8: {  	[tilespmem:s10+$0xFFFFFFC0] =	vst v2  }
0x1c9: {  	s3 =	sadd.s32 $0x198A0, s25;
	[tilespmem:s10+$0xFFFFFFE0] =	vst v1  }
0x1ca: {  	[spmem:s2] =	stream.indirect.scatter.add.f32 [tilespmem:s18], [sflag:$0x4], $0x20, s3, s4, $0xb8;
	[tilespmem:$0x1F7A0] =	vst v63  }
0x1cb: {  	_ =	swait.ge [sflag:s15], $0x800  }
0x1cc: {  	[sflag:s15] =	ssyncset.done $0x0  }
0x1cd: {  	[sflag:s15] =	ssyncadd.s32 $0xFFFFF800  }
0x1ce: {  	_ =	swait.ge [sflag:s16], $0x1000  }
0x1cf: {  	[sflag:s16] =	ssyncset.done $0x0  }
0x1d0: {  	s29 =	simm.s32 $0x19FC0;
	[sflag:s16] =	ssyncadd.s32 $0xFFFFF000  }
0x1d1: {  	s31 =	simm.s32 $0x1B7E0;
	v5 =	vld [tilespmem:s29+$0x10]  }
0x1d2: {  	v1 =	vld [tilespmem:s31+$0x20]  }
0x1d3: {  	v2 =	vld [tilespmem:s29+$0xFFFFFFF0]  }
0x1d4: {  	v3 =	vld [tilespmem:s29+$0x0]  }
0x1d5: {  	v6 =	vld [tilespmem:s29+$0xFFFFFFE0]  }
0x1d6: {  	v7 =	vld [tilespmem:s31+$0xFFFFFFC0]  }
0x1d7: {  	v8 =	vld [tilespmem:s31+$0xFFFFFFE0]  }
0x1d8: {  	s3 =	simm.s32 $0x1B860;
	v9 =	vld [tilespmem:s31+$0x0]  }
0x1d9: {  	s7 =	simm.s32 $0x1A000;
	v11 =	vld [tilespmem:s3+$0x20];
	v4 =	vunpack.i.l.bf16.f32 v5  }
0x1da: {  	v1 =	vmul.f32 v1, v4;
	v4 =	vld [tilespmem:s7+$0x10]  }
0x1db: {  	v12 =	vld [tilespmem:s7+$0xFFFFFFF0]  }
0x1dc: {  	s25 =	simm.s32 $0x1D7E0;
	v13 =	vld [tilespmem:s7+$0x0]  }
0x1dd: {  	v15 =	vld [tilespmem:s7+$0xFFFFFFE0];
	[tilespmem:s25+$0x20] =	vst v1;
	v1 =	vunpack.i.l.bf16.f32 v6  }
0x1de: {  	v10 =	vld [tilespmem:s31+$0x30];
	v7 =	vmul.f32 v7, v1;
	v1 =	vunpack.i.u.bf16.f32 v2;
	v2 =	vunpack.i.l.bf16.f32 v2  }
0x1df: {  	v14 =	vld [tilespmem:s3+$0xFFFFFFC0];
	v17 =	vmul.f32 v8, v2;
	v16 =	vunpack.i.l.bf16.f32 v4  }
0x1e0: {  	v8 =	vunpack.i.l.bf16.f32 v3;
	[tilespmem:s25+$0xFFFFFFC0] =	vst v7;
	v11 =	vmul.f32 v11, v16;
	v16 =	vld [tilespmem:s3+$0xFFFFFFE0]  }
0x1e1: {  	s10 =	simm.s32 $0x1D860;
	v2 =	vunpack.i.u.bf16.f32 v3;
	v3 =	vunpack.i.u.bf16.f32 v6;
	v7 =	vld [tilespmem:s3+$0x0];
	v6 =	vmul.f32 v9, v8;
	[tilespmem:s25+$0xFFFFFFE0] =	vst v17  }
0x1e2: {  	v5 =	vunpack.i.u.bf16.f32 v5;
	v8 =	vld [tilespmem:s31+$0xFFFFFFD0];
	[tilespmem:s10+$0x20] =	vst v11  }
0x1e3: {  	[tilespmem:s25+$0x0] =	vst v6;
	v6 =	vunpack.i.u.bf16.f32 v13;
	v11 =	vmul.f32 v10, v5;
	v10 =	vunpack.i.l.bf16.f32 v15;
	v9 =	vld [tilespmem:s3+$0x30]  }
0x1e4: {  	v5 =	vunpack.i.u.bf16.f32 v12;
	v12 =	vunpack.i.l.bf16.f32 v12;
	v14 =	vmul.f32 v14, v10;
	v10 =	vld [tilespmem:s31+$0xFFFFFFF0]  }
0x1e5: {  	s8 =	simm.s32 $0x1A040;
	s26 =	simm.s32 $0x1B860;
	s7 =	simm.s32 $0x4;
	v13 =	vunpack.i.l.bf16.f32 v13;
	[tilespmem:s25+$0x30] =	vst v11;
	v11 =	vunpack.i.u.bf16.f32 v15;
	v15 =	vmul.f32 v16, v12;
	v12 =	vld [tilespmem:s31+$0x10]  }
.LBB2_17:
0x1e6: {  	v16 =	vld [tilespmem:s8+$0x10];
	s7 =	sadd.s32 $0x4, s7;
	[tilespmem:s10+$0xFFFFFFC0] =	vst v14;
	v7 =	vmul.f32 v7, v13;
	s3 =	sadd.s32 $0x80, s3  }
0x1e7: {  	v4 =	vunpack.i.u.bf16.f32 v4;
	v13 =	vld [tilespmem:s3+$0x20];
	p1 =	slt.u32 s7, $0x7C;
	[tilespmem:s10+$0xFFFFFFE0] =	vst v15;
	v8 =	vmul.f32 v8, v3;
	v3 =	vmov v11  }
0x1e8: {  	v11 =	vld [tilespmem:s8+$0xFFFFFFF0];
	[tilespmem:s10+$0x0] =	vst v7;
	v14 =	vmul.f32 v9, v4  }
0x1e9: {  	v9 =	vld [tilespmem:s8+$0x0];
	[tilespmem:s25+$0xFFFFFFD0] =	vst v8;
	v7 =	vmul.f32 v10, v1;
	v1 =	vmov v5  }
0x1ea: {  	v10 =	vld [tilespmem:s8+$0xFFFFFFE0];
	[tilespmem:s10+$0x30] =	vst v14;
	v5 =	vmul.f32 v12, v2;
	v2 =	vmov v6  }
0x1eb: {  	v12 =	vld [tilespmem:s3+$0xFFFFFFC0];
	v6 =	vunpack.i.l.bf16.f32 v16;
	[tilespmem:s25+$0xFFFFFFF0] =	vst v7;
	v4 =	vmov v16  }
0x1ec: {  	v15 =	vld [tilespmem:s3+$0xFFFFFFE0];
	v8 =	vmul.f32 v13, v6;
	[tilespmem:s25+$0x10] =	vst v5;
	s25 =	smov.u32 s10  }
.Ltmp7:
0x1ed: {  	s10 =	sadd.s32 $0x80, s10;
	v5 =	vunpack.i.u.bf16.f32 v11;
	v16 =	vunpack.i.l.bf16.f32 v11;
	v7 =	vld [tilespmem:s3+$0x0];
	(pc) =	sbr.rel @p1 .LBB2_17-.Ltmp7, $4  }
0x1ee: {  	v6 =	vunpack.i.u.bf16.f32 v9;
	v13 =	vunpack.i.l.bf16.f32 v9;
	[tilespmem:s10+$0x20] =	vst v8;
	v8 =	vld [tilespmem:s26+$0xFFFFFFD0]  }
0x1ef: {  	v11 =	vunpack.i.u.bf16.f32 v10;
	v10 =	vunpack.i.l.bf16.f32 v10;
	v9 =	vld [tilespmem:s3+$0x30]  }
0x1f0: {  	v14 =	vmul.f32 v12, v10;
	v10 =	vld [tilespmem:s26+$0xFFFFFFF0]  }
0x1f1: {  	s8 =	sadd.s32 $0x40, s8;
	v15 =	vmul.f32 v15, v16;
	v12 =	vld [tilespmem:s26+$0x10];
	s26 =	smov.u32 s3  }
0x1f2: {  	[tilespmem:s10+$0xFFFFFFC0] =	vst v14;
	v7 =	vmul.f32 v7, v13  }
0x1f3: {  	[tilespmem:s10+$0xFFFFFFE0] =	vst v15;
	v61 =	vld [tilespmem:s26+$0xFFFFFFD0]  }
0x1f4: {  	v4 =	vunpack.i.u.bf16.f32 v4;
	v3 =	vmul.f32 v8, v3;
	[tilespmem:s10+$0x0] =	vst v7;
	v62 =	vld [tilespmem:s26+$0xFFFFFFF0]  }
0x1f5: {  	v4 =	vmul.f32 v9, v4;
	v63 =	vld [tilespmem:s26+$0x10]  }
0x1f6: {  	[tilespmem:s25+$0xFFFFFFD0] =	vst v3;
	v1 =	vmul.f32 v10, v1  }
0x1f7: {  	[tilespmem:s10+$0x30] =	vst v4;
	v2 =	vmul.f32 v12, v2  }
0x1f8: {  	[tilespmem:s25+$0xFFFFFFF0] =	vst v1;
	v1 =	vmul.f32 v61, v11  }
0x1f9: {  	[tilespmem:s25+$0x10] =	vst v2;
	v2 =	vmul.f32 v62, v5  }
0x1fa: {  	[tilespmem:s10+$0xFFFFFFD0] =	vst v1;
	v1 =	vmul.f32 v63, v6  }
0x1fb: {  	[tilespmem:s10+$0xFFFFFFF0] =	vst v2  }
0x1fc: {  	s3 =	sadd.s32 $0x198A0, s24;
	[tilespmem:s10+$0x10] =	vst v1  }
0x1fd: {  	[spmem:s2] =	stream.indirect.scatter.add.f32 [tilespmem:s30], [sflag:$0x4], $0x20, s3, s4, $0xb8;
	[tilespmem:$0x1F7A0] =	vst v63  }
0x1fe: {  	_ =	swait.ge [sflag:s17], $0x1000  }
0x1ff: {  	[sflag:s17] =	ssyncset.done $0x0  }
0x200: {  	[sflag:s17] =	ssyncadd.s32 $0xFFFFF000  }
0x201: {  	p1 =	sne.s32 s19, $0x1C;
	_ =	swait.ge [sflag:s17], $0x1000  }
.Ltmp8:
0x202: {  	[sflag:s17] =	ssyncset.done $0x0;
	(pc) =	sbr.rel @p1 .LBB2_4-.Ltmp8, $4  }
0x203: {  	[sflag:s17] =	ssyncadd.s32 $0xFFFFF000  }
0x204: {  	_ =	swait.ge [sflag:s17], $0x1000  }
0x205: {  	[sflag:s17] =	ssyncset.done $0x0  }
0x206: {  	[sflag:s17] =	ssyncadd.s32 $0xFFFFF000  }
0x207: {  	s3 =	stileid.u32;
	[bflag:$0x0] =	sbarrier.arrive $0xFFFF  }
0x208: {  	s24 =	simm.s32 $0x5;
	s3 =	sshll.u32 s3, $0x6;
	s19 =	rddreg [dreg:$0x6]  }
0x209: {  	s8 =	rddreg [dreg:$0x12];
	s3 =	sor.u32 $0x1C05, s3;
	s7 =	sshrl.u32 s19, $0x3  }
0x20a: {  	[hbm:s8], [sflag:s3] =	dma.local [spmem:s7], $0x30D4  }
0x20b: {  	_ =	swait.ge [sflag:s24], $0x30D4  }
0x20c: {  	s10 =	rddreg [dreg:$0x4]  }
0x20d: {  	s31 =	rddreg [dreg:$0x13];
	s10 =	sadd.s32 $0x1, s10  }
0x20e: {  	p1 =	sne.s32 s10, s31  }
.Ltmp9:
0x20f: {  	_ = 	snop;
	(pc) =	sbr.rel @p1 .LBB2_1-.Ltmp9, $3  }
0x210: {  	_ =	sdelay $0x1  }
0x211: {  	[sflag:s24] =	ssyncset.done $0x0  }
0x212: {  	[sflag:s24] =	ssyncadd.s32 $0xFFFFCF2C  }
0x213: {  	_ =	sfence.sel $0x180000  }
0x214: {  	[bflag:$0x0] =	sbarrier.arrive $0xFFFF  }
0x215: {  	_ =	strace $0x9000004A  }
0x216: {  	[bflag:$0x2] =	sbarrier.arrive $0xFFFF  }
0x217: {  	s0 =	rddreg [dreg:$0x3]  }
0x218: {  	s0 =	sadd.s32 @!p0 $0x100000, s0  }
0x219: {  	[sflag:s0] =	ssyncadd.tile.s32 @!p0 $0x1;
	_ =	shalt  }
.Lfunc_end2:
_tile_overlayer_lowered:
.L_overlay_start_2:
0x21a: {  	(tag) =	ssettag $0x2  }
0x21b: {  	s0 =	rddreg [dreg:$0x0];
	s2 =	stileid.u32  }
0x21c: {  	s1 =	rddreg [dreg:$0x1];
	p0 =	sne.s32 s2, $0x0  }
0x21d: {  	s3 =	rddreg [dreg:$0x2];
	[bflag:$0x3] =	sbarrier.arrive $0xFFFF;
	s2 =	simm.s32 @!p0 $0x1C05  }
0x21e: {  	[timem:s3], [sflag:s2] =	dma.local @!p0 [hbm:s0], s1  }
0x21f: {  	s0 =	simm.s32 @!p0 $0x5  }
0x220: {  	_ =	swait.ge @!p0 [sflag:s0], s1  }
0x221: {  	s1 =	ssub.s32 @!p0 $0x0, s1;
	[sflag:s0] =	ssyncset.done @!p0 $0x0  }
0x222: {  	[sflag:s0] =	ssyncadd.s32 @!p0 s1  }
0x223: {  	[bflag:$0x3] =	sbarrier.arrive $0xFFFF  }
0x224: {  	_ =	shalt  }

</sc_bundles>
